<compile_context>
chip_gen: v7x
topology: tpu7x:2x2x1
jax: 0.10.2.dev20260603
libtpu: 0.0.44.dev20260713+nightly
codegen_flags: <defaults>
</compile_context>

<pallas_src>
import functools

import jax
import jax.numpy as jnp
from jax import lax
from jax.experimental import pallas as pl
from jax.experimental.pallas import tpu as pltpu
from jax.experimental.pallas import tpu_sc as plsc

N = 10000
E = 320000
D = 128
BN_EPS = 1e-5

NUM_CORES = 2
NUM_SUBCORES = 16
COLS = D // NUM_CORES
CHUNK = 128
CHUNKS_PER_T = 160
NSEG = 5
SEG_CHUNKS = CHUNKS_PER_T // NSEG
BLK = 8
NBUF = 2
E_PAD = NUM_SUBCORES * CHUNK * CHUNKS_PER_T
N_ROWS = 10112
ROWS_PER_TILE = N_ROWS // NUM_SUBCORES


def _sc_body(vcs_hbm, srcp_hbm, dstp_hbm, zeros_hbm, out_hbm,
             v_sp, acc, src_idx, dst_idx, rows, gsem, ssem, isem):
    cid = lax.axis_index("c")
    sid = lax.axis_index("s")
    rslice = pl.ds(sid * ROWS_PER_TILE, ROWS_PER_TILE)

    d_i = {}

    def stage(s):
        bank = s % 2
        d_i[s] = (
            pltpu.async_copy(
                srcp_hbm.at[sid, pl.ds(s * SEG_CHUNKS, SEG_CHUNKS)],
                src_idx.at[bank], isem),
            pltpu.async_copy(
                dstp_hbm.at[sid, pl.ds(s * SEG_CHUNKS, SEG_CHUNKS)],
                dst_idx.at[bank], isem),
        )

    d_v = pltpu.async_copy(vcs_hbm.at[cid, rslice], v_sp.at[rslice], gsem)
    d_z = pltpu.async_copy(zeros_hbm, acc.at[rslice], ssem)
    stage(0)
    d_v.wait()
    d_z.wait()
    plsc.subcore_barrier()

    for s in range(NSEG):
        for d in d_i.pop(s):
            d.wait()
        if s + 1 < NSEG:
            stage(s + 1)
        bank = s % 2
        src_seg = src_idx.at[bank]
        dst_seg = dst_idx.at[bank]

        def body(j, carry):
            base = j * BLK
            pre = NBUF - 1

            def buf(i):
                return rows.at[i % NBUF]

            d_g = {}
            d_s = {}
            for i in range(pre):
                d_g[i] = pltpu.async_copy(
                    v_sp.at[src_seg.at[base + i]], buf(i), gsem)
            for i in range(BLK):
                if i + pre < BLK:
                    if i + pre - NBUF >= 0:
                        d_s[i + pre - NBUF].wait()
                    d_g[i + pre] = pltpu.async_copy(
                        v_sp.at[src_seg.at[base + i + pre]],
                        buf(i + pre), gsem)
                d_g[i].wait()
                d_s[i] = pltpu.async_copy(
                    buf(i), acc.at[dst_seg.at[base + i]], ssem,
                    add=True)
            for i in range(max(0, BLK - NBUF), BLK):
                d_s[i].wait()
            return carry

        lax.fori_loop(0, SEG_CHUNKS // BLK, body, 0)
    plsc.subcore_barrier()
    pltpu.sync_copy(acc.at[rslice], out_hbm.at[cid, rslice])


_sc_aggregate = functools.partial(
    pl.kernel,
    out_type=jax.ShapeDtypeStruct((NUM_CORES, N_ROWS, COLS), jnp.float32),
    mesh=plsc.VectorSubcoreMesh(
        core_axis_name="c", subcore_axis_name="s",
        num_cores=NUM_CORES, num_subcores=NUM_SUBCORES),
    scratch_types=[
        pltpu.VMEM_SHARED((N_ROWS, COLS), jnp.float32),
        pltpu.VMEM_SHARED((N_ROWS, COLS), jnp.float32),
        pltpu.VMEM((2, SEG_CHUNKS, CHUNK), jnp.int32),
        pltpu.VMEM((2, SEG_CHUNKS, CHUNK), jnp.int32),
        pltpu.VMEM((NBUF, CHUNK, COLS), jnp.float32),
        pltpu.SemaphoreType.DMA,
        pltpu.SemaphoreType.DMA,
        pltpu.SemaphoreType.DMA,
    ],
)(_sc_body)


def _tc_body(p_ref, v_ref, eps_ref, W1_ref, b1_ref, g1_ref, be1_ref,
             W2_ref, b2_ref, g2_ref, be2_ref, out_ref):
    eps = eps_ref[0, 0]
    x = jnp.concatenate([p_ref[0, :N, :], p_ref[1, :N, :]], axis=1)
    x = x + eps * v_ref[...]

    h = lax.dot_general(x, W1_ref[...], (((1,), (1,)), ((), ())),
                        preferred_element_type=jnp.float32) + b1_ref[...]
    mean = jnp.mean(h, axis=0, keepdims=True)
    var = jnp.mean((h - mean) * (h - mean), axis=0, keepdims=True)
    h = (h - mean) * lax.rsqrt(var + BN_EPS) * g1_ref[...] + be1_ref[...]
    h = jnp.maximum(h, 0.0)

    h = lax.dot_general(h, W2_ref[...], (((1,), (1,)), ((), ())),
                        preferred_element_type=jnp.float32) + b2_ref[...]
    mean = jnp.mean(h, axis=0, keepdims=True)
    var = jnp.mean((h - mean) * (h - mean), axis=0, keepdims=True)
    h = (h - mean) * lax.rsqrt(var + BN_EPS) * g2_ref[...] + be2_ref[...]
    out_ref[...] = jnp.maximum(h, 0.0)


def kernel(v, a, epsilon, W1, b1, g1, be1, W2, b2, g2, be2):
    src = a[0].astype(jnp.int32)
    dst = a[1].astype(jnp.int32)
    pad = E_PAD - E
    spread = N + (jnp.arange(pad, dtype=jnp.int32) % (N_ROWS - N))
    srcp = jnp.concatenate([src, spread])
    dstp = jnp.concatenate([dst, spread])
    srcp = srcp.reshape(NUM_SUBCORES, CHUNKS_PER_T, CHUNK)
    dstp = dstp.reshape(NUM_SUBCORES, CHUNKS_PER_T, CHUNK)
    vp = jnp.concatenate([v, jnp.zeros((N_ROWS - N, D), jnp.float32)])
    vcs = jnp.stack([vp[:, :COLS], vp[:, COLS:]])
    zeros_blk = jnp.zeros((ROWS_PER_TILE, COLS), jnp.float32)

    parts = _sc_aggregate(vcs, srcp, dstp, zeros_blk)

    out = pl.pallas_call(
        _tc_body,
        out_shape=jax.ShapeDtypeStruct((N, D), jnp.float32),
    )(parts, v, epsilon,
      W1, b1.reshape(1, D), g1.reshape(1, D), be1.reshape(1, D),
      W2, b2.reshape(1, D), g2.reshape(1, D), be2.reshape(1, D))
    return out

# --- scband reference (transcript-rebuilt; emitter-appended) ---
"""Pipeline reference for scband-layer-gin-12893491823105 (READ-ONLY COPY).

The authoritative reference and input builder live on the scoring server;
editing this copy changes nothing except your own understanding.
"""

import jax, jax.numpy as jnp
import numpy as np

N = 10000
E = 320000
D_IN = 128
D_HID = 128
D_OUT = 128
BN_EPS = 1e-5


def setup_inputs(seed: int = 0) -> dict:
    key = jax.random.key(seed)
    ks = jax.random.split(key, 12)
    v = jax.random.normal(ks[0], (N, D_IN), dtype=jnp.float32)
    # adjacency as COO edge list: row 0 = src, row 1 = dst; a[dst, src] = 1.0
    edge_index = jax.random.randint(ks[1], (2, E), 0, N, dtype=jnp.int32)
    # learnable epsilon, initialized to 0.0 as in the torch module
    epsilon = jnp.zeros((1, 1), dtype=jnp.float32)
    # Linear 1 (torch convention: weight [out, in])
    W1 = jax.random.normal(ks[2], (D_HID, D_IN), dtype=jnp.float32) * 0.05
    b1 = jax.random.normal(ks[3], (D_HID,), dtype=jnp.float32) * 0.05
    g1 = jnp.ones((D_HID,), dtype=jnp.float32)
    be1 = jnp.zeros((D_HID,), dtype=jnp.float32)
    # Linear 2
    W2 = jax.random.normal(ks[4], (D_OUT, D_HID), dtype=jnp.float32) * 0.05
    b2 = jax.random.normal(ks[5], (D_OUT,), dtype=jnp.float32) * 0.05
    g2 = jnp.ones((D_OUT,), dtype=jnp.float32)
    be2 = jnp.zeros((D_OUT,), dtype=jnp.float32)
    return {"v": v, "a": edge_index, "epsilon": epsilon,
            "W1": W1, "b1": b1, "g1": g1, "be1": be1,
            "W2": W2, "b2": b2, "g2": g2, "be2": be2}


def _batchnorm(x, gamma, beta):
    # BatchNorm1d in training mode: biased batch statistics
    mean = jnp.mean(x, axis=0)
    var = jnp.var(x, axis=0)
    xhat = (x - mean) / jnp.sqrt(var + BN_EPS)
    return xhat * gamma + beta


def reference(v, a, epsilon, W1, b1, g1, be1, W2, b2, g2, be2):
    src = a[0]
    dst = a[1]
    # torch.sparse.mm(a, v): out[i] = sum_j a[i, j] * v[j]  (binary adjacency)
    v_aggregate = jnp.zeros_like(v).at[dst].add(v[src])
    v_aggregate = v_aggregate + epsilon * v
    # mlp: Linear -> BN -> ReLU -> Linear -> BN -> ReLU
    h = v_aggregate @ W1.T + b1
    h = _batchnorm(h, g1, be1)
    h = jax.nn.relu(h)
    h = h @ W2.T + b2
    h = _batchnorm(h, g2, be2)
    h = jax.nn.relu(h)
    return h

if __name__ == "__main__":
    import jax
    _d = setup_inputs()
    print(jax.jit(kernel)(*tuple(_d.values())))

</pallas_src>

<mosaic_0001>
#map = affine_map<(d0, d1) -> (0, 0, 0)>
#map1 = affine_map<(d0, d1) -> (0, 0)>
module attributes {stable_mosaic.version = 14 : i64} {
  func.func @_sc_body(%arg0: i32, %arg1: i32, %arg2: memref<2x10112x64xf32, #tpu.memory_space<hbm>>, %arg3: memref<16x160x128xi32, #tpu.memory_space<hbm>>, %arg4: memref<16x160x128xi32, #tpu.memory_space<hbm>>, %arg5: memref<632x64xf32, #tpu.memory_space<hbm>>, %arg6: memref<2x10112x64xf32, #tpu.memory_space<hbm>>, %arg7: memref<10112x64xf32, #tpu.memory_space<vmem_shared>>, %arg8: memref<10112x64xf32, #tpu.memory_space<vmem_shared>>, %arg9: memref<2x32x128xi32, #tpu.memory_space<vmem>>, %arg10: memref<2x32x128xi32, #tpu.memory_space<vmem>>, %arg11: memref<2x128x64xf32, #tpu.memory_space<vmem>>, %arg12: memref<!tpu.dma_semaphore, #tpu.memory_space<semaphore_mem>>, %arg13: memref<!tpu.dma_semaphore, #tpu.memory_space<semaphore_mem>>, %arg14: memref<!tpu.dma_semaphore, #tpu.memory_space<semaphore_mem>>) attributes {dimension_semantics = [#tpu.dimension_semantics<core_parallel>, #tpu.dimension_semantics<subcore_parallel>], iteration_bounds = array<i64: 2, 16>, scalar_prefetch = 0 : i64, scratch_operands = 8 : i64, tpu.core_type = #tpu.core_type<sc_vector_subcore>, window_params = [{transform_indices = #map}, {transform_indices = #map}, {transform_indices = #map}, {transform_indices = #map1}, {transform_indices = #map}]} {
    %mul3A = arith.constant 632 : i32
    %mul3A_0 = arith.muli %arg1, %mul3A : i32
    %dma_start3A = arith.constant 0 : i32
    %dma_start3A_1 = tpu.memref_slice %arg7[%mul3A_0, %dma_start3A] : memref<10112x64xf32, #tpu.memory_space<vmem_shared>> -> memref<632x64xf32, #tpu.memory_space<vmem_shared>>
    %dma_start3A_2 = arith.constant 0 : i32
    %dma_start3A_3 = tpu.memref_slice %arg2[%arg0, %mul3A_0, %dma_start3A_2] : memref<2x10112x64xf32, #tpu.memory_space<hbm>> -> memref<1x632x64xf32, #tpu.memory_space<hbm>>
    %dma_start3A_4 = tpu.memref_squeeze %dma_start3A_3 : memref<1x632x64xf32, #tpu.memory_space<hbm>> -> memref<632x64xf32, #tpu.memory_space<hbm>>
    tpu.enqueue_dma source(%dma_start3A_4 : memref<632x64xf32, #tpu.memory_space<hbm>>) target(%dma_start3A_1 : memref<632x64xf32, #tpu.memory_space<vmem_shared>>) target_semaphore(%arg12 : memref<!tpu.dma_semaphore, #tpu.memory_space<semaphore_mem>>)
    %dma_start3A_5 = arith.constant 0 : i32
    %dma_start3A_6 = tpu.memref_slice %arg8[%mul3A_0, %dma_start3A_5] : memref<10112x64xf32, #tpu.memory_space<vmem_shared>> -> memref<632x64xf32, #tpu.memory_space<vmem_shared>>
    tpu.enqueue_dma source(%arg5 : memref<632x64xf32, #tpu.memory_space<hbm>>) target(%dma_start3A_6 : memref<632x64xf32, #tpu.memory_space<vmem_shared>>) target_semaphore(%arg13 : memref<!tpu.dma_semaphore, #tpu.memory_space<semaphore_mem>>)
    %dma_start3A_7 = arith.constant 0 : i32
    %dma_start3A_8 = arith.constant 0 : i32
    %dma_start3A_9 = arith.constant 0 : i32
    %dma_start3A_10 = tpu.memref_slice %arg9[%dma_start3A_7, %dma_start3A_8, %dma_start3A_9] : memref<2x32x128xi32, #tpu.memory_space<vmem>> -> memref<1x32x128xi32, #tpu.memory_space<vmem>>
    %dma_start3A_11 = tpu.memref_squeeze %dma_start3A_10 : memref<1x32x128xi32, #tpu.memory_space<vmem>> -> memref<32x128xi32, #tpu.memory_space<vmem>>
    %dma_start3A_12 = arith.constant 0 : i32
    %dma_start3A_13 = arith.constant 0 : i32
    %dma_start3A_14 = tpu.memref_slice %arg3[%arg1, %dma_start3A_12, %dma_start3A_13] : memref<16x160x128xi32, #tpu.memory_space<hbm>> -> memref<1x32x128xi32, #tpu.memory_space<hbm>>
    %dma_start3A_15 = tpu.memref_squeeze %dma_start3A_14 : memref<1x32x128xi32, #tpu.memory_space<hbm>> -> memref<32x128xi32, #tpu.memory_space<hbm>>
    %dma_start3A_16 = arith.constant 0 : i32
    %dma_start3A_17 = arith.constant 0 : i32
    %dma_start3A_18 = tpu.memref_slice %arg9[%dma_start3A_7, %dma_start3A_16, %dma_start3A_17] : memref<2x32x128xi32, #tpu.memory_space<vmem>> -> memref<1x32x128xi32, #tpu.memory_space<vmem>>
    %dma_start3A_19 = tpu.memref_squeeze %dma_start3A_18 : memref<1x32x128xi32, #tpu.memory_space<vmem>> -> memref<32x128xi32, #tpu.memory_space<vmem>>
    %dma_start3A_20 = arith.constant 0 : i32
    %dma_start3A_21 = arith.constant 0 : i32
    %dma_start3A_22 = tpu.memref_slice %arg3[%arg1, %dma_start3A_20, %dma_start3A_21] : memref<16x160x128xi32, #tpu.memory_space<hbm>> -> memref<1x32x128xi32, #tpu.memory_space<hbm>>
    %dma_start3A_23 = tpu.memref_squeeze %dma_start3A_22 : memref<1x32x128xi32, #tpu.memory_space<hbm>> -> memref<32x128xi32, #tpu.memory_space<hbm>>
    tpu.enqueue_dma source(%dma_start3A_23 : memref<32x128xi32, #tpu.memory_space<hbm>>) target(%dma_start3A_19 : memref<32x128xi32, #tpu.memory_space<vmem>>) target_semaphore(%arg14 : memref<!tpu.dma_semaphore, #tpu.memory_space<semaphore_mem>>)
    %dma_start3A_24 = arith.constant 0 : i32
    %dma_start3A_25 = arith.constant 0 : i32
    %dma_start3A_26 = arith.constant 0 : i32
    %dma_start3A_27 = tpu.memref_slice %arg10[%dma_start3A_24, %dma_start3A_25, %dma_start3A_26] : memref<2x32x128xi32, #tpu.memory_space<vmem>> -> memref<1x32x128xi32, #tpu.memory_space<vmem>>
    %dma_start3A_28 = tpu.memref_squeeze %dma_start3A_27 : memref<1x32x128xi32, #tpu.memory_space<vmem>> -> memref<32x128xi32, #tpu.memory_space<vmem>>
    %dma_start3A_29 = arith.constant 0 : i32
    %dma_start3A_30 = arith.constant 0 : i32
    %dma_start3A_31 = tpu.memref_slice %arg4[%arg1, %dma_start3A_29, %dma_start3A_30] : memref<16x160x128xi32, #tpu.memory_space<hbm>> -> memref<1x32x128xi32, #tpu.memory_space<hbm>>
    %dma_start3A_32 = tpu.memref_squeeze %dma_start3A_31 : memref<1x32x128xi32, #tpu.memory_space<hbm>> -> memref<32x128xi32, #tpu.memory_space<hbm>>
    %dma_start3A_33 = arith.constant 0 : i32
    %dma_start3A_34 = arith.constant 0 : i32
    %dma_start3A_35 = tpu.memref_slice %arg10[%dma_start3A_24, %dma_start3A_33, %dma_start3A_34] : memref<2x32x128xi32, #tpu.memory_space<vmem>> -> memref<1x32x128xi32, #tpu.memory_space<vmem>>
    %dma_start3A_36 = tpu.memref_squeeze %dma_start3A_35 : memref<1x32x128xi32, #tpu.memory_space<vmem>> -> memref<32x128xi32, #tpu.memory_space<vmem>>
    %dma_start3A_37 = arith.constant 0 : i32
    %dma_start3A_38 = arith.constant 0 : i32
    %dma_start3A_39 = tpu.memref_slice %arg4[%arg1, %dma_start3A_37, %dma_start3A_38] : memref<16x160x128xi32, #tpu.memory_space<hbm>> -> memref<1x32x128xi32, #tpu.memory_space<hbm>>
    %dma_start3A_40 = tpu.memref_squeeze %dma_start3A_39 : memref<1x32x128xi32, #tpu.memory_space<hbm>> -> memref<32x128xi32, #tpu.memory_space<hbm>>
    tpu.enqueue_dma source(%dma_start3A_40 : memref<32x128xi32, #tpu.memory_space<hbm>>) target(%dma_start3A_36 : memref<32x128xi32, #tpu.memory_space<vmem>>) target_semaphore(%arg14 : memref<!tpu.dma_semaphore, #tpu.memory_space<semaphore_mem>>)
    %dma_wait3A = arith.constant 0 : i32
    %dma_wait3A_41 = tpu.memref_slice %arg7[%mul3A_0, %dma_wait3A] : memref<10112x64xf32, #tpu.memory_space<vmem_shared>> -> memref<632x64xf32, #tpu.memory_space<vmem_shared>>
    %dma_wait3A_42 = arith.constant 0 : i32
    %dma_wait3A_43 = tpu.memref_slice %arg2[%arg0, %mul3A_0, %dma_wait3A_42] : memref<2x10112x64xf32, #tpu.memory_space<hbm>> -> memref<1x632x64xf32, #tpu.memory_space<hbm>>
    %dma_wait3A_44 = tpu.memref_squeeze %dma_wait3A_43 : memref<1x632x64xf32, #tpu.memory_space<hbm>> -> memref<632x64xf32, #tpu.memory_space<hbm>>
    tpu.wait_dma2 semaphore(%arg12 : memref<!tpu.dma_semaphore, #tpu.memory_space<semaphore_mem>>) src(%dma_wait3A_44 : memref<632x64xf32, #tpu.memory_space<hbm>>) dst(%dma_wait3A_41 : memref<632x64xf32, #tpu.memory_space<vmem_shared>>)
    %dma_wait3A_45 = arith.constant 0 : i32
    %dma_wait3A_46 = tpu.memref_slice %arg8[%mul3A_0, %dma_wait3A_45] : memref<10112x64xf32, #tpu.memory_space<vmem_shared>> -> memref<632x64xf32, #tpu.memory_space<vmem_shared>>
    tpu.wait_dma2 semaphore(%arg13 : memref<!tpu.dma_semaphore, #tpu.memory_space<semaphore_mem>>) src(%arg5 : memref<632x64xf32, #tpu.memory_space<hbm>>) dst(%dma_wait3A_46 : memref<632x64xf32, #tpu.memory_space<vmem_shared>>)
    %barrier3A = arith.constant 0 : index
    tpu.barrier barrier_id(%barrier3A)
    %dma_wait3A_47 = arith.constant 0 : i32
    %dma_wait3A_48 = arith.constant 0 : i32
    %dma_wait3A_49 = arith.constant 0 : i32
    %dma_wait3A_50 = tpu.memref_slice %arg9[%dma_wait3A_47, %dma_wait3A_48, %dma_wait3A_49] : memref<2x32x128xi32, #tpu.memory_space<vmem>> -> memref<1x32x128xi32, #tpu.memory_space<vmem>>
    %dma_wait3A_51 = tpu.memref_squeeze %dma_wait3A_50 : memref<1x32x128xi32, #tpu.memory_space<vmem>> -> memref<32x128xi32, #tpu.memory_space<vmem>>
    %dma_wait3A_52 = arith.constant 0 : i32
    %dma_wait3A_53 = arith.constant 0 : i32
    %dma_wait3A_54 = tpu.memref_slice %arg3[%arg1, %dma_wait3A_52, %dma_wait3A_53] : memref<16x160x128xi32, #tpu.memory_space<hbm>> -> memref<1x32x128xi32, #tpu.memory_space<hbm>>
    %dma_wait3A_55 = tpu.memref_squeeze %dma_wait3A_54 : memref<1x32x128xi32, #tpu.memory_space<hbm>> -> memref<32x128xi32, #tpu.memory_space<hbm>>
    %dma_wait3A_56 = arith.constant 0 : i32
    %dma_wait3A_57 = arith.constant 0 : i32
    %dma_wait3A_58 = tpu.memref_slice %arg9[%dma_wait3A_47, %dma_wait3A_56, %dma_wait3A_57] : memref<2x32x128xi32, #tpu.memory_space<vmem>> -> memref<1x32x128xi32, #tpu.memory_space<vmem>>
    %dma_wait3A_59 = tpu.memref_squeeze %dma_wait3A_58 : memref<1x32x128xi32, #tpu.memory_space<vmem>> -> memref<32x128xi32, #tpu.memory_space<vmem>>
    %dma_wait3A_60 = arith.constant 0 : i32
    %dma_wait3A_61 = arith.constant 0 : i32
    %dma_wait3A_62 = tpu.memref_slice %arg3[%arg1, %dma_wait3A_60, %dma_wait3A_61] : memref<16x160x128xi32, #tpu.memory_space<hbm>> -> memref<1x32x128xi32, #tpu.memory_space<hbm>>
    %dma_wait3A_63 = tpu.memref_squeeze %dma_wait3A_62 : memref<1x32x128xi32, #tpu.memory_space<hbm>> -> memref<32x128xi32, #tpu.memory_space<hbm>>
    tpu.wait_dma2 semaphore(%arg14 : memref<!tpu.dma_semaphore, #tpu.memory_space<semaphore_mem>>) src(%dma_wait3A_63 : memref<32x128xi32, #tpu.memory_space<hbm>>) dst(%dma_wait3A_59 : memref<32x128xi32, #tpu.memory_space<vmem>>)
    %dma_wait3A_64 = arith.constant 0 : i32
    %dma_wait3A_65 = arith.constant 0 : i32
    %dma_wait3A_66 = arith.constant 0 : i32
    %dma_wait3A_67 = tpu.memref_slice %arg10[%dma_wait3A_64, %dma_wait3A_65, %dma_wait3A_66] : memref<2x32x128xi32, #tpu.memory_space<vmem>> -> memref<1x32x128xi32, #tpu.memory_space<vmem>>
    %dma_wait3A_68 = tpu.memref_squeeze %dma_wait3A_67 : memref<1x32x128xi32, #tpu.memory_space<vmem>> -> memref<32x128xi32, #tpu.memory_space<vmem>>
    %dma_wait3A_69 = arith.constant 0 : i32
    %dma_wait3A_70 = arith.constant 0 : i32
    %dma_wait3A_71 = tpu.memref_slice %arg4[%arg1, %dma_wait3A_69, %dma_wait3A_70] : memref<16x160x128xi32, #tpu.memory_space<hbm>> -> memref<1x32x128xi32, #tpu.memory_space<hbm>>
    %dma_wait3A_72 = tpu.memref_squeeze %dma_wait3A_71 : memref<1x32x128xi32, #tpu.memory_space<hbm>> -> memref<32x128xi32, #tpu.memory_space<hbm>>
    %dma_wait3A_73 = arith.constant 0 : i32
    %dma_wait3A_74 = arith.constant 0 : i32
    %dma_wait3A_75 = tpu.memref_slice %arg10[%dma_wait3A_64, %dma_wait3A_73, %dma_wait3A_74] : memref<2x32x128xi32, #tpu.memory_space<vmem>> -> memref<1x32x128xi32, #tpu.memory_space<vmem>>
    %dma_wait3A_76 = tpu.memref_squeeze %dma_wait3A_75 : memref<1x32x128xi32, #tpu.memory_space<vmem>> -> memref<32x128xi32, #tpu.memory_space<vmem>>
    %dma_wait3A_77 = arith.constant 0 : i32
    %dma_wait3A_78 = arith.constant 0 : i32
    %dma_wait3A_79 = tpu.memref_slice %arg4[%arg1, %dma_wait3A_77, %dma_wait3A_78] : memref<16x160x128xi32, #tpu.memory_space<hbm>> -> memref<1x32x128xi32, #tpu.memory_space<hbm>>
    %dma_wait3A_80 = tpu.memref_squeeze %dma_wait3A_79 : memref<1x32x128xi32, #tpu.memory_space<hbm>> -> memref<32x128xi32, #tpu.memory_space<hbm>>
    tpu.wait_dma2 semaphore(%arg14 : memref<!tpu.dma_semaphore, #tpu.memory_space<semaphore_mem>>) src(%dma_wait3A_80 : memref<32x128xi32, #tpu.memory_space<hbm>>) dst(%dma_wait3A_76 : memref<32x128xi32, #tpu.memory_space<vmem>>)
    %dma_start3A_81 = arith.constant 1 : i32
    %dma_start3A_82 = arith.constant 0 : i32
    %dma_start3A_83 = arith.constant 0 : i32
    %dma_start3A_84 = tpu.memref_slice %arg9[%dma_start3A_81, %dma_start3A_82, %dma_start3A_83] : memref<2x32x128xi32, #tpu.memory_space<vmem>> -> memref<1x32x128xi32, #tpu.memory_space<vmem>>
    %dma_start3A_85 = tpu.memref_squeeze %dma_start3A_84 : memref<1x32x128xi32, #tpu.memory_space<vmem>> -> memref<32x128xi32, #tpu.memory_space<vmem>>
    %dma_start3A_86 = arith.constant 32 : i32
    %dma_start3A_87 = arith.constant 0 : i32
    %dma_start3A_88 = tpu.memref_slice %arg3[%arg1, %dma_start3A_86, %dma_start3A_87] : memref<16x160x128xi32, #tpu.memory_space<hbm>> -> memref<1x32x128xi32, #tpu.memory_space<hbm>>
    %dma_start3A_89 = tpu.memref_squeeze %dma_start3A_88 : memref<1x32x128xi32, #tpu.memory_space<hbm>> -> memref<32x128xi32, #tpu.memory_space<hbm>>
    %dma_start3A_90 = arith.constant 0 : i32
    %dma_start3A_91 = arith.constant 0 : i32
    %dma_start3A_92 = tpu.memref_slice %arg9[%dma_start3A_81, %dma_start3A_90, %dma_start3A_91] : memref<2x32x128xi32, #tpu.memory_space<vmem>> -> memref<1x32x128xi32, #tpu.memory_space<vmem>>
    %dma_start3A_93 = tpu.memref_squeeze %dma_start3A_92 : memref<1x32x128xi32, #tpu.memory_space<vmem>> -> memref<32x128xi32, #tpu.memory_space<vmem>>
    %dma_start3A_94 = arith.constant 32 : i32
    %dma_start3A_95 = arith.constant 0 : i32
    %dma_start3A_96 = tpu.memref_slice %arg3[%arg1, %dma_start3A_94, %dma_start3A_95] : memref<16x160x128xi32, #tpu.memory_space<hbm>> -> memref<1x32x128xi32, #tpu.memory_space<hbm>>
    %dma_start3A_97 = tpu.memref_squeeze %dma_start3A_96 : memref<1x32x128xi32, #tpu.memory_space<hbm>> -> memref<32x128xi32, #tpu.memory_space<hbm>>
    tpu.enqueue_dma source(%dma_start3A_97 : memref<32x128xi32, #tpu.memory_space<hbm>>) target(%dma_start3A_93 : memref<32x128xi32, #tpu.memory_space<vmem>>) target_semaphore(%arg14 : memref<!tpu.dma_semaphore, #tpu.memory_space<semaphore_mem>>)
    %dma_start3A_98 = arith.constant 1 : i32
    %dma_start3A_99 = arith.constant 0 : i32
    %dma_start3A_100 = arith.constant 0 : i32
    %dma_start3A_101 = tpu.memref_slice %arg10[%dma_start3A_98, %dma_start3A_99, %dma_start3A_100] : memref<2x32x128xi32, #tpu.memory_space<vmem>> -> memref<1x32x128xi32, #tpu.memory_space<vmem>>
    %dma_start3A_102 = tpu.memref_squeeze %dma_start3A_101 : memref<1x32x128xi32, #tpu.memory_space<vmem>> -> memref<32x128xi32, #tpu.memory_space<vmem>>
    %dma_start3A_103 = arith.constant 32 : i32
    %dma_start3A_104 = arith.constant 0 : i32
    %dma_start3A_105 = tpu.memref_slice %arg4[%arg1, %dma_start3A_103, %dma_start3A_104] : memref<16x160x128xi32, #tpu.memory_space<hbm>> -> memref<1x32x128xi32, #tpu.memory_space<hbm>>
    %dma_start3A_106 = tpu.memref_squeeze %dma_start3A_105 : memref<1x32x128xi32, #tpu.memory_space<hbm>> -> memref<32x128xi32, #tpu.memory_space<hbm>>
    %dma_start3A_107 = arith.constant 0 : i32
    %dma_start3A_108 = arith.constant 0 : i32
    %dma_start3A_109 = tpu.memref_slice %arg10[%dma_start3A_98, %dma_start3A_107, %dma_start3A_108] : memref<2x32x128xi32, #tpu.memory_space<vmem>> -> memref<1x32x128xi32, #tpu.memory_space<vmem>>
    %dma_start3A_110 = tpu.memref_squeeze %dma_start3A_109 : memref<1x32x128xi32, #tpu.memory_space<vmem>> -> memref<32x128xi32, #tpu.memory_space<vmem>>
    %dma_start3A_111 = arith.constant 32 : i32
    %dma_start3A_112 = arith.constant 0 : i32
    %dma_start3A_113 = tpu.memref_slice %arg4[%arg1, %dma_start3A_111, %dma_start3A_112] : memref<16x160x128xi32, #tpu.memory_space<hbm>> -> memref<1x32x128xi32, #tpu.memory_space<hbm>>
    %dma_start3A_114 = tpu.memref_squeeze %dma_start3A_113 : memref<1x32x128xi32, #tpu.memory_space<hbm>> -> memref<32x128xi32, #tpu.memory_space<hbm>>
    tpu.enqueue_dma source(%dma_start3A_114 : memref<32x128xi32, #tpu.memory_space<hbm>>) target(%dma_start3A_110 : memref<32x128xi32, #tpu.memory_space<vmem>>) target_semaphore(%arg14 : memref<!tpu.dma_semaphore, #tpu.memory_space<semaphore_mem>>)
    %scan3A = arith.constant 0 : i32
    %scan3A_115 = arith.constant 0 : i32
    %scan3A_116 = arith.constant 0 : i32
    %scan3A_117 = arith.constant 0 : i32
    %scan3A_118 = arith.constant 4 : i32
    %scan3A_119 = arith.addi %scan3A_117, %scan3A_118 : i32
    %scan3A_120 = arith.constant 1 : i32
    scf.for %scan3A_393 = %scan3A_117 to %scan3A_119 step %scan3A_120  : i32 {
      %mul3A_394 = arith.constant 8 : i32
      %mul3A_395 = arith.muli %scan3A_393, %mul3A_394 : i32
      %add3A = arith.constant 0 : i32
      %add3A_396 = arith.addi %mul3A_395, %add3A : i32
      %dma_start3A_397 = arith.constant 0 : i32
      %dma_start3A_398 = arith.constant 0 : i32
      %dma_start3A_399 = arith.constant 0 : i32
      %dma_start3A_400 = tpu.memref_slice %arg11[%dma_start3A_397, %dma_start3A_398, %dma_start3A_399] : memref<2x128x64xf32, #tpu.memory_space<vmem>> -> memref<1x128x64xf32, #tpu.memory_space<vmem>>
      %dma_start3A_401 = tpu.memref_squeeze %dma_start3A_400 : memref<1x128x64xf32, #tpu.memory_space<vmem>> -> memref<128x64xf32, #tpu.memory_space<vmem>>
      %dma_start3A_402 = arith.constant 0 : i32
      %dma_start3A_403 = arith.constant 0 : i32
      %dma_start3A_404 = tpu.memref_slice %arg9[%scan3A_115, %dma_start3A_402, %dma_start3A_403] : memref<2x32x128xi32, #tpu.memory_space<vmem>> -> memref<1x32x128xi32, #tpu.memory_space<vmem>>
      %dma_start3A_405 = tpu.memref_squeeze %dma_start3A_404 : memref<1x32x128xi32, #tpu.memory_space<vmem>> -> memref<32x128xi32, #tpu.memory_space<vmem>>
      %dma_start3A_406 = arith.constant 0 : i32
      %dma_start3A_407 = tpu.memref_slice %dma_start3A_405[%add3A_396, %dma_start3A_406] : memref<32x128xi32, #tpu.memory_space<vmem>> -> memref<1x128xi32, #tpu.memory_space<vmem>>
      %dma_start3A_408 = tpu.memref_squeeze %dma_start3A_407 : memref<1x128xi32, #tpu.memory_space<vmem>> -> memref<128xi32, #tpu.memory_space<vmem>>
      %dma_start3A_409 = arith.constant 0 : i32
      %dma_start3A_410 = arith.constant 0 : i32
      %dma_start3A_411 = tpu.memref_slice %arg7[%dma_start3A_409, %dma_start3A_410] : memref<10112x64xf32, #tpu.memory_space<vmem_shared>> -> memref<10112x64xf32, #tpu.memory_space<vmem_shared>>
      tpu.enqueue_indirect_dma source(%dma_start3A_411 : memref<10112x64xf32, #tpu.memory_space<vmem_shared>>) target(%dma_start3A_401 : memref<128x64xf32, #tpu.memory_space<vmem>>) offsets(%dma_start3A_408 : memref<128xi32, #tpu.memory_space<vmem>>) semaphore(%arg12 : memref<!tpu.dma_semaphore, #tpu.memory_space<semaphore_mem>>)
      %add3A_412 = arith.constant 0 : i32
      %add3A_413 = arith.addi %mul3A_395, %add3A_412 : i32
      %add3A_414 = arith.constant 1 : i32
      %add3A_415 = arith.addi %add3A_413, %add3A_414 : i32
      %dma_start3A_416 = arith.constant 1 : i32
      %dma_start3A_417 = arith.constant 0 : i32
      %dma_start3A_418 = arith.constant 0 : i32
      %dma_start3A_419 = tpu.memref_slice %arg11[%dma_start3A_416, %dma_start3A_417, %dma_start3A_418] : memref<2x128x64xf32, #tpu.memory_space<vmem>> -> memref<1x128x64xf32, #tpu.memory_space<vmem>>
      %dma_start3A_420 = tpu.memref_squeeze %dma_start3A_419 : memref<1x128x64xf32, #tpu.memory_space<vmem>> -> memref<128x64xf32, #tpu.memory_space<vmem>>
      %dma_start3A_421 = arith.constant 0 : i32
      %dma_start3A_422 = arith.constant 0 : i32
      %dma_start3A_423 = tpu.memref_slice %arg9[%scan3A_115, %dma_start3A_421, %dma_start3A_422] : memref<2x32x128xi32, #tpu.memory_space<vmem>> -> memref<1x32x128xi32, #tpu.memory_space<vmem>>
      %dma_start3A_424 = tpu.memref_squeeze %dma_start3A_423 : memref<1x32x128xi32, #tpu.memory_space<vmem>> -> memref<32x128xi32, #tpu.memory_space<vmem>>
      %dma_start3A_425 = arith.constant 0 : i32
      %dma_start3A_426 = tpu.memref_slice %dma_start3A_424[%add3A_415, %dma_start3A_425] : memref<32x128xi32, #tpu.memory_space<vmem>> -> memref<1x128xi32, #tpu.memory_space<vmem>>
      %dma_start3A_427 = tpu.memref_squeeze %dma_start3A_426 : memref<1x128xi32, #tpu.memory_space<vmem>> -> memref<128xi32, #tpu.memory_space<vmem>>
      %dma_start3A_428 = arith.constant 0 : i32
      %dma_start3A_429 = arith.constant 0 : i32
      %dma_start3A_430 = tpu.memref_slice %arg7[%dma_start3A_428, %dma_start3A_429] : memref<10112x64xf32, #tpu.memory_space<vmem_shared>> -> memref<10112x64xf32, #tpu.memory_space<vmem_shared>>
      tpu.enqueue_indirect_dma source(%dma_start3A_430 : memref<10112x64xf32, #tpu.memory_space<vmem_shared>>) target(%dma_start3A_420 : memref<128x64xf32, #tpu.memory_space<vmem>>) offsets(%dma_start3A_427 : memref<128xi32, #tpu.memory_space<vmem>>) semaphore(%arg12 : memref<!tpu.dma_semaphore, #tpu.memory_space<semaphore_mem>>)
      %dma_wait3A_431 = arith.constant 0 : i32
      %dma_wait3A_432 = arith.constant 0 : i32
      %dma_wait3A_433 = arith.constant 0 : i32
      %dma_wait3A_434 = tpu.memref_slice %arg11[%dma_wait3A_431, %dma_wait3A_432, %dma_wait3A_433] : memref<2x128x64xf32, #tpu.memory_space<vmem>> -> memref<1x128x64xf32, #tpu.memory_space<vmem>>
      %dma_wait3A_435 = tpu.memref_squeeze %dma_wait3A_434 : memref<1x128x64xf32, #tpu.memory_space<vmem>> -> memref<128x64xf32, #tpu.memory_space<vmem>>
      %dma_wait3A_436 = arith.constant 0 : i32
      %dma_wait3A_437 = arith.constant 0 : i32
      %dma_wait3A_438 = tpu.memref_slice %arg9[%scan3A_115, %dma_wait3A_436, %dma_wait3A_437] : memref<2x32x128xi32, #tpu.memory_space<vmem>> -> memref<1x32x128xi32, #tpu.memory_space<vmem>>
      %dma_wait3A_439 = tpu.memref_squeeze %dma_wait3A_438 : memref<1x32x128xi32, #tpu.memory_space<vmem>> -> memref<32x128xi32, #tpu.memory_space<vmem>>
      %dma_wait3A_440 = arith.constant 0 : i32
      %dma_wait3A_441 = tpu.memref_slice %dma_wait3A_439[%add3A_396, %dma_wait3A_440] : memref<32x128xi32, #tpu.memory_space<vmem>> -> memref<1x128xi32, #tpu.memory_space<vmem>>
      %dma_wait3A_442 = tpu.memref_squeeze %dma_wait3A_441 : memref<1x128xi32, #tpu.memory_space<vmem>> -> memref<128xi32, #tpu.memory_space<vmem>>
      %dma_wait3A_443 = arith.constant 0 : i32
      %dma_wait3A_444 = arith.constant 0 : i32
      %dma_wait3A_445 = tpu.memref_slice %arg7[%dma_wait3A_443, %dma_wait3A_444] : memref<10112x64xf32, #tpu.memory_space<vmem_shared>> -> memref<10112x64xf32, #tpu.memory_space<vmem_shared>>
      tpu.wait_indirect_dma semaphore(%arg12 : memref<!tpu.dma_semaphore, #tpu.memory_space<semaphore_mem>>) src(%dma_wait3A_445 : memref<10112x64xf32, #tpu.memory_space<vmem_shared>>) dst(%dma_wait3A_435 : memref<128x64xf32, #tpu.memory_space<vmem>>)
      %add3A_446 = arith.constant 0 : i32
      %add3A_447 = arith.addi %mul3A_395, %add3A_446 : i32
      %dma_start3A_448 = arith.constant 0 : i32
      %dma_start3A_449 = arith.constant 0 : i32
      %dma_start3A_450 = arith.constant 0 : i32
      %dma_start3A_451 = tpu.memref_slice %arg11[%dma_start3A_448, %dma_start3A_449, %dma_start3A_450] : memref<2x128x64xf32, #tpu.memory_space<vmem>> -> memref<1x128x64xf32, #tpu.memory_space<vmem>>
      %dma_start3A_452 = tpu.memref_squeeze %dma_start3A_451 : memref<1x128x64xf32, #tpu.memory_space<vmem>> -> memref<128x64xf32, #tpu.memory_space<vmem>>
      %dma_start3A_453 = arith.constant 0 : i32
      %dma_start3A_454 = arith.constant 0 : i32
      %dma_start3A_455 = tpu.memref_slice %arg10[%scan3A_116, %dma_start3A_453, %dma_start3A_454] : memref<2x32x128xi32, #tpu.memory_space<vmem>> -> memref<1x32x128xi32, #tpu.memory_space<vmem>>
      %dma_start3A_456 = tpu.memref_squeeze %dma_start3A_455 : memref<1x32x128xi32, #tpu.memory_space<vmem>> -> memref<32x128xi32, #tpu.memory_space<vmem>>
      %dma_start3A_457 = arith.constant 0 : i32
      %dma_start3A_458 = tpu.memref_slice %dma_start3A_456[%add3A_447, %dma_start3A_457] : memref<32x128xi32, #tpu.memory_space<vmem>> -> memref<1x128xi32, #tpu.memory_space<vmem>>
      %dma_start3A_459 = tpu.memref_squeeze %dma_start3A_458 : memref<1x128xi32, #tpu.memory_space<vmem>> -> memref<128xi32, #tpu.memory_space<vmem>>
      %dma_start3A_460 = arith.constant 0 : i32
      %dma_start3A_461 = arith.constant 0 : i32
      %dma_start3A_462 = tpu.memref_slice %arg8[%dma_start3A_460, %dma_start3A_461] : memref<10112x64xf32, #tpu.memory_space<vmem_shared>> -> memref<10112x64xf32, #tpu.memory_space<vmem_shared>>
      tpu.enqueue_indirect_dma source(%dma_start3A_452 : memref<128x64xf32, #tpu.memory_space<vmem>>) target(%dma_start3A_462 : memref<10112x64xf32, #tpu.memory_space<vmem_shared>>) offsets(%dma_start3A_459 : memref<128xi32, #tpu.memory_space<vmem>>) semaphore(%arg13 : memref<!tpu.dma_semaphore, #tpu.memory_space<semaphore_mem>>) {add = true}
      %dma_wait3A_463 = arith.constant 0 : i32
      %dma_wait3A_464 = arith.constant 0 : i32
      %dma_wait3A_465 = arith.constant 0 : i32
      %dma_wait3A_466 = tpu.memref_slice %arg11[%dma_wait3A_463, %dma_wait3A_464, %dma_wait3A_465] : memref<2x128x64xf32, #tpu.memory_space<vmem>> -> memref<1x128x64xf32, #tpu.memory_space<vmem>>
      %dma_wait3A_467 = tpu.memref_squeeze %dma_wait3A_466 : memref<1x128x64xf32, #tpu.memory_space<vmem>> -> memref<128x64xf32, #tpu.memory_space<vmem>>
      %dma_wait3A_468 = arith.constant 0 : i32
      %dma_wait3A_469 = arith.constant 0 : i32
      %dma_wait3A_470 = tpu.memref_slice %arg10[%scan3A_116, %dma_wait3A_468, %dma_wait3A_469] : memref<2x32x128xi32, #tpu.memory_space<vmem>> -> memref<1x32x128xi32, #tpu.memory_space<vmem>>
      %dma_wait3A_471 = tpu.memref_squeeze %dma_wait3A_470 : memref<1x32x128xi32, #tpu.memory_space<vmem>> -> memref<32x128xi32, #tpu.memory_space<vmem>>
      %dma_wait3A_472 = arith.constant 0 : i32
      %dma_wait3A_473 = tpu.memref_slice %dma_wait3A_471[%add3A_447, %dma_wait3A_472] : memref<32x128xi32, #tpu.memory_space<vmem>> -> memref<1x128xi32, #tpu.memory_space<vmem>>
      %dma_wait3A_474 = tpu.memref_squeeze %dma_wait3A_473 : memref<1x128xi32, #tpu.memory_space<vmem>> -> memref<128xi32, #tpu.memory_space<vmem>>
      %dma_wait3A_475 = arith.constant 0 : i32
      %dma_wait3A_476 = arith.constant 0 : i32
      %dma_wait3A_477 = tpu.memref_slice %arg8[%dma_wait3A_475, %dma_wait3A_476] : memref<10112x64xf32, #tpu.memory_space<vmem_shared>> -> memref<10112x64xf32, #tpu.memory_space<vmem_shared>>
      tpu.wait_indirect_dma semaphore(%arg13 : memref<!tpu.dma_semaphore, #tpu.memory_space<semaphore_mem>>) src(%dma_wait3A_467 : memref<128x64xf32, #tpu.memory_space<vmem>>) dst(%dma_wait3A_477 : memref<10112x64xf32, #tpu.memory_space<vmem_shared>>)
      %add3A_478 = arith.constant 1 : i32
      %add3A_479 = arith.addi %mul3A_395, %add3A_478 : i32
      %add3A_480 = arith.constant 1 : i32
      %add3A_481 = arith.addi %add3A_479, %add3A_480 : i32
      %dma_start3A_482 = arith.constant 0 : i32
      %dma_start3A_483 = arith.constant 0 : i32
      %dma_start3A_484 = arith.constant 0 : i32
      %dma_start3A_485 = tpu.memref_slice %arg11[%dma_start3A_482, %dma_start3A_483, %dma_start3A_484] : memref<2x128x64xf32, #tpu.memory_space<vmem>> -> memref<1x128x64xf32, #tpu.memory_space<vmem>>
      %dma_start3A_486 = tpu.memref_squeeze %dma_start3A_485 : memref<1x128x64xf32, #tpu.memory_space<vmem>> -> memref<128x64xf32, #tpu.memory_space<vmem>>
      %dma_start3A_487 = arith.constant 0 : i32
      %dma_start3A_488 = arith.constant 0 : i32
      %dma_start3A_489 = tpu.memref_slice %arg9[%scan3A_115, %dma_start3A_487, %dma_start3A_488] : memref<2x32x128xi32, #tpu.memory_space<vmem>> -> memref<1x32x128xi32, #tpu.memory_space<vmem>>
      %dma_start3A_490 = tpu.memref_squeeze %dma_start3A_489 : memref<1x32x128xi32, #tpu.memory_space<vmem>> -> memref<32x128xi32, #tpu.memory_space<vmem>>
      %dma_start3A_491 = arith.constant 0 : i32
      %dma_start3A_492 = tpu.memref_slice %dma_start3A_490[%add3A_481, %dma_start3A_491] : memref<32x128xi32, #tpu.memory_space<vmem>> -> memref<1x128xi32, #tpu.memory_space<vmem>>
      %dma_start3A_493 = tpu.memref_squeeze %dma_start3A_492 : memref<1x128xi32, #tpu.memory_space<vmem>> -> memref<128xi32, #tpu.memory_space<vmem>>
      %dma_start3A_494 = arith.constant 0 : i32
      %dma_start3A_495 = arith.constant 0 : i32
      %dma_start3A_496 = tpu.memref_slice %arg7[%dma_start3A_494, %dma_start3A_495] : memref<10112x64xf32, #tpu.memory_space<vmem_shared>> -> memref<10112x64xf32, #tpu.memory_space<vmem_shared>>
      tpu.enqueue_indirect_dma source(%dma_start3A_496 : memref<10112x64xf32, #tpu.memory_space<vmem_shared>>) target(%dma_start3A_486 : memref<128x64xf32, #tpu.memory_space<vmem>>) offsets(%dma_start3A_493 : memref<128xi32, #tpu.memory_space<vmem>>) semaphore(%arg12 : memref<!tpu.dma_semaphore, #tpu.memory_space<semaphore_mem>>)
      %dma_wait3A_497 = arith.constant 1 : i32
      %dma_wait3A_498 = arith.constant 0 : i32
      %dma_wait3A_499 = arith.constant 0 : i32
      %dma_wait3A_500 = tpu.memref_slice %arg11[%dma_wait3A_497, %dma_wait3A_498, %dma_wait3A_499] : memref<2x128x64xf32, #tpu.memory_space<vmem>> -> memref<1x128x64xf32, #tpu.memory_space<vmem>>
      %dma_wait3A_501 = tpu.memref_squeeze %dma_wait3A_500 : memref<1x128x64xf32, #tpu.memory_space<vmem>> -> memref<128x64xf32, #tpu.memory_space<vmem>>
      %dma_wait3A_502 = arith.constant 0 : i32
      %dma_wait3A_503 = arith.constant 0 : i32
      %dma_wait3A_504 = tpu.memref_slice %arg9[%scan3A_115, %dma_wait3A_502, %dma_wait3A_503] : memref<2x32x128xi32, #tpu.memory_space<vmem>> -> memref<1x32x128xi32, #tpu.memory_space<vmem>>
      %dma_wait3A_505 = tpu.memref_squeeze %dma_wait3A_504 : memref<1x32x128xi32, #tpu.memory_space<vmem>> -> memref<32x128xi32, #tpu.memory_space<vmem>>
      %dma_wait3A_506 = arith.constant 0 : i32
      %dma_wait3A_507 = tpu.memref_slice %dma_wait3A_505[%add3A_415, %dma_wait3A_506] : memref<32x128xi32, #tpu.memory_space<vmem>> -> memref<1x128xi32, #tpu.memory_space<vmem>>
      %dma_wait3A_508 = tpu.memref_squeeze %dma_wait3A_507 : memref<1x128xi32, #tpu.memory_space<vmem>> -> memref<128xi32, #tpu.memory_space<vmem>>
      %dma_wait3A_509 = arith.constant 0 : i32
      %dma_wait3A_510 = arith.constant 0 : i32
      %dma_wait3A_511 = tpu.memref_slice %arg7[%dma_wait3A_509, %dma_wait3A_510] : memref<10112x64xf32, #tpu.memory_space<vmem_shared>> -> memref<10112x64xf32, #tpu.memory_space<vmem_shared>>
      tpu.wait_indirect_dma semaphore(%arg12 : memref<!tpu.dma_semaphore, #tpu.memory_space<semaphore_mem>>) src(%dma_wait3A_511 : memref<10112x64xf32, #tpu.memory_space<vmem_shared>>) dst(%dma_wait3A_501 : memref<128x64xf32, #tpu.memory_space<vmem>>)
      %add3A_512 = arith.constant 1 : i32
      %add3A_513 = arith.addi %mul3A_395, %add3A_512 : i32
      %dma_start3A_514 = arith.constant 1 : i32
      %dma_start3A_515 = arith.constant 0 : i32
      %dma_start3A_516 = arith.constant 0 : i32
      %dma_start3A_517 = tpu.memref_slice %arg11[%dma_start3A_514, %dma_start3A_515, %dma_start3A_516] : memref<2x128x64xf32, #tpu.memory_space<vmem>> -> memref<1x128x64xf32, #tpu.memory_space<vmem>>
      %dma_start3A_518 = tpu.memref_squeeze %dma_start3A_517 : memref<1x128x64xf32, #tpu.memory_space<vmem>> -> memref<128x64xf32, #tpu.memory_space<vmem>>
      %dma_start3A_519 = arith.constant 0 : i32
      %dma_start3A_520 = arith.constant 0 : i32
      %dma_start3A_521 = tpu.memref_slice %arg10[%scan3A_116, %dma_start3A_519, %dma_start3A_520] : memref<2x32x128xi32, #tpu.memory_space<vmem>> -> memref<1x32x128xi32, #tpu.memory_space<vmem>>
      %dma_start3A_522 = tpu.memref_squeeze %dma_start3A_521 : memref<1x32x128xi32, #tpu.memory_space<vmem>> -> memref<32x128xi32, #tpu.memory_space<vmem>>
      %dma_start3A_523 = arith.constant 0 : i32
      %dma_start3A_524 = tpu.memref_slice %dma_start3A_522[%add3A_513, %dma_start3A_523] : memref<32x128xi32, #tpu.memory_space<vmem>> -> memref<1x128xi32, #tpu.memory_space<vmem>>
      %dma_start3A_525 = tpu.memref_squeeze %dma_start3A_524 : memref<1x128xi32, #tpu.memory_space<vmem>> -> memref<128xi32, #tpu.memory_space<vmem>>
      %dma_start3A_526 = arith.constant 0 : i32
      %dma_start3A_527 = arith.constant 0 : i32
      %dma_start3A_528 = tpu.memref_slice %arg8[%dma_start3A_526, %dma_start3A_527] : memref<10112x64xf32, #tpu.memory_space<vmem_shared>> -> memref<10112x64xf32, #tpu.memory_space<vmem_shared>>
      tpu.enqueue_indirect_dma source(%dma_start3A_518 : memref<128x64xf32, #tpu.memory_space<vmem>>) target(%dma_start3A_528 : memref<10112x64xf32, #tpu.memory_space<vmem_shared>>) offsets(%dma_start3A_525 : memref<128xi32, #tpu.memory_space<vmem>>) semaphore(%arg13 : memref<!tpu.dma_semaphore, #tpu.memory_space<semaphore_mem>>) {add = true}
      %dma_wait3A_529 = arith.constant 1 : i32
      %dma_wait3A_530 = arith.constant 0 : i32
      %dma_wait3A_531 = arith.constant 0 : i32
      %dma_wait3A_532 = tpu.memref_slice %arg11[%dma_wait3A_529, %dma_wait3A_530, %dma_wait3A_531] : memref<2x128x64xf32, #tpu.memory_space<vmem>> -> memref<1x128x64xf32, #tpu.memory_space<vmem>>
      %dma_wait3A_533 = tpu.memref_squeeze %dma_wait3A_532 : memref<1x128x64xf32, #tpu.memory_space<vmem>> -> memref<128x64xf32, #tpu.memory_space<vmem>>
      %dma_wait3A_534 = arith.constant 0 : i32
      %dma_wait3A_535 = arith.constant 0 : i32
      %dma_wait3A_536 = tpu.memref_slice %arg10[%scan3A_116, %dma_wait3A_534, %dma_wait3A_535] : memref<2x32x128xi32, #tpu.memory_space<vmem>> -> memref<1x32x128xi32, #tpu.memory_space<vmem>>
      %dma_wait3A_537 = tpu.memref_squeeze %dma_wait3A_536 : memref<1x32x128xi32, #tpu.memory_space<vmem>> -> memref<32x128xi32, #tpu.memory_space<vmem>>
      %dma_wait3A_538 = arith.constant 0 : i32
      %dma_wait3A_539 = tpu.memref_slice %dma_wait3A_537[%add3A_513, %dma_wait3A_538] : memref<32x128xi32, #tpu.memory_space<vmem>> -> memref<1x128xi32, #tpu.memory_space<vmem>>
      %dma_wait3A_540 = tpu.memref_squeeze %dma_wait3A_539 : memref<1x128xi32, #tpu.memory_space<vmem>> -> memref<128xi32, #tpu.memory_space<vmem>>
      %dma_wait3A_541 = arith.constant 0 : i32
      %dma_wait3A_542 = arith.constant 0 : i32
      %dma_wait3A_543 = tpu.memref_slice %arg8[%dma_wait3A_541, %dma_wait3A_542] : memref<10112x64xf32, #tpu.memory_space<vmem_shared>> -> memref<10112x64xf32, #tpu.memory_space<vmem_shared>>
      tpu.wait_indirect_dma semaphore(%arg13 : memref<!tpu.dma_semaphore, #tpu.memory_space<semaphore_mem>>) src(%dma_wait3A_533 : memref<128x64xf32, #tpu.memory_space<vmem>>) dst(%dma_wait3A_543 : memref<10112x64xf32, #tpu.memory_space<vmem_shared>>)
      %add3A_544 = arith.constant 2 : i32
      %add3A_545 = arith.addi %mul3A_395, %add3A_544 : i32
      %add3A_546 = arith.constant 1 : i32
      %add3A_547 = arith.addi %add3A_545, %add3A_546 : i32
      %dma_start3A_548 = arith.constant 1 : i32
      %dma_start3A_549 = arith.constant 0 : i32
      %dma_start3A_550 = arith.constant 0 : i32
      %dma_start3A_551 = tpu.memref_slice %arg11[%dma_start3A_548, %dma_start3A_549, %dma_start3A_550] : memref<2x128x64xf32, #tpu.memory_space<vmem>> -> memref<1x128x64xf32, #tpu.memory_space<vmem>>
      %dma_start3A_552 = tpu.memref_squeeze %dma_start3A_551 : memref<1x128x64xf32, #tpu.memory_space<vmem>> -> memref<128x64xf32, #tpu.memory_space<vmem>>
      %dma_start3A_553 = arith.constant 0 : i32
      %dma_start3A_554 = arith.constant 0 : i32
      %dma_start3A_555 = tpu.memref_slice %arg9[%scan3A_115, %dma_start3A_553, %dma_start3A_554] : memref<2x32x128xi32, #tpu.memory_space<vmem>> -> memref<1x32x128xi32, #tpu.memory_space<vmem>>
      %dma_start3A_556 = tpu.memref_squeeze %dma_start3A_555 : memref<1x32x128xi32, #tpu.memory_space<vmem>> -> memref<32x128xi32, #tpu.memory_space<vmem>>
      %dma_start3A_557 = arith.constant 0 : i32
      %dma_start3A_558 = tpu.memref_slice %dma_start3A_556[%add3A_547, %dma_start3A_557] : memref<32x128xi32, #tpu.memory_space<vmem>> -> memref<1x128xi32, #tpu.memory_space<vmem>>
      %dma_start3A_559 = tpu.memref_squeeze %dma_start3A_558 : memref<1x128xi32, #tpu.memory_space<vmem>> -> memref<128xi32, #tpu.memory_space<vmem>>
      %dma_start3A_560 = arith.constant 0 : i32
      %dma_start3A_561 = arith.constant 0 : i32
      %dma_start3A_562 = tpu.memref_slice %arg7[%dma_start3A_560, %dma_start3A_561] : memref<10112x64xf32, #tpu.memory_space<vmem_shared>> -> memref<10112x64xf32, #tpu.memory_space<vmem_shared>>
      tpu.enqueue_indirect_dma source(%dma_start3A_562 : memref<10112x64xf32, #tpu.memory_space<vmem_shared>>) target(%dma_start3A_552 : memref<128x64xf32, #tpu.memory_space<vmem>>) offsets(%dma_start3A_559 : memref<128xi32, #tpu.memory_space<vmem>>) semaphore(%arg12 : memref<!tpu.dma_semaphore, #tpu.memory_space<semaphore_mem>>)
      %dma_wait3A_563 = arith.constant 0 : i32
      %dma_wait3A_564 = arith.constant 0 : i32
      %dma_wait3A_565 = arith.constant 0 : i32
      %dma_wait3A_566 = tpu.memref_slice %arg11[%dma_wait3A_563, %dma_wait3A_564, %dma_wait3A_565] : memref<2x128x64xf32, #tpu.memory_space<vmem>> -> memref<1x128x64xf32, #tpu.memory_space<vmem>>
      %dma_wait3A_567 = tpu.memref_squeeze %dma_wait3A_566 : memref<1x128x64xf32, #tpu.memory_space<vmem>> -> memref<128x64xf32, #tpu.memory_space<vmem>>
      %dma_wait3A_568 = arith.constant 0 : i32
      %dma_wait3A_569 = arith.constant 0 : i32
      %dma_wait3A_570 = tpu.memref_slice %arg9[%scan3A_115, %dma_wait3A_568, %dma_wait3A_569] : memref<2x32x128xi32, #tpu.memory_space<vmem>> -> memref<1x32x128xi32, #tpu.memory_space<vmem>>
      %dma_wait3A_571 = tpu.memref_squeeze %dma_wait3A_570 : memref<1x32x128xi32, #tpu.memory_space<vmem>> -> memref<32x128xi32, #tpu.memory_space<vmem>>
      %dma_wait3A_572 = arith.constant 0 : i32
      %dma_wait3A_573 = tpu.memref_slice %dma_wait3A_571[%add3A_481, %dma_wait3A_572] : memref<32x128xi32, #tpu.memory_space<vmem>> -> memref<1x128xi32, #tpu.memory_space<vmem>>
      %dma_wait3A_574 = tpu.memref_squeeze %dma_wait3A_573 : memref<1x128xi32, #tpu.memory_space<vmem>> -> memref<128xi32, #tpu.memory_space<vmem>>
      %dma_wait3A_575 = arith.constant 0 : i32
      %dma_wait3A_576 = arith.constant 0 : i32
      %dma_wait3A_577 = tpu.memref_slice %arg7[%dma_wait3A_575, %dma_wait3A_576] : memref<10112x64xf32, #tpu.memory_space<vmem_shared>> -> memref<10112x64xf32, #tpu.memory_space<vmem_shared>>
      tpu.wait_indirect_dma semaphore(%arg12 : memref<!tpu.dma_semaphore, #tpu.memory_space<semaphore_mem>>) src(%dma_wait3A_577 : memref<10112x64xf32, #tpu.memory_space<vmem_shared>>) dst(%dma_wait3A_567 : memref<128x64xf32, #tpu.memory_space<vmem>>)
      %add3A_578 = arith.constant 2 : i32
      %add3A_579 = arith.addi %mul3A_395, %add3A_578 : i32
      %dma_start3A_580 = arith.constant 0 : i32
      %dma_start3A_581 = arith.constant 0 : i32
      %dma_start3A_582 = arith.constant 0 : i32
      %dma_start3A_583 = tpu.memref_slice %arg11[%dma_start3A_580, %dma_start3A_581, %dma_start3A_582] : memref<2x128x64xf32, #tpu.memory_space<vmem>> -> memref<1x128x64xf32, #tpu.memory_space<vmem>>
      %dma_start3A_584 = tpu.memref_squeeze %dma_start3A_583 : memref<1x128x64xf32, #tpu.memory_space<vmem>> -> memref<128x64xf32, #tpu.memory_space<vmem>>
      %dma_start3A_585 = arith.constant 0 : i32
      %dma_start3A_586 = arith.constant 0 : i32
      %dma_start3A_587 = tpu.memref_slice %arg10[%scan3A_116, %dma_start3A_585, %dma_start3A_586] : memref<2x32x128xi32, #tpu.memory_space<vmem>> -> memref<1x32x128xi32, #tpu.memory_space<vmem>>
      %dma_start3A_588 = tpu.memref_squeeze %dma_start3A_587 : memref<1x32x128xi32, #tpu.memory_space<vmem>> -> memref<32x128xi32, #tpu.memory_space<vmem>>
      %dma_start3A_589 = arith.constant 0 : i32
      %dma_start3A_590 = tpu.memref_slice %dma_start3A_588[%add3A_579, %dma_start3A_589] : memref<32x128xi32, #tpu.memory_space<vmem>> -> memref<1x128xi32, #tpu.memory_space<vmem>>
      %dma_start3A_591 = tpu.memref_squeeze %dma_start3A_590 : memref<1x128xi32, #tpu.memory_space<vmem>> -> memref<128xi32, #tpu.memory_space<vmem>>
      %dma_start3A_592 = arith.constant 0 : i32
      %dma_start3A_593 = arith.constant 0 : i32
      %dma_start3A_594 = tpu.memref_slice %arg8[%dma_start3A_592, %dma_start3A_593] : memref<10112x64xf32, #tpu.memory_space<vmem_shared>> -> memref<10112x64xf32, #tpu.memory_space<vmem_shared>>
      tpu.enqueue_indirect_dma source(%dma_start3A_584 : memref<128x64xf32, #tpu.memory_space<vmem>>) target(%dma_start3A_594 : memref<10112x64xf32, #tpu.memory_space<vmem_shared>>) offsets(%dma_start3A_591 : memref<128xi32, #tpu.memory_space<vmem>>) semaphore(%arg13 : memref<!tpu.dma_semaphore, #tpu.memory_space<semaphore_mem>>) {add = true}
      %dma_wait3A_595 = arith.constant 0 : i32
      %dma_wait3A_596 = arith.constant 0 : i32
      %dma_wait3A_597 = arith.constant 0 : i32
      %dma_wait3A_598 = tpu.memref_slice %arg11[%dma_wait3A_595, %dma_wait3A_596, %dma_wait3A_597] : memref<2x128x64xf32, #tpu.memory_space<vmem>> -> memref<1x128x64xf32, #tpu.memory_space<vmem>>
      %dma_wait3A_599 = tpu.memref_squeeze %dma_wait3A_598 : memref<1x128x64xf32, #tpu.memory_space<vmem>> -> memref<128x64xf32, #tpu.memory_space<vmem>>
      %dma_wait3A_600 = arith.constant 0 : i32
      %dma_wait3A_601 = arith.constant 0 : i32
      %dma_wait3A_602 = tpu.memref_slice %arg10[%scan3A_116, %dma_wait3A_600, %dma_wait3A_601] : memref<2x32x128xi32, #tpu.memory_space<vmem>> -> memref<1x32x128xi32, #tpu.memory_space<vmem>>
      %dma_wait3A_603 = tpu.memref_squeeze %dma_wait3A_602 : memref<1x32x128xi32, #tpu.memory_space<vmem>> -> memref<32x128xi32, #tpu.memory_space<vmem>>
      %dma_wait3A_604 = arith.constant 0 : i32
      %dma_wait3A_605 = tpu.memref_slice %dma_wait3A_603[%add3A_579, %dma_wait3A_604] : memref<32x128xi32, #tpu.memory_space<vmem>> -> memref<1x128xi32, #tpu.memory_space<vmem>>
      %dma_wait3A_606 = tpu.memref_squeeze %dma_wait3A_605 : memref<1x128xi32, #tpu.memory_space<vmem>> -> memref<128xi32, #tpu.memory_space<vmem>>
      %dma_wait3A_607 = arith.constant 0 : i32
      %dma_wait3A_608 = arith.constant 0 : i32
      %dma_wait3A_609 = tpu.memref_slice %arg8[%dma_wait3A_607, %dma_wait3A_608] : memref<10112x64xf32, #tpu.memory_space<vmem_shared>> -> memref<10112x64xf32, #tpu.memory_space<vmem_shared>>
      tpu.wait_indirect_dma semaphore(%arg13 : memref<!tpu.dma_semaphore, #tpu.memory_space<semaphore_mem>>) src(%dma_wait3A_599 : memref<128x64xf32, #tpu.memory_space<vmem>>) dst(%dma_wait3A_609 : memref<10112x64xf32, #tpu.memory_space<vmem_shared>>)
      %add3A_610 = arith.constant 3 : i32
      %add3A_611 = arith.addi %mul3A_395, %add3A_610 : i32
      %add3A_612 = arith.constant 1 : i32
      %add3A_613 = arith.addi %add3A_611, %add3A_612 : i32
      %dma_start3A_614 = arith.constant 0 : i32
      %dma_start3A_615 = arith.constant 0 : i32
      %dma_start3A_616 = arith.constant 0 : i32
      %dma_start3A_617 = tpu.memref_slice %arg11[%dma_start3A_614, %dma_start3A_615, %dma_start3A_616] : memref<2x128x64xf32, #tpu.memory_space<vmem>> -> memref<1x128x64xf32, #tpu.memory_space<vmem>>
      %dma_start3A_618 = tpu.memref_squeeze %dma_start3A_617 : memref<1x128x64xf32, #tpu.memory_space<vmem>> -> memref<128x64xf32, #tpu.memory_space<vmem>>
      %dma_start3A_619 = arith.constant 0 : i32
      %dma_start3A_620 = arith.constant 0 : i32
      %dma_start3A_621 = tpu.memref_slice %arg9[%scan3A_115, %dma_start3A_619, %dma_start3A_620] : memref<2x32x128xi32, #tpu.memory_space<vmem>> -> memref<1x32x128xi32, #tpu.memory_space<vmem>>
      %dma_start3A_622 = tpu.memref_squeeze %dma_start3A_621 : memref<1x32x128xi32, #tpu.memory_space<vmem>> -> memref<32x128xi32, #tpu.memory_space<vmem>>
      %dma_start3A_623 = arith.constant 0 : i32
      %dma_start3A_624 = tpu.memref_slice %dma_start3A_622[%add3A_613, %dma_start3A_623] : memref<32x128xi32, #tpu.memory_space<vmem>> -> memref<1x128xi32, #tpu.memory_space<vmem>>
      %dma_start3A_625 = tpu.memref_squeeze %dma_start3A_624 : memref<1x128xi32, #tpu.memory_space<vmem>> -> memref<128xi32, #tpu.memory_space<vmem>>
      %dma_start3A_626 = arith.constant 0 : i32
      %dma_start3A_627 = arith.constant 0 : i32
      %dma_start3A_628 = tpu.memref_slice %arg7[%dma_start3A_626, %dma_start3A_627] : memref<10112x64xf32, #tpu.memory_space<vmem_shared>> -> memref<10112x64xf32, #tpu.memory_space<vmem_shared>>
      tpu.enqueue_indirect_dma source(%dma_start3A_628 : memref<10112x64xf32, #tpu.memory_space<vmem_shared>>) target(%dma_start3A_618 : memref<128x64xf32, #tpu.memory_space<vmem>>) offsets(%dma_start3A_625 : memref<128xi32, #tpu.memory_space<vmem>>) semaphore(%arg12 : memref<!tpu.dma_semaphore, #tpu.memory_space<semaphore_mem>>)
      %dma_wait3A_629 = arith.constant 1 : i32
      %dma_wait3A_630 = arith.constant 0 : i32
      %dma_wait3A_631 = arith.constant 0 : i32
      %dma_wait3A_632 = tpu.memref_slice %arg11[%dma_wait3A_629, %dma_wait3A_630, %dma_wait3A_631] : memref<2x128x64xf32, #tpu.memory_space<vmem>> -> memref<1x128x64xf32, #tpu.memory_space<vmem>>
      %dma_wait3A_633 = tpu.memref_squeeze %dma_wait3A_632 : memref<1x128x64xf32, #tpu.memory_space<vmem>> -> memref<128x64xf32, #tpu.memory_space<vmem>>
      %dma_wait3A_634 = arith.constant 0 : i32
      %dma_wait3A_635 = arith.constant 0 : i32
      %dma_wait3A_636 = tpu.memref_slice %arg9[%scan3A_115, %dma_wait3A_634, %dma_wait3A_635] : memref<2x32x128xi32, #tpu.memory_space<vmem>> -> memref<1x32x128xi32, #tpu.memory_space<vmem>>
      %dma_wait3A_637 = tpu.memref_squeeze %dma_wait3A_636 : memref<1x32x128xi32, #tpu.memory_space<vmem>> -> memref<32x128xi32, #tpu.memory_space<vmem>>
      %dma_wait3A_638 = arith.constant 0 : i32
      %dma_wait3A_639 = tpu.memref_slice %dma_wait3A_637[%add3A_547, %dma_wait3A_638] : memref<32x128xi32, #tpu.memory_space<vmem>> -> memref<1x128xi32, #tpu.memory_space<vmem>>
      %dma_wait3A_640 = tpu.memref_squeeze %dma_wait3A_639 : memref<1x128xi32, #tpu.memory_space<vmem>> -> memref<128xi32, #tpu.memory_space<vmem>>
      %dma_wait3A_641 = arith.constant 0 : i32
      %dma_wait3A_642 = arith.constant 0 : i32
      %dma_wait3A_643 = tpu.memref_slice %arg7[%dma_wait3A_641, %dma_wait3A_642] : memref<10112x64xf32, #tpu.memory_space<vmem_shared>> -> memref<10112x64xf32, #tpu.memory_space<vmem_shared>>
      tpu.wait_indirect_dma semaphore(%arg12 : memref<!tpu.dma_semaphore, #tpu.memory_space<semaphore_mem>>) src(%dma_wait3A_643 : memref<10112x64xf32, #tpu.memory_space<vmem_shared>>) dst(%dma_wait3A_633 : memref<128x64xf32, #tpu.memory_space<vmem>>)
      %add3A_644 = arith.constant 3 : i32
      %add3A_645 = arith.addi %mul3A_395, %add3A_644 : i32
      %dma_start3A_646 = arith.constant 1 : i32
      %dma_start3A_647 = arith.constant 0 : i32
      %dma_start3A_648 = arith.constant 0 : i32
      %dma_start3A_649 = tpu.memref_slice %arg11[%dma_start3A_646, %dma_start3A_647, %dma_start3A_648] : memref<2x128x64xf32, #tpu.memory_space<vmem>> -> memref<1x128x64xf32, #tpu.memory_space<vmem>>
      %dma_start3A_650 = tpu.memref_squeeze %dma_start3A_649 : memref<1x128x64xf32, #tpu.memory_space<vmem>> -> memref<128x64xf32, #tpu.memory_space<vmem>>
      %dma_start3A_651 = arith.constant 0 : i32
      %dma_start3A_652 = arith.constant 0 : i32
      %dma_start3A_653 = tpu.memref_slice %arg10[%scan3A_116, %dma_start3A_651, %dma_start3A_652] : memref<2x32x128xi32, #tpu.memory_space<vmem>> -> memref<1x32x128xi32, #tpu.memory_space<vmem>>
      %dma_start3A_654 = tpu.memref_squeeze %dma_start3A_653 : memref<1x32x128xi32, #tpu.memory_space<vmem>> -> memref<32x128xi32, #tpu.memory_space<vmem>>
      %dma_start3A_655 = arith.constant 0 : i32
      %dma_start3A_656 = tpu.memref_slice %dma_start3A_654[%add3A_645, %dma_start3A_655] : memref<32x128xi32, #tpu.memory_space<vmem>> -> memref<1x128xi32, #tpu.memory_space<vmem>>
      %dma_start3A_657 = tpu.memref_squeeze %dma_start3A_656 : memref<1x128xi32, #tpu.memory_space<vmem>> -> memref<128xi32, #tpu.memory_space<vmem>>
      %dma_start3A_658 = arith.constant 0 : i32
      %dma_start3A_659 = arith.constant 0 : i32
      %dma_start3A_660 = tpu.memref_slice %arg8[%dma_start3A_658, %dma_start3A_659] : memref<10112x64xf32, #tpu.memory_space<vmem_shared>> -> memref<10112x64xf32, #tpu.memory_space<vmem_shared>>
      tpu.enqueue_indirect_dma source(%dma_start3A_650 : memref<128x64xf32, #tpu.memory_space<vmem>>) target(%dma_start3A_660 : memref<10112x64xf32, #tpu.memory_space<vmem_shared>>) offsets(%dma_start3A_657 : memref<128xi32, #tpu.memory_space<vmem>>) semaphore(%arg13 : memref<!tpu.dma_semaphore, #tpu.memory_space<semaphore_mem>>) {add = true}
      %dma_wait3A_661 = arith.constant 1 : i32
      %dma_wait3A_662 = arith.constant 0 : i32
      %dma_wait3A_663 = arith.constant 0 : i32
      %dma_wait3A_664 = tpu.memref_slice %arg11[%dma_wait3A_661, %dma_wait3A_662, %dma_wait3A_663] : memref<2x128x64xf32, #tpu.memory_space<vmem>> -> memref<1x128x64xf32, #tpu.memory_space<vmem>>
      %dma_wait3A_665 = tpu.memref_squeeze %dma_wait3A_664 : memref<1x128x64xf32, #tpu.memory_space<vmem>> -> memref<128x64xf32, #tpu.memory_space<vmem>>
      %dma_wait3A_666 = arith.constant 0 : i32
      %dma_wait3A_667 = arith.constant 0 : i32
      %dma_wait3A_668 = tpu.memref_slice %arg10[%scan3A_116, %dma_wait3A_666, %dma_wait3A_667] : memref<2x32x128xi32, #tpu.memory_space<vmem>> -> memref<1x32x128xi32, #tpu.memory_space<vmem>>
      %dma_wait3A_669 = tpu.memref_squeeze %dma_wait3A_668 : memref<1x32x128xi32, #tpu.memory_space<vmem>> -> memref<32x128xi32, #tpu.memory_space<vmem>>
      %dma_wait3A_670 = arith.constant 0 : i32
      %dma_wait3A_671 = tpu.memref_slice %dma_wait3A_669[%add3A_645, %dma_wait3A_670] : memref<32x128xi32, #tpu.memory_space<vmem>> -> memref<1x128xi32, #tpu.memory_space<vmem>>
      %dma_wait3A_672 = tpu.memref_squeeze %dma_wait3A_671 : memref<1x128xi32, #tpu.memory_space<vmem>> -> memref<128xi32, #tpu.memory_space<vmem>>
      %dma_wait3A_673 = arith.constant 0 : i32
      %dma_wait3A_674 = arith.constant 0 : i32
      %dma_wait3A_675 = tpu.memref_slice %arg8[%dma_wait3A_673, %dma_wait3A_674] : memref<10112x64xf32, #tpu.memory_space<vmem_shared>> -> memref<10112x64xf32, #tpu.memory_space<vmem_shared>>
      tpu.wait_indirect_dma semaphore(%arg13 : memref<!tpu.dma_semaphore, #tpu.memory_space<semaphore_mem>>) src(%dma_wait3A_665 : memref<128x64xf32, #tpu.memory_space<vmem>>) dst(%dma_wait3A_675 : memref<10112x64xf32, #tpu.memory_space<vmem_shared>>)
      %add3A_676 = arith.constant 4 : i32
      %add3A_677 = arith.addi %mul3A_395, %add3A_676 : i32
      %add3A_678 = arith.constant 1 : i32
      %add3A_679 = arith.addi %add3A_677, %add3A_678 : i32
      %dma_start3A_680 = arith.constant 1 : i32
      %dma_start3A_681 = arith.constant 0 : i32
      %dma_start3A_682 = arith.constant 0 : i32
      %dma_start3A_683 = tpu.memref_slice %arg11[%dma_start3A_680, %dma_start3A_681, %dma_start3A_682] : memref<2x128x64xf32, #tpu.memory_space<vmem>> -> memref<1x128x64xf32, #tpu.memory_space<vmem>>
      %dma_start3A_684 = tpu.memref_squeeze %dma_start3A_683 : memref<1x128x64xf32, #tpu.memory_space<vmem>> -> memref<128x64xf32, #tpu.memory_space<vmem>>
      %dma_start3A_685 = arith.constant 0 : i32
      %dma_start3A_686 = arith.constant 0 : i32
      %dma_start3A_687 = tpu.memref_slice %arg9[%scan3A_115, %dma_start3A_685, %dma_start3A_686] : memref<2x32x128xi32, #tpu.memory_space<vmem>> -> memref<1x32x128xi32, #tpu.memory_space<vmem>>
      %dma_start3A_688 = tpu.memref_squeeze %dma_start3A_687 : memref<1x32x128xi32, #tpu.memory_space<vmem>> -> memref<32x128xi32, #tpu.memory_space<vmem>>
      %dma_start3A_689 = arith.constant 0 : i32
      %dma_start3A_690 = tpu.memref_slice %dma_start3A_688[%add3A_679, %dma_start3A_689] : memref<32x128xi32, #tpu.memory_space<vmem>> -> memref<1x128xi32, #tpu.memory_space<vmem>>
      %dma_start3A_691 = tpu.memref_squeeze %dma_start3A_690 : memref<1x128xi32, #tpu.memory_space<vmem>> -> memref<128xi32, #tpu.memory_space<vmem>>
      %dma_start3A_692 = arith.constant 0 : i32
      %dma_start3A_693 = arith.constant 0 : i32
      %dma_start3A_694 = tpu.memref_slice %arg7[%dma_start3A_692, %dma_start3A_693] : memref<10112x64xf32, #tpu.memory_space<vmem_shared>> -> memref<10112x64xf32, #tpu.memory_space<vmem_shared>>
      tpu.enqueue_indirect_dma source(%dma_start3A_694 : memref<10112x64xf32, #tpu.memory_space<vmem_shared>>) target(%dma_start3A_684 : memref<128x64xf32, #tpu.memory_space<vmem>>) offsets(%dma_start3A_691 : memref<128xi32, #tpu.memory_space<vmem>>) semaphore(%arg12 : memref<!tpu.dma_semaphore, #tpu.memory_space<semaphore_mem>>)
      %dma_wait3A_695 = arith.constant 0 : i32
      %dma_wait3A_696 = arith.constant 0 : i32
      %dma_wait3A_697 = arith.constant 0 : i32
      %dma_wait3A_698 = tpu.memref_slice %arg11[%dma_wait3A_695, %dma_wait3A_696, %dma_wait3A_697] : memref<2x128x64xf32, #tpu.memory_space<vmem>> -> memref<1x128x64xf32, #tpu.memory_space<vmem>>
      %dma_wait3A_699 = tpu.memref_squeeze %dma_wait3A_698 : memref<1x128x64xf32, #tpu.memory_space<vmem>> -> memref<128x64xf32, #tpu.memory_space<vmem>>
      %dma_wait3A_700 = arith.constant 0 : i32
      %dma_wait3A_701 = arith.constant 0 : i32
      %dma_wait3A_702 = tpu.memref_slice %arg9[%scan3A_115, %dma_wait3A_700, %dma_wait3A_701] : memref<2x32x128xi32, #tpu.memory_space<vmem>> -> memref<1x32x128xi32, #tpu.memory_space<vmem>>
      %dma_wait3A_703 = tpu.memref_squeeze %dma_wait3A_702 : memref<1x32x128xi32, #tpu.memory_space<vmem>> -> memref<32x128xi32, #tpu.memory_space<vmem>>
      %dma_wait3A_704 = arith.constant 0 : i32
      %dma_wait3A_705 = tpu.memref_slice %dma_wait3A_703[%add3A_613, %dma_wait3A_704] : memref<32x128xi32, #tpu.memory_space<vmem>> -> memref<1x128xi32, #tpu.memory_space<vmem>>
      %dma_wait3A_706 = tpu.memref_squeeze %dma_wait3A_705 : memref<1x128xi32, #tpu.memory_space<vmem>> -> memref<128xi32, #tpu.memory_space<vmem>>
      %dma_wait3A_707 = arith.constant 0 : i32
      %dma_wait3A_708 = arith.constant 0 : i32
      %dma_wait3A_709 = tpu.memref_slice %arg7[%dma_wait3A_707, %dma_wait3A_708] : memref<10112x64xf32, #tpu.memory_space<vmem_shared>> -> memref<10112x64xf32, #tpu.memory_space<vmem_shared>>
      tpu.wait_indirect_dma semaphore(%arg12 : memref<!tpu.dma_semaphore, #tpu.memory_space<semaphore_mem>>) src(%dma_wait3A_709 : memref<10112x64xf32, #tpu.memory_space<vmem_shared>>) dst(%dma_wait3A_699 : memref<128x64xf32, #tpu.memory_space<vmem>>)
      %add3A_710 = arith.constant 4 : i32
      %add3A_711 = arith.addi %mul3A_395, %add3A_710 : i32
      %dma_start3A_712 = arith.constant 0 : i32
      %dma_start3A_713 = arith.constant 0 : i32
      %dma_start3A_714 = arith.constant 0 : i32
      %dma_start3A_715 = tpu.memref_slice %arg11[%dma_start3A_712, %dma_start3A_713, %dma_start3A_714] : memref<2x128x64xf32, #tpu.memory_space<vmem>> -> memref<1x128x64xf32, #tpu.memory_space<vmem>>
      %dma_start3A_716 = tpu.memref_squeeze %dma_start3A_715 : memref<1x128x64xf32, #tpu.memory_space<vmem>> -> memref<128x64xf32, #tpu.memory_space<vmem>>
      %dma_start3A_717 = arith.constant 0 : i32
      %dma_start3A_718 = arith.constant 0 : i32
      %dma_start3A_719 = tpu.memref_slice %arg10[%scan3A_116, %dma_start3A_717, %dma_start3A_718] : memref<2x32x128xi32, #tpu.memory_space<vmem>> -> memref<1x32x128xi32, #tpu.memory_space<vmem>>
      %dma_start3A_720 = tpu.memref_squeeze %dma_start3A_719 : memref<1x32x128xi32, #tpu.memory_space<vmem>> -> memref<32x128xi32, #tpu.memory_space<vmem>>
      %dma_start3A_721 = arith.constant 0 : i32
      %dma_start3A_722 = tpu.memref_slice %dma_start3A_720[%add3A_711, %dma_start3A_721] : memref<32x128xi32, #tpu.memory_space<vmem>> -> memref<1x128xi32, #tpu.memory_space<vmem>>
      %dma_start3A_723 = tpu.memref_squeeze %dma_start3A_722 : memref<1x128xi32, #tpu.memory_space<vmem>> -> memref<128xi32, #tpu.memory_space<vmem>>
      %dma_start3A_724 = arith.constant 0 : i32
      %dma_start3A_725 = arith.constant 0 : i32
      %dma_start3A_726 = tpu.memref_slice %arg8[%dma_start3A_724, %dma_start3A_725] : memref<10112x64xf32, #tpu.memory_space<vmem_shared>> -> memref<10112x64xf32, #tpu.memory_space<vmem_shared>>
      tpu.enqueue_indirect_dma source(%dma_start3A_716 : memref<128x64xf32, #tpu.memory_space<vmem>>) target(%dma_start3A_726 : memref<10112x64xf32, #tpu.memory_space<vmem_shared>>) offsets(%dma_start3A_723 : memref<128xi32, #tpu.memory_space<vmem>>) semaphore(%arg13 : memref<!tpu.dma_semaphore, #tpu.memory_space<semaphore_mem>>) {add = true}
      %dma_wait3A_727 = arith.constant 0 : i32
      %dma_wait3A_728 = arith.constant 0 : i32
      %dma_wait3A_729 = arith.constant 0 : i32
      %dma_wait3A_730 = tpu.memref_slice %arg11[%dma_wait3A_727, %dma_wait3A_728, %dma_wait3A_729] : memref<2x128x64xf32, #tpu.memory_space<vmem>> -> memref<1x128x64xf32, #tpu.memory_space<vmem>>
      %dma_wait3A_731 = tpu.memref_squeeze %dma_wait3A_730 : memref<1x128x64xf32, #tpu.memory_space<vmem>> -> memref<128x64xf32, #tpu.memory_space<vmem>>
      %dma_wait3A_732 = arith.constant 0 : i32
      %dma_wait3A_733 = arith.constant 0 : i32
      %dma_wait3A_734 = tpu.memref_slice %arg10[%scan3A_116, %dma_wait3A_732, %dma_wait3A_733] : memref<2x32x128xi32, #tpu.memory_space<vmem>> -> memref<1x32x128xi32, #tpu.memory_space<vmem>>
      %dma_wait3A_735 = tpu.memref_squeeze %dma_wait3A_734 : memref<1x32x128xi32, #tpu.memory_space<vmem>> -> memref<32x128xi32, #tpu.memory_space<vmem>>
      %dma_wait3A_736 = arith.constant 0 : i32
      %dma_wait3A_737 = tpu.memref_slice %dma_wait3A_735[%add3A_711, %dma_wait3A_736] : memref<32x128xi32, #tpu.memory_space<vmem>> -> memref<1x128xi32, #tpu.memory_space<vmem>>
      %dma_wait3A_738 = tpu.memref_squeeze %dma_wait3A_737 : memref<1x128xi32, #tpu.memory_space<vmem>> -> memref<128xi32, #tpu.memory_space<vmem>>
      %dma_wait3A_739 = arith.constant 0 : i32
      %dma_wait3A_740 = arith.constant 0 : i32
      %dma_wait3A_741 = tpu.memref_slice %arg8[%dma_wait3A_739, %dma_wait3A_740] : memref<10112x64xf32, #tpu.memory_space<vmem_shared>> -> memref<10112x64xf32, #tpu.memory_space<vmem_shared>>
      tpu.wait_indirect_dma semaphore(%arg13 : memref<!tpu.dma_semaphore, #tpu.memory_space<semaphore_mem>>) src(%dma_wait3A_731 : memref<128x64xf32, #tpu.memory_space<vmem>>) dst(%dma_wait3A_741 : memref<10112x64xf32, #tpu.memory_space<vmem_shared>>)
      %add3A_742 = arith.constant 5 : i32
      %add3A_743 = arith.addi %mul3A_395, %add3A_742 : i32
      %add3A_744 = arith.constant 1 : i32
      %add3A_745 = arith.addi %add3A_743, %add3A_744 : i32
      %dma_start3A_746 = arith.constant 0 : i32
      %dma_start3A_747 = arith.constant 0 : i32
      %dma_start3A_748 = arith.constant 0 : i32
      %dma_start3A_749 = tpu.memref_slice %arg11[%dma_start3A_746, %dma_start3A_747, %dma_start3A_748] : memref<2x128x64xf32, #tpu.memory_space<vmem>> -> memref<1x128x64xf32, #tpu.memory_space<vmem>>
      %dma_start3A_750 = tpu.memref_squeeze %dma_start3A_749 : memref<1x128x64xf32, #tpu.memory_space<vmem>> -> memref<128x64xf32, #tpu.memory_space<vmem>>
      %dma_start3A_751 = arith.constant 0 : i32
      %dma_start3A_752 = arith.constant 0 : i32
      %dma_start3A_753 = tpu.memref_slice %arg9[%scan3A_115, %dma_start3A_751, %dma_start3A_752] : memref<2x32x128xi32, #tpu.memory_space<vmem>> -> memref<1x32x128xi32, #tpu.memory_space<vmem>>
      %dma_start3A_754 = tpu.memref_squeeze %dma_start3A_753 : memref<1x32x128xi32, #tpu.memory_space<vmem>> -> memref<32x128xi32, #tpu.memory_space<vmem>>
      %dma_start3A_755 = arith.constant 0 : i32
      %dma_start3A_756 = tpu.memref_slice %dma_start3A_754[%add3A_745, %dma_start3A_755] : memref<32x128xi32, #tpu.memory_space<vmem>> -> memref<1x128xi32, #tpu.memory_space<vmem>>
      %dma_start3A_757 = tpu.memref_squeeze %dma_start3A_756 : memref<1x128xi32, #tpu.memory_space<vmem>> -> memref<128xi32, #tpu.memory_space<vmem>>
      %dma_start3A_758 = arith.constant 0 : i32
      %dma_start3A_759 = arith.constant 0 : i32
      %dma_start3A_760 = tpu.memref_slice %arg7[%dma_start3A_758, %dma_start3A_759] : memref<10112x64xf32, #tpu.memory_space<vmem_shared>> -> memref<10112x64xf32, #tpu.memory_space<vmem_shared>>
      tpu.enqueue_indirect_dma source(%dma_start3A_760 : memref<10112x64xf32, #tpu.memory_space<vmem_shared>>) target(%dma_start3A_750 : memref<128x64xf32, #tpu.memory_space<vmem>>) offsets(%dma_start3A_757 : memref<128xi32, #tpu.memory_space<vmem>>) semaphore(%arg12 : memref<!tpu.dma_semaphore, #tpu.memory_space<semaphore_mem>>)
      %dma_wait3A_761 = arith.constant 1 : i32
      %dma_wait3A_762 = arith.constant 0 : i32
      %dma_wait3A_763 = arith.constant 0 : i32
      %dma_wait3A_764 = tpu.memref_slice %arg11[%dma_wait3A_761, %dma_wait3A_762, %dma_wait3A_763] : memref<2x128x64xf32, #tpu.memory_space<vmem>> -> memref<1x128x64xf32, #tpu.memory_space<vmem>>
      %dma_wait3A_765 = tpu.memref_squeeze %dma_wait3A_764 : memref<1x128x64xf32, #tpu.memory_space<vmem>> -> memref<128x64xf32, #tpu.memory_space<vmem>>
      %dma_wait3A_766 = arith.constant 0 : i32
      %dma_wait3A_767 = arith.constant 0 : i32
      %dma_wait3A_768 = tpu.memref_slice %arg9[%scan3A_115, %dma_wait3A_766, %dma_wait3A_767] : memref<2x32x128xi32, #tpu.memory_space<vmem>> -> memref<1x32x128xi32, #tpu.memory_space<vmem>>
      %dma_wait3A_769 = tpu.memref_squeeze %dma_wait3A_768 : memref<1x32x128xi32, #tpu.memory_space<vmem>> -> memref<32x128xi32, #tpu.memory_space<vmem>>
      %dma_wait3A_770 = arith.constant 0 : i32
      %dma_wait3A_771 = tpu.memref_slice %dma_wait3A_769[%add3A_679, %dma_wait3A_770] : memref<32x128xi32, #tpu.memory_space<vmem>> -> memref<1x128xi32, #tpu.memory_space<vmem>>
      %dma_wait3A_772 = tpu.memref_squeeze %dma_wait3A_771 : memref<1x128xi32, #tpu.memory_space<vmem>> -> memref<128xi32, #tpu.memory_space<vmem>>
      %dma_wait3A_773 = arith.constant 0 : i32
      %dma_wait3A_774 = arith.constant 0 : i32
      %dma_wait3A_775 = tpu.memref_slice %arg7[%dma_wait3A_773, %dma_wait3A_774] : memref<10112x64xf32, #tpu.memory_space<vmem_shared>> -> memref<10112x64xf32, #tpu.memory_space<vmem_shared>>
      tpu.wait_indirect_dma semaphore(%arg12 : memref<!tpu.dma_semaphore, #tpu.memory_space<semaphore_mem>>) src(%dma_wait3A_775 : memref<10112x64xf32, #tpu.memory_space<vmem_shared>>) dst(%dma_wait3A_765 : memref<128x64xf32, #tpu.memory_space<vmem>>)
      %add3A_776 = arith.constant 5 : i32
      %add3A_777 = arith.addi %mul3A_395, %add3A_776 : i32
      %dma_start3A_778 = arith.constant 1 : i32
      %dma_start3A_779 = arith.constant 0 : i32
      %dma_start3A_780 = arith.constant 0 : i32
      %dma_start3A_781 = tpu.memref_slice %arg11[%dma_start3A_778, %dma_start3A_779, %dma_start3A_780] : memref<2x128x64xf32, #tpu.memory_space<vmem>> -> memref<1x128x64xf32, #tpu.memory_space<vmem>>
      %dma_start3A_782 = tpu.memref_squeeze %dma_start3A_781 : memref<1x128x64xf32, #tpu.memory_space<vmem>> -> memref<128x64xf32, #tpu.memory_space<vmem>>
      %dma_start3A_783 = arith.constant 0 : i32
      %dma_start3A_784 = arith.constant 0 : i32
      %dma_start3A_785 = tpu.memref_slice %arg10[%scan3A_116, %dma_start3A_783, %dma_start3A_784] : memref<2x32x128xi32, #tpu.memory_space<vmem>> -> memref<1x32x128xi32, #tpu.memory_space<vmem>>
      %dma_start3A_786 = tpu.memref_squeeze %dma_start3A_785 : memref<1x32x128xi32, #tpu.memory_space<vmem>> -> memref<32x128xi32, #tpu.memory_space<vmem>>
      %dma_start3A_787 = arith.constant 0 : i32
      %dma_start3A_788 = tpu.memref_slice %dma_start3A_786[%add3A_777, %dma_start3A_787] : memref<32x128xi32, #tpu.memory_space<vmem>> -> memref<1x128xi32, #tpu.memory_space<vmem>>
      %dma_start3A_789 = tpu.memref_squeeze %dma_start3A_788 : memref<1x128xi32, #tpu.memory_space<vmem>> -> memref<128xi32, #tpu.memory_space<vmem>>
      %dma_start3A_790 = arith.constant 0 : i32
      %dma_start3A_791 = arith.constant 0 : i32
      %dma_start3A_792 = tpu.memref_slice %arg8[%dma_start3A_790, %dma_start3A_791] : memref<10112x64xf32, #tpu.memory_space<vmem_shared>> -> memref<10112x64xf32, #tpu.memory_space<vmem_shared>>
      tpu.enqueue_indirect_dma source(%dma_start3A_782 : memref<128x64xf32, #tpu.memory_space<vmem>>) target(%dma_start3A_792 : memref<10112x64xf32, #tpu.memory_space<vmem_shared>>) offsets(%dma_start3A_789 : memref<128xi32, #tpu.memory_space<vmem>>) semaphore(%arg13 : memref<!tpu.dma_semaphore, #tpu.memory_space<semaphore_mem>>) {add = true}
      %dma_wait3A_793 = arith.constant 1 : i32
      %dma_wait3A_794 = arith.constant 0 : i32
      %dma_wait3A_795 = arith.constant 0 : i32
      %dma_wait3A_796 = tpu.memref_slice %arg11[%dma_wait3A_793, %dma_wait3A_794, %dma_wait3A_795] : memref<2x128x64xf32, #tpu.memory_space<vmem>> -> memref<1x128x64xf32, #tpu.memory_space<vmem>>
      %dma_wait3A_797 = tpu.memref_squeeze %dma_wait3A_796 : memref<1x128x64xf32, #tpu.memory_space<vmem>> -> memref<128x64xf32, #tpu.memory_space<vmem>>
      %dma_wait3A_798 = arith.constant 0 : i32
      %dma_wait3A_799 = arith.constant 0 : i32
      %dma_wait3A_800 = tpu.memref_slice %arg10[%scan3A_116, %dma_wait3A_798, %dma_wait3A_799] : memref<2x32x128xi32, #tpu.memory_space<vmem>> -> memref<1x32x128xi32, #tpu.memory_space<vmem>>
      %dma_wait3A_801 = tpu.memref_squeeze %dma_wait3A_800 : memref<1x32x128xi32, #tpu.memory_space<vmem>> -> memref<32x128xi32, #tpu.memory_space<vmem>>
      %dma_wait3A_802 = arith.constant 0 : i32
      %dma_wait3A_803 = tpu.memref_slice %dma_wait3A_801[%add3A_777, %dma_wait3A_802] : memref<32x128xi32, #tpu.memory_space<vmem>> -> memref<1x128xi32, #tpu.memory_space<vmem>>
      %dma_wait3A_804 = tpu.memref_squeeze %dma_wait3A_803 : memref<1x128xi32, #tpu.memory_space<vmem>> -> memref<128xi32, #tpu.memory_space<vmem>>
      %dma_wait3A_805 = arith.constant 0 : i32
      %dma_wait3A_806 = arith.constant 0 : i32
      %dma_wait3A_807 = tpu.memref_slice %arg8[%dma_wait3A_805, %dma_wait3A_806] : memref<10112x64xf32, #tpu.memory_space<vmem_shared>> -> memref<10112x64xf32, #tpu.memory_space<vmem_shared>>
      tpu.wait_indirect_dma semaphore(%arg13 : memref<!tpu.dma_semaphore, #tpu.memory_space<semaphore_mem>>) src(%dma_wait3A_797 : memref<128x64xf32, #tpu.memory_space<vmem>>) dst(%dma_wait3A_807 : memref<10112x64xf32, #tpu.memory_space<vmem_shared>>)
      %add3A_808 = arith.constant 6 : i32
      %add3A_809 = arith.addi %mul3A_395, %add3A_808 : i32
      %add3A_810 = arith.constant 1 : i32
      %add3A_811 = arith.addi %add3A_809, %add3A_810 : i32
      %dma_start3A_812 = arith.constant 1 : i32
      %dma_start3A_813 = arith.constant 0 : i32
      %dma_start3A_814 = arith.constant 0 : i32
      %dma_start3A_815 = tpu.memref_slice %arg11[%dma_start3A_812, %dma_start3A_813, %dma_start3A_814] : memref<2x128x64xf32, #tpu.memory_space<vmem>> -> memref<1x128x64xf32, #tpu.memory_space<vmem>>
      %dma_start3A_816 = tpu.memref_squeeze %dma_start3A_815 : memref<1x128x64xf32, #tpu.memory_space<vmem>> -> memref<128x64xf32, #tpu.memory_space<vmem>>
      %dma_start3A_817 = arith.constant 0 : i32
      %dma_start3A_818 = arith.constant 0 : i32
      %dma_start3A_819 = tpu.memref_slice %arg9[%scan3A_115, %dma_start3A_817, %dma_start3A_818] : memref<2x32x128xi32, #tpu.memory_space<vmem>> -> memref<1x32x128xi32, #tpu.memory_space<vmem>>
      %dma_start3A_820 = tpu.memref_squeeze %dma_start3A_819 : memref<1x32x128xi32, #tpu.memory_space<vmem>> -> memref<32x128xi32, #tpu.memory_space<vmem>>
      %dma_start3A_821 = arith.constant 0 : i32
      %dma_start3A_822 = tpu.memref_slice %dma_start3A_820[%add3A_811, %dma_start3A_821] : memref<32x128xi32, #tpu.memory_space<vmem>> -> memref<1x128xi32, #tpu.memory_space<vmem>>
      %dma_start3A_823 = tpu.memref_squeeze %dma_start3A_822 : memref<1x128xi32, #tpu.memory_space<vmem>> -> memref<128xi32, #tpu.memory_space<vmem>>
      %dma_start3A_824 = arith.constant 0 : i32
      %dma_start3A_825 = arith.constant 0 : i32
      %dma_start3A_826 = tpu.memref_slice %arg7[%dma_start3A_824, %dma_start3A_825] : memref<10112x64xf32, #tpu.memory_space<vmem_shared>> -> memref<10112x64xf32, #tpu.memory_space<vmem_shared>>
      tpu.enqueue_indirect_dma source(%dma_start3A_826 : memref<10112x64xf32, #tpu.memory_space<vmem_shared>>) target(%dma_start3A_816 : memref<128x64xf32, #tpu.memory_space<vmem>>) offsets(%dma_start3A_823 : memref<128xi32, #tpu.memory_space<vmem>>) semaphore(%arg12 : memref<!tpu.dma_semaphore, #tpu.memory_space<semaphore_mem>>)
      %dma_wait3A_827 = arith.constant 0 : i32
      %dma_wait3A_828 = arith.constant 0 : i32
      %dma_wait3A_829 = arith.constant 0 : i32
      %dma_wait3A_830 = tpu.memref_slice %arg11[%dma_wait3A_827, %dma_wait3A_828, %dma_wait3A_829] : memref<2x128x64xf32, #tpu.memory_space<vmem>> -> memref<1x128x64xf32, #tpu.memory_space<vmem>>
      %dma_wait3A_831 = tpu.memref_squeeze %dma_wait3A_830 : memref<1x128x64xf32, #tpu.memory_space<vmem>> -> memref<128x64xf32, #tpu.memory_space<vmem>>
      %dma_wait3A_832 = arith.constant 0 : i32
      %dma_wait3A_833 = arith.constant 0 : i32
      %dma_wait3A_834 = tpu.memref_slice %arg9[%scan3A_115, %dma_wait3A_832, %dma_wait3A_833] : memref<2x32x128xi32, #tpu.memory_space<vmem>> -> memref<1x32x128xi32, #tpu.memory_space<vmem>>
      %dma_wait3A_835 = tpu.memref_squeeze %dma_wait3A_834 : memref<1x32x128xi32, #tpu.memory_space<vmem>> -> memref<32x128xi32, #tpu.memory_space<vmem>>
      %dma_wait3A_836 = arith.constant 0 : i32
      %dma_wait3A_837 = tpu.memref_slice %dma_wait3A_835[%add3A_745, %dma_wait3A_836] : memref<32x128xi32, #tpu.memory_space<vmem>> -> memref<1x128xi32, #tpu.memory_space<vmem>>
      %dma_wait3A_838 = tpu.memref_squeeze %dma_wait3A_837 : memref<1x128xi32, #tpu.memory_space<vmem>> -> memref<128xi32, #tpu.memory_space<vmem>>
      %dma_wait3A_839 = arith.constant 0 : i32
      %dma_wait3A_840 = arith.constant 0 : i32
      %dma_wait3A_841 = tpu.memref_slice %arg7[%dma_wait3A_839, %dma_wait3A_840] : memref<10112x64xf32, #tpu.memory_space<vmem_shared>> -> memref<10112x64xf32, #tpu.memory_space<vmem_shared>>
      tpu.wait_indirect_dma semaphore(%arg12 : memref<!tpu.dma_semaphore, #tpu.memory_space<semaphore_mem>>) src(%dma_wait3A_841 : memref<10112x64xf32, #tpu.memory_space<vmem_shared>>) dst(%dma_wait3A_831 : memref<128x64xf32, #tpu.memory_space<vmem>>)
      %add3A_842 = arith.constant 6 : i32
      %add3A_843 = arith.addi %mul3A_395, %add3A_842 : i32
      %dma_start3A_844 = arith.constant 0 : i32
      %dma_start3A_845 = arith.constant 0 : i32
      %dma_start3A_846 = arith.constant 0 : i32
      %dma_start3A_847 = tpu.memref_slice %arg11[%dma_start3A_844, %dma_start3A_845, %dma_start3A_846] : memref<2x128x64xf32, #tpu.memory_space<vmem>> -> memref<1x128x64xf32, #tpu.memory_space<vmem>>
      %dma_start3A_848 = tpu.memref_squeeze %dma_start3A_847 : memref<1x128x64xf32, #tpu.memory_space<vmem>> -> memref<128x64xf32, #tpu.memory_space<vmem>>
      %dma_start3A_849 = arith.constant 0 : i32
      %dma_start3A_850 = arith.constant 0 : i32
      %dma_start3A_851 = tpu.memref_slice %arg10[%scan3A_116, %dma_start3A_849, %dma_start3A_850] : memref<2x32x128xi32, #tpu.memory_space<vmem>> -> memref<1x32x128xi32, #tpu.memory_space<vmem>>
      %dma_start3A_852 = tpu.memref_squeeze %dma_start3A_851 : memref<1x32x128xi32, #tpu.memory_space<vmem>> -> memref<32x128xi32, #tpu.memory_space<vmem>>
      %dma_start3A_853 = arith.constant 0 : i32
      %dma_start3A_854 = tpu.memref_slice %dma_start3A_852[%add3A_843, %dma_start3A_853] : memref<32x128xi32, #tpu.memory_space<vmem>> -> memref<1x128xi32, #tpu.memory_space<vmem>>
      %dma_start3A_855 = tpu.memref_squeeze %dma_start3A_854 : memref<1x128xi32, #tpu.memory_space<vmem>> -> memref<128xi32, #tpu.memory_space<vmem>>
      %dma_start3A_856 = arith.constant 0 : i32
      %dma_start3A_857 = arith.constant 0 : i32
      %dma_start3A_858 = tpu.memref_slice %arg8[%dma_start3A_856, %dma_start3A_857] : memref<10112x64xf32, #tpu.memory_space<vmem_shared>> -> memref<10112x64xf32, #tpu.memory_space<vmem_shared>>
      tpu.enqueue_indirect_dma source(%dma_start3A_848 : memref<128x64xf32, #tpu.memory_space<vmem>>) target(%dma_start3A_858 : memref<10112x64xf32, #tpu.memory_space<vmem_shared>>) offsets(%dma_start3A_855 : memref<128xi32, #tpu.memory_space<vmem>>) semaphore(%arg13 : memref<!tpu.dma_semaphore, #tpu.memory_space<semaphore_mem>>) {add = true}
      %dma_wait3A_859 = arith.constant 1 : i32
      %dma_wait3A_860 = arith.constant 0 : i32
      %dma_wait3A_861 = arith.constant 0 : i32
      %dma_wait3A_862 = tpu.memref_slice %arg11[%dma_wait3A_859, %dma_wait3A_860, %dma_wait3A_861] : memref<2x128x64xf32, #tpu.memory_space<vmem>> -> memref<1x128x64xf32, #tpu.memory_space<vmem>>
      %dma_wait3A_863 = tpu.memref_squeeze %dma_wait3A_862 : memref<1x128x64xf32, #tpu.memory_space<vmem>> -> memref<128x64xf32, #tpu.memory_space<vmem>>
      %dma_wait3A_864 = arith.constant 0 : i32
      %dma_wait3A_865 = arith.constant 0 : i32
      %dma_wait3A_866 = tpu.memref_slice %arg9[%scan3A_115, %dma_wait3A_864, %dma_wait3A_865] : memref<2x32x128xi32, #tpu.memory_space<vmem>> -> memref<1x32x128xi32, #tpu.memory_space<vmem>>
      %dma_wait3A_867 = tpu.memref_squeeze %dma_wait3A_866 : memref<1x32x128xi32, #tpu.memory_space<vmem>> -> memref<32x128xi32, #tpu.memory_space<vmem>>
      %dma_wait3A_868 = arith.constant 0 : i32
      %dma_wait3A_869 = tpu.memref_slice %dma_wait3A_867[%add3A_811, %dma_wait3A_868] : memref<32x128xi32, #tpu.memory_space<vmem>> -> memref<1x128xi32, #tpu.memory_space<vmem>>
      %dma_wait3A_870 = tpu.memref_squeeze %dma_wait3A_869 : memref<1x128xi32, #tpu.memory_space<vmem>> -> memref<128xi32, #tpu.memory_space<vmem>>
      %dma_wait3A_871 = arith.constant 0 : i32
      %dma_wait3A_872 = arith.constant 0 : i32
      %dma_wait3A_873 = tpu.memref_slice %arg7[%dma_wait3A_871, %dma_wait3A_872] : memref<10112x64xf32, #tpu.memory_space<vmem_shared>> -> memref<10112x64xf32, #tpu.memory_space<vmem_shared>>
      tpu.wait_indirect_dma semaphore(%arg12 : memref<!tpu.dma_semaphore, #tpu.memory_space<semaphore_mem>>) src(%dma_wait3A_873 : memref<10112x64xf32, #tpu.memory_space<vmem_shared>>) dst(%dma_wait3A_863 : memref<128x64xf32, #tpu.memory_space<vmem>>)
      %add3A_874 = arith.constant 7 : i32
      %add3A_875 = arith.addi %mul3A_395, %add3A_874 : i32
      %dma_start3A_876 = arith.constant 1 : i32
      %dma_start3A_877 = arith.constant 0 : i32
      %dma_start3A_878 = arith.constant 0 : i32
      %dma_start3A_879 = tpu.memref_slice %arg11[%dma_start3A_876, %dma_start3A_877, %dma_start3A_878] : memref<2x128x64xf32, #tpu.memory_space<vmem>> -> memref<1x128x64xf32, #tpu.memory_space<vmem>>
      %dma_start3A_880 = tpu.memref_squeeze %dma_start3A_879 : memref<1x128x64xf32, #tpu.memory_space<vmem>> -> memref<128x64xf32, #tpu.memory_space<vmem>>
      %dma_start3A_881 = arith.constant 0 : i32
      %dma_start3A_882 = arith.constant 0 : i32
      %dma_start3A_883 = tpu.memref_slice %arg10[%scan3A_116, %dma_start3A_881, %dma_start3A_882] : memref<2x32x128xi32, #tpu.memory_space<vmem>> -> memref<1x32x128xi32, #tpu.memory_space<vmem>>
      %dma_start3A_884 = tpu.memref_squeeze %dma_start3A_883 : memref<1x32x128xi32, #tpu.memory_space<vmem>> -> memref<32x128xi32, #tpu.memory_space<vmem>>
      %dma_start3A_885 = arith.constant 0 : i32
      %dma_start3A_886 = tpu.memref_slice %dma_start3A_884[%add3A_875, %dma_start3A_885] : memref<32x128xi32, #tpu.memory_space<vmem>> -> memref<1x128xi32, #tpu.memory_space<vmem>>
      %dma_start3A_887 = tpu.memref_squeeze %dma_start3A_886 : memref<1x128xi32, #tpu.memory_space<vmem>> -> memref<128xi32, #tpu.memory_space<vmem>>
      %dma_start3A_888 = arith.constant 0 : i32
      %dma_start3A_889 = arith.constant 0 : i32
      %dma_start3A_890 = tpu.memref_slice %arg8[%dma_start3A_888, %dma_start3A_889] : memref<10112x64xf32, #tpu.memory_space<vmem_shared>> -> memref<10112x64xf32, #tpu.memory_space<vmem_shared>>
      tpu.enqueue_indirect_dma source(%dma_start3A_880 : memref<128x64xf32, #tpu.memory_space<vmem>>) target(%dma_start3A_890 : memref<10112x64xf32, #tpu.memory_space<vmem_shared>>) offsets(%dma_start3A_887 : memref<128xi32, #tpu.memory_space<vmem>>) semaphore(%arg13 : memref<!tpu.dma_semaphore, #tpu.memory_space<semaphore_mem>>) {add = true}
      %dma_wait3A_891 = arith.constant 0 : i32
      %dma_wait3A_892 = arith.constant 0 : i32
      %dma_wait3A_893 = arith.constant 0 : i32
      %dma_wait3A_894 = tpu.memref_slice %arg11[%dma_wait3A_891, %dma_wait3A_892, %dma_wait3A_893] : memref<2x128x64xf32, #tpu.memory_space<vmem>> -> memref<1x128x64xf32, #tpu.memory_space<vmem>>
      %dma_wait3A_895 = tpu.memref_squeeze %dma_wait3A_894 : memref<1x128x64xf32, #tpu.memory_space<vmem>> -> memref<128x64xf32, #tpu.memory_space<vmem>>
      %dma_wait3A_896 = arith.constant 0 : i32
      %dma_wait3A_897 = arith.constant 0 : i32
      %dma_wait3A_898 = tpu.memref_slice %arg10[%scan3A_116, %dma_wait3A_896, %dma_wait3A_897] : memref<2x32x128xi32, #tpu.memory_space<vmem>> -> memref<1x32x128xi32, #tpu.memory_space<vmem>>
      %dma_wait3A_899 = tpu.memref_squeeze %dma_wait3A_898 : memref<1x32x128xi32, #tpu.memory_space<vmem>> -> memref<32x128xi32, #tpu.memory_space<vmem>>
      %dma_wait3A_900 = arith.constant 0 : i32
      %dma_wait3A_901 = tpu.memref_slice %dma_wait3A_899[%add3A_843, %dma_wait3A_900] : memref<32x128xi32, #tpu.memory_space<vmem>> -> memref<1x128xi32, #tpu.memory_space<vmem>>
      %dma_wait3A_902 = tpu.memref_squeeze %dma_wait3A_901 : memref<1x128xi32, #tpu.memory_space<vmem>> -> memref<128xi32, #tpu.memory_space<vmem>>
      %dma_wait3A_903 = arith.constant 0 : i32
      %dma_wait3A_904 = arith.constant 0 : i32
      %dma_wait3A_905 = tpu.memref_slice %arg8[%dma_wait3A_903, %dma_wait3A_904] : memref<10112x64xf32, #tpu.memory_space<vmem_shared>> -> memref<10112x64xf32, #tpu.memory_space<vmem_shared>>
      tpu.wait_indirect_dma semaphore(%arg13 : memref<!tpu.dma_semaphore, #tpu.memory_space<semaphore_mem>>) src(%dma_wait3A_895 : memref<128x64xf32, #tpu.memory_space<vmem>>) dst(%dma_wait3A_905 : memref<10112x64xf32, #tpu.memory_space<vmem_shared>>)
      %dma_wait3A_906 = arith.constant 1 : i32
      %dma_wait3A_907 = arith.constant 0 : i32
      %dma_wait3A_908 = arith.constant 0 : i32
      %dma_wait3A_909 = tpu.memref_slice %arg11[%dma_wait3A_906, %dma_wait3A_907, %dma_wait3A_908] : memref<2x128x64xf32, #tpu.memory_space<vmem>> -> memref<1x128x64xf32, #tpu.memory_space<vmem>>
      %dma_wait3A_910 = tpu.memref_squeeze %dma_wait3A_909 : memref<1x128x64xf32, #tpu.memory_space<vmem>> -> memref<128x64xf32, #tpu.memory_space<vmem>>
      %dma_wait3A_911 = arith.constant 0 : i32
      %dma_wait3A_912 = arith.constant 0 : i32
      %dma_wait3A_913 = tpu.memref_slice %arg10[%scan3A_116, %dma_wait3A_911, %dma_wait3A_912] : memref<2x32x128xi32, #tpu.memory_space<vmem>> -> memref<1x32x128xi32, #tpu.memory_space<vmem>>
      %dma_wait3A_914 = tpu.memref_squeeze %dma_wait3A_913 : memref<1x32x128xi32, #tpu.memory_space<vmem>> -> memref<32x128xi32, #tpu.memory_space<vmem>>
      %dma_wait3A_915 = arith.constant 0 : i32
      %dma_wait3A_916 = tpu.memref_slice %dma_wait3A_914[%add3A_875, %dma_wait3A_915] : memref<32x128xi32, #tpu.memory_space<vmem>> -> memref<1x128xi32, #tpu.memory_space<vmem>>
      %dma_wait3A_917 = tpu.memref_squeeze %dma_wait3A_916 : memref<1x128xi32, #tpu.memory_space<vmem>> -> memref<128xi32, #tpu.memory_space<vmem>>
      %dma_wait3A_918 = arith.constant 0 : i32
      %dma_wait3A_919 = arith.constant 0 : i32
      %dma_wait3A_920 = tpu.memref_slice %arg8[%dma_wait3A_918, %dma_wait3A_919] : memref<10112x64xf32, #tpu.memory_space<vmem_shared>> -> memref<10112x64xf32, #tpu.memory_space<vmem_shared>>
      tpu.wait_indirect_dma semaphore(%arg13 : memref<!tpu.dma_semaphore, #tpu.memory_space<semaphore_mem>>) src(%dma_wait3A_910 : memref<128x64xf32, #tpu.memory_space<vmem>>) dst(%dma_wait3A_920 : memref<10112x64xf32, #tpu.memory_space<vmem_shared>>)
    }
    %scan3A_121 = arith.constant 4 : i32
    %dma_wait3A_122 = arith.constant 1 : i32
    %dma_wait3A_123 = arith.constant 0 : i32
    %dma_wait3A_124 = arith.constant 0 : i32
    %dma_wait3A_125 = tpu.memref_slice %arg9[%dma_wait3A_122, %dma_wait3A_123, %dma_wait3A_124] : memref<2x32x128xi32, #tpu.memory_space<vmem>> -> memref<1x32x128xi32, #tpu.memory_space<vmem>>
    %dma_wait3A_126 = tpu.memref_squeeze %dma_wait3A_125 : memref<1x32x128xi32, #tpu.memory_space<vmem>> -> memref<32x128xi32, #tpu.memory_space<vmem>>
    %dma_wait3A_127 = arith.constant 32 : i32
    %dma_wait3A_128 = arith.constant 0 : i32
    %dma_wait3A_129 = tpu.memref_slice %arg3[%arg1, %dma_wait3A_127, %dma_wait3A_128] : memref<16x160x128xi32, #tpu.memory_space<hbm>> -> memref<1x32x128xi32, #tpu.memory_space<hbm>>
    %dma_wait3A_130 = tpu.memref_squeeze %dma_wait3A_129 : memref<1x32x128xi32, #tpu.memory_space<hbm>> -> memref<32x128xi32, #tpu.memory_space<hbm>>
    %dma_wait3A_131 = arith.constant 0 : i32
    %dma_wait3A_132 = arith.constant 0 : i32
    %dma_wait3A_133 = tpu.memref_slice %arg9[%dma_wait3A_122, %dma_wait3A_131, %dma_wait3A_132] : memref<2x32x128xi32, #tpu.memory_space<vmem>> -> memref<1x32x128xi32, #tpu.memory_space<vmem>>
    %dma_wait3A_134 = tpu.memref_squeeze %dma_wait3A_133 : memref<1x32x128xi32, #tpu.memory_space<vmem>> -> memref<32x128xi32, #tpu.memory_space<vmem>>
    %dma_wait3A_135 = arith.constant 32 : i32
    %dma_wait3A_136 = arith.constant 0 : i32
    %dma_wait3A_137 = tpu.memref_slice %arg3[%arg1, %dma_wait3A_135, %dma_wait3A_136] : memref<16x160x128xi32, #tpu.memory_space<hbm>> -> memref<1x32x128xi32, #tpu.memory_space<hbm>>
    %dma_wait3A_138 = tpu.memref_squeeze %dma_wait3A_137 : memref<1x32x128xi32, #tpu.memory_space<hbm>> -> memref<32x128xi32, #tpu.memory_space<hbm>>
    tpu.wait_dma2 semaphore(%arg14 : memref<!tpu.dma_semaphore, #tpu.memory_space<semaphore_mem>>) src(%dma_wait3A_138 : memref<32x128xi32, #tpu.memory_space<hbm>>) dst(%dma_wait3A_134 : memref<32x128xi32, #tpu.memory_space<vmem>>)
    %dma_wait3A_139 = arith.constant 1 : i32
    %dma_wait3A_140 = arith.constant 0 : i32
    %dma_wait3A_141 = arith.constant 0 : i32
    %dma_wait3A_142 = tpu.memref_slice %arg10[%dma_wait3A_139, %dma_wait3A_140, %dma_wait3A_141] : memref<2x32x128xi32, #tpu.memory_space<vmem>> -> memref<1x32x128xi32, #tpu.memory_space<vmem>>
    %dma_wait3A_143 = tpu.memref_squeeze %dma_wait3A_142 : memref<1x32x128xi32, #tpu.memory_space<vmem>> -> memref<32x128xi32, #tpu.memory_space<vmem>>
    %dma_wait3A_144 = arith.constant 32 : i32
    %dma_wait3A_145 = arith.constant 0 : i32
    %dma_wait3A_146 = tpu.memref_slice %arg4[%arg1, %dma_wait3A_144, %dma_wait3A_145] : memref<16x160x128xi32, #tpu.memory_space<hbm>> -> memref<1x32x128xi32, #tpu.memory_space<hbm>>
    %dma_wait3A_147 = tpu.memref_squeeze %dma_wait3A_146 : memref<1x32x128xi32, #tpu.memory_space<hbm>> -> memref<32x128xi32, #tpu.memory_space<hbm>>
    %dma_wait3A_148 = arith.constant 0 : i32
    %dma_wait3A_149 = arith.constant 0 : i32
    %dma_wait3A_150 = tpu.memref_slice %arg10[%dma_wait3A_139, %dma_wait3A_148, %dma_wait3A_149] : memref<2x32x128xi32, #tpu.memory_space<vmem>> -> memref<1x32x128xi32, #tpu.memory_space<vmem>>
    %dma_wait3A_151 = tpu.memref_squeeze %dma_wait3A_150 : memref<1x32x128xi32, #tpu.memory_space<vmem>> -> memref<32x128xi32, #tpu.memory_space<vmem>>
    %dma_wait3A_152 = arith.constant 32 : i32
    %dma_wait3A_153 = arith.constant 0 : i32
    %dma_wait3A_154 = tpu.memref_slice %arg4[%arg1, %dma_wait3A_152, %dma_wait3A_153] : memref<16x160x128xi32, #tpu.memory_space<hbm>> -> memref<1x32x128xi32, #tpu.memory_space<hbm>>
    %dma_wait3A_155 = tpu.memref_squeeze %dma_wait3A_154 : memref<1x32x128xi32, #tpu.memory_space<hbm>> -> memref<32x128xi32, #tpu.memory_space<hbm>>
    tpu.wait_dma2 semaphore(%arg14 : memref<!tpu.dma_semaphore, #tpu.memory_space<semaphore_mem>>) src(%dma_wait3A_155 : memref<32x128xi32, #tpu.memory_space<hbm>>) dst(%dma_wait3A_151 : memref<32x128xi32, #tpu.memory_space<vmem>>)
    %dma_start3A_156 = arith.constant 0 : i32
    %dma_start3A_157 = arith.constant 0 : i32
    %dma_start3A_158 = arith.constant 0 : i32
    %dma_start3A_159 = tpu.memref_slice %arg9[%dma_start3A_156, %dma_start3A_157, %dma_start3A_158] : memref<2x32x128xi32, #tpu.memory_space<vmem>> -> memref<1x32x128xi32, #tpu.memory_space<vmem>>
    %dma_start3A_160 = tpu.memref_squeeze %dma_start3A_159 : memref<1x32x128xi32, #tpu.memory_space<vmem>> -> memref<32x128xi32, #tpu.memory_space<vmem>>
    %dma_start3A_161 = arith.constant 64 : i32
    %dma_start3A_162 = arith.constant 0 : i32
    %dma_start3A_163 = tpu.memref_slice %arg3[%arg1, %dma_start3A_161, %dma_start3A_162] : memref<16x160x128xi32, #tpu.memory_space<hbm>> -> memref<1x32x128xi32, #tpu.memory_space<hbm>>
    %dma_start3A_164 = tpu.memref_squeeze %dma_start3A_163 : memref<1x32x128xi32, #tpu.memory_space<hbm>> -> memref<32x128xi32, #tpu.memory_space<hbm>>
    %dma_start3A_165 = arith.constant 0 : i32
    %dma_start3A_166 = arith.constant 0 : i32
    %dma_start3A_167 = tpu.memref_slice %arg9[%dma_start3A_156, %dma_start3A_165, %dma_start3A_166] : memref<2x32x128xi32, #tpu.memory_space<vmem>> -> memref<1x32x128xi32, #tpu.memory_space<vmem>>
    %dma_start3A_168 = tpu.memref_squeeze %dma_start3A_167 : memref<1x32x128xi32, #tpu.memory_space<vmem>> -> memref<32x128xi32, #tpu.memory_space<vmem>>
    %dma_start3A_169 = arith.constant 64 : i32
    %dma_start3A_170 = arith.constant 0 : i32
    %dma_start3A_171 = tpu.memref_slice %arg3[%arg1, %dma_start3A_169, %dma_start3A_170] : memref<16x160x128xi32, #tpu.memory_space<hbm>> -> memref<1x32x128xi32, #tpu.memory_space<hbm>>
    %dma_start3A_172 = tpu.memref_squeeze %dma_start3A_171 : memref<1x32x128xi32, #tpu.memory_space<hbm>> -> memref<32x128xi32, #tpu.memory_space<hbm>>
    tpu.enqueue_dma source(%dma_start3A_172 : memref<32x128xi32, #tpu.memory_space<hbm>>) target(%dma_start3A_168 : memref<32x128xi32, #tpu.memory_space<vmem>>) target_semaphore(%arg14 : memref<!tpu.dma_semaphore, #tpu.memory_space<semaphore_mem>>)
    %dma_start3A_173 = arith.constant 0 : i32
    %dma_start3A_174 = arith.constant 0 : i32
    %dma_start3A_175 = arith.constant 0 : i32
    %dma_start3A_176 = tpu.memref_slice %arg10[%dma_start3A_173, %dma_start3A_174, %dma_start3A_175] : memref<2x32x128xi32, #tpu.memory_space<vmem>> -> memref<1x32x128xi32, #tpu.memory_space<vmem>>
    %dma_start3A_177 = tpu.memref_squeeze %dma_start3A_176 : memref<1x32x128xi32, #tpu.memory_space<vmem>> -> memref<32x128xi32, #tpu.memory_space<vmem>>
    %dma_start3A_178 = arith.constant 64 : i32
    %dma_start3A_179 = arith.constant 0 : i32
    %dma_start3A_180 = tpu.memref_slice %arg4[%arg1, %dma_start3A_178, %dma_start3A_179] : memref<16x160x128xi32, #tpu.memory_space<hbm>> -> memref<1x32x128xi32, #tpu.memory_space<hbm>>
    %dma_start3A_181 = tpu.memref_squeeze %dma_start3A_180 : memref<1x32x128xi32, #tpu.memory_space<hbm>> -> memref<32x128xi32, #tpu.memory_space<hbm>>
    %dma_start3A_182 = arith.constant 0 : i32
    %dma_start3A_183 = arith.constant 0 : i32
    %dma_start3A_184 = tpu.memref_slice %arg10[%dma_start3A_173, %dma_start3A_182, %dma_start3A_183] : memref<2x32x128xi32, #tpu.memory_space<vmem>> -> memref<1x32x128xi32, #tpu.memory_space<vmem>>
    %dma_start3A_185 = tpu.memref_squeeze %dma_start3A_184 : memref<1x32x128xi32, #tpu.memory_space<vmem>> -> memref<32x128xi32, #tpu.memory_space<vmem>>
    %dma_start3A_186 = arith.constant 64 : i32
    %dma_start3A_187 = arith.constant 0 : i32
    %dma_start3A_188 = tpu.memref_slice %arg4[%arg1, %dma_start3A_186, %dma_start3A_187] : memref<16x160x128xi32, #tpu.memory_space<hbm>> -> memref<1x32x128xi32, #tpu.memory_space<hbm>>
    %dma_start3A_189 = tpu.memref_squeeze %dma_start3A_188 : memref<1x32x128xi32, #tpu.memory_space<hbm>> -> memref<32x128xi32, #tpu.memory_space<hbm>>
    tpu.enqueue_dma source(%dma_start3A_189 : memref<32x128xi32, #tpu.memory_space<hbm>>) target(%dma_start3A_185 : memref<32x128xi32, #tpu.memory_space<vmem>>) target_semaphore(%arg14 : memref<!tpu.dma_semaphore, #tpu.memory_space<semaphore_mem>>)
    %scan3A_190 = arith.constant 0 : i32
    %scan3A_191 = arith.constant 1 : i32
    %scan3A_192 = arith.constant 1 : i32
    %scan3A_193 = arith.constant 0 : i32
    %scan3A_194 = arith.constant 4 : i32
    %scan3A_195 = arith.addi %scan3A_193, %scan3A_194 : i32
    %scan3A_196 = arith.constant 1 : i32
    scf.for %scan3A_393 = %scan3A_193 to %scan3A_195 step %scan3A_196  : i32 {
      %mul3A_394 = arith.constant 8 : i32
      %mul3A_395 = arith.muli %scan3A_393, %mul3A_394 : i32
      %add3A = arith.constant 0 : i32
      %add3A_396 = arith.addi %mul3A_395, %add3A : i32
      %dma_start3A_397 = arith.constant 0 : i32
      %dma_start3A_398 = arith.constant 0 : i32
      %dma_start3A_399 = arith.constant 0 : i32
      %dma_start3A_400 = tpu.memref_slice %arg11[%dma_start3A_397, %dma_start3A_398, %dma_start3A_399] : memref<2x128x64xf32, #tpu.memory_space<vmem>> -> memref<1x128x64xf32, #tpu.memory_space<vmem>>
      %dma_start3A_401 = tpu.memref_squeeze %dma_start3A_400 : memref<1x128x64xf32, #tpu.memory_space<vmem>> -> memref<128x64xf32, #tpu.memory_space<vmem>>
      %dma_start3A_402 = arith.constant 0 : i32
      %dma_start3A_403 = arith.constant 0 : i32
      %dma_start3A_404 = tpu.memref_slice %arg9[%scan3A_191, %dma_start3A_402, %dma_start3A_403] : memref<2x32x128xi32, #tpu.memory_space<vmem>> -> memref<1x32x128xi32, #tpu.memory_space<vmem>>
      %dma_start3A_405 = tpu.memref_squeeze %dma_start3A_404 : memref<1x32x128xi32, #tpu.memory_space<vmem>> -> memref<32x128xi32, #tpu.memory_space<vmem>>
      %dma_start3A_406 = arith.constant 0 : i32
      %dma_start3A_407 = tpu.memref_slice %dma_start3A_405[%add3A_396, %dma_start3A_406] : memref<32x128xi32, #tpu.memory_space<vmem>> -> memref<1x128xi32, #tpu.memory_space<vmem>>
      %dma_start3A_408 = tpu.memref_squeeze %dma_start3A_407 : memref<1x128xi32, #tpu.memory_space<vmem>> -> memref<128xi32, #tpu.memory_space<vmem>>
      %dma_start3A_409 = arith.constant 0 : i32
      %dma_start3A_410 = arith.constant 0 : i32
      %dma_start3A_411 = tpu.memref_slice %arg7[%dma_start3A_409, %dma_start3A_410] : memref<10112x64xf32, #tpu.memory_space<vmem_shared>> -> memref<10112x64xf32, #tpu.memory_space<vmem_shared>>
      tpu.enqueue_indirect_dma source(%dma_start3A_411 : memref<10112x64xf32, #tpu.memory_space<vmem_shared>>) target(%dma_start3A_401 : memref<128x64xf32, #tpu.memory_space<vmem>>) offsets(%dma_start3A_408 : memref<128xi32, #tpu.memory_space<vmem>>) semaphore(%arg12 : memref<!tpu.dma_semaphore, #tpu.memory_space<semaphore_mem>>)
      %add3A_412 = arith.constant 0 : i32
      %add3A_413 = arith.addi %mul3A_395, %add3A_412 : i32
      %add3A_414 = arith.constant 1 : i32
      %add3A_415 = arith.addi %add3A_413, %add3A_414 : i32
      %dma_start3A_416 = arith.constant 1 : i32
      %dma_start3A_417 = arith.constant 0 : i32
      %dma_start3A_418 = arith.constant 0 : i32
      %dma_start3A_419 = tpu.memref_slice %arg11[%dma_start3A_416, %dma_start3A_417, %dma_start3A_418] : memref<2x128x64xf32, #tpu.memory_space<vmem>> -> memref<1x128x64xf32, #tpu.memory_space<vmem>>
      %dma_start3A_420 = tpu.memref_squeeze %dma_start3A_419 : memref<1x128x64xf32, #tpu.memory_space<vmem>> -> memref<128x64xf32, #tpu.memory_space<vmem>>
      %dma_start3A_421 = arith.constant 0 : i32
      %dma_start3A_422 = arith.constant 0 : i32
      %dma_start3A_423 = tpu.memref_slice %arg9[%scan3A_191, %dma_start3A_421, %dma_start3A_422] : memref<2x32x128xi32, #tpu.memory_space<vmem>> -> memref<1x32x128xi32, #tpu.memory_space<vmem>>
      %dma_start3A_424 = tpu.memref_squeeze %dma_start3A_423 : memref<1x32x128xi32, #tpu.memory_space<vmem>> -> memref<32x128xi32, #tpu.memory_space<vmem>>
      %dma_start3A_425 = arith.constant 0 : i32
      %dma_start3A_426 = tpu.memref_slice %dma_start3A_424[%add3A_415, %dma_start3A_425] : memref<32x128xi32, #tpu.memory_space<vmem>> -> memref<1x128xi32, #tpu.memory_space<vmem>>
      %dma_start3A_427 = tpu.memref_squeeze %dma_start3A_426 : memref<1x128xi32, #tpu.memory_space<vmem>> -> memref<128xi32, #tpu.memory_space<vmem>>
      %dma_start3A_428 = arith.constant 0 : i32
      %dma_start3A_429 = arith.constant 0 : i32
      %dma_start3A_430 = tpu.memref_slice %arg7[%dma_start3A_428, %dma_start3A_429] : memref<10112x64xf32, #tpu.memory_space<vmem_shared>> -> memref<10112x64xf32, #tpu.memory_space<vmem_shared>>
      tpu.enqueue_indirect_dma source(%dma_start3A_430 : memref<10112x64xf32, #tpu.memory_space<vmem_shared>>) target(%dma_start3A_420 : memref<128x64xf32, #tpu.memory_space<vmem>>) offsets(%dma_start3A_427 : memref<128xi32, #tpu.memory_space<vmem>>) semaphore(%arg12 : memref<!tpu.dma_semaphore, #tpu.memory_space<semaphore_mem>>)
      %dma_wait3A_431 = arith.constant 0 : i32
      %dma_wait3A_432 = arith.constant 0 : i32
      %dma_wait3A_433 = arith.constant 0 : i32
      %dma_wait3A_434 = tpu.memref_slice %arg11[%dma_wait3A_431, %dma_wait3A_432, %dma_wait3A_433] : memref<2x128x64xf32, #tpu.memory_space<vmem>> -> memref<1x128x64xf32, #tpu.memory_space<vmem>>
      %dma_wait3A_435 = tpu.memref_squeeze %dma_wait3A_434 : memref<1x128x64xf32, #tpu.memory_space<vmem>> -> memref<128x64xf32, #tpu.memory_space<vmem>>
      %dma_wait3A_436 = arith.constant 0 : i32
      %dma_wait3A_437 = arith.constant 0 : i32
      %dma_wait3A_438 = tpu.memref_slice %arg9[%scan3A_191, %dma_wait3A_436, %dma_wait3A_437] : memref<2x32x128xi32, #tpu.memory_space<vmem>> -> memref<1x32x128xi32, #tpu.memory_space<vmem>>
      %dma_wait3A_439 = tpu.memref_squeeze %dma_wait3A_438 : memref<1x32x128xi32, #tpu.memory_space<vmem>> -> memref<32x128xi32, #tpu.memory_space<vmem>>
      %dma_wait3A_440 = arith.constant 0 : i32
      %dma_wait3A_441 = tpu.memref_slice %dma_wait3A_439[%add3A_396, %dma_wait3A_440] : memref<32x128xi32, #tpu.memory_space<vmem>> -> memref<1x128xi32, #tpu.memory_space<vmem>>
      %dma_wait3A_442 = tpu.memref_squeeze %dma_wait3A_441 : memref<1x128xi32, #tpu.memory_space<vmem>> -> memref<128xi32, #tpu.memory_space<vmem>>
      %dma_wait3A_443 = arith.constant 0 : i32
      %dma_wait3A_444 = arith.constant 0 : i32
      %dma_wait3A_445 = tpu.memref_slice %arg7[%dma_wait3A_443, %dma_wait3A_444] : memref<10112x64xf32, #tpu.memory_space<vmem_shared>> -> memref<10112x64xf32, #tpu.memory_space<vmem_shared>>
      tpu.wait_indirect_dma semaphore(%arg12 : memref<!tpu.dma_semaphore, #tpu.memory_space<semaphore_mem>>) src(%dma_wait3A_445 : memref<10112x64xf32, #tpu.memory_space<vmem_shared>>) dst(%dma_wait3A_435 : memref<128x64xf32, #tpu.memory_space<vmem>>)
      %add3A_446 = arith.constant 0 : i32
      %add3A_447 = arith.addi %mul3A_395, %add3A_446 : i32
      %dma_start3A_448 = arith.constant 0 : i32
      %dma_start3A_449 = arith.constant 0 : i32
      %dma_start3A_450 = arith.constant 0 : i32
      %dma_start3A_451 = tpu.memref_slice %arg11[%dma_start3A_448, %dma_start3A_449, %dma_start3A_450] : memref<2x128x64xf32, #tpu.memory_space<vmem>> -> memref<1x128x64xf32, #tpu.memory_space<vmem>>
      %dma_start3A_452 = tpu.memref_squeeze %dma_start3A_451 : memref<1x128x64xf32, #tpu.memory_space<vmem>> -> memref<128x64xf32, #tpu.memory_space<vmem>>
      %dma_start3A_453 = arith.constant 0 : i32
      %dma_start3A_454 = arith.constant 0 : i32
      %dma_start3A_455 = tpu.memref_slice %arg10[%scan3A_192, %dma_start3A_453, %dma_start3A_454] : memref<2x32x128xi32, #tpu.memory_space<vmem>> -> memref<1x32x128xi32, #tpu.memory_space<vmem>>
      %dma_start3A_456 = tpu.memref_squeeze %dma_start3A_455 : memref<1x32x128xi32, #tpu.memory_space<vmem>> -> memref<32x128xi32, #tpu.memory_space<vmem>>
      %dma_start3A_457 = arith.constant 0 : i32
      %dma_start3A_458 = tpu.memref_slice %dma_start3A_456[%add3A_447, %dma_start3A_457] : memref<32x128xi32, #tpu.memory_space<vmem>> -> memref<1x128xi32, #tpu.memory_space<vmem>>
      %dma_start3A_459 = tpu.memref_squeeze %dma_start3A_458 : memref<1x128xi32, #tpu.memory_space<vmem>> -> memref<128xi32, #tpu.memory_space<vmem>>
      %dma_start3A_460 = arith.constant 0 : i32
      %dma_start3A_461 = arith.constant 0 : i32
      %dma_start3A_462 = tpu.memref_slice %arg8[%dma_start3A_460, %dma_start3A_461] : memref<10112x64xf32, #tpu.memory_space<vmem_shared>> -> memref<10112x64xf32, #tpu.memory_space<vmem_shared>>
      tpu.enqueue_indirect_dma source(%dma_start3A_452 : memref<128x64xf32, #tpu.memory_space<vmem>>) target(%dma_start3A_462 : memref<10112x64xf32, #tpu.memory_space<vmem_shared>>) offsets(%dma_start3A_459 : memref<128xi32, #tpu.memory_space<vmem>>) semaphore(%arg13 : memref<!tpu.dma_semaphore, #tpu.memory_space<semaphore_mem>>) {add = true}
      %dma_wait3A_463 = arith.constant 0 : i32
      %dma_wait3A_464 = arith.constant 0 : i32
      %dma_wait3A_465 = arith.constant 0 : i32
      %dma_wait3A_466 = tpu.memref_slice %arg11[%dma_wait3A_463, %dma_wait3A_464, %dma_wait3A_465] : memref<2x128x64xf32, #tpu.memory_space<vmem>> -> memref<1x128x64xf32, #tpu.memory_space<vmem>>
      %dma_wait3A_467 = tpu.memref_squeeze %dma_wait3A_466 : memref<1x128x64xf32, #tpu.memory_space<vmem>> -> memref<128x64xf32, #tpu.memory_space<vmem>>
      %dma_wait3A_468 = arith.constant 0 : i32
      %dma_wait3A_469 = arith.constant 0 : i32
      %dma_wait3A_470 = tpu.memref_slice %arg10[%scan3A_192, %dma_wait3A_468, %dma_wait3A_469] : memref<2x32x128xi32, #tpu.memory_space<vmem>> -> memref<1x32x128xi32, #tpu.memory_space<vmem>>
      %dma_wait3A_471 = tpu.memref_squeeze %dma_wait3A_470 : memref<1x32x128xi32, #tpu.memory_space<vmem>> -> memref<32x128xi32, #tpu.memory_space<vmem>>
      %dma_wait3A_472 = arith.constant 0 : i32
      %dma_wait3A_473 = tpu.memref_slice %dma_wait3A_471[%add3A_447, %dma_wait3A_472] : memref<32x128xi32, #tpu.memory_space<vmem>> -> memref<1x128xi32, #tpu.memory_space<vmem>>
      %dma_wait3A_474 = tpu.memref_squeeze %dma_wait3A_473 : memref<1x128xi32, #tpu.memory_space<vmem>> -> memref<128xi32, #tpu.memory_space<vmem>>
      %dma_wait3A_475 = arith.constant 0 : i32
      %dma_wait3A_476 = arith.constant 0 : i32
      %dma_wait3A_477 = tpu.memref_slice %arg8[%dma_wait3A_475, %dma_wait3A_476] : memref<10112x64xf32, #tpu.memory_space<vmem_shared>> -> memref<10112x64xf32, #tpu.memory_space<vmem_shared>>
      tpu.wait_indirect_dma semaphore(%arg13 : memref<!tpu.dma_semaphore, #tpu.memory_space<semaphore_mem>>) src(%dma_wait3A_467 : memref<128x64xf32, #tpu.memory_space<vmem>>) dst(%dma_wait3A_477 : memref<10112x64xf32, #tpu.memory_space<vmem_shared>>)
      %add3A_478 = arith.constant 1 : i32
      %add3A_479 = arith.addi %mul3A_395, %add3A_478 : i32
      %add3A_480 = arith.constant 1 : i32
      %add3A_481 = arith.addi %add3A_479, %add3A_480 : i32
      %dma_start3A_482 = arith.constant 0 : i32
      %dma_start3A_483 = arith.constant 0 : i32
      %dma_start3A_484 = arith.constant 0 : i32
      %dma_start3A_485 = tpu.memref_slice %arg11[%dma_start3A_482, %dma_start3A_483, %dma_start3A_484] : memref<2x128x64xf32, #tpu.memory_space<vmem>> -> memref<1x128x64xf32, #tpu.memory_space<vmem>>
      %dma_start3A_486 = tpu.memref_squeeze %dma_start3A_485 : memref<1x128x64xf32, #tpu.memory_space<vmem>> -> memref<128x64xf32, #tpu.memory_space<vmem>>
      %dma_start3A_487 = arith.constant 0 : i32
      %dma_start3A_488 = arith.constant 0 : i32
      %dma_start3A_489 = tpu.memref_slice %arg9[%scan3A_191, %dma_start3A_487, %dma_start3A_488] : memref<2x32x128xi32, #tpu.memory_space<vmem>> -> memref<1x32x128xi32, #tpu.memory_space<vmem>>
      %dma_start3A_490 = tpu.memref_squeeze %dma_start3A_489 : memref<1x32x128xi32, #tpu.memory_space<vmem>> -> memref<32x128xi32, #tpu.memory_space<vmem>>
      %dma_start3A_491 = arith.constant 0 : i32
      %dma_start3A_492 = tpu.memref_slice %dma_start3A_490[%add3A_481, %dma_start3A_491] : memref<32x128xi32, #tpu.memory_space<vmem>> -> memref<1x128xi32, #tpu.memory_space<vmem>>
      %dma_start3A_493 = tpu.memref_squeeze %dma_start3A_492 : memref<1x128xi32, #tpu.memory_space<vmem>> -> memref<128xi32, #tpu.memory_space<vmem>>
      %dma_start3A_494 = arith.constant 0 : i32
      %dma_start3A_495 = arith.constant 0 : i32
      %dma_start3A_496 = tpu.memref_slice %arg7[%dma_start3A_494, %dma_start3A_495] : memref<10112x64xf32, #tpu.memory_space<vmem_shared>> -> memref<10112x64xf32, #tpu.memory_space<vmem_shared>>
      tpu.enqueue_indirect_dma source(%dma_start3A_496 : memref<10112x64xf32, #tpu.memory_space<vmem_shared>>) target(%dma_start3A_486 : memref<128x64xf32, #tpu.memory_space<vmem>>) offsets(%dma_start3A_493 : memref<128xi32, #tpu.memory_space<vmem>>) semaphore(%arg12 : memref<!tpu.dma_semaphore, #tpu.memory_space<semaphore_mem>>)
      %dma_wait3A_497 = arith.constant 1 : i32
      %dma_wait3A_498 = arith.constant 0 : i32
      %dma_wait3A_499 = arith.constant 0 : i32
      %dma_wait3A_500 = tpu.memref_slice %arg11[%dma_wait3A_497, %dma_wait3A_498, %dma_wait3A_499] : memref<2x128x64xf32, #tpu.memory_space<vmem>> -> memref<1x128x64xf32, #tpu.memory_space<vmem>>
      %dma_wait3A_501 = tpu.memref_squeeze %dma_wait3A_500 : memref<1x128x64xf32, #tpu.memory_space<vmem>> -> memref<128x64xf32, #tpu.memory_space<vmem>>
      %dma_wait3A_502 = arith.constant 0 : i32
      %dma_wait3A_503 = arith.constant 0 : i32
      %dma_wait3A_504 = tpu.memref_slice %arg9[%scan3A_191, %dma_wait3A_502, %dma_wait3A_503] : memref<2x32x128xi32, #tpu.memory_space<vmem>> -> memref<1x32x128xi32, #tpu.memory_space<vmem>>
      %dma_wait3A_505 = tpu.memref_squeeze %dma_wait3A_504 : memref<1x32x128xi32, #tpu.memory_space<vmem>> -> memref<32x128xi32, #tpu.memory_space<vmem>>
      %dma_wait3A_506 = arith.constant 0 : i32
      %dma_wait3A_507 = tpu.memref_slice %dma_wait3A_505[%add3A_415, %dma_wait3A_506] : memref<32x128xi32, #tpu.memory_space<vmem>> -> memref<1x128xi32, #tpu.memory_space<vmem>>
      %dma_wait3A_508 = tpu.memref_squeeze %dma_wait3A_507 : memref<1x128xi32, #tpu.memory_space<vmem>> -> memref<128xi32, #tpu.memory_space<vmem>>
      %dma_wait3A_509 = arith.constant 0 : i32
      %dma_wait3A_510 = arith.constant 0 : i32
      %dma_wait3A_511 = tpu.memref_slice %arg7[%dma_wait3A_509, %dma_wait3A_510] : memref<10112x64xf32, #tpu.memory_space<vmem_shared>> -> memref<10112x64xf32, #tpu.memory_space<vmem_shared>>
      tpu.wait_indirect_dma semaphore(%arg12 : memref<!tpu.dma_semaphore, #tpu.memory_space<semaphore_mem>>) src(%dma_wait3A_511 : memref<10112x64xf32, #tpu.memory_space<vmem_shared>>) dst(%dma_wait3A_501 : memref<128x64xf32, #tpu.memory_space<vmem>>)
      %add3A_512 = arith.constant 1 : i32
      %add3A_513 = arith.addi %mul3A_395, %add3A_512 : i32
      %dma_start3A_514 = arith.constant 1 : i32
      %dma_start3A_515 = arith.constant 0 : i32
      %dma_start3A_516 = arith.constant 0 : i32
      %dma_start3A_517 = tpu.memref_slice %arg11[%dma_start3A_514, %dma_start3A_515, %dma_start3A_516] : memref<2x128x64xf32, #tpu.memory_space<vmem>> -> memref<1x128x64xf32, #tpu.memory_space<vmem>>
      %dma_start3A_518 = tpu.memref_squeeze %dma_start3A_517 : memref<1x128x64xf32, #tpu.memory_space<vmem>> -> memref<128x64xf32, #tpu.memory_space<vmem>>
      %dma_start3A_519 = arith.constant 0 : i32
      %dma_start3A_520 = arith.constant 0 : i32
      %dma_start3A_521 = tpu.memref_slice %arg10[%scan3A_192, %dma_start3A_519, %dma_start3A_520] : memref<2x32x128xi32, #tpu.memory_space<vmem>> -> memref<1x32x128xi32, #tpu.memory_space<vmem>>
      %dma_start3A_522 = tpu.memref_squeeze %dma_start3A_521 : memref<1x32x128xi32, #tpu.memory_space<vmem>> -> memref<32x128xi32, #tpu.memory_space<vmem>>
      %dma_start3A_523 = arith.constant 0 : i32
      %dma_start3A_524 = tpu.memref_slice %dma_start3A_522[%add3A_513, %dma_start3A_523] : memref<32x128xi32, #tpu.memory_space<vmem>> -> memref<1x128xi32, #tpu.memory_space<vmem>>
      %dma_start3A_525 = tpu.memref_squeeze %dma_start3A_524 : memref<1x128xi32, #tpu.memory_space<vmem>> -> memref<128xi32, #tpu.memory_space<vmem>>
      %dma_start3A_526 = arith.constant 0 : i32
      %dma_start3A_527 = arith.constant 0 : i32
      %dma_start3A_528 = tpu.memref_slice %arg8[%dma_start3A_526, %dma_start3A_527] : memref<10112x64xf32, #tpu.memory_space<vmem_shared>> -> memref<10112x64xf32, #tpu.memory_space<vmem_shared>>
      tpu.enqueue_indirect_dma source(%dma_start3A_518 : memref<128x64xf32, #tpu.memory_space<vmem>>) target(%dma_start3A_528 : memref<10112x64xf32, #tpu.memory_space<vmem_shared>>) offsets(%dma_start3A_525 : memref<128xi32, #tpu.memory_space<vmem>>) semaphore(%arg13 : memref<!tpu.dma_semaphore, #tpu.memory_space<semaphore_mem>>) {add = true}
      %dma_wait3A_529 = arith.constant 1 : i32
      %dma_wait3A_530 = arith.constant 0 : i32
      %dma_wait3A_531 = arith.constant 0 : i32
      %dma_wait3A_532 = tpu.memref_slice %arg11[%dma_wait3A_529, %dma_wait3A_530, %dma_wait3A_531] : memref<2x128x64xf32, #tpu.memory_space<vmem>> -> memref<1x128x64xf32, #tpu.memory_space<vmem>>
      %dma_wait3A_533 = tpu.memref_squeeze %dma_wait3A_532 : memref<1x128x64xf32, #tpu.memory_space<vmem>> -> memref<128x64xf32, #tpu.memory_space<vmem>>
      %dma_wait3A_534 = arith.constant 0 : i32
      %dma_wait3A_535 = arith.constant 0 : i32
      %dma_wait3A_536 = tpu.memref_slice %arg10[%scan3A_192, %dma_wait3A_534, %dma_wait3A_535] : memref<2x32x128xi32, #tpu.memory_space<vmem>> -> memref<1x32x128xi32, #tpu.memory_space<vmem>>
      %dma_wait3A_537 = tpu.memref_squeeze %dma_wait3A_536 : memref<1x32x128xi32, #tpu.memory_space<vmem>> -> memref<32x128xi32, #tpu.memory_space<vmem>>
      %dma_wait3A_538 = arith.constant 0 : i32
      %dma_wait3A_539 = tpu.memref_slice %dma_wait3A_537[%add3A_513, %dma_wait3A_538] : memref<32x128xi32, #tpu.memory_space<vmem>> -> memref<1x128xi32, #tpu.memory_space<vmem>>
      %dma_wait3A_540 = tpu.memref_squeeze %dma_wait3A_539 : memref<1x128xi32, #tpu.memory_space<vmem>> -> memref<128xi32, #tpu.memory_space<vmem>>
      %dma_wait3A_541 = arith.constant 0 : i32
      %dma_wait3A_542 = arith.constant 0 : i32
      %dma_wait3A_543 = tpu.memref_slice %arg8[%dma_wait3A_541, %dma_wait3A_542] : memref<10112x64xf32, #tpu.memory_space<vmem_shared>> -> memref<10112x64xf32, #tpu.memory_space<vmem_shared>>
      tpu.wait_indirect_dma semaphore(%arg13 : memref<!tpu.dma_semaphore, #tpu.memory_space<semaphore_mem>>) src(%dma_wait3A_533 : memref<128x64xf32, #tpu.memory_space<vmem>>) dst(%dma_wait3A_543 : memref<10112x64xf32, #tpu.memory_space<vmem_shared>>)
      %add3A_544 = arith.constant 2 : i32
      %add3A_545 = arith.addi %mul3A_395, %add3A_544 : i32
      %add3A_546 = arith.constant 1 : i32
      %add3A_547 = arith.addi %add3A_545, %add3A_546 : i32
      %dma_start3A_548 = arith.constant 1 : i32
      %dma_start3A_549 = arith.constant 0 : i32
      %dma_start3A_550 = arith.constant 0 : i32
      %dma_start3A_551 = tpu.memref_slice %arg11[%dma_start3A_548, %dma_start3A_549, %dma_start3A_550] : memref<2x128x64xf32, #tpu.memory_space<vmem>> -> memref<1x128x64xf32, #tpu.memory_space<vmem>>
      %dma_start3A_552 = tpu.memref_squeeze %dma_start3A_551 : memref<1x128x64xf32, #tpu.memory_space<vmem>> -> memref<128x64xf32, #tpu.memory_space<vmem>>
      %dma_start3A_553 = arith.constant 0 : i32
      %dma_start3A_554 = arith.constant 0 : i32
      %dma_start3A_555 = tpu.memref_slice %arg9[%scan3A_191, %dma_start3A_553, %dma_start3A_554] : memref<2x32x128xi32, #tpu.memory_space<vmem>> -> memref<1x32x128xi32, #tpu.memory_space<vmem>>
      %dma_start3A_556 = tpu.memref_squeeze %dma_start3A_555 : memref<1x32x128xi32, #tpu.memory_space<vmem>> -> memref<32x128xi32, #tpu.memory_space<vmem>>
      %dma_start3A_557 = arith.constant 0 : i32
      %dma_start3A_558 = tpu.memref_slice %dma_start3A_556[%add3A_547, %dma_start3A_557] : memref<32x128xi32, #tpu.memory_space<vmem>> -> memref<1x128xi32, #tpu.memory_space<vmem>>
      %dma_start3A_559 = tpu.memref_squeeze %dma_start3A_558 : memref<1x128xi32, #tpu.memory_space<vmem>> -> memref<128xi32, #tpu.memory_space<vmem>>
      %dma_start3A_560 = arith.constant 0 : i32
      %dma_start3A_561 = arith.constant 0 : i32
      %dma_start3A_562 = tpu.memref_slice %arg7[%dma_start3A_560, %dma_start3A_561] : memref<10112x64xf32, #tpu.memory_space<vmem_shared>> -> memref<10112x64xf32, #tpu.memory_space<vmem_shared>>
      tpu.enqueue_indirect_dma source(%dma_start3A_562 : memref<10112x64xf32, #tpu.memory_space<vmem_shared>>) target(%dma_start3A_552 : memref<128x64xf32, #tpu.memory_space<vmem>>) offsets(%dma_start3A_559 : memref<128xi32, #tpu.memory_space<vmem>>) semaphore(%arg12 : memref<!tpu.dma_semaphore, #tpu.memory_space<semaphore_mem>>)
      %dma_wait3A_563 = arith.constant 0 : i32
      %dma_wait3A_564 = arith.constant 0 : i32
      %dma_wait3A_565 = arith.constant 0 : i32
      %dma_wait3A_566 = tpu.memref_slice %arg11[%dma_wait3A_563, %dma_wait3A_564, %dma_wait3A_565] : memref<2x128x64xf32, #tpu.memory_space<vmem>> -> memref<1x128x64xf32, #tpu.memory_space<vmem>>
      %dma_wait3A_567 = tpu.memref_squeeze %dma_wait3A_566 : memref<1x128x64xf32, #tpu.memory_space<vmem>> -> memref<128x64xf32, #tpu.memory_space<vmem>>
      %dma_wait3A_568 = arith.constant 0 : i32
      %dma_wait3A_569 = arith.constant 0 : i32
      %dma_wait3A_570 = tpu.memref_slice %arg9[%scan3A_191, %dma_wait3A_568, %dma_wait3A_569] : memref<2x32x128xi32, #tpu.memory_space<vmem>> -> memref<1x32x128xi32, #tpu.memory_space<vmem>>
      %dma_wait3A_571 = tpu.memref_squeeze %dma_wait3A_570 : memref<1x32x128xi32, #tpu.memory_space<vmem>> -> memref<32x128xi32, #tpu.memory_space<vmem>>
      %dma_wait3A_572 = arith.constant 0 : i32
      %dma_wait3A_573 = tpu.memref_slice %dma_wait3A_571[%add3A_481, %dma_wait3A_572] : memref<32x128xi32, #tpu.memory_space<vmem>> -> memref<1x128xi32, #tpu.memory_space<vmem>>
      %dma_wait3A_574 = tpu.memref_squeeze %dma_wait3A_573 : memref<1x128xi32, #tpu.memory_space<vmem>> -> memref<128xi32, #tpu.memory_space<vmem>>
      %dma_wait3A_575 = arith.constant 0 : i32
      %dma_wait3A_576 = arith.constant 0 : i32
      %dma_wait3A_577 = tpu.memref_slice %arg7[%dma_wait3A_575, %dma_wait3A_576] : memref<10112x64xf32, #tpu.memory_space<vmem_shared>> -> memref<10112x64xf32, #tpu.memory_space<vmem_shared>>
      tpu.wait_indirect_dma semaphore(%arg12 : memref<!tpu.dma_semaphore, #tpu.memory_space<semaphore_mem>>) src(%dma_wait3A_577 : memref<10112x64xf32, #tpu.memory_space<vmem_shared>>) dst(%dma_wait3A_567 : memref<128x64xf32, #tpu.memory_space<vmem>>)
      %add3A_578 = arith.constant 2 : i32
      %add3A_579 = arith.addi %mul3A_395, %add3A_578 : i32
      %dma_start3A_580 = arith.constant 0 : i32
      %dma_start3A_581 = arith.constant 0 : i32
      %dma_start3A_582 = arith.constant 0 : i32
      %dma_start3A_583 = tpu.memref_slice %arg11[%dma_start3A_580, %dma_start3A_581, %dma_start3A_582] : memref<2x128x64xf32, #tpu.memory_space<vmem>> -> memref<1x128x64xf32, #tpu.memory_space<vmem>>
      %dma_start3A_584 = tpu.memref_squeeze %dma_start3A_583 : memref<1x128x64xf32, #tpu.memory_space<vmem>> -> memref<128x64xf32, #tpu.memory_space<vmem>>
      %dma_start3A_585 = arith.constant 0 : i32
      %dma_start3A_586 = arith.constant 0 : i32
      %dma_start3A_587 = tpu.memref_slice %arg10[%scan3A_192, %dma_start3A_585, %dma_start3A_586] : memref<2x32x128xi32, #tpu.memory_space<vmem>> -> memref<1x32x128xi32, #tpu.memory_space<vmem>>
      %dma_start3A_588 = tpu.memref_squeeze %dma_start3A_587 : memref<1x32x128xi32, #tpu.memory_space<vmem>> -> memref<32x128xi32, #tpu.memory_space<vmem>>
      %dma_start3A_589 = arith.constant 0 : i32
      %dma_start3A_590 = tpu.memref_slice %dma_start3A_588[%add3A_579, %dma_start3A_589] : memref<32x128xi32, #tpu.memory_space<vmem>> -> memref<1x128xi32, #tpu.memory_space<vmem>>
      %dma_start3A_591 = tpu.memref_squeeze %dma_start3A_590 : memref<1x128xi32, #tpu.memory_space<vmem>> -> memref<128xi32, #tpu.memory_space<vmem>>
      %dma_start3A_592 = arith.constant 0 : i32
      %dma_start3A_593 = arith.constant 0 : i32
      %dma_start3A_594 = tpu.memref_slice %arg8[%dma_start3A_592, %dma_start3A_593] : memref<10112x64xf32, #tpu.memory_space<vmem_shared>> -> memref<10112x64xf32, #tpu.memory_space<vmem_shared>>
      tpu.enqueue_indirect_dma source(%dma_start3A_584 : memref<128x64xf32, #tpu.memory_space<vmem>>) target(%dma_start3A_594 : memref<10112x64xf32, #tpu.memory_space<vmem_shared>>) offsets(%dma_start3A_591 : memref<128xi32, #tpu.memory_space<vmem>>) semaphore(%arg13 : memref<!tpu.dma_semaphore, #tpu.memory_space<semaphore_mem>>) {add = true}
      %dma_wait3A_595 = arith.constant 0 : i32
      %dma_wait3A_596 = arith.constant 0 : i32
      %dma_wait3A_597 = arith.constant 0 : i32
      %dma_wait3A_598 = tpu.memref_slice %arg11[%dma_wait3A_595, %dma_wait3A_596, %dma_wait3A_597] : memref<2x128x64xf32, #tpu.memory_space<vmem>> -> memref<1x128x64xf32, #tpu.memory_space<vmem>>
      %dma_wait3A_599 = tpu.memref_squeeze %dma_wait3A_598 : memref<1x128x64xf32, #tpu.memory_space<vmem>> -> memref<128x64xf32, #tpu.memory_space<vmem>>
      %dma_wait3A_600 = arith.constant 0 : i32
      %dma_wait3A_601 = arith.constant 0 : i32
      %dma_wait3A_602 = tpu.memref_slice %arg10[%scan3A_192, %dma_wait3A_600, %dma_wait3A_601] : memref<2x32x128xi32, #tpu.memory_space<vmem>> -> memref<1x32x128xi32, #tpu.memory_space<vmem>>
      %dma_wait3A_603 = tpu.memref_squeeze %dma_wait3A_602 : memref<1x32x128xi32, #tpu.memory_space<vmem>> -> memref<32x128xi32, #tpu.memory_space<vmem>>
      %dma_wait3A_604 = arith.constant 0 : i32
      %dma_wait3A_605 = tpu.memref_slice %dma_wait3A_603[%add3A_579, %dma_wait3A_604] : memref<32x128xi32, #tpu.memory_space<vmem>> -> memref<1x128xi32, #tpu.memory_space<vmem>>
      %dma_wait3A_606 = tpu.memref_squeeze %dma_wait3A_605 : memref<1x128xi32, #tpu.memory_space<vmem>> -> memref<128xi32, #tpu.memory_space<vmem>>
      %dma_wait3A_607 = arith.constant 0 : i32
      %dma_wait3A_608 = arith.constant 0 : i32
      %dma_wait3A_609 = tpu.memref_slice %arg8[%dma_wait3A_607, %dma_wait3A_608] : memref<10112x64xf32, #tpu.memory_space<vmem_shared>> -> memref<10112x64xf32, #tpu.memory_space<vmem_shared>>
      tpu.wait_indirect_dma semaphore(%arg13 : memref<!tpu.dma_semaphore, #tpu.memory_space<semaphore_mem>>) src(%dma_wait3A_599 : memref<128x64xf32, #tpu.memory_space<vmem>>) dst(%dma_wait3A_609 : memref<10112x64xf32, #tpu.memory_space<vmem_shared>>)
      %add3A_610 = arith.constant 3 : i32
      %add3A_611 = arith.addi %mul3A_395, %add3A_610 : i32
      %add3A_612 = arith.constant 1 : i32
      %add3A_613 = arith.addi %add3A_611, %add3A_612 : i32
      %dma_start3A_614 = arith.constant 0 : i32
      %dma_start3A_615 = arith.constant 0 : i32
      %dma_start3A_616 = arith.constant 0 : i32
      %dma_start3A_617 = tpu.memref_slice %arg11[%dma_start3A_614, %dma_start3A_615, %dma_start3A_616] : memref<2x128x64xf32, #tpu.memory_space<vmem>> -> memref<1x128x64xf32, #tpu.memory_space<vmem>>
      %dma_start3A_618 = tpu.memref_squeeze %dma_start3A_617 : memref<1x128x64xf32, #tpu.memory_space<vmem>> -> memref<128x64xf32, #tpu.memory_space<vmem>>
      %dma_start3A_619 = arith.constant 0 : i32
      %dma_start3A_620 = arith.constant 0 : i32
      %dma_start3A_621 = tpu.memref_slice %arg9[%scan3A_191, %dma_start3A_619, %dma_start3A_620] : memref<2x32x128xi32, #tpu.memory_space<vmem>> -> memref<1x32x128xi32, #tpu.memory_space<vmem>>
      %dma_start3A_622 = tpu.memref_squeeze %dma_start3A_621 : memref<1x32x128xi32, #tpu.memory_space<vmem>> -> memref<32x128xi32, #tpu.memory_space<vmem>>
      %dma_start3A_623 = arith.constant 0 : i32
      %dma_start3A_624 = tpu.memref_slice %dma_start3A_622[%add3A_613, %dma_start3A_623] : memref<32x128xi32, #tpu.memory_space<vmem>> -> memref<1x128xi32, #tpu.memory_space<vmem>>
      %dma_start3A_625 = tpu.memref_squeeze %dma_start3A_624 : memref<1x128xi32, #tpu.memory_space<vmem>> -> memref<128xi32, #tpu.memory_space<vmem>>
      %dma_start3A_626 = arith.constant 0 : i32
      %dma_start3A_627 = arith.constant 0 : i32
      %dma_start3A_628 = tpu.memref_slice %arg7[%dma_start3A_626, %dma_start3A_627] : memref<10112x64xf32, #tpu.memory_space<vmem_shared>> -> memref<10112x64xf32, #tpu.memory_space<vmem_shared>>
      tpu.enqueue_indirect_dma source(%dma_start3A_628 : memref<10112x64xf32, #tpu.memory_space<vmem_shared>>) target(%dma_start3A_618 : memref<128x64xf32, #tpu.memory_space<vmem>>) offsets(%dma_start3A_625 : memref<128xi32, #tpu.memory_space<vmem>>) semaphore(%arg12 : memref<!tpu.dma_semaphore, #tpu.memory_space<semaphore_mem>>)
      %dma_wait3A_629 = arith.constant 1 : i32
      %dma_wait3A_630 = arith.constant 0 : i32
      %dma_wait3A_631 = arith.constant 0 : i32
      %dma_wait3A_632 = tpu.memref_slice %arg11[%dma_wait3A_629, %dma_wait3A_630, %dma_wait3A_631] : memref<2x128x64xf32, #tpu.memory_space<vmem>> -> memref<1x128x64xf32, #tpu.memory_space<vmem>>
      %dma_wait3A_633 = tpu.memref_squeeze %dma_wait3A_632 : memref<1x128x64xf32, #tpu.memory_space<vmem>> -> memref<128x64xf32, #tpu.memory_space<vmem>>
      %dma_wait3A_634 = arith.constant 0 : i32
      %dma_wait3A_635 = arith.constant 0 : i32
      %dma_wait3A_636 = tpu.memref_slice %arg9[%scan3A_191, %dma_wait3A_634, %dma_wait3A_635] : memref<2x32x128xi32, #tpu.memory_space<vmem>> -> memref<1x32x128xi32, #tpu.memory_space<vmem>>
      %dma_wait3A_637 = tpu.memref_squeeze %dma_wait3A_636 : memref<1x32x128xi32, #tpu.memory_space<vmem>> -> memref<32x128xi32, #tpu.memory_space<vmem>>
      %dma_wait3A_638 = arith.constant 0 : i32
      %dma_wait3A_639 = tpu.memref_slice %dma_wait3A_637[%add3A_547, %dma_wait3A_638] : memref<32x128xi32, #tpu.memory_space<vmem>> -> memref<1x128xi32, #tpu.memory_space<vmem>>
      %dma_wait3A_640 = tpu.memref_squeeze %dma_wait3A_639 : memref<1x128xi32, #tpu.memory_space<vmem>> -> memref<128xi32, #tpu.memory_space<vmem>>
      %dma_wait3A_641 = arith.constant 0 : i32
      %dma_wait3A_642 = arith.constant 0 : i32
      %dma_wait3A_643 = tpu.memref_slice %arg7[%dma_wait3A_641, %dma_wait3A_642] : memref<10112x64xf32, #tpu.memory_space<vmem_shared>> -> memref<10112x64xf32, #tpu.memory_space<vmem_shared>>
      tpu.wait_indirect_dma semaphore(%arg12 : memref<!tpu.dma_semaphore, #tpu.memory_space<semaphore_mem>>) src(%dma_wait3A_643 : memref<10112x64xf32, #tpu.memory_space<vmem_shared>>) dst(%dma_wait3A_633 : memref<128x64xf32, #tpu.memory_space<vmem>>)
      %add3A_644 = arith.constant 3 : i32
      %add3A_645 = arith.addi %mul3A_395, %add3A_644 : i32
      %dma_start3A_646 = arith.constant 1 : i32
      %dma_start3A_647 = arith.constant 0 : i32
      %dma_start3A_648 = arith.constant 0 : i32
      %dma_start3A_649 = tpu.memref_slice %arg11[%dma_start3A_646, %dma_start3A_647, %dma_start3A_648] : memref<2x128x64xf32, #tpu.memory_space<vmem>> -> memref<1x128x64xf32, #tpu.memory_space<vmem>>
      %dma_start3A_650 = tpu.memref_squeeze %dma_start3A_649 : memref<1x128x64xf32, #tpu.memory_space<vmem>> -> memref<128x64xf32, #tpu.memory_space<vmem>>
      %dma_start3A_651 = arith.constant 0 : i32
      %dma_start3A_652 = arith.constant 0 : i32
      %dma_start3A_653 = tpu.memref_slice %arg10[%scan3A_192, %dma_start3A_651, %dma_start3A_652] : memref<2x32x128xi32, #tpu.memory_space<vmem>> -> memref<1x32x128xi32, #tpu.memory_space<vmem>>
      %dma_start3A_654 = tpu.memref_squeeze %dma_start3A_653 : memref<1x32x128xi32, #tpu.memory_space<vmem>> -> memref<32x128xi32, #tpu.memory_space<vmem>>
      %dma_start3A_655 = arith.constant 0 : i32
      %dma_start3A_656 = tpu.memref_slice %dma_start3A_654[%add3A_645, %dma_start3A_655] : memref<32x128xi32, #tpu.memory_space<vmem>> -> memref<1x128xi32, #tpu.memory_space<vmem>>
      %dma_start3A_657 = tpu.memref_squeeze %dma_start3A_656 : memref<1x128xi32, #tpu.memory_space<vmem>> -> memref<128xi32, #tpu.memory_space<vmem>>
      %dma_start3A_658 = arith.constant 0 : i32
      %dma_start3A_659 = arith.constant 0 : i32
      %dma_start3A_660 = tpu.memref_slice %arg8[%dma_start3A_658, %dma_start3A_659] : memref<10112x64xf32, #tpu.memory_space<vmem_shared>> -> memref<10112x64xf32, #tpu.memory_space<vmem_shared>>
      tpu.enqueue_indirect_dma source(%dma_start3A_650 : memref<128x64xf32, #tpu.memory_space<vmem>>) target(%dma_start3A_660 : memref<10112x64xf32, #tpu.memory_space<vmem_shared>>) offsets(%dma_start3A_657 : memref<128xi32, #tpu.memory_space<vmem>>) semaphore(%arg13 : memref<!tpu.dma_semaphore, #tpu.memory_space<semaphore_mem>>) {add = true}
      %dma_wait3A_661 = arith.constant 1 : i32
      %dma_wait3A_662 = arith.constant 0 : i32
      %dma_wait3A_663 = arith.constant 0 : i32
      %dma_wait3A_664 = tpu.memref_slice %arg11[%dma_wait3A_661, %dma_wait3A_662, %dma_wait3A_663] : memref<2x128x64xf32, #tpu.memory_space<vmem>> -> memref<1x128x64xf32, #tpu.memory_space<vmem>>
      %dma_wait3A_665 = tpu.memref_squeeze %dma_wait3A_664 : memref<1x128x64xf32, #tpu.memory_space<vmem>> -> memref<128x64xf32, #tpu.memory_space<vmem>>
      %dma_wait3A_666 = arith.constant 0 : i32
      %dma_wait3A_667 = arith.constant 0 : i32
      %dma_wait3A_668 = tpu.memref_slice %arg10[%scan3A_192, %dma_wait3A_666, %dma_wait3A_667] : memref<2x32x128xi32, #tpu.memory_space<vmem>> -> memref<1x32x128xi32, #tpu.memory_space<vmem>>
      %dma_wait3A_669 = tpu.memref_squeeze %dma_wait3A_668 : memref<1x32x128xi32, #tpu.memory_space<vmem>> -> memref<32x128xi32, #tpu.memory_space<vmem>>
      %dma_wait3A_670 = arith.constant 0 : i32
      %dma_wait3A_671 = tpu.memref_slice %dma_wait3A_669[%add3A_645, %dma_wait3A_670] : memref<32x128xi32, #tpu.memory_space<vmem>> -> memref<1x128xi32, #tpu.memory_space<vmem>>
      %dma_wait3A_672 = tpu.memref_squeeze %dma_wait3A_671 : memref<1x128xi32, #tpu.memory_space<vmem>> -> memref<128xi32, #tpu.memory_space<vmem>>
      %dma_wait3A_673 = arith.constant 0 : i32
      %dma_wait3A_674 = arith.constant 0 : i32
      %dma_wait3A_675 = tpu.memref_slice %arg8[%dma_wait3A_673, %dma_wait3A_674] : memref<10112x64xf32, #tpu.memory_space<vmem_shared>> -> memref<10112x64xf32, #tpu.memory_space<vmem_shared>>
      tpu.wait_indirect_dma semaphore(%arg13 : memref<!tpu.dma_semaphore, #tpu.memory_space<semaphore_mem>>) src(%dma_wait3A_665 : memref<128x64xf32, #tpu.memory_space<vmem>>) dst(%dma_wait3A_675 : memref<10112x64xf32, #tpu.memory_space<vmem_shared>>)
      %add3A_676 = arith.constant 4 : i32
      %add3A_677 = arith.addi %mul3A_395, %add3A_676 : i32
      %add3A_678 = arith.constant 1 : i32
      %add3A_679 = arith.addi %add3A_677, %add3A_678 : i32
      %dma_start3A_680 = arith.constant 1 : i32
      %dma_start3A_681 = arith.constant 0 : i32
      %dma_start3A_682 = arith.constant 0 : i32
      %dma_start3A_683 = tpu.memref_slice %arg11[%dma_start3A_680, %dma_start3A_681, %dma_start3A_682] : memref<2x128x64xf32, #tpu.memory_space<vmem>> -> memref<1x128x64xf32, #tpu.memory_space<vmem>>
      %dma_start3A_684 = tpu.memref_squeeze %dma_start3A_683 : memref<1x128x64xf32, #tpu.memory_space<vmem>> -> memref<128x64xf32, #tpu.memory_space<vmem>>
      %dma_start3A_685 = arith.constant 0 : i32
      %dma_start3A_686 = arith.constant 0 : i32
      %dma_start3A_687 = tpu.memref_slice %arg9[%scan3A_191, %dma_start3A_685, %dma_start3A_686] : memref<2x32x128xi32, #tpu.memory_space<vmem>> -> memref<1x32x128xi32, #tpu.memory_space<vmem>>
      %dma_start3A_688 = tpu.memref_squeeze %dma_start3A_687 : memref<1x32x128xi32, #tpu.memory_space<vmem>> -> memref<32x128xi32, #tpu.memory_space<vmem>>
      %dma_start3A_689 = arith.constant 0 : i32
      %dma_start3A_690 = tpu.memref_slice %dma_start3A_688[%add3A_679, %dma_start3A_689] : memref<32x128xi32, #tpu.memory_space<vmem>> -> memref<1x128xi32, #tpu.memory_space<vmem>>
      %dma_start3A_691 = tpu.memref_squeeze %dma_start3A_690 : memref<1x128xi32, #tpu.memory_space<vmem>> -> memref<128xi32, #tpu.memory_space<vmem>>
      %dma_start3A_692 = arith.constant 0 : i32
      %dma_start3A_693 = arith.constant 0 : i32
      %dma_start3A_694 = tpu.memref_slice %arg7[%dma_start3A_692, %dma_start3A_693] : memref<10112x64xf32, #tpu.memory_space<vmem_shared>> -> memref<10112x64xf32, #tpu.memory_space<vmem_shared>>
      tpu.enqueue_indirect_dma source(%dma_start3A_694 : memref<10112x64xf32, #tpu.memory_space<vmem_shared>>) target(%dma_start3A_684 : memref<128x64xf32, #tpu.memory_space<vmem>>) offsets(%dma_start3A_691 : memref<128xi32, #tpu.memory_space<vmem>>) semaphore(%arg12 : memref<!tpu.dma_semaphore, #tpu.memory_space<semaphore_mem>>)
      %dma_wait3A_695 = arith.constant 0 : i32
      %dma_wait3A_696 = arith.constant 0 : i32
      %dma_wait3A_697 = arith.constant 0 : i32
      %dma_wait3A_698 = tpu.memref_slice %arg11[%dma_wait3A_695, %dma_wait3A_696, %dma_wait3A_697] : memref<2x128x64xf32, #tpu.memory_space<vmem>> -> memref<1x128x64xf32, #tpu.memory_space<vmem>>
      %dma_wait3A_699 = tpu.memref_squeeze %dma_wait3A_698 : memref<1x128x64xf32, #tpu.memory_space<vmem>> -> memref<128x64xf32, #tpu.memory_space<vmem>>
      %dma_wait3A_700 = arith.constant 0 : i32
      %dma_wait3A_701 = arith.constant 0 : i32
      %dma_wait3A_702 = tpu.memref_slice %arg9[%scan3A_191, %dma_wait3A_700, %dma_wait3A_701] : memref<2x32x128xi32, #tpu.memory_space<vmem>> -> memref<1x32x128xi32, #tpu.memory_space<vmem>>
      %dma_wait3A_703 = tpu.memref_squeeze %dma_wait3A_702 : memref<1x32x128xi32, #tpu.memory_space<vmem>> -> memref<32x128xi32, #tpu.memory_space<vmem>>
      %dma_wait3A_704 = arith.constant 0 : i32
      %dma_wait3A_705 = tpu.memref_slice %dma_wait3A_703[%add3A_613, %dma_wait3A_704] : memref<32x128xi32, #tpu.memory_space<vmem>> -> memref<1x128xi32, #tpu.memory_space<vmem>>
      %dma_wait3A_706 = tpu.memref_squeeze %dma_wait3A_705 : memref<1x128xi32, #tpu.memory_space<vmem>> -> memref<128xi32, #tpu.memory_space<vmem>>
      %dma_wait3A_707 = arith.constant 0 : i32
      %dma_wait3A_708 = arith.constant 0 : i32
      %dma_wait3A_709 = tpu.memref_slice %arg7[%dma_wait3A_707, %dma_wait3A_708] : memref<10112x64xf32, #tpu.memory_space<vmem_shared>> -> memref<10112x64xf32, #tpu.memory_space<vmem_shared>>
      tpu.wait_indirect_dma semaphore(%arg12 : memref<!tpu.dma_semaphore, #tpu.memory_space<semaphore_mem>>) src(%dma_wait3A_709 : memref<10112x64xf32, #tpu.memory_space<vmem_shared>>) dst(%dma_wait3A_699 : memref<128x64xf32, #tpu.memory_space<vmem>>)
      %add3A_710 = arith.constant 4 : i32
      %add3A_711 = arith.addi %mul3A_395, %add3A_710 : i32
      %dma_start3A_712 = arith.constant 0 : i32
      %dma_start3A_713 = arith.constant 0 : i32
      %dma_start3A_714 = arith.constant 0 : i32
      %dma_start3A_715 = tpu.memref_slice %arg11[%dma_start3A_712, %dma_start3A_713, %dma_start3A_714] : memref<2x128x64xf32, #tpu.memory_space<vmem>> -> memref<1x128x64xf32, #tpu.memory_space<vmem>>
      %dma_start3A_716 = tpu.memref_squeeze %dma_start3A_715 : memref<1x128x64xf32, #tpu.memory_space<vmem>> -> memref<128x64xf32, #tpu.memory_space<vmem>>
      %dma_start3A_717 = arith.constant 0 : i32
      %dma_start3A_718 = arith.constant 0 : i32
      %dma_start3A_719 = tpu.memref_slice %arg10[%scan3A_192, %dma_start3A_717, %dma_start3A_718] : memref<2x32x128xi32, #tpu.memory_space<vmem>> -> memref<1x32x128xi32, #tpu.memory_space<vmem>>
      %dma_start3A_720 = tpu.memref_squeeze %dma_start3A_719 : memref<1x32x128xi32, #tpu.memory_space<vmem>> -> memref<32x128xi32, #tpu.memory_space<vmem>>
      %dma_start3A_721 = arith.constant 0 : i32
      %dma_start3A_722 = tpu.memref_slice %dma_start3A_720[%add3A_711, %dma_start3A_721] : memref<32x128xi32, #tpu.memory_space<vmem>> -> memref<1x128xi32, #tpu.memory_space<vmem>>
      %dma_start3A_723 = tpu.memref_squeeze %dma_start3A_722 : memref<1x128xi32, #tpu.memory_space<vmem>> -> memref<128xi32, #tpu.memory_space<vmem>>
      %dma_start3A_724 = arith.constant 0 : i32
      %dma_start3A_725 = arith.constant 0 : i32
      %dma_start3A_726 = tpu.memref_slice %arg8[%dma_start3A_724, %dma_start3A_725] : memref<10112x64xf32, #tpu.memory_space<vmem_shared>> -> memref<10112x64xf32, #tpu.memory_space<vmem_shared>>
      tpu.enqueue_indirect_dma source(%dma_start3A_716 : memref<128x64xf32, #tpu.memory_space<vmem>>) target(%dma_start3A_726 : memref<10112x64xf32, #tpu.memory_space<vmem_shared>>) offsets(%dma_start3A_723 : memref<128xi32, #tpu.memory_space<vmem>>) semaphore(%arg13 : memref<!tpu.dma_semaphore, #tpu.memory_space<semaphore_mem>>) {add = true}
      %dma_wait3A_727 = arith.constant 0 : i32
      %dma_wait3A_728 = arith.constant 0 : i32
      %dma_wait3A_729 = arith.constant 0 : i32
      %dma_wait3A_730 = tpu.memref_slice %arg11[%dma_wait3A_727, %dma_wait3A_728, %dma_wait3A_729] : memref<2x128x64xf32, #tpu.memory_space<vmem>> -> memref<1x128x64xf32, #tpu.memory_space<vmem>>
      %dma_wait3A_731 = tpu.memref_squeeze %dma_wait3A_730 : memref<1x128x64xf32, #tpu.memory_space<vmem>> -> memref<128x64xf32, #tpu.memory_space<vmem>>
      %dma_wait3A_732 = arith.constant 0 : i32
      %dma_wait3A_733 = arith.constant 0 : i32
      %dma_wait3A_734 = tpu.memref_slice %arg10[%scan3A_192, %dma_wait3A_732, %dma_wait3A_733] : memref<2x32x128xi32, #tpu.memory_space<vmem>> -> memref<1x32x128xi32, #tpu.memory_space<vmem>>
      %dma_wait3A_735 = tpu.memref_squeeze %dma_wait3A_734 : memref<1x32x128xi32, #tpu.memory_space<vmem>> -> memref<32x128xi32, #tpu.memory_space<vmem>>
      %dma_wait3A_736 = arith.constant 0 : i32
      %dma_wait3A_737 = tpu.memref_slice %dma_wait3A_735[%add3A_711, %dma_wait3A_736] : memref<32x128xi32, #tpu.memory_space<vmem>> -> memref<1x128xi32, #tpu.memory_space<vmem>>
      %dma_wait3A_738 = tpu.memref_squeeze %dma_wait3A_737 : memref<1x128xi32, #tpu.memory_space<vmem>> -> memref<128xi32, #tpu.memory_space<vmem>>
      %dma_wait3A_739 = arith.constant 0 : i32
      %dma_wait3A_740 = arith.constant 0 : i32
      %dma_wait3A_741 = tpu.memref_slice %arg8[%dma_wait3A_739, %dma_wait3A_740] : memref<10112x64xf32, #tpu.memory_space<vmem_shared>> -> memref<10112x64xf32, #tpu.memory_space<vmem_shared>>
      tpu.wait_indirect_dma semaphore(%arg13 : memref<!tpu.dma_semaphore, #tpu.memory_space<semaphore_mem>>) src(%dma_wait3A_731 : memref<128x64xf32, #tpu.memory_space<vmem>>) dst(%dma_wait3A_741 : memref<10112x64xf32, #tpu.memory_space<vmem_shared>>)
      %add3A_742 = arith.constant 5 : i32
      %add3A_743 = arith.addi %mul3A_395, %add3A_742 : i32
      %add3A_744 = arith.constant 1 : i32
      %add3A_745 = arith.addi %add3A_743, %add3A_744 : i32
      %dma_start3A_746 = arith.constant 0 : i32
      %dma_start3A_747 = arith.constant 0 : i32
      %dma_start3A_748 = arith.constant 0 : i32
      %dma_start3A_749 = tpu.memref_slice %arg11[%dma_start3A_746, %dma_start3A_747, %dma_start3A_748] : memref<2x128x64xf32, #tpu.memory_space<vmem>> -> memref<1x128x64xf32, #tpu.memory_space<vmem>>
      %dma_start3A_750 = tpu.memref_squeeze %dma_start3A_749 : memref<1x128x64xf32, #tpu.memory_space<vmem>> -> memref<128x64xf32, #tpu.memory_space<vmem>>
      %dma_start3A_751 = arith.constant 0 : i32
      %dma_start3A_752 = arith.constant 0 : i32
      %dma_start3A_753 = tpu.memref_slice %arg9[%scan3A_191, %dma_start3A_751, %dma_start3A_752] : memref<2x32x128xi32, #tpu.memory_space<vmem>> -> memref<1x32x128xi32, #tpu.memory_space<vmem>>
      %dma_start3A_754 = tpu.memref_squeeze %dma_start3A_753 : memref<1x32x128xi32, #tpu.memory_space<vmem>> -> memref<32x128xi32, #tpu.memory_space<vmem>>
      %dma_start3A_755 = arith.constant 0 : i32
      %dma_start3A_756 = tpu.memref_slice %dma_start3A_754[%add3A_745, %dma_start3A_755] : memref<32x128xi32, #tpu.memory_space<vmem>> -> memref<1x128xi32, #tpu.memory_space<vmem>>
      %dma_start3A_757 = tpu.memref_squeeze %dma_start3A_756 : memref<1x128xi32, #tpu.memory_space<vmem>> -> memref<128xi32, #tpu.memory_space<vmem>>
      %dma_start3A_758 = arith.constant 0 : i32
      %dma_start3A_759 = arith.constant 0 : i32
      %dma_start3A_760 = tpu.memref_slice %arg7[%dma_start3A_758, %dma_start3A_759] : memref<10112x64xf32, #tpu.memory_space<vmem_shared>> -> memref<10112x64xf32, #tpu.memory_space<vmem_shared>>
      tpu.enqueue_indirect_dma source(%dma_start3A_760 : memref<10112x64xf32, #tpu.memory_space<vmem_shared>>) target(%dma_start3A_750 : memref<128x64xf32, #tpu.memory_space<vmem>>) offsets(%dma_start3A_757 : memref<128xi32, #tpu.memory_space<vmem>>) semaphore(%arg12 : memref<!tpu.dma_semaphore, #tpu.memory_space<semaphore_mem>>)
      %dma_wait3A_761 = arith.constant 1 : i32
      %dma_wait3A_762 = arith.constant 0 : i32
      %dma_wait3A_763 = arith.constant 0 : i32
      %dma_wait3A_764 = tpu.memref_slice %arg11[%dma_wait3A_761, %dma_wait3A_762, %dma_wait3A_763] : memref<2x128x64xf32, #tpu.memory_space<vmem>> -> memref<1x128x64xf32, #tpu.memory_space<vmem>>
      %dma_wait3A_765 = tpu.memref_squeeze %dma_wait3A_764 : memref<1x128x64xf32, #tpu.memory_space<vmem>> -> memref<128x64xf32, #tpu.memory_space<vmem>>
      %dma_wait3A_766 = arith.constant 0 : i32
      %dma_wait3A_767 = arith.constant 0 : i32
      %dma_wait3A_768 = tpu.memref_slice %arg9[%scan3A_191, %dma_wait3A_766, %dma_wait3A_767] : memref<2x32x128xi32, #tpu.memory_space<vmem>> -> memref<1x32x128xi32, #tpu.memory_space<vmem>>
      %dma_wait3A_769 = tpu.memref_squeeze %dma_wait3A_768 : memref<1x32x128xi32, #tpu.memory_space<vmem>> -> memref<32x128xi32, #tpu.memory_space<vmem>>
      %dma_wait3A_770 = arith.constant 0 : i32
      %dma_wait3A_771 = tpu.memref_slice %dma_wait3A_769[%add3A_679, %dma_wait3A_770] : memref<32x128xi32, #tpu.memory_space<vmem>> -> memref<1x128xi32, #tpu.memory_space<vmem>>
      %dma_wait3A_772 = tpu.memref_squeeze %dma_wait3A_771 : memref<1x128xi32, #tpu.memory_space<vmem>> -> memref<128xi32, #tpu.memory_space<vmem>>
      %dma_wait3A_773 = arith.constant 0 : i32
      %dma_wait3A_774 = arith.constant 0 : i32
      %dma_wait3A_775 = tpu.memref_slice %arg7[%dma_wait3A_773, %dma_wait3A_774] : memref<10112x64xf32, #tpu.memory_space<vmem_shared>> -> memref<10112x64xf32, #tpu.memory_space<vmem_shared>>
      tpu.wait_indirect_dma semaphore(%arg12 : memref<!tpu.dma_semaphore, #tpu.memory_space<semaphore_mem>>) src(%dma_wait3A_775 : memref<10112x64xf32, #tpu.memory_space<vmem_shared>>) dst(%dma_wait3A_765 : memref<128x64xf32, #tpu.memory_space<vmem>>)
      %add3A_776 = arith.constant 5 : i32
      %add3A_777 = arith.addi %mul3A_395, %add3A_776 : i32
      %dma_start3A_778 = arith.constant 1 : i32
      %dma_start3A_779 = arith.constant 0 : i32
      %dma_start3A_780 = arith.constant 0 : i32
      %dma_start3A_781 = tpu.memref_slice %arg11[%dma_start3A_778, %dma_start3A_779, %dma_start3A_780] : memref<2x128x64xf32, #tpu.memory_space<vmem>> -> memref<1x128x64xf32, #tpu.memory_space<vmem>>
      %dma_start3A_782 = tpu.memref_squeeze %dma_start3A_781 : memref<1x128x64xf32, #tpu.memory_space<vmem>> -> memref<128x64xf32, #tpu.memory_space<vmem>>
      %dma_start3A_783 = arith.constant 0 : i32
      %dma_start3A_784 = arith.constant 0 : i32
      %dma_start3A_785 = tpu.memref_slice %arg10[%scan3A_192, %dma_start3A_783, %dma_start3A_784] : memref<2x32x128xi32, #tpu.memory_space<vmem>> -> memref<1x32x128xi32, #tpu.memory_space<vmem>>
      %dma_start3A_786 = tpu.memref_squeeze %dma_start3A_785 : memref<1x32x128xi32, #tpu.memory_space<vmem>> -> memref<32x128xi32, #tpu.memory_space<vmem>>
      %dma_start3A_787 = arith.constant 0 : i32
      %dma_start3A_788 = tpu.memref_slice %dma_start3A_786[%add3A_777, %dma_start3A_787] : memref<32x128xi32, #tpu.memory_space<vmem>> -> memref<1x128xi32, #tpu.memory_space<vmem>>
      %dma_start3A_789 = tpu.memref_squeeze %dma_start3A_788 : memref<1x128xi32, #tpu.memory_space<vmem>> -> memref<128xi32, #tpu.memory_space<vmem>>
      %dma_start3A_790 = arith.constant 0 : i32
      %dma_start3A_791 = arith.constant 0 : i32
      %dma_start3A_792 = tpu.memref_slice %arg8[%dma_start3A_790, %dma_start3A_791] : memref<10112x64xf32, #tpu.memory_space<vmem_shared>> -> memref<10112x64xf32, #tpu.memory_space<vmem_shared>>
      tpu.enqueue_indirect_dma source(%dma_start3A_782 : memref<128x64xf32, #tpu.memory_space<vmem>>) target(%dma_start3A_792 : memref<10112x64xf32, #tpu.memory_space<vmem_shared>>) offsets(%dma_start3A_789 : memref<128xi32, #tpu.memory_space<vmem>>) semaphore(%arg13 : memref<!tpu.dma_semaphore, #tpu.memory_space<semaphore_mem>>) {add = true}
      %dma_wait3A_793 = arith.constant 1 : i32
      %dma_wait3A_794 = arith.constant 0 : i32
      %dma_wait3A_795 = arith.constant 0 : i32
      %dma_wait3A_796 = tpu.memref_slice %arg11[%dma_wait3A_793, %dma_wait3A_794, %dma_wait3A_795] : memref<2x128x64xf32, #tpu.memory_space<vmem>> -> memref<1x128x64xf32, #tpu.memory_space<vmem>>
      %dma_wait3A_797 = tpu.memref_squeeze %dma_wait3A_796 : memref<1x128x64xf32, #tpu.memory_space<vmem>> -> memref<128x64xf32, #tpu.memory_space<vmem>>
      %dma_wait3A_798 = arith.constant 0 : i32
      %dma_wait3A_799 = arith.constant 0 : i32
      %dma_wait3A_800 = tpu.memref_slice %arg10[%scan3A_192, %dma_wait3A_798, %dma_wait3A_799] : memref<2x32x128xi32, #tpu.memory_space<vmem>> -> memref<1x32x128xi32, #tpu.memory_space<vmem>>
      %dma_wait3A_801 = tpu.memref_squeeze %dma_wait3A_800 : memref<1x32x128xi32, #tpu.memory_space<vmem>> -> memref<32x128xi32, #tpu.memory_space<vmem>>
      %dma_wait3A_802 = arith.constant 0 : i32
      %dma_wait3A_803 = tpu.memref_slice %dma_wait3A_801[%add3A_777, %dma_wait3A_802] : memref<32x128xi32, #tpu.memory_space<vmem>> -> memref<1x128xi32, #tpu.memory_space<vmem>>
      %dma_wait3A_804 = tpu.memref_squeeze %dma_wait3A_803 : memref<1x128xi32, #tpu.memory_space<vmem>> -> memref<128xi32, #tpu.memory_space<vmem>>
      %dma_wait3A_805 = arith.constant 0 : i32
      %dma_wait3A_806 = arith.constant 0 : i32
      %dma_wait3A_807 = tpu.memref_slice %arg8[%dma_wait3A_805, %dma_wait3A_806] : memref<10112x64xf32, #tpu.memory_space<vmem_shared>> -> memref<10112x64xf32, #tpu.memory_space<vmem_shared>>
      tpu.wait_indirect_dma semaphore(%arg13 : memref<!tpu.dma_semaphore, #tpu.memory_space<semaphore_mem>>) src(%dma_wait3A_797 : memref<128x64xf32, #tpu.memory_space<vmem>>) dst(%dma_wait3A_807 : memref<10112x64xf32, #tpu.memory_space<vmem_shared>>)
      %add3A_808 = arith.constant 6 : i32
      %add3A_809 = arith.addi %mul3A_395, %add3A_808 : i32
      %add3A_810 = arith.constant 1 : i32
      %add3A_811 = arith.addi %add3A_809, %add3A_810 : i32
      %dma_start3A_812 = arith.constant 1 : i32
      %dma_start3A_813 = arith.constant 0 : i32
      %dma_start3A_814 = arith.constant 0 : i32
      %dma_start3A_815 = tpu.memref_slice %arg11[%dma_start3A_812, %dma_start3A_813, %dma_start3A_814] : memref<2x128x64xf32, #tpu.memory_space<vmem>> -> memref<1x128x64xf32, #tpu.memory_space<vmem>>
      %dma_start3A_816 = tpu.memref_squeeze %dma_start3A_815 : memref<1x128x64xf32, #tpu.memory_space<vmem>> -> memref<128x64xf32, #tpu.memory_space<vmem>>
      %dma_start3A_817 = arith.constant 0 : i32
      %dma_start3A_818 = arith.constant 0 : i32
      %dma_start3A_819 = tpu.memref_slice %arg9[%scan3A_191, %dma_start3A_817, %dma_start3A_818] : memref<2x32x128xi32, #tpu.memory_space<vmem>> -> memref<1x32x128xi32, #tpu.memory_space<vmem>>
      %dma_start3A_820 = tpu.memref_squeeze %dma_start3A_819 : memref<1x32x128xi32, #tpu.memory_space<vmem>> -> memref<32x128xi32, #tpu.memory_space<vmem>>
      %dma_start3A_821 = arith.constant 0 : i32
      %dma_start3A_822 = tpu.memref_slice %dma_start3A_820[%add3A_811, %dma_start3A_821] : memref<32x128xi32, #tpu.memory_space<vmem>> -> memref<1x128xi32, #tpu.memory_space<vmem>>
      %dma_start3A_823 = tpu.memref_squeeze %dma_start3A_822 : memref<1x128xi32, #tpu.memory_space<vmem>> -> memref<128xi32, #tpu.memory_space<vmem>>
      %dma_start3A_824 = arith.constant 0 : i32
      %dma_start3A_825 = arith.constant 0 : i32
      %dma_start3A_826 = tpu.memref_slice %arg7[%dma_start3A_824, %dma_start3A_825] : memref<10112x64xf32, #tpu.memory_space<vmem_shared>> -> memref<10112x64xf32, #tpu.memory_space<vmem_shared>>
      tpu.enqueue_indirect_dma source(%dma_start3A_826 : memref<10112x64xf32, #tpu.memory_space<vmem_shared>>) target(%dma_start3A_816 : memref<128x64xf32, #tpu.memory_space<vmem>>) offsets(%dma_start3A_823 : memref<128xi32, #tpu.memory_space<vmem>>) semaphore(%arg12 : memref<!tpu.dma_semaphore, #tpu.memory_space<semaphore_mem>>)
      %dma_wait3A_827 = arith.constant 0 : i32
      %dma_wait3A_828 = arith.constant 0 : i32
      %dma_wait3A_829 = arith.constant 0 : i32
      %dma_wait3A_830 = tpu.memref_slice %arg11[%dma_wait3A_827, %dma_wait3A_828, %dma_wait3A_829] : memref<2x128x64xf32, #tpu.memory_space<vmem>> -> memref<1x128x64xf32, #tpu.memory_space<vmem>>
      %dma_wait3A_831 = tpu.memref_squeeze %dma_wait3A_830 : memref<1x128x64xf32, #tpu.memory_space<vmem>> -> memref<128x64xf32, #tpu.memory_space<vmem>>
      %dma_wait3A_832 = arith.constant 0 : i32
      %dma_wait3A_833 = arith.constant 0 : i32
      %dma_wait3A_834 = tpu.memref_slice %arg9[%scan3A_191, %dma_wait3A_832, %dma_wait3A_833] : memref<2x32x128xi32, #tpu.memory_space<vmem>> -> memref<1x32x128xi32, #tpu.memory_space<vmem>>
      %dma_wait3A_835 = tpu.memref_squeeze %dma_wait3A_834 : memref<1x32x128xi32, #tpu.memory_space<vmem>> -> memref<32x128xi32, #tpu.memory_space<vmem>>
      %dma_wait3A_836 = arith.constant 0 : i32
      %dma_wait3A_837 = tpu.memref_slice %dma_wait3A_835[%add3A_745, %dma_wait3A_836] : memref<32x128xi32, #tpu.memory_space<vmem>> -> memref<1x128xi32, #tpu.memory_space<vmem>>
      %dma_wait3A_838 = tpu.memref_squeeze %dma_wait3A_837 : memref<1x128xi32, #tpu.memory_space<vmem>> -> memref<128xi32, #tpu.memory_space<vmem>>
      %dma_wait3A_839 = arith.constant 0 : i32
      %dma_wait3A_840 = arith.constant 0 : i32
      %dma_wait3A_841 = tpu.memref_slice %arg7[%dma_wait3A_839, %dma_wait3A_840] : memref<10112x64xf32, #tpu.memory_space<vmem_shared>> -> memref<10112x64xf32, #tpu.memory_space<vmem_shared>>
      tpu.wait_indirect_dma semaphore(%arg12 : memref<!tpu.dma_semaphore, #tpu.memory_space<semaphore_mem>>) src(%dma_wait3A_841 : memref<10112x64xf32, #tpu.memory_space<vmem_shared>>) dst(%dma_wait3A_831 : memref<128x64xf32, #tpu.memory_space<vmem>>)
      %add3A_842 = arith.constant 6 : i32
      %add3A_843 = arith.addi %mul3A_395, %add3A_842 : i32
      %dma_start3A_844 = arith.constant 0 : i32
      %dma_start3A_845 = arith.constant 0 : i32
      %dma_start3A_846 = arith.constant 0 : i32
      %dma_start3A_847 = tpu.memref_slice %arg11[%dma_start3A_844, %dma_start3A_845, %dma_start3A_846] : memref<2x128x64xf32, #tpu.memory_space<vmem>> -> memref<1x128x64xf32, #tpu.memory_space<vmem>>
      %dma_start3A_848 = tpu.memref_squeeze %dma_start3A_847 : memref<1x128x64xf32, #tpu.memory_space<vmem>> -> memref<128x64xf32, #tpu.memory_space<vmem>>
      %dma_start3A_849 = arith.constant 0 : i32
      %dma_start3A_850 = arith.constant 0 : i32
      %dma_start3A_851 = tpu.memref_slice %arg10[%scan3A_192, %dma_start3A_849, %dma_start3A_850] : memref<2x32x128xi32, #tpu.memory_space<vmem>> -> memref<1x32x128xi32, #tpu.memory_space<vmem>>
      %dma_start3A_852 = tpu.memref_squeeze %dma_start3A_851 : memref<1x32x128xi32, #tpu.memory_space<vmem>> -> memref<32x128xi32, #tpu.memory_space<vmem>>
      %dma_start3A_853 = arith.constant 0 : i32
      %dma_start3A_854 = tpu.memref_slice %dma_start3A_852[%add3A_843, %dma_start3A_853] : memref<32x128xi32, #tpu.memory_space<vmem>> -> memref<1x128xi32, #tpu.memory_space<vmem>>
      %dma_start3A_855 = tpu.memref_squeeze %dma_start3A_854 : memref<1x128xi32, #tpu.memory_space<vmem>> -> memref<128xi32, #tpu.memory_space<vmem>>
      %dma_start3A_856 = arith.constant 0 : i32
      %dma_start3A_857 = arith.constant 0 : i32
      %dma_start3A_858 = tpu.memref_slice %arg8[%dma_start3A_856, %dma_start3A_857] : memref<10112x64xf32, #tpu.memory_space<vmem_shared>> -> memref<10112x64xf32, #tpu.memory_space<vmem_shared>>
      tpu.enqueue_indirect_dma source(%dma_start3A_848 : memref<128x64xf32, #tpu.memory_space<vmem>>) target(%dma_start3A_858 : memref<10112x64xf32, #tpu.memory_space<vmem_shared>>) offsets(%dma_start3A_855 : memref<128xi32, #tpu.memory_space<vmem>>) semaphore(%arg13 : memref<!tpu.dma_semaphore, #tpu.memory_space<semaphore_mem>>) {add = true}
      %dma_wait3A_859 = arith.constant 1 : i32
      %dma_wait3A_860 = arith.constant 0 : i32
      %dma_wait3A_861 = arith.constant 0 : i32
      %dma_wait3A_862 = tpu.memref_slice %arg11[%dma_wait3A_859, %dma_wait3A_860, %dma_wait3A_861] : memref<2x128x64xf32, #tpu.memory_space<vmem>> -> memref<1x128x64xf32, #tpu.memory_space<vmem>>
      %dma_wait3A_863 = tpu.memref_squeeze %dma_wait3A_862 : memref<1x128x64xf32, #tpu.memory_space<vmem>> -> memref<128x64xf32, #tpu.memory_space<vmem>>
      %dma_wait3A_864 = arith.constant 0 : i32
      %dma_wait3A_865 = arith.constant 0 : i32
      %dma_wait3A_866 = tpu.memref_slice %arg9[%scan3A_191, %dma_wait3A_864, %dma_wait3A_865] : memref<2x32x128xi32, #tpu.memory_space<vmem>> -> memref<1x32x128xi32, #tpu.memory_space<vmem>>
      %dma_wait3A_867 = tpu.memref_squeeze %dma_wait3A_866 : memref<1x32x128xi32, #tpu.memory_space<vmem>> -> memref<32x128xi32, #tpu.memory_space<vmem>>
      %dma_wait3A_868 = arith.constant 0 : i32
      %dma_wait3A_869 = tpu.memref_slice %dma_wait3A_867[%add3A_811, %dma_wait3A_868] : memref<32x128xi32, #tpu.memory_space<vmem>> -> memref<1x128xi32, #tpu.memory_space<vmem>>
      %dma_wait3A_870 = tpu.memref_squeeze %dma_wait3A_869 : memref<1x128xi32, #tpu.memory_space<vmem>> -> memref<128xi32, #tpu.memory_space<vmem>>
      %dma_wait3A_871 = arith.constant 0 : i32
      %dma_wait3A_872 = arith.constant 0 : i32
      %dma_wait3A_873 = tpu.memref_slice %arg7[%dma_wait3A_871, %dma_wait3A_872] : memref<10112x64xf32, #tpu.memory_space<vmem_shared>> -> memref<10112x64xf32, #tpu.memory_space<vmem_shared>>
      tpu.wait_indirect_dma semaphore(%arg12 : memref<!tpu.dma_semaphore, #tpu.memory_space<semaphore_mem>>) src(%dma_wait3A_873 : memref<10112x64xf32, #tpu.memory_space<vmem_shared>>) dst(%dma_wait3A_863 : memref<128x64xf32, #tpu.memory_space<vmem>>)
      %add3A_874 = arith.constant 7 : i32
      %add3A_875 = arith.addi %mul3A_395, %add3A_874 : i32
      %dma_start3A_876 = arith.constant 1 : i32
      %dma_start3A_877 = arith.constant 0 : i32
      %dma_start3A_878 = arith.constant 0 : i32
      %dma_start3A_879 = tpu.memref_slice %arg11[%dma_start3A_876, %dma_start3A_877, %dma_start3A_878] : memref<2x128x64xf32, #tpu.memory_space<vmem>> -> memref<1x128x64xf32, #tpu.memory_space<vmem>>
      %dma_start3A_880 = tpu.memref_squeeze %dma_start3A_879 : memref<1x128x64xf32, #tpu.memory_space<vmem>> -> memref<128x64xf32, #tpu.memory_space<vmem>>
      %dma_start3A_881 = arith.constant 0 : i32
      %dma_start3A_882 = arith.constant 0 : i32
      %dma_start3A_883 = tpu.memref_slice %arg10[%scan3A_192, %dma_start3A_881, %dma_start3A_882] : memref<2x32x128xi32, #tpu.memory_space<vmem>> -> memref<1x32x128xi32, #tpu.memory_space<vmem>>
      %dma_start3A_884 = tpu.memref_squeeze %dma_start3A_883 : memref<1x32x128xi32, #tpu.memory_space<vmem>> -> memref<32x128xi32, #tpu.memory_space<vmem>>
      %dma_start3A_885 = arith.constant 0 : i32
      %dma_start3A_886 = tpu.memref_slice %dma_start3A_884[%add3A_875, %dma_start3A_885] : memref<32x128xi32, #tpu.memory_space<vmem>> -> memref<1x128xi32, #tpu.memory_space<vmem>>
      %dma_start3A_887 = tpu.memref_squeeze %dma_start3A_886 : memref<1x128xi32, #tpu.memory_space<vmem>> -> memref<128xi32, #tpu.memory_space<vmem>>
      %dma_start3A_888 = arith.constant 0 : i32
      %dma_start3A_889 = arith.constant 0 : i32
      %dma_start3A_890 = tpu.memref_slice %arg8[%dma_start3A_888, %dma_start3A_889] : memref<10112x64xf32, #tpu.memory_space<vmem_shared>> -> memref<10112x64xf32, #tpu.memory_space<vmem_shared>>
      tpu.enqueue_indirect_dma source(%dma_start3A_880 : memref<128x64xf32, #tpu.memory_space<vmem>>) target(%dma_start3A_890 : memref<10112x64xf32, #tpu.memory_space<vmem_shared>>) offsets(%dma_start3A_887 : memref<128xi32, #tpu.memory_space<vmem>>) semaphore(%arg13 : memref<!tpu.dma_semaphore, #tpu.memory_space<semaphore_mem>>) {add = true}
      %dma_wait3A_891 = arith.constant 0 : i32
      %dma_wait3A_892 = arith.constant 0 : i32
      %dma_wait3A_893 = arith.constant 0 : i32
      %dma_wait3A_894 = tpu.memref_slice %arg11[%dma_wait3A_891, %dma_wait3A_892, %dma_wait3A_893] : memref<2x128x64xf32, #tpu.memory_space<vmem>> -> memref<1x128x64xf32, #tpu.memory_space<vmem>>
      %dma_wait3A_895 = tpu.memref_squeeze %dma_wait3A_894 : memref<1x128x64xf32, #tpu.memory_space<vmem>> -> memref<128x64xf32, #tpu.memory_space<vmem>>
      %dma_wait3A_896 = arith.constant 0 : i32
      %dma_wait3A_897 = arith.constant 0 : i32
      %dma_wait3A_898 = tpu.memref_slice %arg10[%scan3A_192, %dma_wait3A_896, %dma_wait3A_897] : memref<2x32x128xi32, #tpu.memory_space<vmem>> -> memref<1x32x128xi32, #tpu.memory_space<vmem>>
      %dma_wait3A_899 = tpu.memref_squeeze %dma_wait3A_898 : memref<1x32x128xi32, #tpu.memory_space<vmem>> -> memref<32x128xi32, #tpu.memory_space<vmem>>
      %dma_wait3A_900 = arith.constant 0 : i32
      %dma_wait3A_901 = tpu.memref_slice %dma_wait3A_899[%add3A_843, %dma_wait3A_900] : memref<32x128xi32, #tpu.memory_space<vmem>> -> memref<1x128xi32, #tpu.memory_space<vmem>>
      %dma_wait3A_902 = tpu.memref_squeeze %dma_wait3A_901 : memref<1x128xi32, #tpu.memory_space<vmem>> -> memref<128xi32, #tpu.memory_space<vmem>>
      %dma_wait3A_903 = arith.constant 0 : i32
      %dma_wait3A_904 = arith.constant 0 : i32
      %dma_wait3A_905 = tpu.memref_slice %arg8[%dma_wait3A_903, %dma_wait3A_904] : memref<10112x64xf32, #tpu.memory_space<vmem_shared>> -> memref<10112x64xf32, #tpu.memory_space<vmem_shared>>
      tpu.wait_indirect_dma semaphore(%arg13 : memref<!tpu.dma_semaphore, #tpu.memory_space<semaphore_mem>>) src(%dma_wait3A_895 : memref<128x64xf32, #tpu.memory_space<vmem>>) dst(%dma_wait3A_905 : memref<10112x64xf32, #tpu.memory_space<vmem_shared>>)
      %dma_wait3A_906 = arith.constant 1 : i32
      %dma_wait3A_907 = arith.constant 0 : i32
      %dma_wait3A_908 = arith.constant 0 : i32
      %dma_wait3A_909 = tpu.memref_slice %arg11[%dma_wait3A_906, %dma_wait3A_907, %dma_wait3A_908] : memref<2x128x64xf32, #tpu.memory_space<vmem>> -> memref<1x128x64xf32, #tpu.memory_space<vmem>>
      %dma_wait3A_910 = tpu.memref_squeeze %dma_wait3A_909 : memref<1x128x64xf32, #tpu.memory_space<vmem>> -> memref<128x64xf32, #tpu.memory_space<vmem>>
      %dma_wait3A_911 = arith.constant 0 : i32
      %dma_wait3A_912 = arith.constant 0 : i32
      %dma_wait3A_913 = tpu.memref_slice %arg10[%scan3A_192, %dma_wait3A_911, %dma_wait3A_912] : memref<2x32x128xi32, #tpu.memory_space<vmem>> -> memref<1x32x128xi32, #tpu.memory_space<vmem>>
      %dma_wait3A_914 = tpu.memref_squeeze %dma_wait3A_913 : memref<1x32x128xi32, #tpu.memory_space<vmem>> -> memref<32x128xi32, #tpu.memory_space<vmem>>
      %dma_wait3A_915 = arith.constant 0 : i32
      %dma_wait3A_916 = tpu.memref_slice %dma_wait3A_914[%add3A_875, %dma_wait3A_915] : memref<32x128xi32, #tpu.memory_space<vmem>> -> memref<1x128xi32, #tpu.memory_space<vmem>>
      %dma_wait3A_917 = tpu.memref_squeeze %dma_wait3A_916 : memref<1x128xi32, #tpu.memory_space<vmem>> -> memref<128xi32, #tpu.memory_space<vmem>>
      %dma_wait3A_918 = arith.constant 0 : i32
      %dma_wait3A_919 = arith.constant 0 : i32
      %dma_wait3A_920 = tpu.memref_slice %arg8[%dma_wait3A_918, %dma_wait3A_919] : memref<10112x64xf32, #tpu.memory_space<vmem_shared>> -> memref<10112x64xf32, #tpu.memory_space<vmem_shared>>
      tpu.wait_indirect_dma semaphore(%arg13 : memref<!tpu.dma_semaphore, #tpu.memory_space<semaphore_mem>>) src(%dma_wait3A_910 : memref<128x64xf32, #tpu.memory_space<vmem>>) dst(%dma_wait3A_920 : memref<10112x64xf32, #tpu.memory_space<vmem_shared>>)
    }
    %scan3A_197 = arith.constant 4 : i32
    %dma_wait3A_198 = arith.constant 0 : i32
    %dma_wait3A_199 = arith.constant 0 : i32
    %dma_wait3A_200 = arith.constant 0 : i32
    %dma_wait3A_201 = tpu.memref_slice %arg9[%dma_wait3A_198, %dma_wait3A_199, %dma_wait3A_200] : memref<2x32x128xi32, #tpu.memory_space<vmem>> -> memref<1x32x128xi32, #tpu.memory_space<vmem>>
    %dma_wait3A_202 = tpu.memref_squeeze %dma_wait3A_201 : memref<1x32x128xi32, #tpu.memory_space<vmem>> -> memref<32x128xi32, #tpu.memory_space<vmem>>
    %dma_wait3A_203 = arith.constant 64 : i32
    %dma_wait3A_204 = arith.constant 0 : i32
    %dma_wait3A_205 = tpu.memref_slice %arg3[%arg1, %dma_wait3A_203, %dma_wait3A_204] : memref<16x160x128xi32, #tpu.memory_space<hbm>> -> memref<1x32x128xi32, #tpu.memory_space<hbm>>
    %dma_wait3A_206 = tpu.memref_squeeze %dma_wait3A_205 : memref<1x32x128xi32, #tpu.memory_space<hbm>> -> memref<32x128xi32, #tpu.memory_space<hbm>>
    %dma_wait3A_207 = arith.constant 0 : i32
    %dma_wait3A_208 = arith.constant 0 : i32
    %dma_wait3A_209 = tpu.memref_slice %arg9[%dma_wait3A_198, %dma_wait3A_207, %dma_wait3A_208] : memref<2x32x128xi32, #tpu.memory_space<vmem>> -> memref<1x32x128xi32, #tpu.memory_space<vmem>>
    %dma_wait3A_210 = tpu.memref_squeeze %dma_wait3A_209 : memref<1x32x128xi32, #tpu.memory_space<vmem>> -> memref<32x128xi32, #tpu.memory_space<vmem>>
    %dma_wait3A_211 = arith.constant 64 : i32
    %dma_wait3A_212 = arith.constant 0 : i32
    %dma_wait3A_213 = tpu.memref_slice %arg3[%arg1, %dma_wait3A_211, %dma_wait3A_212] : memref<16x160x128xi32, #tpu.memory_space<hbm>> -> memref<1x32x128xi32, #tpu.memory_space<hbm>>
    %dma_wait3A_214 = tpu.memref_squeeze %dma_wait3A_213 : memref<1x32x128xi32, #tpu.memory_space<hbm>> -> memref<32x128xi32, #tpu.memory_space<hbm>>
    tpu.wait_dma2 semaphore(%arg14 : memref<!tpu.dma_semaphore, #tpu.memory_space<semaphore_mem>>) src(%dma_wait3A_214 : memref<32x128xi32, #tpu.memory_space<hbm>>) dst(%dma_wait3A_210 : memref<32x128xi32, #tpu.memory_space<vmem>>)
    %dma_wait3A_215 = arith.constant 0 : i32
    %dma_wait3A_216 = arith.constant 0 : i32
    %dma_wait3A_217 = arith.constant 0 : i32
    %dma_wait3A_218 = tpu.memref_slice %arg10[%dma_wait3A_215, %dma_wait3A_216, %dma_wait3A_217] : memref<2x32x128xi32, #tpu.memory_space<vmem>> -> memref<1x32x128xi32, #tpu.memory_space<vmem>>
    %dma_wait3A_219 = tpu.memref_squeeze %dma_wait3A_218 : memref<1x32x128xi32, #tpu.memory_space<vmem>> -> memref<32x128xi32, #tpu.memory_space<vmem>>
    %dma_wait3A_220 = arith.constant 64 : i32
    %dma_wait3A_221 = arith.constant 0 : i32
    %dma_wait3A_222 = tpu.memref_slice %arg4[%arg1, %dma_wait3A_220, %dma_wait3A_221] : memref<16x160x128xi32, #tpu.memory_space<hbm>> -> memref<1x32x128xi32, #tpu.memory_space<hbm>>
    %dma_wait3A_223 = tpu.memref_squeeze %dma_wait3A_222 : memref<1x32x128xi32, #tpu.memory_space<hbm>> -> memref<32x128xi32, #tpu.memory_space<hbm>>
    %dma_wait3A_224 = arith.constant 0 : i32
    %dma_wait3A_225 = arith.constant 0 : i32
    %dma_wait3A_226 = tpu.memref_slice %arg10[%dma_wait3A_215, %dma_wait3A_224, %dma_wait3A_225] : memref<2x32x128xi32, #tpu.memory_space<vmem>> -> memref<1x32x128xi32, #tpu.memory_space<vmem>>
    %dma_wait3A_227 = tpu.memref_squeeze %dma_wait3A_226 : memref<1x32x128xi32, #tpu.memory_space<vmem>> -> memref<32x128xi32, #tpu.memory_space<vmem>>
    %dma_wait3A_228 = arith.constant 64 : i32
    %dma_wait3A_229 = arith.constant 0 : i32
    %dma_wait3A_230 = tpu.memref_slice %arg4[%arg1, %dma_wait3A_228, %dma_wait3A_229] : memref<16x160x128xi32, #tpu.memory_space<hbm>> -> memref<1x32x128xi32, #tpu.memory_space<hbm>>
    %dma_wait3A_231 = tpu.memref_squeeze %dma_wait3A_230 : memref<1x32x128xi32, #tpu.memory_space<hbm>> -> memref<32x128xi32, #tpu.memory_space<hbm>>
    tpu.wait_dma2 semaphore(%arg14 : memref<!tpu.dma_semaphore, #tpu.memory_space<semaphore_mem>>) src(%dma_wait3A_231 : memref<32x128xi32, #tpu.memory_space<hbm>>) dst(%dma_wait3A_227 : memref<32x128xi32, #tpu.memory_space<vmem>>)
    %dma_start3A_232 = arith.constant 1 : i32
    %dma_start3A_233 = arith.constant 0 : i32
    %dma_start3A_234 = arith.constant 0 : i32
    %dma_start3A_235 = tpu.memref_slice %arg9[%dma_start3A_232, %dma_start3A_233, %dma_start3A_234] : memref<2x32x128xi32, #tpu.memory_space<vmem>> -> memref<1x32x128xi32, #tpu.memory_space<vmem>>
    %dma_start3A_236 = tpu.memref_squeeze %dma_start3A_235 : memref<1x32x128xi32, #tpu.memory_space<vmem>> -> memref<32x128xi32, #tpu.memory_space<vmem>>
    %dma_start3A_237 = arith.constant 96 : i32
    %dma_start3A_238 = arith.constant 0 : i32
    %dma_start3A_239 = tpu.memref_slice %arg3[%arg1, %dma_start3A_237, %dma_start3A_238] : memref<16x160x128xi32, #tpu.memory_space<hbm>> -> memref<1x32x128xi32, #tpu.memory_space<hbm>>
    %dma_start3A_240 = tpu.memref_squeeze %dma_start3A_239 : memref<1x32x128xi32, #tpu.memory_space<hbm>> -> memref<32x128xi32, #tpu.memory_space<hbm>>
    %dma_start3A_241 = arith.constant 0 : i32
    %dma_start3A_242 = arith.constant 0 : i32
    %dma_start3A_243 = tpu.memref_slice %arg9[%dma_start3A_232, %dma_start3A_241, %dma_start3A_242] : memref<2x32x128xi32, #tpu.memory_space<vmem>> -> memref<1x32x128xi32, #tpu.memory_space<vmem>>
    %dma_start3A_244 = tpu.memref_squeeze %dma_start3A_243 : memref<1x32x128xi32, #tpu.memory_space<vmem>> -> memref<32x128xi32, #tpu.memory_space<vmem>>
    %dma_start3A_245 = arith.constant 96 : i32
    %dma_start3A_246 = arith.constant 0 : i32
    %dma_start3A_247 = tpu.memref_slice %arg3[%arg1, %dma_start3A_245, %dma_start3A_246] : memref<16x160x128xi32, #tpu.memory_space<hbm>> -> memref<1x32x128xi32, #tpu.memory_space<hbm>>
    %dma_start3A_248 = tpu.memref_squeeze %dma_start3A_247 : memref<1x32x128xi32, #tpu.memory_space<hbm>> -> memref<32x128xi32, #tpu.memory_space<hbm>>
    tpu.enqueue_dma source(%dma_start3A_248 : memref<32x128xi32, #tpu.memory_space<hbm>>) target(%dma_start3A_244 : memref<32x128xi32, #tpu.memory_space<vmem>>) target_semaphore(%arg14 : memref<!tpu.dma_semaphore, #tpu.memory_space<semaphore_mem>>)
    %dma_start3A_249 = arith.constant 1 : i32
    %dma_start3A_250 = arith.constant 0 : i32
    %dma_start3A_251 = arith.constant 0 : i32
    %dma_start3A_252 = tpu.memref_slice %arg10[%dma_start3A_249, %dma_start3A_250, %dma_start3A_251] : memref<2x32x128xi32, #tpu.memory_space<vmem>> -> memref<1x32x128xi32, #tpu.memory_space<vmem>>
    %dma_start3A_253 = tpu.memref_squeeze %dma_start3A_252 : memref<1x32x128xi32, #tpu.memory_space<vmem>> -> memref<32x128xi32, #tpu.memory_space<vmem>>
    %dma_start3A_254 = arith.constant 96 : i32
    %dma_start3A_255 = arith.constant 0 : i32
    %dma_start3A_256 = tpu.memref_slice %arg4[%arg1, %dma_start3A_254, %dma_start3A_255] : memref<16x160x128xi32, #tpu.memory_space<hbm>> -> memref<1x32x128xi32, #tpu.memory_space<hbm>>
    %dma_start3A_257 = tpu.memref_squeeze %dma_start3A_256 : memref<1x32x128xi32, #tpu.memory_space<hbm>> -> memref<32x128xi32, #tpu.memory_space<hbm>>
    %dma_start3A_258 = arith.constant 0 : i32
    %dma_start3A_259 = arith.constant 0 : i32
    %dma_start3A_260 = tpu.memref_slice %arg10[%dma_start3A_249, %dma_start3A_258, %dma_start3A_259] : memref<2x32x128xi32, #tpu.memory_space<vmem>> -> memref<1x32x128xi32, #tpu.memory_space<vmem>>
    %dma_start3A_261 = tpu.memref_squeeze %dma_start3A_260 : memref<1x32x128xi32, #tpu.memory_space<vmem>> -> memref<32x128xi32, #tpu.memory_space<vmem>>
    %dma_start3A_262 = arith.constant 96 : i32
    %dma_start3A_263 = arith.constant 0 : i32
    %dma_start3A_264 = tpu.memref_slice %arg4[%arg1, %dma_start3A_262, %dma_start3A_263] : memref<16x160x128xi32, #tpu.memory_space<hbm>> -> memref<1x32x128xi32, #tpu.memory_space<hbm>>
    %dma_start3A_265 = tpu.memref_squeeze %dma_start3A_264 : memref<1x32x128xi32, #tpu.memory_space<hbm>> -> memref<32x128xi32, #tpu.memory_space<hbm>>
    tpu.enqueue_dma source(%dma_start3A_265 : memref<32x128xi32, #tpu.memory_space<hbm>>) target(%dma_start3A_261 : memref<32x128xi32, #tpu.memory_space<vmem>>) target_semaphore(%arg14 : memref<!tpu.dma_semaphore, #tpu.memory_space<semaphore_mem>>)
    %scan3A_266 = arith.constant 0 : i32
    %scan3A_267 = arith.constant 0 : i32
    %scan3A_268 = arith.constant 0 : i32
    %scan3A_269 = arith.constant 0 : i32
    %scan3A_270 = arith.constant 4 : i32
    %scan3A_271 = arith.addi %scan3A_269, %scan3A_270 : i32
    %scan3A_272 = arith.constant 1 : i32
    scf.for %scan3A_393 = %scan3A_269 to %scan3A_271 step %scan3A_272  : i32 {
      %mul3A_394 = arith.constant 8 : i32
      %mul3A_395 = arith.muli %scan3A_393, %mul3A_394 : i32
      %add3A = arith.constant 0 : i32
      %add3A_396 = arith.addi %mul3A_395, %add3A : i32
      %dma_start3A_397 = arith.constant 0 : i32
      %dma_start3A_398 = arith.constant 0 : i32
      %dma_start3A_399 = arith.constant 0 : i32
      %dma_start3A_400 = tpu.memref_slice %arg11[%dma_start3A_397, %dma_start3A_398, %dma_start3A_399] : memref<2x128x64xf32, #tpu.memory_space<vmem>> -> memref<1x128x64xf32, #tpu.memory_space<vmem>>
      %dma_start3A_401 = tpu.memref_squeeze %dma_start3A_400 : memref<1x128x64xf32, #tpu.memory_space<vmem>> -> memref<128x64xf32, #tpu.memory_space<vmem>>
      %dma_start3A_402 = arith.constant 0 : i32
      %dma_start3A_403 = arith.constant 0 : i32
      %dma_start3A_404 = tpu.memref_slice %arg9[%scan3A_267, %dma_start3A_402, %dma_start3A_403] : memref<2x32x128xi32, #tpu.memory_space<vmem>> -> memref<1x32x128xi32, #tpu.memory_space<vmem>>
      %dma_start3A_405 = tpu.memref_squeeze %dma_start3A_404 : memref<1x32x128xi32, #tpu.memory_space<vmem>> -> memref<32x128xi32, #tpu.memory_space<vmem>>
      %dma_start3A_406 = arith.constant 0 : i32
      %dma_start3A_407 = tpu.memref_slice %dma_start3A_405[%add3A_396, %dma_start3A_406] : memref<32x128xi32, #tpu.memory_space<vmem>> -> memref<1x128xi32, #tpu.memory_space<vmem>>
      %dma_start3A_408 = tpu.memref_squeeze %dma_start3A_407 : memref<1x128xi32, #tpu.memory_space<vmem>> -> memref<128xi32, #tpu.memory_space<vmem>>
      %dma_start3A_409 = arith.constant 0 : i32
      %dma_start3A_410 = arith.constant 0 : i32
      %dma_start3A_411 = tpu.memref_slice %arg7[%dma_start3A_409, %dma_start3A_410] : memref<10112x64xf32, #tpu.memory_space<vmem_shared>> -> memref<10112x64xf32, #tpu.memory_space<vmem_shared>>
      tpu.enqueue_indirect_dma source(%dma_start3A_411 : memref<10112x64xf32, #tpu.memory_space<vmem_shared>>) target(%dma_start3A_401 : memref<128x64xf32, #tpu.memory_space<vmem>>) offsets(%dma_start3A_408 : memref<128xi32, #tpu.memory_space<vmem>>) semaphore(%arg12 : memref<!tpu.dma_semaphore, #tpu.memory_space<semaphore_mem>>)
      %add3A_412 = arith.constant 0 : i32
      %add3A_413 = arith.addi %mul3A_395, %add3A_412 : i32
      %add3A_414 = arith.constant 1 : i32
      %add3A_415 = arith.addi %add3A_413, %add3A_414 : i32
      %dma_start3A_416 = arith.constant 1 : i32
      %dma_start3A_417 = arith.constant 0 : i32
      %dma_start3A_418 = arith.constant 0 : i32
      %dma_start3A_419 = tpu.memref_slice %arg11[%dma_start3A_416, %dma_start3A_417, %dma_start3A_418] : memref<2x128x64xf32, #tpu.memory_space<vmem>> -> memref<1x128x64xf32, #tpu.memory_space<vmem>>
      %dma_start3A_420 = tpu.memref_squeeze %dma_start3A_419 : memref<1x128x64xf32, #tpu.memory_space<vmem>> -> memref<128x64xf32, #tpu.memory_space<vmem>>
      %dma_start3A_421 = arith.constant 0 : i32
      %dma_start3A_422 = arith.constant 0 : i32
      %dma_start3A_423 = tpu.memref_slice %arg9[%scan3A_267, %dma_start3A_421, %dma_start3A_422] : memref<2x32x128xi32, #tpu.memory_space<vmem>> -> memref<1x32x128xi32, #tpu.memory_space<vmem>>
      %dma_start3A_424 = tpu.memref_squeeze %dma_start3A_423 : memref<1x32x128xi32, #tpu.memory_space<vmem>> -> memref<32x128xi32, #tpu.memory_space<vmem>>
      %dma_start3A_425 = arith.constant 0 : i32
      %dma_start3A_426 = tpu.memref_slice %dma_start3A_424[%add3A_415, %dma_start3A_425] : memref<32x128xi32, #tpu.memory_space<vmem>> -> memref<1x128xi32, #tpu.memory_space<vmem>>
      %dma_start3A_427 = tpu.memref_squeeze %dma_start3A_426 : memref<1x128xi32, #tpu.memory_space<vmem>> -> memref<128xi32, #tpu.memory_space<vmem>>
      %dma_start3A_428 = arith.constant 0 : i32
      %dma_start3A_429 = arith.constant 0 : i32
      %dma_start3A_430 = tpu.memref_slice %arg7[%dma_start3A_428, %dma_start3A_429] : memref<10112x64xf32, #tpu.memory_space<vmem_shared>> -> memref<10112x64xf32, #tpu.memory_space<vmem_shared>>
      tpu.enqueue_indirect_dma source(%dma_start3A_430 : memref<10112x64xf32, #tpu.memory_space<vmem_shared>>) target(%dma_start3A_420 : memref<128x64xf32, #tpu.memory_space<vmem>>) offsets(%dma_start3A_427 : memref<128xi32, #tpu.memory_space<vmem>>) semaphore(%arg12 : memref<!tpu.dma_semaphore, #tpu.memory_space<semaphore_mem>>)
      %dma_wait3A_431 = arith.constant 0 : i32
      %dma_wait3A_432 = arith.constant 0 : i32
      %dma_wait3A_433 = arith.constant 0 : i32
      %dma_wait3A_434 = tpu.memref_slice %arg11[%dma_wait3A_431, %dma_wait3A_432, %dma_wait3A_433] : memref<2x128x64xf32, #tpu.memory_space<vmem>> -> memref<1x128x64xf32, #tpu.memory_space<vmem>>
      %dma_wait3A_435 = tpu.memref_squeeze %dma_wait3A_434 : memref<1x128x64xf32, #tpu.memory_space<vmem>> -> memref<128x64xf32, #tpu.memory_space<vmem>>
      %dma_wait3A_436 = arith.constant 0 : i32
      %dma_wait3A_437 = arith.constant 0 : i32
      %dma_wait3A_438 = tpu.memref_slice %arg9[%scan3A_267, %dma_wait3A_436, %dma_wait3A_437] : memref<2x32x128xi32, #tpu.memory_space<vmem>> -> memref<1x32x128xi32, #tpu.memory_space<vmem>>
      %dma_wait3A_439 = tpu.memref_squeeze %dma_wait3A_438 : memref<1x32x128xi32, #tpu.memory_space<vmem>> -> memref<32x128xi32, #tpu.memory_space<vmem>>
      %dma_wait3A_440 = arith.constant 0 : i32
      %dma_wait3A_441 = tpu.memref_slice %dma_wait3A_439[%add3A_396, %dma_wait3A_440] : memref<32x128xi32, #tpu.memory_space<vmem>> -> memref<1x128xi32, #tpu.memory_space<vmem>>
      %dma_wait3A_442 = tpu.memref_squeeze %dma_wait3A_441 : memref<1x128xi32, #tpu.memory_space<vmem>> -> memref<128xi32, #tpu.memory_space<vmem>>
      %dma_wait3A_443 = arith.constant 0 : i32
      %dma_wait3A_444 = arith.constant 0 : i32
      %dma_wait3A_445 = tpu.memref_slice %arg7[%dma_wait3A_443, %dma_wait3A_444] : memref<10112x64xf32, #tpu.memory_space<vmem_shared>> -> memref<10112x64xf32, #tpu.memory_space<vmem_shared>>
      tpu.wait_indirect_dma semaphore(%arg12 : memref<!tpu.dma_semaphore, #tpu.memory_space<semaphore_mem>>) src(%dma_wait3A_445 : memref<10112x64xf32, #tpu.memory_space<vmem_shared>>) dst(%dma_wait3A_435 : memref<128x64xf32, #tpu.memory_space<vmem>>)
      %add3A_446 = arith.constant 0 : i32
      %add3A_447 = arith.addi %mul3A_395, %add3A_446 : i32
      %dma_start3A_448 = arith.constant 0 : i32
      %dma_start3A_449 = arith.constant 0 : i32
      %dma_start3A_450 = arith.constant 0 : i32
      %dma_start3A_451 = tpu.memref_slice %arg11[%dma_start3A_448, %dma_start3A_449, %dma_start3A_450] : memref<2x128x64xf32, #tpu.memory_space<vmem>> -> memref<1x128x64xf32, #tpu.memory_space<vmem>>
      %dma_start3A_452 = tpu.memref_squeeze %dma_start3A_451 : memref<1x128x64xf32, #tpu.memory_space<vmem>> -> memref<128x64xf32, #tpu.memory_space<vmem>>
      %dma_start3A_453 = arith.constant 0 : i32
      %dma_start3A_454 = arith.constant 0 : i32
      %dma_start3A_455 = tpu.memref_slice %arg10[%scan3A_268, %dma_start3A_453, %dma_start3A_454] : memref<2x32x128xi32, #tpu.memory_space<vmem>> -> memref<1x32x128xi32, #tpu.memory_space<vmem>>
      %dma_start3A_456 = tpu.memref_squeeze %dma_start3A_455 : memref<1x32x128xi32, #tpu.memory_space<vmem>> -> memref<32x128xi32, #tpu.memory_space<vmem>>
      %dma_start3A_457 = arith.constant 0 : i32
      %dma_start3A_458 = tpu.memref_slice %dma_start3A_456[%add3A_447, %dma_start3A_457] : memref<32x128xi32, #tpu.memory_space<vmem>> -> memref<1x128xi32, #tpu.memory_space<vmem>>
      %dma_start3A_459 = tpu.memref_squeeze %dma_start3A_458 : memref<1x128xi32, #tpu.memory_space<vmem>> -> memref<128xi32, #tpu.memory_space<vmem>>
      %dma_start3A_460 = arith.constant 0 : i32
      %dma_start3A_461 = arith.constant 0 : i32
      %dma_start3A_462 = tpu.memref_slice %arg8[%dma_start3A_460, %dma_start3A_461] : memref<10112x64xf32, #tpu.memory_space<vmem_shared>> -> memref<10112x64xf32, #tpu.memory_space<vmem_shared>>
      tpu.enqueue_indirect_dma source(%dma_start3A_452 : memref<128x64xf32, #tpu.memory_space<vmem>>) target(%dma_start3A_462 : memref<10112x64xf32, #tpu.memory_space<vmem_shared>>) offsets(%dma_start3A_459 : memref<128xi32, #tpu.memory_space<vmem>>) semaphore(%arg13 : memref<!tpu.dma_semaphore, #tpu.memory_space<semaphore_mem>>) {add = true}
      %dma_wait3A_463 = arith.constant 0 : i32
      %dma_wait3A_464 = arith.constant 0 : i32
      %dma_wait3A_465 = arith.constant 0 : i32
      %dma_wait3A_466 = tpu.memref_slice %arg11[%dma_wait3A_463, %dma_wait3A_464, %dma_wait3A_465] : memref<2x128x64xf32, #tpu.memory_space<vmem>> -> memref<1x128x64xf32, #tpu.memory_space<vmem>>
      %dma_wait3A_467 = tpu.memref_squeeze %dma_wait3A_466 : memref<1x128x64xf32, #tpu.memory_space<vmem>> -> memref<128x64xf32, #tpu.memory_space<vmem>>
      %dma_wait3A_468 = arith.constant 0 : i32
      %dma_wait3A_469 = arith.constant 0 : i32
      %dma_wait3A_470 = tpu.memref_slice %arg10[%scan3A_268, %dma_wait3A_468, %dma_wait3A_469] : memref<2x32x128xi32, #tpu.memory_space<vmem>> -> memref<1x32x128xi32, #tpu.memory_space<vmem>>
      %dma_wait3A_471 = tpu.memref_squeeze %dma_wait3A_470 : memref<1x32x128xi32, #tpu.memory_space<vmem>> -> memref<32x128xi32, #tpu.memory_space<vmem>>
      %dma_wait3A_472 = arith.constant 0 : i32
      %dma_wait3A_473 = tpu.memref_slice %dma_wait3A_471[%add3A_447, %dma_wait3A_472] : memref<32x128xi32, #tpu.memory_space<vmem>> -> memref<1x128xi32, #tpu.memory_space<vmem>>
      %dma_wait3A_474 = tpu.memref_squeeze %dma_wait3A_473 : memref<1x128xi32, #tpu.memory_space<vmem>> -> memref<128xi32, #tpu.memory_space<vmem>>
      %dma_wait3A_475 = arith.constant 0 : i32
      %dma_wait3A_476 = arith.constant 0 : i32
      %dma_wait3A_477 = tpu.memref_slice %arg8[%dma_wait3A_475, %dma_wait3A_476] : memref<10112x64xf32, #tpu.memory_space<vmem_shared>> -> memref<10112x64xf32, #tpu.memory_space<vmem_shared>>
      tpu.wait_indirect_dma semaphore(%arg13 : memref<!tpu.dma_semaphore, #tpu.memory_space<semaphore_mem>>) src(%dma_wait3A_467 : memref<128x64xf32, #tpu.memory_space<vmem>>) dst(%dma_wait3A_477 : memref<10112x64xf32, #tpu.memory_space<vmem_shared>>)
      %add3A_478 = arith.constant 1 : i32
      %add3A_479 = arith.addi %mul3A_395, %add3A_478 : i32
      %add3A_480 = arith.constant 1 : i32
      %add3A_481 = arith.addi %add3A_479, %add3A_480 : i32
      %dma_start3A_482 = arith.constant 0 : i32
      %dma_start3A_483 = arith.constant 0 : i32
      %dma_start3A_484 = arith.constant 0 : i32
      %dma_start3A_485 = tpu.memref_slice %arg11[%dma_start3A_482, %dma_start3A_483, %dma_start3A_484] : memref<2x128x64xf32, #tpu.memory_space<vmem>> -> memref<1x128x64xf32, #tpu.memory_space<vmem>>
      %dma_start3A_486 = tpu.memref_squeeze %dma_start3A_485 : memref<1x128x64xf32, #tpu.memory_space<vmem>> -> memref<128x64xf32, #tpu.memory_space<vmem>>
      %dma_start3A_487 = arith.constant 0 : i32
      %dma_start3A_488 = arith.constant 0 : i32
      %dma_start3A_489 = tpu.memref_slice %arg9[%scan3A_267, %dma_start3A_487, %dma_start3A_488] : memref<2x32x128xi32, #tpu.memory_space<vmem>> -> memref<1x32x128xi32, #tpu.memory_space<vmem>>
      %dma_start3A_490 = tpu.memref_squeeze %dma_start3A_489 : memref<1x32x128xi32, #tpu.memory_space<vmem>> -> memref<32x128xi32, #tpu.memory_space<vmem>>
      %dma_start3A_491 = arith.constant 0 : i32
      %dma_start3A_492 = tpu.memref_slice %dma_start3A_490[%add3A_481, %dma_start3A_491] : memref<32x128xi32, #tpu.memory_space<vmem>> -> memref<1x128xi32, #tpu.memory_space<vmem>>
      %dma_start3A_493 = tpu.memref_squeeze %dma_start3A_492 : memref<1x128xi32, #tpu.memory_space<vmem>> -> memref<128xi32, #tpu.memory_space<vmem>>
      %dma_start3A_494 = arith.constant 0 : i32
      %dma_start3A_495 = arith.constant 0 : i32
      %dma_start3A_496 = tpu.memref_slice %arg7[%dma_start3A_494, %dma_start3A_495] : memref<10112x64xf32, #tpu.memory_space<vmem_shared>> -> memref<10112x64xf32, #tpu.memory_space<vmem_shared>>
      tpu.enqueue_indirect_dma source(%dma_start3A_496 : memref<10112x64xf32, #tpu.memory_space<vmem_shared>>) target(%dma_start3A_486 : memref<128x64xf32, #tpu.memory_space<vmem>>) offsets(%dma_start3A_493 : memref<128xi32, #tpu.memory_space<vmem>>) semaphore(%arg12 : memref<!tpu.dma_semaphore, #tpu.memory_space<semaphore_mem>>)
      %dma_wait3A_497 = arith.constant 1 : i32
      %dma_wait3A_498 = arith.constant 0 : i32
      %dma_wait3A_499 = arith.constant 0 : i32
      %dma_wait3A_500 = tpu.memref_slice %arg11[%dma_wait3A_497, %dma_wait3A_498, %dma_wait3A_499] : memref<2x128x64xf32, #tpu.memory_space<vmem>> -> memref<1x128x64xf32, #tpu.memory_space<vmem>>
      %dma_wait3A_501 = tpu.memref_squeeze %dma_wait3A_500 : memref<1x128x64xf32, #tpu.memory_space<vmem>> -> memref<128x64xf32, #tpu.memory_space<vmem>>
      %dma_wait3A_502 = arith.constant 0 : i32
      %dma_wait3A_503 = arith.constant 0 : i32
      %dma_wait3A_504 = tpu.memref_slice %arg9[%scan3A_267, %dma_wait3A_502, %dma_wait3A_503] : memref<2x32x128xi32, #tpu.memory_space<vmem>> -> memref<1x32x128xi32, #tpu.memory_space<vmem>>
      %dma_wait3A_505 = tpu.memref_squeeze %dma_wait3A_504 : memref<1x32x128xi32, #tpu.memory_space<vmem>> -> memref<32x128xi32, #tpu.memory_space<vmem>>
      %dma_wait3A_506 = arith.constant 0 : i32
      %dma_wait3A_507 = tpu.memref_slice %dma_wait3A_505[%add3A_415, %dma_wait3A_506] : memref<32x128xi32, #tpu.memory_space<vmem>> -> memref<1x128xi32, #tpu.memory_space<vmem>>
      %dma_wait3A_508 = tpu.memref_squeeze %dma_wait3A_507 : memref<1x128xi32, #tpu.memory_space<vmem>> -> memref<128xi32, #tpu.memory_space<vmem>>
      %dma_wait3A_509 = arith.constant 0 : i32
      %dma_wait3A_510 = arith.constant 0 : i32
      %dma_wait3A_511 = tpu.memref_slice %arg7[%dma_wait3A_509, %dma_wait3A_510] : memref<10112x64xf32, #tpu.memory_space<vmem_shared>> -> memref<10112x64xf32, #tpu.memory_space<vmem_shared>>
      tpu.wait_indirect_dma semaphore(%arg12 : memref<!tpu.dma_semaphore, #tpu.memory_space<semaphore_mem>>) src(%dma_wait3A_511 : memref<10112x64xf32, #tpu.memory_space<vmem_shared>>) dst(%dma_wait3A_501 : memref<128x64xf32, #tpu.memory_space<vmem>>)
      %add3A_512 = arith.constant 1 : i32
      %add3A_513 = arith.addi %mul3A_395, %add3A_512 : i32
      %dma_start3A_514 = arith.constant 1 : i32
      %dma_start3A_515 = arith.constant 0 : i32
      %dma_start3A_516 = arith.constant 0 : i32
      %dma_start3A_517 = tpu.memref_slice %arg11[%dma_start3A_514, %dma_start3A_515, %dma_start3A_516] : memref<2x128x64xf32, #tpu.memory_space<vmem>> -> memref<1x128x64xf32, #tpu.memory_space<vmem>>
      %dma_start3A_518 = tpu.memref_squeeze %dma_start3A_517 : memref<1x128x64xf32, #tpu.memory_space<vmem>> -> memref<128x64xf32, #tpu.memory_space<vmem>>
      %dma_start3A_519 = arith.constant 0 : i32
      %dma_start3A_520 = arith.constant 0 : i32
      %dma_start3A_521 = tpu.memref_slice %arg10[%scan3A_268, %dma_start3A_519, %dma_start3A_520] : memref<2x32x128xi32, #tpu.memory_space<vmem>> -> memref<1x32x128xi32, #tpu.memory_space<vmem>>
      %dma_start3A_522 = tpu.memref_squeeze %dma_start3A_521 : memref<1x32x128xi32, #tpu.memory_space<vmem>> -> memref<32x128xi32, #tpu.memory_space<vmem>>
      %dma_start3A_523 = arith.constant 0 : i32
      %dma_start3A_524 = tpu.memref_slice %dma_start3A_522[%add3A_513, %dma_start3A_523] : memref<32x128xi32, #tpu.memory_space<vmem>> -> memref<1x128xi32, #tpu.memory_space<vmem>>
      %dma_start3A_525 = tpu.memref_squeeze %dma_start3A_524 : memref<1x128xi32, #tpu.memory_space<vmem>> -> memref<128xi32, #tpu.memory_space<vmem>>
      %dma_start3A_526 = arith.constant 0 : i32
      %dma_start3A_527 = arith.constant 0 : i32
      %dma_start3A_528 = tpu.memref_slice %arg8[%dma_start3A_526, %dma_start3A_527] : memref<10112x64xf32, #tpu.memory_space<vmem_shared>> -> memref<10112x64xf32, #tpu.memory_space<vmem_shared>>
      tpu.enqueue_indirect_dma source(%dma_start3A_518 : memref<128x64xf32, #tpu.memory_space<vmem>>) target(%dma_start3A_528 : memref<10112x64xf32, #tpu.memory_space<vmem_shared>>) offsets(%dma_start3A_525 : memref<128xi32, #tpu.memory_space<vmem>>) semaphore(%arg13 : memref<!tpu.dma_semaphore, #tpu.memory_space<semaphore_mem>>) {add = true}
      %dma_wait3A_529 = arith.constant 1 : i32
      %dma_wait3A_530 = arith.constant 0 : i32
      %dma_wait3A_531 = arith.constant 0 : i32
      %dma_wait3A_532 = tpu.memref_slice %arg11[%dma_wait3A_529, %dma_wait3A_530, %dma_wait3A_531] : memref<2x128x64xf32, #tpu.memory_space<vmem>> -> memref<1x128x64xf32, #tpu.memory_space<vmem>>
      %dma_wait3A_533 = tpu.memref_squeeze %dma_wait3A_532 : memref<1x128x64xf32, #tpu.memory_space<vmem>> -> memref<128x64xf32, #tpu.memory_space<vmem>>
      %dma_wait3A_534 = arith.constant 0 : i32
      %dma_wait3A_535 = arith.constant 0 : i32
      %dma_wait3A_536 = tpu.memref_slice %arg10[%scan3A_268, %dma_wait3A_534, %dma_wait3A_535] : memref<2x32x128xi32, #tpu.memory_space<vmem>> -> memref<1x32x128xi32, #tpu.memory_space<vmem>>
      %dma_wait3A_537 = tpu.memref_squeeze %dma_wait3A_536 : memref<1x32x128xi32, #tpu.memory_space<vmem>> -> memref<32x128xi32, #tpu.memory_space<vmem>>
      %dma_wait3A_538 = arith.constant 0 : i32
      %dma_wait3A_539 = tpu.memref_slice %dma_wait3A_537[%add3A_513, %dma_wait3A_538] : memref<32x128xi32, #tpu.memory_space<vmem>> -> memref<1x128xi32, #tpu.memory_space<vmem>>
      %dma_wait3A_540 = tpu.memref_squeeze %dma_wait3A_539 : memref<1x128xi32, #tpu.memory_space<vmem>> -> memref<128xi32, #tpu.memory_space<vmem>>
      %dma_wait3A_541 = arith.constant 0 : i32
      %dma_wait3A_542 = arith.constant 0 : i32
      %dma_wait3A_543 = tpu.memref_slice %arg8[%dma_wait3A_541, %dma_wait3A_542] : memref<10112x64xf32, #tpu.memory_space<vmem_shared>> -> memref<10112x64xf32, #tpu.memory_space<vmem_shared>>
      tpu.wait_indirect_dma semaphore(%arg13 : memref<!tpu.dma_semaphore, #tpu.memory_space<semaphore_mem>>) src(%dma_wait3A_533 : memref<128x64xf32, #tpu.memory_space<vmem>>) dst(%dma_wait3A_543 : memref<10112x64xf32, #tpu.memory_space<vmem_shared>>)
      %add3A_544 = arith.constant 2 : i32
      %add3A_545 = arith.addi %mul3A_395, %add3A_544 : i32
      %add3A_546 = arith.constant 1 : i32
      %add3A_547 = arith.addi %add3A_545, %add3A_546 : i32
      %dma_start3A_548 = arith.constant 1 : i32
      %dma_start3A_549 = arith.constant 0 : i32
      %dma_start3A_550 = arith.constant 0 : i32
      %dma_start3A_551 = tpu.memref_slice %arg11[%dma_start3A_548, %dma_start3A_549, %dma_start3A_550] : memref<2x128x64xf32, #tpu.memory_space<vmem>> -> memref<1x128x64xf32, #tpu.memory_space<vmem>>
      %dma_start3A_552 = tpu.memref_squeeze %dma_start3A_551 : memref<1x128x64xf32, #tpu.memory_space<vmem>> -> memref<128x64xf32, #tpu.memory_space<vmem>>
      %dma_start3A_553 = arith.constant 0 : i32
      %dma_start3A_554 = arith.constant 0 : i32
      %dma_start3A_555 = tpu.memref_slice %arg9[%scan3A_267, %dma_start3A_553, %dma_start3A_554] : memref<2x32x128xi32, #tpu.memory_space<vmem>> -> memref<1x32x128xi32, #tpu.memory_space<vmem>>
      %dma_start3A_556 = tpu.memref_squeeze %dma_start3A_555 : memref<1x32x128xi32, #tpu.memory_space<vmem>> -> memref<32x128xi32, #tpu.memory_space<vmem>>
      %dma_start3A_557 = arith.constant 0 : i32
      %dma_start3A_558 = tpu.memref_slice %dma_start3A_556[%add3A_547, %dma_start3A_557] : memref<32x128xi32, #tpu.memory_space<vmem>> -> memref<1x128xi32, #tpu.memory_space<vmem>>
      %dma_start3A_559 = tpu.memref_squeeze %dma_start3A_558 : memref<1x128xi32, #tpu.memory_space<vmem>> -> memref<128xi32, #tpu.memory_space<vmem>>
      %dma_start3A_560 = arith.constant 0 : i32
      %dma_start3A_561 = arith.constant 0 : i32
      %dma_start3A_562 = tpu.memref_slice %arg7[%dma_start3A_560, %dma_start3A_561] : memref<10112x64xf32, #tpu.memory_space<vmem_shared>> -> memref<10112x64xf32, #tpu.memory_space<vmem_shared>>
      tpu.enqueue_indirect_dma source(%dma_start3A_562 : memref<10112x64xf32, #tpu.memory_space<vmem_shared>>) target(%dma_start3A_552 : memref<128x64xf32, #tpu.memory_space<vmem>>) offsets(%dma_start3A_559 : memref<128xi32, #tpu.memory_space<vmem>>) semaphore(%arg12 : memref<!tpu.dma_semaphore, #tpu.memory_space<semaphore_mem>>)
      %dma_wait3A_563 = arith.constant 0 : i32
      %dma_wait3A_564 = arith.constant 0 : i32
      %dma_wait3A_565 = arith.constant 0 : i32
      %dma_wait3A_566 = tpu.memref_slice %arg11[%dma_wait3A_563, %dma_wait3A_564, %dma_wait3A_565] : memref<2x128x64xf32, #tpu.memory_space<vmem>> -> memref<1x128x64xf32, #tpu.memory_space<vmem>>
      %dma_wait3A_567 = tpu.memref_squeeze %dma_wait3A_566 : memref<1x128x64xf32, #tpu.memory_space<vmem>> -> memref<128x64xf32, #tpu.memory_space<vmem>>
      %dma_wait3A_568 = arith.constant 0 : i32
      %dma_wait3A_569 = arith.constant 0 : i32
      %dma_wait3A_570 = tpu.memref_slice %arg9[%scan3A_267, %dma_wait3A_568, %dma_wait3A_569] : memref<2x32x128xi32, #tpu.memory_space<vmem>> -> memref<1x32x128xi32, #tpu.memory_space<vmem>>
      %dma_wait3A_571 = tpu.memref_squeeze %dma_wait3A_570 : memref<1x32x128xi32, #tpu.memory_space<vmem>> -> memref<32x128xi32, #tpu.memory_space<vmem>>
      %dma_wait3A_572 = arith.constant 0 : i32
      %dma_wait3A_573 = tpu.memref_slice %dma_wait3A_571[%add3A_481, %dma_wait3A_572] : memref<32x128xi32, #tpu.memory_space<vmem>> -> memref<1x128xi32, #tpu.memory_space<vmem>>
      %dma_wait3A_574 = tpu.memref_squeeze %dma_wait3A_573 : memref<1x128xi32, #tpu.memory_space<vmem>> -> memref<128xi32, #tpu.memory_space<vmem>>
      %dma_wait3A_575 = arith.constant 0 : i32
      %dma_wait3A_576 = arith.constant 0 : i32
      %dma_wait3A_577 = tpu.memref_slice %arg7[%dma_wait3A_575, %dma_wait3A_576] : memref<10112x64xf32, #tpu.memory_space<vmem_shared>> -> memref<10112x64xf32, #tpu.memory_space<vmem_shared>>
      tpu.wait_indirect_dma semaphore(%arg12 : memref<!tpu.dma_semaphore, #tpu.memory_space<semaphore_mem>>) src(%dma_wait3A_577 : memref<10112x64xf32, #tpu.memory_space<vmem_shared>>) dst(%dma_wait3A_567 : memref<128x64xf32, #tpu.memory_space<vmem>>)
      %add3A_578 = arith.constant 2 : i32
      %add3A_579 = arith.addi %mul3A_395, %add3A_578 : i32
      %dma_start3A_580 = arith.constant 0 : i32
      %dma_start3A_581 = arith.constant 0 : i32
      %dma_start3A_582 = arith.constant 0 : i32
      %dma_start3A_583 = tpu.memref_slice %arg11[%dma_start3A_580, %dma_start3A_581, %dma_start3A_582] : memref<2x128x64xf32, #tpu.memory_space<vmem>> -> memref<1x128x64xf32, #tpu.memory_space<vmem>>
      %dma_start3A_584 = tpu.memref_squeeze %dma_start3A_583 : memref<1x128x64xf32, #tpu.memory_space<vmem>> -> memref<128x64xf32, #tpu.memory_space<vmem>>
      %dma_start3A_585 = arith.constant 0 : i32
      %dma_start3A_586 = arith.constant 0 : i32
      %dma_start3A_587 = tpu.memref_slice %arg10[%scan3A_268, %dma_start3A_585, %dma_start3A_586] : memref<2x32x128xi32, #tpu.memory_space<vmem>> -> memref<1x32x128xi32, #tpu.memory_space<vmem>>
      %dma_start3A_588 = tpu.memref_squeeze %dma_start3A_587 : memref<1x32x128xi32, #tpu.memory_space<vmem>> -> memref<32x128xi32, #tpu.memory_space<vmem>>
      %dma_start3A_589 = arith.constant 0 : i32
      %dma_start3A_590 = tpu.memref_slice %dma_start3A_588[%add3A_579, %dma_start3A_589] : memref<32x128xi32, #tpu.memory_space<vmem>> -> memref<1x128xi32, #tpu.memory_space<vmem>>
      %dma_start3A_591 = tpu.memref_squeeze %dma_start3A_590 : memref<1x128xi32, #tpu.memory_space<vmem>> -> memref<128xi32, #tpu.memory_space<vmem>>
      %dma_start3A_592 = arith.constant 0 : i32
      %dma_start3A_593 = arith.constant 0 : i32
      %dma_start3A_594 = tpu.memref_slice %arg8[%dma_start3A_592, %dma_start3A_593] : memref<10112x64xf32, #tpu.memory_space<vmem_shared>> -> memref<10112x64xf32, #tpu.memory_space<vmem_shared>>
      tpu.enqueue_indirect_dma source(%dma_start3A_584 : memref<128x64xf32, #tpu.memory_space<vmem>>) target(%dma_start3A_594 : memref<10112x64xf32, #tpu.memory_space<vmem_shared>>) offsets(%dma_start3A_591 : memref<128xi32, #tpu.memory_space<vmem>>) semaphore(%arg13 : memref<!tpu.dma_semaphore, #tpu.memory_space<semaphore_mem>>) {add = true}
      %dma_wait3A_595 = arith.constant 0 : i32
      %dma_wait3A_596 = arith.constant 0 : i32
      %dma_wait3A_597 = arith.constant 0 : i32
      %dma_wait3A_598 = tpu.memref_slice %arg11[%dma_wait3A_595, %dma_wait3A_596, %dma_wait3A_597] : memref<2x128x64xf32, #tpu.memory_space<vmem>> -> memref<1x128x64xf32, #tpu.memory_space<vmem>>
      %dma_wait3A_599 = tpu.memref_squeeze %dma_wait3A_598 : memref<1x128x64xf32, #tpu.memory_space<vmem>> -> memref<128x64xf32, #tpu.memory_space<vmem>>
      %dma_wait3A_600 = arith.constant 0 : i32
      %dma_wait3A_601 = arith.constant 0 : i32
      %dma_wait3A_602 = tpu.memref_slice %arg10[%scan3A_268, %dma_wait3A_600, %dma_wait3A_601] : memref<2x32x128xi32, #tpu.memory_space<vmem>> -> memref<1x32x128xi32, #tpu.memory_space<vmem>>
      %dma_wait3A_603 = tpu.memref_squeeze %dma_wait3A_602 : memref<1x32x128xi32, #tpu.memory_space<vmem>> -> memref<32x128xi32, #tpu.memory_space<vmem>>
      %dma_wait3A_604 = arith.constant 0 : i32
      %dma_wait3A_605 = tpu.memref_slice %dma_wait3A_603[%add3A_579, %dma_wait3A_604] : memref<32x128xi32, #tpu.memory_space<vmem>> -> memref<1x128xi32, #tpu.memory_space<vmem>>
      %dma_wait3A_606 = tpu.memref_squeeze %dma_wait3A_605 : memref<1x128xi32, #tpu.memory_space<vmem>> -> memref<128xi32, #tpu.memory_space<vmem>>
      %dma_wait3A_607 = arith.constant 0 : i32
      %dma_wait3A_608 = arith.constant 0 : i32
      %dma_wait3A_609 = tpu.memref_slice %arg8[%dma_wait3A_607, %dma_wait3A_608] : memref<10112x64xf32, #tpu.memory_space<vmem_shared>> -> memref<10112x64xf32, #tpu.memory_space<vmem_shared>>
      tpu.wait_indirect_dma semaphore(%arg13 : memref<!tpu.dma_semaphore, #tpu.memory_space<semaphore_mem>>) src(%dma_wait3A_599 : memref<128x64xf32, #tpu.memory_space<vmem>>) dst(%dma_wait3A_609 : memref<10112x64xf32, #tpu.memory_space<vmem_shared>>)
      %add3A_610 = arith.constant 3 : i32
      %add3A_611 = arith.addi %mul3A_395, %add3A_610 : i32
      %add3A_612 = arith.constant 1 : i32
      %add3A_613 = arith.addi %add3A_611, %add3A_612 : i32
      %dma_start3A_614 = arith.constant 0 : i32
      %dma_start3A_615 = arith.constant 0 : i32
      %dma_start3A_616 = arith.constant 0 : i32
      %dma_start3A_617 = tpu.memref_slice %arg11[%dma_start3A_614, %dma_start3A_615, %dma_start3A_616] : memref<2x128x64xf32, #tpu.memory_space<vmem>> -> memref<1x128x64xf32, #tpu.memory_space<vmem>>
      %dma_start3A_618 = tpu.memref_squeeze %dma_start3A_617 : memref<1x128x64xf32, #tpu.memory_space<vmem>> -> memref<128x64xf32, #tpu.memory_space<vmem>>
      %dma_start3A_619 = arith.constant 0 : i32
      %dma_start3A_620 = arith.constant 0 : i32
      %dma_start3A_621 = tpu.memref_slice %arg9[%scan3A_267, %dma_start3A_619, %dma_start3A_620] : memref<2x32x128xi32, #tpu.memory_space<vmem>> -> memref<1x32x128xi32, #tpu.memory_space<vmem>>
      %dma_start3A_622 = tpu.memref_squeeze %dma_start3A_621 : memref<1x32x128xi32, #tpu.memory_space<vmem>> -> memref<32x128xi32, #tpu.memory_space<vmem>>
      %dma_start3A_623 = arith.constant 0 : i32
      %dma_start3A_624 = tpu.memref_slice %dma_start3A_622[%add3A_613, %dma_start3A_623] : memref<32x128xi32, #tpu.memory_space<vmem>> -> memref<1x128xi32, #tpu.memory_space<vmem>>
      %dma_start3A_625 = tpu.memref_squeeze %dma_start3A_624 : memref<1x128xi32, #tpu.memory_space<vmem>> -> memref<128xi32, #tpu.memory_space<vmem>>
      %dma_start3A_626 = arith.constant 0 : i32
      %dma_start3A_627 = arith.constant 0 : i32
      %dma_start3A_628 = tpu.memref_slice %arg7[%dma_start3A_626, %dma_start3A_627] : memref<10112x64xf32, #tpu.memory_space<vmem_shared>> -> memref<10112x64xf32, #tpu.memory_space<vmem_shared>>
      tpu.enqueue_indirect_dma source(%dma_start3A_628 : memref<10112x64xf32, #tpu.memory_space<vmem_shared>>) target(%dma_start3A_618 : memref<128x64xf32, #tpu.memory_space<vmem>>) offsets(%dma_start3A_625 : memref<128xi32, #tpu.memory_space<vmem>>) semaphore(%arg12 : memref<!tpu.dma_semaphore, #tpu.memory_space<semaphore_mem>>)
      %dma_wait3A_629 = arith.constant 1 : i32
      %dma_wait3A_630 = arith.constant 0 : i32
      %dma_wait3A_631 = arith.constant 0 : i32
      %dma_wait3A_632 = tpu.memref_slice %arg11[%dma_wait3A_629, %dma_wait3A_630, %dma_wait3A_631] : memref<2x128x64xf32, #tpu.memory_space<vmem>> -> memref<1x128x64xf32, #tpu.memory_space<vmem>>
      %dma_wait3A_633 = tpu.memref_squeeze %dma_wait3A_632 : memref<1x128x64xf32, #tpu.memory_space<vmem>> -> memref<128x64xf32, #tpu.memory_space<vmem>>
      %dma_wait3A_634 = arith.constant 0 : i32
      %dma_wait3A_635 = arith.constant 0 : i32
      %dma_wait3A_636 = tpu.memref_slice %arg9[%scan3A_267, %dma_wait3A_634, %dma_wait3A_635] : memref<2x32x128xi32, #tpu.memory_space<vmem>> -> memref<1x32x128xi32, #tpu.memory_space<vmem>>
      %dma_wait3A_637 = tpu.memref_squeeze %dma_wait3A_636 : memref<1x32x128xi32, #tpu.memory_space<vmem>> -> memref<32x128xi32, #tpu.memory_space<vmem>>
      %dma_wait3A_638 = arith.constant 0 : i32
      %dma_wait3A_639 = tpu.memref_slice %dma_wait3A_637[%add3A_547, %dma_wait3A_638] : memref<32x128xi32, #tpu.memory_space<vmem>> -> memref<1x128xi32, #tpu.memory_space<vmem>>
      %dma_wait3A_640 = tpu.memref_squeeze %dma_wait3A_639 : memref<1x128xi32, #tpu.memory_space<vmem>> -> memref<128xi32, #tpu.memory_space<vmem>>
      %dma_wait3A_641 = arith.constant 0 : i32
      %dma_wait3A_642 = arith.constant 0 : i32
      %dma_wait3A_643 = tpu.memref_slice %arg7[%dma_wait3A_641, %dma_wait3A_642] : memref<10112x64xf32, #tpu.memory_space<vmem_shared>> -> memref<10112x64xf32, #tpu.memory_space<vmem_shared>>
      tpu.wait_indirect_dma semaphore(%arg12 : memref<!tpu.dma_semaphore, #tpu.memory_space<semaphore_mem>>) src(%dma_wait3A_643 : memref<10112x64xf32, #tpu.memory_space<vmem_shared>>) dst(%dma_wait3A_633 : memref<128x64xf32, #tpu.memory_space<vmem>>)
      %add3A_644 = arith.constant 3 : i32
      %add3A_645 = arith.addi %mul3A_395, %add3A_644 : i32
      %dma_start3A_646 = arith.constant 1 : i32
      %dma_start3A_647 = arith.constant 0 : i32
      %dma_start3A_648 = arith.constant 0 : i32
      %dma_start3A_649 = tpu.memref_slice %arg11[%dma_start3A_646, %dma_start3A_647, %dma_start3A_648] : memref<2x128x64xf32, #tpu.memory_space<vmem>> -> memref<1x128x64xf32, #tpu.memory_space<vmem>>
      %dma_start3A_650 = tpu.memref_squeeze %dma_start3A_649 : memref<1x128x64xf32, #tpu.memory_space<vmem>> -> memref<128x64xf32, #tpu.memory_space<vmem>>
      %dma_start3A_651 = arith.constant 0 : i32
      %dma_start3A_652 = arith.constant 0 : i32
      %dma_start3A_653 = tpu.memref_slice %arg10[%scan3A_268, %dma_start3A_651, %dma_start3A_652] : memref<2x32x128xi32, #tpu.memory_space<vmem>> -> memref<1x32x128xi32, #tpu.memory_space<vmem>>
      %dma_start3A_654 = tpu.memref_squeeze %dma_start3A_653 : memref<1x32x128xi32, #tpu.memory_space<vmem>> -> memref<32x128xi32, #tpu.memory_space<vmem>>
      %dma_start3A_655 = arith.constant 0 : i32
      %dma_start3A_656 = tpu.memref_slice %dma_start3A_654[%add3A_645, %dma_start3A_655] : memref<32x128xi32, #tpu.memory_space<vmem>> -> memref<1x128xi32, #tpu.memory_space<vmem>>
      %dma_start3A_657 = tpu.memref_squeeze %dma_start3A_656 : memref<1x128xi32, #tpu.memory_space<vmem>> -> memref<128xi32, #tpu.memory_space<vmem>>
      %dma_start3A_658 = arith.constant 0 : i32
      %dma_start3A_659 = arith.constant 0 : i32
      %dma_start3A_660 = tpu.memref_slice %arg8[%dma_start3A_658, %dma_start3A_659] : memref<10112x64xf32, #tpu.memory_space<vmem_shared>> -> memref<10112x64xf32, #tpu.memory_space<vmem_shared>>
      tpu.enqueue_indirect_dma source(%dma_start3A_650 : memref<128x64xf32, #tpu.memory_space<vmem>>) target(%dma_start3A_660 : memref<10112x64xf32, #tpu.memory_space<vmem_shared>>) offsets(%dma_start3A_657 : memref<128xi32, #tpu.memory_space<vmem>>) semaphore(%arg13 : memref<!tpu.dma_semaphore, #tpu.memory_space<semaphore_mem>>) {add = true}
      %dma_wait3A_661 = arith.constant 1 : i32
      %dma_wait3A_662 = arith.constant 0 : i32
      %dma_wait3A_663 = arith.constant 0 : i32
      %dma_wait3A_664 = tpu.memref_slice %arg11[%dma_wait3A_661, %dma_wait3A_662, %dma_wait3A_663] : memref<2x128x64xf32, #tpu.memory_space<vmem>> -> memref<1x128x64xf32, #tpu.memory_space<vmem>>
      %dma_wait3A_665 = tpu.memref_squeeze %dma_wait3A_664 : memref<1x128x64xf32, #tpu.memory_space<vmem>> -> memref<128x64xf32, #tpu.memory_space<vmem>>
      %dma_wait3A_666 = arith.constant 0 : i32
      %dma_wait3A_667 = arith.constant 0 : i32
      %dma_wait3A_668 = tpu.memref_slice %arg10[%scan3A_268, %dma_wait3A_666, %dma_wait3A_667] : memref<2x32x128xi32, #tpu.memory_space<vmem>> -> memref<1x32x128xi32, #tpu.memory_space<vmem>>
      %dma_wait3A_669 = tpu.memref_squeeze %dma_wait3A_668 : memref<1x32x128xi32, #tpu.memory_space<vmem>> -> memref<32x128xi32, #tpu.memory_space<vmem>>
      %dma_wait3A_670 = arith.constant 0 : i32
      %dma_wait3A_671 = tpu.memref_slice %dma_wait3A_669[%add3A_645, %dma_wait3A_670] : memref<32x128xi32, #tpu.memory_space<vmem>> -> memref<1x128xi32, #tpu.memory_space<vmem>>
      %dma_wait3A_672 = tpu.memref_squeeze %dma_wait3A_671 : memref<1x128xi32, #tpu.memory_space<vmem>> -> memref<128xi32, #tpu.memory_space<vmem>>
      %dma_wait3A_673 = arith.constant 0 : i32
      %dma_wait3A_674 = arith.constant 0 : i32
      %dma_wait3A_675 = tpu.memref_slice %arg8[%dma_wait3A_673, %dma_wait3A_674] : memref<10112x64xf32, #tpu.memory_space<vmem_shared>> -> memref<10112x64xf32, #tpu.memory_space<vmem_shared>>
      tpu.wait_indirect_dma semaphore(%arg13 : memref<!tpu.dma_semaphore, #tpu.memory_space<semaphore_mem>>) src(%dma_wait3A_665 : memref<128x64xf32, #tpu.memory_space<vmem>>) dst(%dma_wait3A_675 : memref<10112x64xf32, #tpu.memory_space<vmem_shared>>)
      %add3A_676 = arith.constant 4 : i32
      %add3A_677 = arith.addi %mul3A_395, %add3A_676 : i32
      %add3A_678 = arith.constant 1 : i32
      %add3A_679 = arith.addi %add3A_677, %add3A_678 : i32
      %dma_start3A_680 = arith.constant 1 : i32
      %dma_start3A_681 = arith.constant 0 : i32
      %dma_start3A_682 = arith.constant 0 : i32
      %dma_start3A_683 = tpu.memref_slice %arg11[%dma_start3A_680, %dma_start3A_681, %dma_start3A_682] : memref<2x128x64xf32, #tpu.memory_space<vmem>> -> memref<1x128x64xf32, #tpu.memory_space<vmem>>
      %dma_start3A_684 = tpu.memref_squeeze %dma_start3A_683 : memref<1x128x64xf32, #tpu.memory_space<vmem>> -> memref<128x64xf32, #tpu.memory_space<vmem>>
      %dma_start3A_685 = arith.constant 0 : i32
      %dma_start3A_686 = arith.constant 0 : i32
      %dma_start3A_687 = tpu.memref_slice %arg9[%scan3A_267, %dma_start3A_685, %dma_start3A_686] : memref<2x32x128xi32, #tpu.memory_space<vmem>> -> memref<1x32x128xi32, #tpu.memory_space<vmem>>
      %dma_start3A_688 = tpu.memref_squeeze %dma_start3A_687 : memref<1x32x128xi32, #tpu.memory_space<vmem>> -> memref<32x128xi32, #tpu.memory_space<vmem>>
      %dma_start3A_689 = arith.constant 0 : i32
      %dma_start3A_690 = tpu.memref_slice %dma_start3A_688[%add3A_679, %dma_start3A_689] : memref<32x128xi32, #tpu.memory_space<vmem>> -> memref<1x128xi32, #tpu.memory_space<vmem>>
      %dma_start3A_691 = tpu.memref_squeeze %dma_start3A_690 : memref<1x128xi32, #tpu.memory_space<vmem>> -> memref<128xi32, #tpu.memory_space<vmem>>
      %dma_start3A_692 = arith.constant 0 : i32
      %dma_start3A_693 = arith.constant 0 : i32
      %dma_start3A_694 = tpu.memref_slice %arg7[%dma_start3A_692, %dma_start3A_693] : memref<10112x64xf32, #tpu.memory_space<vmem_shared>> -> memref<10112x64xf32, #tpu.memory_space<vmem_shared>>
      tpu.enqueue_indirect_dma source(%dma_start3A_694 : memref<10112x64xf32, #tpu.memory_space<vmem_shared>>) target(%dma_start3A_684 : memref<128x64xf32, #tpu.memory_space<vmem>>) offsets(%dma_start3A_691 : memref<128xi32, #tpu.memory_space<vmem>>) semaphore(%arg12 : memref<!tpu.dma_semaphore, #tpu.memory_space<semaphore_mem>>)
      %dma_wait3A_695 = arith.constant 0 : i32
      %dma_wait3A_696 = arith.constant 0 : i32
      %dma_wait3A_697 = arith.constant 0 : i32
      %dma_wait3A_698 = tpu.memref_slice %arg11[%dma_wait3A_695, %dma_wait3A_696, %dma_wait3A_697] : memref<2x128x64xf32, #tpu.memory_space<vmem>> -> memref<1x128x64xf32, #tpu.memory_space<vmem>>
      %dma_wait3A_699 = tpu.memref_squeeze %dma_wait3A_698 : memref<1x128x64xf32, #tpu.memory_space<vmem>> -> memref<128x64xf32, #tpu.memory_space<vmem>>
      %dma_wait3A_700 = arith.constant 0 : i32
      %dma_wait3A_701 = arith.constant 0 : i32
      %dma_wait3A_702 = tpu.memref_slice %arg9[%scan3A_267, %dma_wait3A_700, %dma_wait3A_701] : memref<2x32x128xi32, #tpu.memory_space<vmem>> -> memref<1x32x128xi32, #tpu.memory_space<vmem>>
      %dma_wait3A_703 = tpu.memref_squeeze %dma_wait3A_702 : memref<1x32x128xi32, #tpu.memory_space<vmem>> -> memref<32x128xi32, #tpu.memory_space<vmem>>
      %dma_wait3A_704 = arith.constant 0 : i32
      %dma_wait3A_705 = tpu.memref_slice %dma_wait3A_703[%add3A_613, %dma_wait3A_704] : memref<32x128xi32, #tpu.memory_space<vmem>> -> memref<1x128xi32, #tpu.memory_space<vmem>>
      %dma_wait3A_706 = tpu.memref_squeeze %dma_wait3A_705 : memref<1x128xi32, #tpu.memory_space<vmem>> -> memref<128xi32, #tpu.memory_space<vmem>>
      %dma_wait3A_707 = arith.constant 0 : i32
      %dma_wait3A_708 = arith.constant 0 : i32
      %dma_wait3A_709 = tpu.memref_slice %arg7[%dma_wait3A_707, %dma_wait3A_708] : memref<10112x64xf32, #tpu.memory_space<vmem_shared>> -> memref<10112x64xf32, #tpu.memory_space<vmem_shared>>
      tpu.wait_indirect_dma semaphore(%arg12 : memref<!tpu.dma_semaphore, #tpu.memory_space<semaphore_mem>>) src(%dma_wait3A_709 : memref<10112x64xf32, #tpu.memory_space<vmem_shared>>) dst(%dma_wait3A_699 : memref<128x64xf32, #tpu.memory_space<vmem>>)
      %add3A_710 = arith.constant 4 : i32
      %add3A_711 = arith.addi %mul3A_395, %add3A_710 : i32
      %dma_start3A_712 = arith.constant 0 : i32
      %dma_start3A_713 = arith.constant 0 : i32
      %dma_start3A_714 = arith.constant 0 : i32
      %dma_start3A_715 = tpu.memref_slice %arg11[%dma_start3A_712, %dma_start3A_713, %dma_start3A_714] : memref<2x128x64xf32, #tpu.memory_space<vmem>> -> memref<1x128x64xf32, #tpu.memory_space<vmem>>
      %dma_start3A_716 = tpu.memref_squeeze %dma_start3A_715 : memref<1x128x64xf32, #tpu.memory_space<vmem>> -> memref<128x64xf32, #tpu.memory_space<vmem>>
      %dma_start3A_717 = arith.constant 0 : i32
      %dma_start3A_718 = arith.constant 0 : i32
      %dma_start3A_719 = tpu.memref_slice %arg10[%scan3A_268, %dma_start3A_717, %dma_start3A_718] : memref<2x32x128xi32, #tpu.memory_space<vmem>> -> memref<1x32x128xi32, #tpu.memory_space<vmem>>
      %dma_start3A_720 = tpu.memref_squeeze %dma_start3A_719 : memref<1x32x128xi32, #tpu.memory_space<vmem>> -> memref<32x128xi32, #tpu.memory_space<vmem>>
      %dma_start3A_721 = arith.constant 0 : i32
      %dma_start3A_722 = tpu.memref_slice %dma_start3A_720[%add3A_711, %dma_start3A_721] : memref<32x128xi32, #tpu.memory_space<vmem>> -> memref<1x128xi32, #tpu.memory_space<vmem>>
      %dma_start3A_723 = tpu.memref_squeeze %dma_start3A_722 : memref<1x128xi32, #tpu.memory_space<vmem>> -> memref<128xi32, #tpu.memory_space<vmem>>
      %dma_start3A_724 = arith.constant 0 : i32
      %dma_start3A_725 = arith.constant 0 : i32
      %dma_start3A_726 = tpu.memref_slice %arg8[%dma_start3A_724, %dma_start3A_725] : memref<10112x64xf32, #tpu.memory_space<vmem_shared>> -> memref<10112x64xf32, #tpu.memory_space<vmem_shared>>
      tpu.enqueue_indirect_dma source(%dma_start3A_716 : memref<128x64xf32, #tpu.memory_space<vmem>>) target(%dma_start3A_726 : memref<10112x64xf32, #tpu.memory_space<vmem_shared>>) offsets(%dma_start3A_723 : memref<128xi32, #tpu.memory_space<vmem>>) semaphore(%arg13 : memref<!tpu.dma_semaphore, #tpu.memory_space<semaphore_mem>>) {add = true}
      %dma_wait3A_727 = arith.constant 0 : i32
      %dma_wait3A_728 = arith.constant 0 : i32
      %dma_wait3A_729 = arith.constant 0 : i32
      %dma_wait3A_730 = tpu.memref_slice %arg11[%dma_wait3A_727, %dma_wait3A_728, %dma_wait3A_729] : memref<2x128x64xf32, #tpu.memory_space<vmem>> -> memref<1x128x64xf32, #tpu.memory_space<vmem>>
      %dma_wait3A_731 = tpu.memref_squeeze %dma_wait3A_730 : memref<1x128x64xf32, #tpu.memory_space<vmem>> -> memref<128x64xf32, #tpu.memory_space<vmem>>
      %dma_wait3A_732 = arith.constant 0 : i32
      %dma_wait3A_733 = arith.constant 0 : i32
      %dma_wait3A_734 = tpu.memref_slice %arg10[%scan3A_268, %dma_wait3A_732, %dma_wait3A_733] : memref<2x32x128xi32, #tpu.memory_space<vmem>> -> memref<1x32x128xi32, #tpu.memory_space<vmem>>
      %dma_wait3A_735 = tpu.memref_squeeze %dma_wait3A_734 : memref<1x32x128xi32, #tpu.memory_space<vmem>> -> memref<32x128xi32, #tpu.memory_space<vmem>>
      %dma_wait3A_736 = arith.constant 0 : i32
      %dma_wait3A_737 = tpu.memref_slice %dma_wait3A_735[%add3A_711, %dma_wait3A_736] : memref<32x128xi32, #tpu.memory_space<vmem>> -> memref<1x128xi32, #tpu.memory_space<vmem>>
      %dma_wait3A_738 = tpu.memref_squeeze %dma_wait3A_737 : memref<1x128xi32, #tpu.memory_space<vmem>> -> memref<128xi32, #tpu.memory_space<vmem>>
      %dma_wait3A_739 = arith.constant 0 : i32
      %dma_wait3A_740 = arith.constant 0 : i32
      %dma_wait3A_741 = tpu.memref_slice %arg8[%dma_wait3A_739, %dma_wait3A_740] : memref<10112x64xf32, #tpu.memory_space<vmem_shared>> -> memref<10112x64xf32, #tpu.memory_space<vmem_shared>>
      tpu.wait_indirect_dma semaphore(%arg13 : memref<!tpu.dma_semaphore, #tpu.memory_space<semaphore_mem>>) src(%dma_wait3A_731 : memref<128x64xf32, #tpu.memory_space<vmem>>) dst(%dma_wait3A_741 : memref<10112x64xf32, #tpu.memory_space<vmem_shared>>)
      %add3A_742 = arith.constant 5 : i32
      %add3A_743 = arith.addi %mul3A_395, %add3A_742 : i32
      %add3A_744 = arith.constant 1 : i32
      %add3A_745 = arith.addi %add3A_743, %add3A_744 : i32
      %dma_start3A_746 = arith.constant 0 : i32
      %dma_start3A_747 = arith.constant 0 : i32
      %dma_start3A_748 = arith.constant 0 : i32
      %dma_start3A_749 = tpu.memref_slice %arg11[%dma_start3A_746, %dma_start3A_747, %dma_start3A_748] : memref<2x128x64xf32, #tpu.memory_space<vmem>> -> memref<1x128x64xf32, #tpu.memory_space<vmem>>
      %dma_start3A_750 = tpu.memref_squeeze %dma_start3A_749 : memref<1x128x64xf32, #tpu.memory_space<vmem>> -> memref<128x64xf32, #tpu.memory_space<vmem>>
      %dma_start3A_751 = arith.constant 0 : i32
      %dma_start3A_752 = arith.constant 0 : i32
      %dma_start3A_753 = tpu.memref_slice %arg9[%scan3A_267, %dma_start3A_751, %dma_start3A_752] : memref<2x32x128xi32, #tpu.memory_space<vmem>> -> memref<1x32x128xi32, #tpu.memory_space<vmem>>
      %dma_start3A_754 = tpu.memref_squeeze %dma_start3A_753 : memref<1x32x128xi32, #tpu.memory_space<vmem>> -> memref<32x128xi32, #tpu.memory_space<vmem>>
      %dma_start3A_755 = arith.constant 0 : i32
      %dma_start3A_756 = tpu.memref_slice %dma_start3A_754[%add3A_745, %dma_start3A_755] : memref<32x128xi32, #tpu.memory_space<vmem>> -> memref<1x128xi32, #tpu.memory_space<vmem>>
      %dma_start3A_757 = tpu.memref_squeeze %dma_start3A_756 : memref<1x128xi32, #tpu.memory_space<vmem>> -> memref<128xi32, #tpu.memory_space<vmem>>
      %dma_start3A_758 = arith.constant 0 : i32
      %dma_start3A_759 = arith.constant 0 : i32
      %dma_start3A_760 = tpu.memref_slice %arg7[%dma_start3A_758, %dma_start3A_759] : memref<10112x64xf32, #tpu.memory_space<vmem_shared>> -> memref<10112x64xf32, #tpu.memory_space<vmem_shared>>
      tpu.enqueue_indirect_dma source(%dma_start3A_760 : memref<10112x64xf32, #tpu.memory_space<vmem_shared>>) target(%dma_start3A_750 : memref<128x64xf32, #tpu.memory_space<vmem>>) offsets(%dma_start3A_757 : memref<128xi32, #tpu.memory_space<vmem>>) semaphore(%arg12 : memref<!tpu.dma_semaphore, #tpu.memory_space<semaphore_mem>>)
      %dma_wait3A_761 = arith.constant 1 : i32
      %dma_wait3A_762 = arith.constant 0 : i32
      %dma_wait3A_763 = arith.constant 0 : i32
      %dma_wait3A_764 = tpu.memref_slice %arg11[%dma_wait3A_761, %dma_wait3A_762, %dma_wait3A_763] : memref<2x128x64xf32, #tpu.memory_space<vmem>> -> memref<1x128x64xf32, #tpu.memory_space<vmem>>
      %dma_wait3A_765 = tpu.memref_squeeze %dma_wait3A_764 : memref<1x128x64xf32, #tpu.memory_space<vmem>> -> memref<128x64xf32, #tpu.memory_space<vmem>>
      %dma_wait3A_766 = arith.constant 0 : i32
      %dma_wait3A_767 = arith.constant 0 : i32
      %dma_wait3A_768 = tpu.memref_slice %arg9[%scan3A_267, %dma_wait3A_766, %dma_wait3A_767] : memref<2x32x128xi32, #tpu.memory_space<vmem>> -> memref<1x32x128xi32, #tpu.memory_space<vmem>>
      %dma_wait3A_769 = tpu.memref_squeeze %dma_wait3A_768 : memref<1x32x128xi32, #tpu.memory_space<vmem>> -> memref<32x128xi32, #tpu.memory_space<vmem>>
      %dma_wait3A_770 = arith.constant 0 : i32
      %dma_wait3A_771 = tpu.memref_slice %dma_wait3A_769[%add3A_679, %dma_wait3A_770] : memref<32x128xi32, #tpu.memory_space<vmem>> -> memref<1x128xi32, #tpu.memory_space<vmem>>
      %dma_wait3A_772 = tpu.memref_squeeze %dma_wait3A_771 : memref<1x128xi32, #tpu.memory_space<vmem>> -> memref<128xi32, #tpu.memory_space<vmem>>
      %dma_wait3A_773 = arith.constant 0 : i32
      %dma_wait3A_774 = arith.constant 0 : i32
      %dma_wait3A_775 = tpu.memref_slice %arg7[%dma_wait3A_773, %dma_wait3A_774] : memref<10112x64xf32, #tpu.memory_space<vmem_shared>> -> memref<10112x64xf32, #tpu.memory_space<vmem_shared>>
      tpu.wait_indirect_dma semaphore(%arg12 : memref<!tpu.dma_semaphore, #tpu.memory_space<semaphore_mem>>) src(%dma_wait3A_775 : memref<10112x64xf32, #tpu.memory_space<vmem_shared>>) dst(%dma_wait3A_765 : memref<128x64xf32, #tpu.memory_space<vmem>>)
      %add3A_776 = arith.constant 5 : i32
      %add3A_777 = arith.addi %mul3A_395, %add3A_776 : i32
      %dma_start3A_778 = arith.constant 1 : i32
      %dma_start3A_779 = arith.constant 0 : i32
      %dma_start3A_780 = arith.constant 0 : i32
      %dma_start3A_781 = tpu.memref_slice %arg11[%dma_start3A_778, %dma_start3A_779, %dma_start3A_780] : memref<2x128x64xf32, #tpu.memory_space<vmem>> -> memref<1x128x64xf32, #tpu.memory_space<vmem>>
      %dma_start3A_782 = tpu.memref_squeeze %dma_start3A_781 : memref<1x128x64xf32, #tpu.memory_space<vmem>> -> memref<128x64xf32, #tpu.memory_space<vmem>>
      %dma_start3A_783 = arith.constant 0 : i32
      %dma_start3A_784 = arith.constant 0 : i32
      %dma_start3A_785 = tpu.memref_slice %arg10[%scan3A_268, %dma_start3A_783, %dma_start3A_784] : memref<2x32x128xi32, #tpu.memory_space<vmem>> -> memref<1x32x128xi32, #tpu.memory_space<vmem>>
      %dma_start3A_786 = tpu.memref_squeeze %dma_start3A_785 : memref<1x32x128xi32, #tpu.memory_space<vmem>> -> memref<32x128xi32, #tpu.memory_space<vmem>>
      %dma_start3A_787 = arith.constant 0 : i32
      %dma_start3A_788 = tpu.memref_slice %dma_start3A_786[%add3A_777, %dma_start3A_787] : memref<32x128xi32, #tpu.memory_space<vmem>> -> memref<1x128xi32, #tpu.memory_space<vmem>>
      %dma_start3A_789 = tpu.memref_squeeze %dma_start3A_788 : memref<1x128xi32, #tpu.memory_space<vmem>> -> memref<128xi32, #tpu.memory_space<vmem>>
      %dma_start3A_790 = arith.constant 0 : i32
      %dma_start3A_791 = arith.constant 0 : i32
      %dma_start3A_792 = tpu.memref_slice %arg8[%dma_start3A_790, %dma_start3A_791] : memref<10112x64xf32, #tpu.memory_space<vmem_shared>> -> memref<10112x64xf32, #tpu.memory_space<vmem_shared>>
      tpu.enqueue_indirect_dma source(%dma_start3A_782 : memref<128x64xf32, #tpu.memory_space<vmem>>) target(%dma_start3A_792 : memref<10112x64xf32, #tpu.memory_space<vmem_shared>>) offsets(%dma_start3A_789 : memref<128xi32, #tpu.memory_space<vmem>>) semaphore(%arg13 : memref<!tpu.dma_semaphore, #tpu.memory_space<semaphore_mem>>) {add = true}
      %dma_wait3A_793 = arith.constant 1 : i32
      %dma_wait3A_794 = arith.constant 0 : i32
      %dma_wait3A_795 = arith.constant 0 : i32
      %dma_wait3A_796 = tpu.memref_slice %arg11[%dma_wait3A_793, %dma_wait3A_794, %dma_wait3A_795] : memref<2x128x64xf32, #tpu.memory_space<vmem>> -> memref<1x128x64xf32, #tpu.memory_space<vmem>>
      %dma_wait3A_797 = tpu.memref_squeeze %dma_wait3A_796 : memref<1x128x64xf32, #tpu.memory_space<vmem>> -> memref<128x64xf32, #tpu.memory_space<vmem>>
      %dma_wait3A_798 = arith.constant 0 : i32
      %dma_wait3A_799 = arith.constant 0 : i32
      %dma_wait3A_800 = tpu.memref_slice %arg10[%scan3A_268, %dma_wait3A_798, %dma_wait3A_799] : memref<2x32x128xi32, #tpu.memory_space<vmem>> -> memref<1x32x128xi32, #tpu.memory_space<vmem>>
      %dma_wait3A_801 = tpu.memref_squeeze %dma_wait3A_800 : memref<1x32x128xi32, #tpu.memory_space<vmem>> -> memref<32x128xi32, #tpu.memory_space<vmem>>
      %dma_wait3A_802 = arith.constant 0 : i32
      %dma_wait3A_803 = tpu.memref_slice %dma_wait3A_801[%add3A_777, %dma_wait3A_802] : memref<32x128xi32, #tpu.memory_space<vmem>> -> memref<1x128xi32, #tpu.memory_space<vmem>>
      %dma_wait3A_804 = tpu.memref_squeeze %dma_wait3A_803 : memref<1x128xi32, #tpu.memory_space<vmem>> -> memref<128xi32, #tpu.memory_space<vmem>>
      %dma_wait3A_805 = arith.constant 0 : i32
      %dma_wait3A_806 = arith.constant 0 : i32
      %dma_wait3A_807 = tpu.memref_slice %arg8[%dma_wait3A_805, %dma_wait3A_806] : memref<10112x64xf32, #tpu.memory_space<vmem_shared>> -> memref<10112x64xf32, #tpu.memory_space<vmem_shared>>
      tpu.wait_indirect_dma semaphore(%arg13 : memref<!tpu.dma_semaphore, #tpu.memory_space<semaphore_mem>>) src(%dma_wait3A_797 : memref<128x64xf32, #tpu.memory_space<vmem>>) dst(%dma_wait3A_807 : memref<10112x64xf32, #tpu.memory_space<vmem_shared>>)
      %add3A_808 = arith.constant 6 : i32
      %add3A_809 = arith.addi %mul3A_395, %add3A_808 : i32
      %add3A_810 = arith.constant 1 : i32
      %add3A_811 = arith.addi %add3A_809, %add3A_810 : i32
      %dma_start3A_812 = arith.constant 1 : i32
      %dma_start3A_813 = arith.constant 0 : i32
      %dma_start3A_814 = arith.constant 0 : i32
      %dma_start3A_815 = tpu.memref_slice %arg11[%dma_start3A_812, %dma_start3A_813, %dma_start3A_814] : memref<2x128x64xf32, #tpu.memory_space<vmem>> -> memref<1x128x64xf32, #tpu.memory_space<vmem>>
      %dma_start3A_816 = tpu.memref_squeeze %dma_start3A_815 : memref<1x128x64xf32, #tpu.memory_space<vmem>> -> memref<128x64xf32, #tpu.memory_space<vmem>>
      %dma_start3A_817 = arith.constant 0 : i32
      %dma_start3A_818 = arith.constant 0 : i32
      %dma_start3A_819 = tpu.memref_slice %arg9[%scan3A_267, %dma_start3A_817, %dma_start3A_818] : memref<2x32x128xi32, #tpu.memory_space<vmem>> -> memref<1x32x128xi32, #tpu.memory_space<vmem>>
      %dma_start3A_820 = tpu.memref_squeeze %dma_start3A_819 : memref<1x32x128xi32, #tpu.memory_space<vmem>> -> memref<32x128xi32, #tpu.memory_space<vmem>>
      %dma_start3A_821 = arith.constant 0 : i32
      %dma_start3A_822 = tpu.memref_slice %dma_start3A_820[%add3A_811, %dma_start3A_821] : memref<32x128xi32, #tpu.memory_space<vmem>> -> memref<1x128xi32, #tpu.memory_space<vmem>>
      %dma_start3A_823 = tpu.memref_squeeze %dma_start3A_822 : memref<1x128xi32, #tpu.memory_space<vmem>> -> memref<128xi32, #tpu.memory_space<vmem>>
      %dma_start3A_824 = arith.constant 0 : i32
      %dma_start3A_825 = arith.constant 0 : i32
      %dma_start3A_826 = tpu.memref_slice %arg7[%dma_start3A_824, %dma_start3A_825] : memref<10112x64xf32, #tpu.memory_space<vmem_shared>> -> memref<10112x64xf32, #tpu.memory_space<vmem_shared>>
      tpu.enqueue_indirect_dma source(%dma_start3A_826 : memref<10112x64xf32, #tpu.memory_space<vmem_shared>>) target(%dma_start3A_816 : memref<128x64xf32, #tpu.memory_space<vmem>>) offsets(%dma_start3A_823 : memref<128xi32, #tpu.memory_space<vmem>>) semaphore(%arg12 : memref<!tpu.dma_semaphore, #tpu.memory_space<semaphore_mem>>)
      %dma_wait3A_827 = arith.constant 0 : i32
      %dma_wait3A_828 = arith.constant 0 : i32
      %dma_wait3A_829 = arith.constant 0 : i32
      %dma_wait3A_830 = tpu.memref_slice %arg11[%dma_wait3A_827, %dma_wait3A_828, %dma_wait3A_829] : memref<2x128x64xf32, #tpu.memory_space<vmem>> -> memref<1x128x64xf32, #tpu.memory_space<vmem>>
      %dma_wait3A_831 = tpu.memref_squeeze %dma_wait3A_830 : memref<1x128x64xf32, #tpu.memory_space<vmem>> -> memref<128x64xf32, #tpu.memory_space<vmem>>
      %dma_wait3A_832 = arith.constant 0 : i32
      %dma_wait3A_833 = arith.constant 0 : i32
      %dma_wait3A_834 = tpu.memref_slice %arg9[%scan3A_267, %dma_wait3A_832, %dma_wait3A_833] : memref<2x32x128xi32, #tpu.memory_space<vmem>> -> memref<1x32x128xi32, #tpu.memory_space<vmem>>
      %dma_wait3A_835 = tpu.memref_squeeze %dma_wait3A_834 : memref<1x32x128xi32, #tpu.memory_space<vmem>> -> memref<32x128xi32, #tpu.memory_space<vmem>>
      %dma_wait3A_836 = arith.constant 0 : i32
      %dma_wait3A_837 = tpu.memref_slice %dma_wait3A_835[%add3A_745, %dma_wait3A_836] : memref<32x128xi32, #tpu.memory_space<vmem>> -> memref<1x128xi32, #tpu.memory_space<vmem>>
      %dma_wait3A_838 = tpu.memref_squeeze %dma_wait3A_837 : memref<1x128xi32, #tpu.memory_space<vmem>> -> memref<128xi32, #tpu.memory_space<vmem>>
      %dma_wait3A_839 = arith.constant 0 : i32
      %dma_wait3A_840 = arith.constant 0 : i32
      %dma_wait3A_841 = tpu.memref_slice %arg7[%dma_wait3A_839, %dma_wait3A_840] : memref<10112x64xf32, #tpu.memory_space<vmem_shared>> -> memref<10112x64xf32, #tpu.memory_space<vmem_shared>>
      tpu.wait_indirect_dma semaphore(%arg12 : memref<!tpu.dma_semaphore, #tpu.memory_space<semaphore_mem>>) src(%dma_wait3A_841 : memref<10112x64xf32, #tpu.memory_space<vmem_shared>>) dst(%dma_wait3A_831 : memref<128x64xf32, #tpu.memory_space<vmem>>)
      %add3A_842 = arith.constant 6 : i32
      %add3A_843 = arith.addi %mul3A_395, %add3A_842 : i32
      %dma_start3A_844 = arith.constant 0 : i32
      %dma_start3A_845 = arith.constant 0 : i32
      %dma_start3A_846 = arith.constant 0 : i32
      %dma_start3A_847 = tpu.memref_slice %arg11[%dma_start3A_844, %dma_start3A_845, %dma_start3A_846] : memref<2x128x64xf32, #tpu.memory_space<vmem>> -> memref<1x128x64xf32, #tpu.memory_space<vmem>>
      %dma_start3A_848 = tpu.memref_squeeze %dma_start3A_847 : memref<1x128x64xf32, #tpu.memory_space<vmem>> -> memref<128x64xf32, #tpu.memory_space<vmem>>
      %dma_start3A_849 = arith.constant 0 : i32
      %dma_start3A_850 = arith.constant 0 : i32
      %dma_start3A_851 = tpu.memref_slice %arg10[%scan3A_268, %dma_start3A_849, %dma_start3A_850] : memref<2x32x128xi32, #tpu.memory_space<vmem>> -> memref<1x32x128xi32, #tpu.memory_space<vmem>>
      %dma_start3A_852 = tpu.memref_squeeze %dma_start3A_851 : memref<1x32x128xi32, #tpu.memory_space<vmem>> -> memref<32x128xi32, #tpu.memory_space<vmem>>
      %dma_start3A_853 = arith.constant 0 : i32
      %dma_start3A_854 = tpu.memref_slice %dma_start3A_852[%add3A_843, %dma_start3A_853] : memref<32x128xi32, #tpu.memory_space<vmem>> -> memref<1x128xi32, #tpu.memory_space<vmem>>
      %dma_start3A_855 = tpu.memref_squeeze %dma_start3A_854 : memref<1x128xi32, #tpu.memory_space<vmem>> -> memref<128xi32, #tpu.memory_space<vmem>>
      %dma_start3A_856 = arith.constant 0 : i32
      %dma_start3A_857 = arith.constant 0 : i32
      %dma_start3A_858 = tpu.memref_slice %arg8[%dma_start3A_856, %dma_start3A_857] : memref<10112x64xf32, #tpu.memory_space<vmem_shared>> -> memref<10112x64xf32, #tpu.memory_space<vmem_shared>>
      tpu.enqueue_indirect_dma source(%dma_start3A_848 : memref<128x64xf32, #tpu.memory_space<vmem>>) target(%dma_start3A_858 : memref<10112x64xf32, #tpu.memory_space<vmem_shared>>) offsets(%dma_start3A_855 : memref<128xi32, #tpu.memory_space<vmem>>) semaphore(%arg13 : memref<!tpu.dma_semaphore, #tpu.memory_space<semaphore_mem>>) {add = true}
      %dma_wait3A_859 = arith.constant 1 : i32
      %dma_wait3A_860 = arith.constant 0 : i32
      %dma_wait3A_861 = arith.constant 0 : i32
      %dma_wait3A_862 = tpu.memref_slice %arg11[%dma_wait3A_859, %dma_wait3A_860, %dma_wait3A_861] : memref<2x128x64xf32, #tpu.memory_space<vmem>> -> memref<1x128x64xf32, #tpu.memory_space<vmem>>
      %dma_wait3A_863 = tpu.memref_squeeze %dma_wait3A_862 : memref<1x128x64xf32, #tpu.memory_space<vmem>> -> memref<128x64xf32, #tpu.memory_space<vmem>>
      %dma_wait3A_864 = arith.constant 0 : i32
      %dma_wait3A_865 = arith.constant 0 : i32
      %dma_wait3A_866 = tpu.memref_slice %arg9[%scan3A_267, %dma_wait3A_864, %dma_wait3A_865] : memref<2x32x128xi32, #tpu.memory_space<vmem>> -> memref<1x32x128xi32, #tpu.memory_space<vmem>>
      %dma_wait3A_867 = tpu.memref_squeeze %dma_wait3A_866 : memref<1x32x128xi32, #tpu.memory_space<vmem>> -> memref<32x128xi32, #tpu.memory_space<vmem>>
      %dma_wait3A_868 = arith.constant 0 : i32
      %dma_wait3A_869 = tpu.memref_slice %dma_wait3A_867[%add3A_811, %dma_wait3A_868] : memref<32x128xi32, #tpu.memory_space<vmem>> -> memref<1x128xi32, #tpu.memory_space<vmem>>
      %dma_wait3A_870 = tpu.memref_squeeze %dma_wait3A_869 : memref<1x128xi32, #tpu.memory_space<vmem>> -> memref<128xi32, #tpu.memory_space<vmem>>
      %dma_wait3A_871 = arith.constant 0 : i32
      %dma_wait3A_872 = arith.constant 0 : i32
      %dma_wait3A_873 = tpu.memref_slice %arg7[%dma_wait3A_871, %dma_wait3A_872] : memref<10112x64xf32, #tpu.memory_space<vmem_shared>> -> memref<10112x64xf32, #tpu.memory_space<vmem_shared>>
      tpu.wait_indirect_dma semaphore(%arg12 : memref<!tpu.dma_semaphore, #tpu.memory_space<semaphore_mem>>) src(%dma_wait3A_873 : memref<10112x64xf32, #tpu.memory_space<vmem_shared>>) dst(%dma_wait3A_863 : memref<128x64xf32, #tpu.memory_space<vmem>>)
      %add3A_874 = arith.constant 7 : i32
      %add3A_875 = arith.addi %mul3A_395, %add3A_874 : i32
      %dma_start3A_876 = arith.constant 1 : i32
      %dma_start3A_877 = arith.constant 0 : i32
      %dma_start3A_878 = arith.constant 0 : i32
      %dma_start3A_879 = tpu.memref_slice %arg11[%dma_start3A_876, %dma_start3A_877, %dma_start3A_878] : memref<2x128x64xf32, #tpu.memory_space<vmem>> -> memref<1x128x64xf32, #tpu.memory_space<vmem>>
      %dma_start3A_880 = tpu.memref_squeeze %dma_start3A_879 : memref<1x128x64xf32, #tpu.memory_space<vmem>> -> memref<128x64xf32, #tpu.memory_space<vmem>>
      %dma_start3A_881 = arith.constant 0 : i32
      %dma_start3A_882 = arith.constant 0 : i32
      %dma_start3A_883 = tpu.memref_slice %arg10[%scan3A_268, %dma_start3A_881, %dma_start3A_882] : memref<2x32x128xi32, #tpu.memory_space<vmem>> -> memref<1x32x128xi32, #tpu.memory_space<vmem>>
      %dma_start3A_884 = tpu.memref_squeeze %dma_start3A_883 : memref<1x32x128xi32, #tpu.memory_space<vmem>> -> memref<32x128xi32, #tpu.memory_space<vmem>>
      %dma_start3A_885 = arith.constant 0 : i32
      %dma_start3A_886 = tpu.memref_slice %dma_start3A_884[%add3A_875, %dma_start3A_885] : memref<32x128xi32, #tpu.memory_space<vmem>> -> memref<1x128xi32, #tpu.memory_space<vmem>>
      %dma_start3A_887 = tpu.memref_squeeze %dma_start3A_886 : memref<1x128xi32, #tpu.memory_space<vmem>> -> memref<128xi32, #tpu.memory_space<vmem>>
      %dma_start3A_888 = arith.constant 0 : i32
      %dma_start3A_889 = arith.constant 0 : i32
      %dma_start3A_890 = tpu.memref_slice %arg8[%dma_start3A_888, %dma_start3A_889] : memref<10112x64xf32, #tpu.memory_space<vmem_shared>> -> memref<10112x64xf32, #tpu.memory_space<vmem_shared>>
      tpu.enqueue_indirect_dma source(%dma_start3A_880 : memref<128x64xf32, #tpu.memory_space<vmem>>) target(%dma_start3A_890 : memref<10112x64xf32, #tpu.memory_space<vmem_shared>>) offsets(%dma_start3A_887 : memref<128xi32, #tpu.memory_space<vmem>>) semaphore(%arg13 : memref<!tpu.dma_semaphore, #tpu.memory_space<semaphore_mem>>) {add = true}
      %dma_wait3A_891 = arith.constant 0 : i32
      %dma_wait3A_892 = arith.constant 0 : i32
      %dma_wait3A_893 = arith.constant 0 : i32
      %dma_wait3A_894 = tpu.memref_slice %arg11[%dma_wait3A_891, %dma_wait3A_892, %dma_wait3A_893] : memref<2x128x64xf32, #tpu.memory_space<vmem>> -> memref<1x128x64xf32, #tpu.memory_space<vmem>>
      %dma_wait3A_895 = tpu.memref_squeeze %dma_wait3A_894 : memref<1x128x64xf32, #tpu.memory_space<vmem>> -> memref<128x64xf32, #tpu.memory_space<vmem>>
      %dma_wait3A_896 = arith.constant 0 : i32
      %dma_wait3A_897 = arith.constant 0 : i32
      %dma_wait3A_898 = tpu.memref_slice %arg10[%scan3A_268, %dma_wait3A_896, %dma_wait3A_897] : memref<2x32x128xi32, #tpu.memory_space<vmem>> -> memref<1x32x128xi32, #tpu.memory_space<vmem>>
      %dma_wait3A_899 = tpu.memref_squeeze %dma_wait3A_898 : memref<1x32x128xi32, #tpu.memory_space<vmem>> -> memref<32x128xi32, #tpu.memory_space<vmem>>
      %dma_wait3A_900 = arith.constant 0 : i32
      %dma_wait3A_901 = tpu.memref_slice %dma_wait3A_899[%add3A_843, %dma_wait3A_900] : memref<32x128xi32, #tpu.memory_space<vmem>> -> memref<1x128xi32, #tpu.memory_space<vmem>>
      %dma_wait3A_902 = tpu.memref_squeeze %dma_wait3A_901 : memref<1x128xi32, #tpu.memory_space<vmem>> -> memref<128xi32, #tpu.memory_space<vmem>>
      %dma_wait3A_903 = arith.constant 0 : i32
      %dma_wait3A_904 = arith.constant 0 : i32
      %dma_wait3A_905 = tpu.memref_slice %arg8[%dma_wait3A_903, %dma_wait3A_904] : memref<10112x64xf32, #tpu.memory_space<vmem_shared>> -> memref<10112x64xf32, #tpu.memory_space<vmem_shared>>
      tpu.wait_indirect_dma semaphore(%arg13 : memref<!tpu.dma_semaphore, #tpu.memory_space<semaphore_mem>>) src(%dma_wait3A_895 : memref<128x64xf32, #tpu.memory_space<vmem>>) dst(%dma_wait3A_905 : memref<10112x64xf32, #tpu.memory_space<vmem_shared>>)
      %dma_wait3A_906 = arith.constant 1 : i32
      %dma_wait3A_907 = arith.constant 0 : i32
      %dma_wait3A_908 = arith.constant 0 : i32
      %dma_wait3A_909 = tpu.memref_slice %arg11[%dma_wait3A_906, %dma_wait3A_907, %dma_wait3A_908] : memref<2x128x64xf32, #tpu.memory_space<vmem>> -> memref<1x128x64xf32, #tpu.memory_space<vmem>>
      %dma_wait3A_910 = tpu.memref_squeeze %dma_wait3A_909 : memref<1x128x64xf32, #tpu.memory_space<vmem>> -> memref<128x64xf32, #tpu.memory_space<vmem>>
      %dma_wait3A_911 = arith.constant 0 : i32
      %dma_wait3A_912 = arith.constant 0 : i32
      %dma_wait3A_913 = tpu.memref_slice %arg10[%scan3A_268, %dma_wait3A_911, %dma_wait3A_912] : memref<2x32x128xi32, #tpu.memory_space<vmem>> -> memref<1x32x128xi32, #tpu.memory_space<vmem>>
      %dma_wait3A_914 = tpu.memref_squeeze %dma_wait3A_913 : memref<1x32x128xi32, #tpu.memory_space<vmem>> -> memref<32x128xi32, #tpu.memory_space<vmem>>
      %dma_wait3A_915 = arith.constant 0 : i32
      %dma_wait3A_916 = tpu.memref_slice %dma_wait3A_914[%add3A_875, %dma_wait3A_915] : memref<32x128xi32, #tpu.memory_space<vmem>> -> memref<1x128xi32, #tpu.memory_space<vmem>>
      %dma_wait3A_917 = tpu.memref_squeeze %dma_wait3A_916 : memref<1x128xi32, #tpu.memory_space<vmem>> -> memref<128xi32, #tpu.memory_space<vmem>>
      %dma_wait3A_918 = arith.constant 0 : i32
      %dma_wait3A_919 = arith.constant 0 : i32
      %dma_wait3A_920 = tpu.memref_slice %arg8[%dma_wait3A_918, %dma_wait3A_919] : memref<10112x64xf32, #tpu.memory_space<vmem_shared>> -> memref<10112x64xf32, #tpu.memory_space<vmem_shared>>
      tpu.wait_indirect_dma semaphore(%arg13 : memref<!tpu.dma_semaphore, #tpu.memory_space<semaphore_mem>>) src(%dma_wait3A_910 : memref<128x64xf32, #tpu.memory_space<vmem>>) dst(%dma_wait3A_920 : memref<10112x64xf32, #tpu.memory_space<vmem_shared>>)
    }
    %scan3A_273 = arith.constant 4 : i32
    %dma_wait3A_274 = arith.constant 1 : i32
    %dma_wait3A_275 = arith.constant 0 : i32
    %dma_wait3A_276 = arith.constant 0 : i32
    %dma_wait3A_277 = tpu.memref_slice %arg9[%dma_wait3A_274, %dma_wait3A_275, %dma_wait3A_276] : memref<2x32x128xi32, #tpu.memory_space<vmem>> -> memref<1x32x128xi32, #tpu.memory_space<vmem>>
    %dma_wait3A_278 = tpu.memref_squeeze %dma_wait3A_277 : memref<1x32x128xi32, #tpu.memory_space<vmem>> -> memref<32x128xi32, #tpu.memory_space<vmem>>
    %dma_wait3A_279 = arith.constant 96 : i32
    %dma_wait3A_280 = arith.constant 0 : i32
    %dma_wait3A_281 = tpu.memref_slice %arg3[%arg1, %dma_wait3A_279, %dma_wait3A_280] : memref<16x160x128xi32, #tpu.memory_space<hbm>> -> memref<1x32x128xi32, #tpu.memory_space<hbm>>
    %dma_wait3A_282 = tpu.memref_squeeze %dma_wait3A_281 : memref<1x32x128xi32, #tpu.memory_space<hbm>> -> memref<32x128xi32, #tpu.memory_space<hbm>>
    %dma_wait3A_283 = arith.constant 0 : i32
    %dma_wait3A_284 = arith.constant 0 : i32
    %dma_wait3A_285 = tpu.memref_slice %arg9[%dma_wait3A_274, %dma_wait3A_283, %dma_wait3A_284] : memref<2x32x128xi32, #tpu.memory_space<vmem>> -> memref<1x32x128xi32, #tpu.memory_space<vmem>>
    %dma_wait3A_286 = tpu.memref_squeeze %dma_wait3A_285 : memref<1x32x128xi32, #tpu.memory_space<vmem>> -> memref<32x128xi32, #tpu.memory_space<vmem>>
    %dma_wait3A_287 = arith.constant 96 : i32
    %dma_wait3A_288 = arith.constant 0 : i32
    %dma_wait3A_289 = tpu.memref_slice %arg3[%arg1, %dma_wait3A_287, %dma_wait3A_288] : memref<16x160x128xi32, #tpu.memory_space<hbm>> -> memref<1x32x128xi32, #tpu.memory_space<hbm>>
    %dma_wait3A_290 = tpu.memref_squeeze %dma_wait3A_289 : memref<1x32x128xi32, #tpu.memory_space<hbm>> -> memref<32x128xi32, #tpu.memory_space<hbm>>
    tpu.wait_dma2 semaphore(%arg14 : memref<!tpu.dma_semaphore, #tpu.memory_space<semaphore_mem>>) src(%dma_wait3A_290 : memref<32x128xi32, #tpu.memory_space<hbm>>) dst(%dma_wait3A_286 : memref<32x128xi32, #tpu.memory_space<vmem>>)
    %dma_wait3A_291 = arith.constant 1 : i32
    %dma_wait3A_292 = arith.constant 0 : i32
    %dma_wait3A_293 = arith.constant 0 : i32
    %dma_wait3A_294 = tpu.memref_slice %arg10[%dma_wait3A_291, %dma_wait3A_292, %dma_wait3A_293] : memref<2x32x128xi32, #tpu.memory_space<vmem>> -> memref<1x32x128xi32, #tpu.memory_space<vmem>>
    %dma_wait3A_295 = tpu.memref_squeeze %dma_wait3A_294 : memref<1x32x128xi32, #tpu.memory_space<vmem>> -> memref<32x128xi32, #tpu.memory_space<vmem>>
    %dma_wait3A_296 = arith.constant 96 : i32
    %dma_wait3A_297 = arith.constant 0 : i32
    %dma_wait3A_298 = tpu.memref_slice %arg4[%arg1, %dma_wait3A_296, %dma_wait3A_297] : memref<16x160x128xi32, #tpu.memory_space<hbm>> -> memref<1x32x128xi32, #tpu.memory_space<hbm>>
    %dma_wait3A_299 = tpu.memref_squeeze %dma_wait3A_298 : memref<1x32x128xi32, #tpu.memory_space<hbm>> -> memref<32x128xi32, #tpu.memory_space<hbm>>
    %dma_wait3A_300 = arith.constant 0 : i32
    %dma_wait3A_301 = arith.constant 0 : i32
    %dma_wait3A_302 = tpu.memref_slice %arg10[%dma_wait3A_291, %dma_wait3A_300, %dma_wait3A_301] : memref<2x32x128xi32, #tpu.memory_space<vmem>> -> memref<1x32x128xi32, #tpu.memory_space<vmem>>
    %dma_wait3A_303 = tpu.memref_squeeze %dma_wait3A_302 : memref<1x32x128xi32, #tpu.memory_space<vmem>> -> memref<32x128xi32, #tpu.memory_space<vmem>>
    %dma_wait3A_304 = arith.constant 96 : i32
    %dma_wait3A_305 = arith.constant 0 : i32
    %dma_wait3A_306 = tpu.memref_slice %arg4[%arg1, %dma_wait3A_304, %dma_wait3A_305] : memref<16x160x128xi32, #tpu.memory_space<hbm>> -> memref<1x32x128xi32, #tpu.memory_space<hbm>>
    %dma_wait3A_307 = tpu.memref_squeeze %dma_wait3A_306 : memref<1x32x128xi32, #tpu.memory_space<hbm>> -> memref<32x128xi32, #tpu.memory_space<hbm>>
    tpu.wait_dma2 semaphore(%arg14 : memref<!tpu.dma_semaphore, #tpu.memory_space<semaphore_mem>>) src(%dma_wait3A_307 : memref<32x128xi32, #tpu.memory_space<hbm>>) dst(%dma_wait3A_303 : memref<32x128xi32, #tpu.memory_space<vmem>>)
    %dma_start3A_308 = arith.constant 0 : i32
    %dma_start3A_309 = arith.constant 0 : i32
    %dma_start3A_310 = arith.constant 0 : i32
    %dma_start3A_311 = tpu.memref_slice %arg9[%dma_start3A_308, %dma_start3A_309, %dma_start3A_310] : memref<2x32x128xi32, #tpu.memory_space<vmem>> -> memref<1x32x128xi32, #tpu.memory_space<vmem>>
    %dma_start3A_312 = tpu.memref_squeeze %dma_start3A_311 : memref<1x32x128xi32, #tpu.memory_space<vmem>> -> memref<32x128xi32, #tpu.memory_space<vmem>>
    %dma_start3A_313 = arith.constant 128 : i32
    %dma_start3A_314 = arith.constant 0 : i32
    %dma_start3A_315 = tpu.memref_slice %arg3[%arg1, %dma_start3A_313, %dma_start3A_314] : memref<16x160x128xi32, #tpu.memory_space<hbm>> -> memref<1x32x128xi32, #tpu.memory_space<hbm>>
    %dma_start3A_316 = tpu.memref_squeeze %dma_start3A_315 : memref<1x32x128xi32, #tpu.memory_space<hbm>> -> memref<32x128xi32, #tpu.memory_space<hbm>>
    %dma_start3A_317 = arith.constant 0 : i32
    %dma_start3A_318 = arith.constant 0 : i32
    %dma_start3A_319 = tpu.memref_slice %arg9[%dma_start3A_308, %dma_start3A_317, %dma_start3A_318] : memref<2x32x128xi32, #tpu.memory_space<vmem>> -> memref<1x32x128xi32, #tpu.memory_space<vmem>>
    %dma_start3A_320 = tpu.memref_squeeze %dma_start3A_319 : memref<1x32x128xi32, #tpu.memory_space<vmem>> -> memref<32x128xi32, #tpu.memory_space<vmem>>
    %dma_start3A_321 = arith.constant 128 : i32
    %dma_start3A_322 = arith.constant 0 : i32
    %dma_start3A_323 = tpu.memref_slice %arg3[%arg1, %dma_start3A_321, %dma_start3A_322] : memref<16x160x128xi32, #tpu.memory_space<hbm>> -> memref<1x32x128xi32, #tpu.memory_space<hbm>>
    %dma_start3A_324 = tpu.memref_squeeze %dma_start3A_323 : memref<1x32x128xi32, #tpu.memory_space<hbm>> -> memref<32x128xi32, #tpu.memory_space<hbm>>
    tpu.enqueue_dma source(%dma_start3A_324 : memref<32x128xi32, #tpu.memory_space<hbm>>) target(%dma_start3A_320 : memref<32x128xi32, #tpu.memory_space<vmem>>) target_semaphore(%arg14 : memref<!tpu.dma_semaphore, #tpu.memory_space<semaphore_mem>>)
    %dma_start3A_325 = arith.constant 0 : i32
    %dma_start3A_326 = arith.constant 0 : i32
    %dma_start3A_327 = arith.constant 0 : i32
    %dma_start3A_328 = tpu.memref_slice %arg10[%dma_start3A_325, %dma_start3A_326, %dma_start3A_327] : memref<2x32x128xi32, #tpu.memory_space<vmem>> -> memref<1x32x128xi32, #tpu.memory_space<vmem>>
    %dma_start3A_329 = tpu.memref_squeeze %dma_start3A_328 : memref<1x32x128xi32, #tpu.memory_space<vmem>> -> memref<32x128xi32, #tpu.memory_space<vmem>>
    %dma_start3A_330 = arith.constant 128 : i32
    %dma_start3A_331 = arith.constant 0 : i32
    %dma_start3A_332 = tpu.memref_slice %arg4[%arg1, %dma_start3A_330, %dma_start3A_331] : memref<16x160x128xi32, #tpu.memory_space<hbm>> -> memref<1x32x128xi32, #tpu.memory_space<hbm>>
    %dma_start3A_333 = tpu.memref_squeeze %dma_start3A_332 : memref<1x32x128xi32, #tpu.memory_space<hbm>> -> memref<32x128xi32, #tpu.memory_space<hbm>>
    %dma_start3A_334 = arith.constant 0 : i32
    %dma_start3A_335 = arith.constant 0 : i32
    %dma_start3A_336 = tpu.memref_slice %arg10[%dma_start3A_325, %dma_start3A_334, %dma_start3A_335] : memref<2x32x128xi32, #tpu.memory_space<vmem>> -> memref<1x32x128xi32, #tpu.memory_space<vmem>>
    %dma_start3A_337 = tpu.memref_squeeze %dma_start3A_336 : memref<1x32x128xi32, #tpu.memory_space<vmem>> -> memref<32x128xi32, #tpu.memory_space<vmem>>
    %dma_start3A_338 = arith.constant 128 : i32
    %dma_start3A_339 = arith.constant 0 : i32
    %dma_start3A_340 = tpu.memref_slice %arg4[%arg1, %dma_start3A_338, %dma_start3A_339] : memref<16x160x128xi32, #tpu.memory_space<hbm>> -> memref<1x32x128xi32, #tpu.memory_space<hbm>>
    %dma_start3A_341 = tpu.memref_squeeze %dma_start3A_340 : memref<1x32x128xi32, #tpu.memory_space<hbm>> -> memref<32x128xi32, #tpu.memory_space<hbm>>
    tpu.enqueue_dma source(%dma_start3A_341 : memref<32x128xi32, #tpu.memory_space<hbm>>) target(%dma_start3A_337 : memref<32x128xi32, #tpu.memory_space<vmem>>) target_semaphore(%arg14 : memref<!tpu.dma_semaphore, #tpu.memory_space<semaphore_mem>>)
    %scan3A_342 = arith.constant 0 : i32
    %scan3A_343 = arith.constant 1 : i32
    %scan3A_344 = arith.constant 1 : i32
    %scan3A_345 = arith.constant 0 : i32
    %scan3A_346 = arith.constant 4 : i32
    %scan3A_347 = arith.addi %scan3A_345, %scan3A_346 : i32
    %scan3A_348 = arith.constant 1 : i32
    scf.for %scan3A_393 = %scan3A_345 to %scan3A_347 step %scan3A_348  : i32 {
      %mul3A_394 = arith.constant 8 : i32
      %mul3A_395 = arith.muli %scan3A_393, %mul3A_394 : i32
      %add3A = arith.constant 0 : i32
      %add3A_396 = arith.addi %mul3A_395, %add3A : i32
      %dma_start3A_397 = arith.constant 0 : i32
      %dma_start3A_398 = arith.constant 0 : i32
      %dma_start3A_399 = arith.constant 0 : i32
      %dma_start3A_400 = tpu.memref_slice %arg11[%dma_start3A_397, %dma_start3A_398, %dma_start3A_399] : memref<2x128x64xf32, #tpu.memory_space<vmem>> -> memref<1x128x64xf32, #tpu.memory_space<vmem>>
      %dma_start3A_401 = tpu.memref_squeeze %dma_start3A_400 : memref<1x128x64xf32, #tpu.memory_space<vmem>> -> memref<128x64xf32, #tpu.memory_space<vmem>>
      %dma_start3A_402 = arith.constant 0 : i32
      %dma_start3A_403 = arith.constant 0 : i32
      %dma_start3A_404 = tpu.memref_slice %arg9[%scan3A_343, %dma_start3A_402, %dma_start3A_403] : memref<2x32x128xi32, #tpu.memory_space<vmem>> -> memref<1x32x128xi32, #tpu.memory_space<vmem>>
      %dma_start3A_405 = tpu.memref_squeeze %dma_start3A_404 : memref<1x32x128xi32, #tpu.memory_space<vmem>> -> memref<32x128xi32, #tpu.memory_space<vmem>>
      %dma_start3A_406 = arith.constant 0 : i32
      %dma_start3A_407 = tpu.memref_slice %dma_start3A_405[%add3A_396, %dma_start3A_406] : memref<32x128xi32, #tpu.memory_space<vmem>> -> memref<1x128xi32, #tpu.memory_space<vmem>>
      %dma_start3A_408 = tpu.memref_squeeze %dma_start3A_407 : memref<1x128xi32, #tpu.memory_space<vmem>> -> memref<128xi32, #tpu.memory_space<vmem>>
      %dma_start3A_409 = arith.constant 0 : i32
      %dma_start3A_410 = arith.constant 0 : i32
      %dma_start3A_411 = tpu.memref_slice %arg7[%dma_start3A_409, %dma_start3A_410] : memref<10112x64xf32, #tpu.memory_space<vmem_shared>> -> memref<10112x64xf32, #tpu.memory_space<vmem_shared>>
      tpu.enqueue_indirect_dma source(%dma_start3A_411 : memref<10112x64xf32, #tpu.memory_space<vmem_shared>>) target(%dma_start3A_401 : memref<128x64xf32, #tpu.memory_space<vmem>>) offsets(%dma_start3A_408 : memref<128xi32, #tpu.memory_space<vmem>>) semaphore(%arg12 : memref<!tpu.dma_semaphore, #tpu.memory_space<semaphore_mem>>)
      %add3A_412 = arith.constant 0 : i32
      %add3A_413 = arith.addi %mul3A_395, %add3A_412 : i32
      %add3A_414 = arith.constant 1 : i32
      %add3A_415 = arith.addi %add3A_413, %add3A_414 : i32
      %dma_start3A_416 = arith.constant 1 : i32
      %dma_start3A_417 = arith.constant 0 : i32
      %dma_start3A_418 = arith.constant 0 : i32
      %dma_start3A_419 = tpu.memref_slice %arg11[%dma_start3A_416, %dma_start3A_417, %dma_start3A_418] : memref<2x128x64xf32, #tpu.memory_space<vmem>> -> memref<1x128x64xf32, #tpu.memory_space<vmem>>
      %dma_start3A_420 = tpu.memref_squeeze %dma_start3A_419 : memref<1x128x64xf32, #tpu.memory_space<vmem>> -> memref<128x64xf32, #tpu.memory_space<vmem>>
      %dma_start3A_421 = arith.constant 0 : i32
      %dma_start3A_422 = arith.constant 0 : i32
      %dma_start3A_423 = tpu.memref_slice %arg9[%scan3A_343, %dma_start3A_421, %dma_start3A_422] : memref<2x32x128xi32, #tpu.memory_space<vmem>> -> memref<1x32x128xi32, #tpu.memory_space<vmem>>
      %dma_start3A_424 = tpu.memref_squeeze %dma_start3A_423 : memref<1x32x128xi32, #tpu.memory_space<vmem>> -> memref<32x128xi32, #tpu.memory_space<vmem>>
      %dma_start3A_425 = arith.constant 0 : i32
      %dma_start3A_426 = tpu.memref_slice %dma_start3A_424[%add3A_415, %dma_start3A_425] : memref<32x128xi32, #tpu.memory_space<vmem>> -> memref<1x128xi32, #tpu.memory_space<vmem>>
      %dma_start3A_427 = tpu.memref_squeeze %dma_start3A_426 : memref<1x128xi32, #tpu.memory_space<vmem>> -> memref<128xi32, #tpu.memory_space<vmem>>
      %dma_start3A_428 = arith.constant 0 : i32
      %dma_start3A_429 = arith.constant 0 : i32
      %dma_start3A_430 = tpu.memref_slice %arg7[%dma_start3A_428, %dma_start3A_429] : memref<10112x64xf32, #tpu.memory_space<vmem_shared>> -> memref<10112x64xf32, #tpu.memory_space<vmem_shared>>
      tpu.enqueue_indirect_dma source(%dma_start3A_430 : memref<10112x64xf32, #tpu.memory_space<vmem_shared>>) target(%dma_start3A_420 : memref<128x64xf32, #tpu.memory_space<vmem>>) offsets(%dma_start3A_427 : memref<128xi32, #tpu.memory_space<vmem>>) semaphore(%arg12 : memref<!tpu.dma_semaphore, #tpu.memory_space<semaphore_mem>>)
      %dma_wait3A_431 = arith.constant 0 : i32
      %dma_wait3A_432 = arith.constant 0 : i32
      %dma_wait3A_433 = arith.constant 0 : i32
      %dma_wait3A_434 = tpu.memref_slice %arg11[%dma_wait3A_431, %dma_wait3A_432, %dma_wait3A_433] : memref<2x128x64xf32, #tpu.memory_space<vmem>> -> memref<1x128x64xf32, #tpu.memory_space<vmem>>
      %dma_wait3A_435 = tpu.memref_squeeze %dma_wait3A_434 : memref<1x128x64xf32, #tpu.memory_space<vmem>> -> memref<128x64xf32, #tpu.memory_space<vmem>>
      %dma_wait3A_436 = arith.constant 0 : i32
      %dma_wait3A_437 = arith.constant 0 : i32
      %dma_wait3A_438 = tpu.memref_slice %arg9[%scan3A_343, %dma_wait3A_436, %dma_wait3A_437] : memref<2x32x128xi32, #tpu.memory_space<vmem>> -> memref<1x32x128xi32, #tpu.memory_space<vmem>>
      %dma_wait3A_439 = tpu.memref_squeeze %dma_wait3A_438 : memref<1x32x128xi32, #tpu.memory_space<vmem>> -> memref<32x128xi32, #tpu.memory_space<vmem>>
      %dma_wait3A_440 = arith.constant 0 : i32
      %dma_wait3A_441 = tpu.memref_slice %dma_wait3A_439[%add3A_396, %dma_wait3A_440] : memref<32x128xi32, #tpu.memory_space<vmem>> -> memref<1x128xi32, #tpu.memory_space<vmem>>
      %dma_wait3A_442 = tpu.memref_squeeze %dma_wait3A_441 : memref<1x128xi32, #tpu.memory_space<vmem>> -> memref<128xi32, #tpu.memory_space<vmem>>
      %dma_wait3A_443 = arith.constant 0 : i32
      %dma_wait3A_444 = arith.constant 0 : i32
      %dma_wait3A_445 = tpu.memref_slice %arg7[%dma_wait3A_443, %dma_wait3A_444] : memref<10112x64xf32, #tpu.memory_space<vmem_shared>> -> memref<10112x64xf32, #tpu.memory_space<vmem_shared>>
      tpu.wait_indirect_dma semaphore(%arg12 : memref<!tpu.dma_semaphore, #tpu.memory_space<semaphore_mem>>) src(%dma_wait3A_445 : memref<10112x64xf32, #tpu.memory_space<vmem_shared>>) dst(%dma_wait3A_435 : memref<128x64xf32, #tpu.memory_space<vmem>>)
      %add3A_446 = arith.constant 0 : i32
      %add3A_447 = arith.addi %mul3A_395, %add3A_446 : i32
      %dma_start3A_448 = arith.constant 0 : i32
      %dma_start3A_449 = arith.constant 0 : i32
      %dma_start3A_450 = arith.constant 0 : i32
      %dma_start3A_451 = tpu.memref_slice %arg11[%dma_start3A_448, %dma_start3A_449, %dma_start3A_450] : memref<2x128x64xf32, #tpu.memory_space<vmem>> -> memref<1x128x64xf32, #tpu.memory_space<vmem>>
      %dma_start3A_452 = tpu.memref_squeeze %dma_start3A_451 : memref<1x128x64xf32, #tpu.memory_space<vmem>> -> memref<128x64xf32, #tpu.memory_space<vmem>>
      %dma_start3A_453 = arith.constant 0 : i32
      %dma_start3A_454 = arith.constant 0 : i32
      %dma_start3A_455 = tpu.memref_slice %arg10[%scan3A_344, %dma_start3A_453, %dma_start3A_454] : memref<2x32x128xi32, #tpu.memory_space<vmem>> -> memref<1x32x128xi32, #tpu.memory_space<vmem>>
      %dma_start3A_456 = tpu.memref_squeeze %dma_start3A_455 : memref<1x32x128xi32, #tpu.memory_space<vmem>> -> memref<32x128xi32, #tpu.memory_space<vmem>>
      %dma_start3A_457 = arith.constant 0 : i32
      %dma_start3A_458 = tpu.memref_slice %dma_start3A_456[%add3A_447, %dma_start3A_457] : memref<32x128xi32, #tpu.memory_space<vmem>> -> memref<1x128xi32, #tpu.memory_space<vmem>>
      %dma_start3A_459 = tpu.memref_squeeze %dma_start3A_458 : memref<1x128xi32, #tpu.memory_space<vmem>> -> memref<128xi32, #tpu.memory_space<vmem>>
      %dma_start3A_460 = arith.constant 0 : i32
      %dma_start3A_461 = arith.constant 0 : i32
      %dma_start3A_462 = tpu.memref_slice %arg8[%dma_start3A_460, %dma_start3A_461] : memref<10112x64xf32, #tpu.memory_space<vmem_shared>> -> memref<10112x64xf32, #tpu.memory_space<vmem_shared>>
      tpu.enqueue_indirect_dma source(%dma_start3A_452 : memref<128x64xf32, #tpu.memory_space<vmem>>) target(%dma_start3A_462 : memref<10112x64xf32, #tpu.memory_space<vmem_shared>>) offsets(%dma_start3A_459 : memref<128xi32, #tpu.memory_space<vmem>>) semaphore(%arg13 : memref<!tpu.dma_semaphore, #tpu.memory_space<semaphore_mem>>) {add = true}
      %dma_wait3A_463 = arith.constant 0 : i32
      %dma_wait3A_464 = arith.constant 0 : i32
      %dma_wait3A_465 = arith.constant 0 : i32
      %dma_wait3A_466 = tpu.memref_slice %arg11[%dma_wait3A_463, %dma_wait3A_464, %dma_wait3A_465] : memref<2x128x64xf32, #tpu.memory_space<vmem>> -> memref<1x128x64xf32, #tpu.memory_space<vmem>>
      %dma_wait3A_467 = tpu.memref_squeeze %dma_wait3A_466 : memref<1x128x64xf32, #tpu.memory_space<vmem>> -> memref<128x64xf32, #tpu.memory_space<vmem>>
      %dma_wait3A_468 = arith.constant 0 : i32
      %dma_wait3A_469 = arith.constant 0 : i32
      %dma_wait3A_470 = tpu.memref_slice %arg10[%scan3A_344, %dma_wait3A_468, %dma_wait3A_469] : memref<2x32x128xi32, #tpu.memory_space<vmem>> -> memref<1x32x128xi32, #tpu.memory_space<vmem>>
      %dma_wait3A_471 = tpu.memref_squeeze %dma_wait3A_470 : memref<1x32x128xi32, #tpu.memory_space<vmem>> -> memref<32x128xi32, #tpu.memory_space<vmem>>
      %dma_wait3A_472 = arith.constant 0 : i32
      %dma_wait3A_473 = tpu.memref_slice %dma_wait3A_471[%add3A_447, %dma_wait3A_472] : memref<32x128xi32, #tpu.memory_space<vmem>> -> memref<1x128xi32, #tpu.memory_space<vmem>>
      %dma_wait3A_474 = tpu.memref_squeeze %dma_wait3A_473 : memref<1x128xi32, #tpu.memory_space<vmem>> -> memref<128xi32, #tpu.memory_space<vmem>>
      %dma_wait3A_475 = arith.constant 0 : i32
      %dma_wait3A_476 = arith.constant 0 : i32
      %dma_wait3A_477 = tpu.memref_slice %arg8[%dma_wait3A_475, %dma_wait3A_476] : memref<10112x64xf32, #tpu.memory_space<vmem_shared>> -> memref<10112x64xf32, #tpu.memory_space<vmem_shared>>
      tpu.wait_indirect_dma semaphore(%arg13 : memref<!tpu.dma_semaphore, #tpu.memory_space<semaphore_mem>>) src(%dma_wait3A_467 : memref<128x64xf32, #tpu.memory_space<vmem>>) dst(%dma_wait3A_477 : memref<10112x64xf32, #tpu.memory_space<vmem_shared>>)
      %add3A_478 = arith.constant 1 : i32
      %add3A_479 = arith.addi %mul3A_395, %add3A_478 : i32
      %add3A_480 = arith.constant 1 : i32
      %add3A_481 = arith.addi %add3A_479, %add3A_480 : i32
      %dma_start3A_482 = arith.constant 0 : i32
      %dma_start3A_483 = arith.constant 0 : i32
      %dma_start3A_484 = arith.constant 0 : i32
      %dma_start3A_485 = tpu.memref_slice %arg11[%dma_start3A_482, %dma_start3A_483, %dma_start3A_484] : memref<2x128x64xf32, #tpu.memory_space<vmem>> -> memref<1x128x64xf32, #tpu.memory_space<vmem>>
      %dma_start3A_486 = tpu.memref_squeeze %dma_start3A_485 : memref<1x128x64xf32, #tpu.memory_space<vmem>> -> memref<128x64xf32, #tpu.memory_space<vmem>>
      %dma_start3A_487 = arith.constant 0 : i32
      %dma_start3A_488 = arith.constant 0 : i32
      %dma_start3A_489 = tpu.memref_slice %arg9[%scan3A_343, %dma_start3A_487, %dma_start3A_488] : memref<2x32x128xi32, #tpu.memory_space<vmem>> -> memref<1x32x128xi32, #tpu.memory_space<vmem>>
      %dma_start3A_490 = tpu.memref_squeeze %dma_start3A_489 : memref<1x32x128xi32, #tpu.memory_space<vmem>> -> memref<32x128xi32, #tpu.memory_space<vmem>>
      %dma_start3A_491 = arith.constant 0 : i32
      %dma_start3A_492 = tpu.memref_slice %dma_start3A_490[%add3A_481, %dma_start3A_491] : memref<32x128xi32, #tpu.memory_space<vmem>> -> memref<1x128xi32, #tpu.memory_space<vmem>>
      %dma_start3A_493 = tpu.memref_squeeze %dma_start3A_492 : memref<1x128xi32, #tpu.memory_space<vmem>> -> memref<128xi32, #tpu.memory_space<vmem>>
      %dma_start3A_494 = arith.constant 0 : i32
      %dma_start3A_495 = arith.constant 0 : i32
      %dma_start3A_496 = tpu.memref_slice %arg7[%dma_start3A_494, %dma_start3A_495] : memref<10112x64xf32, #tpu.memory_space<vmem_shared>> -> memref<10112x64xf32, #tpu.memory_space<vmem_shared>>
      tpu.enqueue_indirect_dma source(%dma_start3A_496 : memref<10112x64xf32, #tpu.memory_space<vmem_shared>>) target(%dma_start3A_486 : memref<128x64xf32, #tpu.memory_space<vmem>>) offsets(%dma_start3A_493 : memref<128xi32, #tpu.memory_space<vmem>>) semaphore(%arg12 : memref<!tpu.dma_semaphore, #tpu.memory_space<semaphore_mem>>)
      %dma_wait3A_497 = arith.constant 1 : i32
      %dma_wait3A_498 = arith.constant 0 : i32
      %dma_wait3A_499 = arith.constant 0 : i32
      %dma_wait3A_500 = tpu.memref_slice %arg11[%dma_wait3A_497, %dma_wait3A_498, %dma_wait3A_499] : memref<2x128x64xf32, #tpu.memory_space<vmem>> -> memref<1x128x64xf32, #tpu.memory_space<vmem>>
      %dma_wait3A_501 = tpu.memref_squeeze %dma_wait3A_500 : memref<1x128x64xf32, #tpu.memory_space<vmem>> -> memref<128x64xf32, #tpu.memory_space<vmem>>
      %dma_wait3A_502 = arith.constant 0 : i32
      %dma_wait3A_503 = arith.constant 0 : i32
      %dma_wait3A_504 = tpu.memref_slice %arg9[%scan3A_343, %dma_wait3A_502, %dma_wait3A_503] : memref<2x32x128xi32, #tpu.memory_space<vmem>> -> memref<1x32x128xi32, #tpu.memory_space<vmem>>
      %dma_wait3A_505 = tpu.memref_squeeze %dma_wait3A_504 : memref<1x32x128xi32, #tpu.memory_space<vmem>> -> memref<32x128xi32, #tpu.memory_space<vmem>>
      %dma_wait3A_506 = arith.constant 0 : i32
      %dma_wait3A_507 = tpu.memref_slice %dma_wait3A_505[%add3A_415, %dma_wait3A_506] : memref<32x128xi32, #tpu.memory_space<vmem>> -> memref<1x128xi32, #tpu.memory_space<vmem>>
      %dma_wait3A_508 = tpu.memref_squeeze %dma_wait3A_507 : memref<1x128xi32, #tpu.memory_space<vmem>> -> memref<128xi32, #tpu.memory_space<vmem>>
      %dma_wait3A_509 = arith.constant 0 : i32
      %dma_wait3A_510 = arith.constant 0 : i32
      %dma_wait3A_511 = tpu.memref_slice %arg7[%dma_wait3A_509, %dma_wait3A_510] : memref<10112x64xf32, #tpu.memory_space<vmem_shared>> -> memref<10112x64xf32, #tpu.memory_space<vmem_shared>>
      tpu.wait_indirect_dma semaphore(%arg12 : memref<!tpu.dma_semaphore, #tpu.memory_space<semaphore_mem>>) src(%dma_wait3A_511 : memref<10112x64xf32, #tpu.memory_space<vmem_shared>>) dst(%dma_wait3A_501 : memref<128x64xf32, #tpu.memory_space<vmem>>)
      %add3A_512 = arith.constant 1 : i32
      %add3A_513 = arith.addi %mul3A_395, %add3A_512 : i32
      %dma_start3A_514 = arith.constant 1 : i32
      %dma_start3A_515 = arith.constant 0 : i32
      %dma_start3A_516 = arith.constant 0 : i32
      %dma_start3A_517 = tpu.memref_slice %arg11[%dma_start3A_514, %dma_start3A_515, %dma_start3A_516] : memref<2x128x64xf32, #tpu.memory_space<vmem>> -> memref<1x128x64xf32, #tpu.memory_space<vmem>>
      %dma_start3A_518 = tpu.memref_squeeze %dma_start3A_517 : memref<1x128x64xf32, #tpu.memory_space<vmem>> -> memref<128x64xf32, #tpu.memory_space<vmem>>
      %dma_start3A_519 = arith.constant 0 : i32
      %dma_start3A_520 = arith.constant 0 : i32
      %dma_start3A_521 = tpu.memref_slice %arg10[%scan3A_344, %dma_start3A_519, %dma_start3A_520] : memref<2x32x128xi32, #tpu.memory_space<vmem>> -> memref<1x32x128xi32, #tpu.memory_space<vmem>>
      %dma_start3A_522 = tpu.memref_squeeze %dma_start3A_521 : memref<1x32x128xi32, #tpu.memory_space<vmem>> -> memref<32x128xi32, #tpu.memory_space<vmem>>
      %dma_start3A_523 = arith.constant 0 : i32
      %dma_start3A_524 = tpu.memref_slice %dma_start3A_522[%add3A_513, %dma_start3A_523] : memref<32x128xi32, #tpu.memory_space<vmem>> -> memref<1x128xi32, #tpu.memory_space<vmem>>
      %dma_start3A_525 = tpu.memref_squeeze %dma_start3A_524 : memref<1x128xi32, #tpu.memory_space<vmem>> -> memref<128xi32, #tpu.memory_space<vmem>>
      %dma_start3A_526 = arith.constant 0 : i32
      %dma_start3A_527 = arith.constant 0 : i32
      %dma_start3A_528 = tpu.memref_slice %arg8[%dma_start3A_526, %dma_start3A_527] : memref<10112x64xf32, #tpu.memory_space<vmem_shared>> -> memref<10112x64xf32, #tpu.memory_space<vmem_shared>>
      tpu.enqueue_indirect_dma source(%dma_start3A_518 : memref<128x64xf32, #tpu.memory_space<vmem>>) target(%dma_start3A_528 : memref<10112x64xf32, #tpu.memory_space<vmem_shared>>) offsets(%dma_start3A_525 : memref<128xi32, #tpu.memory_space<vmem>>) semaphore(%arg13 : memref<!tpu.dma_semaphore, #tpu.memory_space<semaphore_mem>>) {add = true}
      %dma_wait3A_529 = arith.constant 1 : i32
      %dma_wait3A_530 = arith.constant 0 : i32
      %dma_wait3A_531 = arith.constant 0 : i32
      %dma_wait3A_532 = tpu.memref_slice %arg11[%dma_wait3A_529, %dma_wait3A_530, %dma_wait3A_531] : memref<2x128x64xf32, #tpu.memory_space<vmem>> -> memref<1x128x64xf32, #tpu.memory_space<vmem>>
      %dma_wait3A_533 = tpu.memref_squeeze %dma_wait3A_532 : memref<1x128x64xf32, #tpu.memory_space<vmem>> -> memref<128x64xf32, #tpu.memory_space<vmem>>
      %dma_wait3A_534 = arith.constant 0 : i32
      %dma_wait3A_535 = arith.constant 0 : i32
      %dma_wait3A_536 = tpu.memref_slice %arg10[%scan3A_344, %dma_wait3A_534, %dma_wait3A_535] : memref<2x32x128xi32, #tpu.memory_space<vmem>> -> memref<1x32x128xi32, #tpu.memory_space<vmem>>
      %dma_wait3A_537 = tpu.memref_squeeze %dma_wait3A_536 : memref<1x32x128xi32, #tpu.memory_space<vmem>> -> memref<32x128xi32, #tpu.memory_space<vmem>>
      %dma_wait3A_538 = arith.constant 0 : i32
      %dma_wait3A_539 = tpu.memref_slice %dma_wait3A_537[%add3A_513, %dma_wait3A_538] : memref<32x128xi32, #tpu.memory_space<vmem>> -> memref<1x128xi32, #tpu.memory_space<vmem>>
      %dma_wait3A_540 = tpu.memref_squeeze %dma_wait3A_539 : memref<1x128xi32, #tpu.memory_space<vmem>> -> memref<128xi32, #tpu.memory_space<vmem>>
      %dma_wait3A_541 = arith.constant 0 : i32
      %dma_wait3A_542 = arith.constant 0 : i32
      %dma_wait3A_543 = tpu.memref_slice %arg8[%dma_wait3A_541, %dma_wait3A_542] : memref<10112x64xf32, #tpu.memory_space<vmem_shared>> -> memref<10112x64xf32, #tpu.memory_space<vmem_shared>>
      tpu.wait_indirect_dma semaphore(%arg13 : memref<!tpu.dma_semaphore, #tpu.memory_space<semaphore_mem>>) src(%dma_wait3A_533 : memref<128x64xf32, #tpu.memory_space<vmem>>) dst(%dma_wait3A_543 : memref<10112x64xf32, #tpu.memory_space<vmem_shared>>)
      %add3A_544 = arith.constant 2 : i32
      %add3A_545 = arith.addi %mul3A_395, %add3A_544 : i32
      %add3A_546 = arith.constant 1 : i32
      %add3A_547 = arith.addi %add3A_545, %add3A_546 : i32
      %dma_start3A_548 = arith.constant 1 : i32
      %dma_start3A_549 = arith.constant 0 : i32
      %dma_start3A_550 = arith.constant 0 : i32
      %dma_start3A_551 = tpu.memref_slice %arg11[%dma_start3A_548, %dma_start3A_549, %dma_start3A_550] : memref<2x128x64xf32, #tpu.memory_space<vmem>> -> memref<1x128x64xf32, #tpu.memory_space<vmem>>
      %dma_start3A_552 = tpu.memref_squeeze %dma_start3A_551 : memref<1x128x64xf32, #tpu.memory_space<vmem>> -> memref<128x64xf32, #tpu.memory_space<vmem>>
      %dma_start3A_553 = arith.constant 0 : i32
      %dma_start3A_554 = arith.constant 0 : i32
      %dma_start3A_555 = tpu.memref_slice %arg9[%scan3A_343, %dma_start3A_553, %dma_start3A_554] : memref<2x32x128xi32, #tpu.memory_space<vmem>> -> memref<1x32x128xi32, #tpu.memory_space<vmem>>
      %dma_start3A_556 = tpu.memref_squeeze %dma_start3A_555 : memref<1x32x128xi32, #tpu.memory_space<vmem>> -> memref<32x128xi32, #tpu.memory_space<vmem>>
      %dma_start3A_557 = arith.constant 0 : i32
      %dma_start3A_558 = tpu.memref_slice %dma_start3A_556[%add3A_547, %dma_start3A_557] : memref<32x128xi32, #tpu.memory_space<vmem>> -> memref<1x128xi32, #tpu.memory_space<vmem>>
      %dma_start3A_559 = tpu.memref_squeeze %dma_start3A_558 : memref<1x128xi32, #tpu.memory_space<vmem>> -> memref<128xi32, #tpu.memory_space<vmem>>
      %dma_start3A_560 = arith.constant 0 : i32
      %dma_start3A_561 = arith.constant 0 : i32
      %dma_start3A_562 = tpu.memref_slice %arg7[%dma_start3A_560, %dma_start3A_561] : memref<10112x64xf32, #tpu.memory_space<vmem_shared>> -> memref<10112x64xf32, #tpu.memory_space<vmem_shared>>
      tpu.enqueue_indirect_dma source(%dma_start3A_562 : memref<10112x64xf32, #tpu.memory_space<vmem_shared>>) target(%dma_start3A_552 : memref<128x64xf32, #tpu.memory_space<vmem>>) offsets(%dma_start3A_559 : memref<128xi32, #tpu.memory_space<vmem>>) semaphore(%arg12 : memref<!tpu.dma_semaphore, #tpu.memory_space<semaphore_mem>>)
      %dma_wait3A_563 = arith.constant 0 : i32
      %dma_wait3A_564 = arith.constant 0 : i32
      %dma_wait3A_565 = arith.constant 0 : i32
      %dma_wait3A_566 = tpu.memref_slice %arg11[%dma_wait3A_563, %dma_wait3A_564, %dma_wait3A_565] : memref<2x128x64xf32, #tpu.memory_space<vmem>> -> memref<1x128x64xf32, #tpu.memory_space<vmem>>
      %dma_wait3A_567 = tpu.memref_squeeze %dma_wait3A_566 : memref<1x128x64xf32, #tpu.memory_space<vmem>> -> memref<128x64xf32, #tpu.memory_space<vmem>>
      %dma_wait3A_568 = arith.constant 0 : i32
      %dma_wait3A_569 = arith.constant 0 : i32
      %dma_wait3A_570 = tpu.memref_slice %arg9[%scan3A_343, %dma_wait3A_568, %dma_wait3A_569] : memref<2x32x128xi32, #tpu.memory_space<vmem>> -> memref<1x32x128xi32, #tpu.memory_space<vmem>>
      %dma_wait3A_571 = tpu.memref_squeeze %dma_wait3A_570 : memref<1x32x128xi32, #tpu.memory_space<vmem>> -> memref<32x128xi32, #tpu.memory_space<vmem>>
      %dma_wait3A_572 = arith.constant 0 : i32
      %dma_wait3A_573 = tpu.memref_slice %dma_wait3A_571[%add3A_481, %dma_wait3A_572] : memref<32x128xi32, #tpu.memory_space<vmem>> -> memref<1x128xi32, #tpu.memory_space<vmem>>
      %dma_wait3A_574 = tpu.memref_squeeze %dma_wait3A_573 : memref<1x128xi32, #tpu.memory_space<vmem>> -> memref<128xi32, #tpu.memory_space<vmem>>
      %dma_wait3A_575 = arith.constant 0 : i32
      %dma_wait3A_576 = arith.constant 0 : i32
      %dma_wait3A_577 = tpu.memref_slice %arg7[%dma_wait3A_575, %dma_wait3A_576] : memref<10112x64xf32, #tpu.memory_space<vmem_shared>> -> memref<10112x64xf32, #tpu.memory_space<vmem_shared>>
      tpu.wait_indirect_dma semaphore(%arg12 : memref<!tpu.dma_semaphore, #tpu.memory_space<semaphore_mem>>) src(%dma_wait3A_577 : memref<10112x64xf32, #tpu.memory_space<vmem_shared>>) dst(%dma_wait3A_567 : memref<128x64xf32, #tpu.memory_space<vmem>>)
      %add3A_578 = arith.constant 2 : i32
      %add3A_579 = arith.addi %mul3A_395, %add3A_578 : i32
      %dma_start3A_580 = arith.constant 0 : i32
      %dma_start3A_581 = arith.constant 0 : i32
      %dma_start3A_582 = arith.constant 0 : i32
      %dma_start3A_583 = tpu.memref_slice %arg11[%dma_start3A_580, %dma_start3A_581, %dma_start3A_582] : memref<2x128x64xf32, #tpu.memory_space<vmem>> -> memref<1x128x64xf32, #tpu.memory_space<vmem>>
      %dma_start3A_584 = tpu.memref_squeeze %dma_start3A_583 : memref<1x128x64xf32, #tpu.memory_space<vmem>> -> memref<128x64xf32, #tpu.memory_space<vmem>>
      %dma_start3A_585 = arith.constant 0 : i32
      %dma_start3A_586 = arith.constant 0 : i32
      %dma_start3A_587 = tpu.memref_slice %arg10[%scan3A_344, %dma_start3A_585, %dma_start3A_586] : memref<2x32x128xi32, #tpu.memory_space<vmem>> -> memref<1x32x128xi32, #tpu.memory_space<vmem>>
      %dma_start3A_588 = tpu.memref_squeeze %dma_start3A_587 : memref<1x32x128xi32, #tpu.memory_space<vmem>> -> memref<32x128xi32, #tpu.memory_space<vmem>>
      %dma_start3A_589 = arith.constant 0 : i32
      %dma_start3A_590 = tpu.memref_slice %dma_start3A_588[%add3A_579, %dma_start3A_589] : memref<32x128xi32, #tpu.memory_space<vmem>> -> memref<1x128xi32, #tpu.memory_space<vmem>>
      %dma_start3A_591 = tpu.memref_squeeze %dma_start3A_590 : memref<1x128xi32, #tpu.memory_space<vmem>> -> memref<128xi32, #tpu.memory_space<vmem>>
      %dma_start3A_592 = arith.constant 0 : i32
      %dma_start3A_593 = arith.constant 0 : i32
      %dma_start3A_594 = tpu.memref_slice %arg8[%dma_start3A_592, %dma_start3A_593] : memref<10112x64xf32, #tpu.memory_space<vmem_shared>> -> memref<10112x64xf32, #tpu.memory_space<vmem_shared>>
      tpu.enqueue_indirect_dma source(%dma_start3A_584 : memref<128x64xf32, #tpu.memory_space<vmem>>) target(%dma_start3A_594 : memref<10112x64xf32, #tpu.memory_space<vmem_shared>>) offsets(%dma_start3A_591 : memref<128xi32, #tpu.memory_space<vmem>>) semaphore(%arg13 : memref<!tpu.dma_semaphore, #tpu.memory_space<semaphore_mem>>) {add = true}
      %dma_wait3A_595 = arith.constant 0 : i32
      %dma_wait3A_596 = arith.constant 0 : i32
      %dma_wait3A_597 = arith.constant 0 : i32
      %dma_wait3A_598 = tpu.memref_slice %arg11[%dma_wait3A_595, %dma_wait3A_596, %dma_wait3A_597] : memref<2x128x64xf32, #tpu.memory_space<vmem>> -> memref<1x128x64xf32, #tpu.memory_space<vmem>>
      %dma_wait3A_599 = tpu.memref_squeeze %dma_wait3A_598 : memref<1x128x64xf32, #tpu.memory_space<vmem>> -> memref<128x64xf32, #tpu.memory_space<vmem>>
      %dma_wait3A_600 = arith.constant 0 : i32
      %dma_wait3A_601 = arith.constant 0 : i32
      %dma_wait3A_602 = tpu.memref_slice %arg10[%scan3A_344, %dma_wait3A_600, %dma_wait3A_601] : memref<2x32x128xi32, #tpu.memory_space<vmem>> -> memref<1x32x128xi32, #tpu.memory_space<vmem>>
      %dma_wait3A_603 = tpu.memref_squeeze %dma_wait3A_602 : memref<1x32x128xi32, #tpu.memory_space<vmem>> -> memref<32x128xi32, #tpu.memory_space<vmem>>
      %dma_wait3A_604 = arith.constant 0 : i32
      %dma_wait3A_605 = tpu.memref_slice %dma_wait3A_603[%add3A_579, %dma_wait3A_604] : memref<32x128xi32, #tpu.memory_space<vmem>> -> memref<1x128xi32, #tpu.memory_space<vmem>>
      %dma_wait3A_606 = tpu.memref_squeeze %dma_wait3A_605 : memref<1x128xi32, #tpu.memory_space<vmem>> -> memref<128xi32, #tpu.memory_space<vmem>>
      %dma_wait3A_607 = arith.constant 0 : i32
      %dma_wait3A_608 = arith.constant 0 : i32
      %dma_wait3A_609 = tpu.memref_slice %arg8[%dma_wait3A_607, %dma_wait3A_608] : memref<10112x64xf32, #tpu.memory_space<vmem_shared>> -> memref<10112x64xf32, #tpu.memory_space<vmem_shared>>
      tpu.wait_indirect_dma semaphore(%arg13 : memref<!tpu.dma_semaphore, #tpu.memory_space<semaphore_mem>>) src(%dma_wait3A_599 : memref<128x64xf32, #tpu.memory_space<vmem>>) dst(%dma_wait3A_609 : memref<10112x64xf32, #tpu.memory_space<vmem_shared>>)
      %add3A_610 = arith.constant 3 : i32
      %add3A_611 = arith.addi %mul3A_395, %add3A_610 : i32
      %add3A_612 = arith.constant 1 : i32
      %add3A_613 = arith.addi %add3A_611, %add3A_612 : i32
      %dma_start3A_614 = arith.constant 0 : i32
      %dma_start3A_615 = arith.constant 0 : i32
      %dma_start3A_616 = arith.constant 0 : i32
      %dma_start3A_617 = tpu.memref_slice %arg11[%dma_start3A_614, %dma_start3A_615, %dma_start3A_616] : memref<2x128x64xf32, #tpu.memory_space<vmem>> -> memref<1x128x64xf32, #tpu.memory_space<vmem>>
      %dma_start3A_618 = tpu.memref_squeeze %dma_start3A_617 : memref<1x128x64xf32, #tpu.memory_space<vmem>> -> memref<128x64xf32, #tpu.memory_space<vmem>>
      %dma_start3A_619 = arith.constant 0 : i32
      %dma_start3A_620 = arith.constant 0 : i32
      %dma_start3A_621 = tpu.memref_slice %arg9[%scan3A_343, %dma_start3A_619, %dma_start3A_620] : memref<2x32x128xi32, #tpu.memory_space<vmem>> -> memref<1x32x128xi32, #tpu.memory_space<vmem>>
      %dma_start3A_622 = tpu.memref_squeeze %dma_start3A_621 : memref<1x32x128xi32, #tpu.memory_space<vmem>> -> memref<32x128xi32, #tpu.memory_space<vmem>>
      %dma_start3A_623 = arith.constant 0 : i32
      %dma_start3A_624 = tpu.memref_slice %dma_start3A_622[%add3A_613, %dma_start3A_623] : memref<32x128xi32, #tpu.memory_space<vmem>> -> memref<1x128xi32, #tpu.memory_space<vmem>>
      %dma_start3A_625 = tpu.memref_squeeze %dma_start3A_624 : memref<1x128xi32, #tpu.memory_space<vmem>> -> memref<128xi32, #tpu.memory_space<vmem>>
      %dma_start3A_626 = arith.constant 0 : i32
      %dma_start3A_627 = arith.constant 0 : i32
      %dma_start3A_628 = tpu.memref_slice %arg7[%dma_start3A_626, %dma_start3A_627] : memref<10112x64xf32, #tpu.memory_space<vmem_shared>> -> memref<10112x64xf32, #tpu.memory_space<vmem_shared>>
      tpu.enqueue_indirect_dma source(%dma_start3A_628 : memref<10112x64xf32, #tpu.memory_space<vmem_shared>>) target(%dma_start3A_618 : memref<128x64xf32, #tpu.memory_space<vmem>>) offsets(%dma_start3A_625 : memref<128xi32, #tpu.memory_space<vmem>>) semaphore(%arg12 : memref<!tpu.dma_semaphore, #tpu.memory_space<semaphore_mem>>)
      %dma_wait3A_629 = arith.constant 1 : i32
      %dma_wait3A_630 = arith.constant 0 : i32
      %dma_wait3A_631 = arith.constant 0 : i32
      %dma_wait3A_632 = tpu.memref_slice %arg11[%dma_wait3A_629, %dma_wait3A_630, %dma_wait3A_631] : memref<2x128x64xf32, #tpu.memory_space<vmem>> -> memref<1x128x64xf32, #tpu.memory_space<vmem>>
      %dma_wait3A_633 = tpu.memref_squeeze %dma_wait3A_632 : memref<1x128x64xf32, #tpu.memory_space<vmem>> -> memref<128x64xf32, #tpu.memory_space<vmem>>
      %dma_wait3A_634 = arith.constant 0 : i32
      %dma_wait3A_635 = arith.constant 0 : i32
      %dma_wait3A_636 = tpu.memref_slice %arg9[%scan3A_343, %dma_wait3A_634, %dma_wait3A_635] : memref<2x32x128xi32, #tpu.memory_space<vmem>> -> memref<1x32x128xi32, #tpu.memory_space<vmem>>
      %dma_wait3A_637 = tpu.memref_squeeze %dma_wait3A_636 : memref<1x32x128xi32, #tpu.memory_space<vmem>> -> memref<32x128xi32, #tpu.memory_space<vmem>>
      %dma_wait3A_638 = arith.constant 0 : i32
      %dma_wait3A_639 = tpu.memref_slice %dma_wait3A_637[%add3A_547, %dma_wait3A_638] : memref<32x128xi32, #tpu.memory_space<vmem>> -> memref<1x128xi32, #tpu.memory_space<vmem>>
      %dma_wait3A_640 = tpu.memref_squeeze %dma_wait3A_639 : memref<1x128xi32, #tpu.memory_space<vmem>> -> memref<128xi32, #tpu.memory_space<vmem>>
      %dma_wait3A_641 = arith.constant 0 : i32
      %dma_wait3A_642 = arith.constant 0 : i32
      %dma_wait3A_643 = tpu.memref_slice %arg7[%dma_wait3A_641, %dma_wait3A_642] : memref<10112x64xf32, #tpu.memory_space<vmem_shared>> -> memref<10112x64xf32, #tpu.memory_space<vmem_shared>>
      tpu.wait_indirect_dma semaphore(%arg12 : memref<!tpu.dma_semaphore, #tpu.memory_space<semaphore_mem>>) src(%dma_wait3A_643 : memref<10112x64xf32, #tpu.memory_space<vmem_shared>>) dst(%dma_wait3A_633 : memref<128x64xf32, #tpu.memory_space<vmem>>)
      %add3A_644 = arith.constant 3 : i32
      %add3A_645 = arith.addi %mul3A_395, %add3A_644 : i32
      %dma_start3A_646 = arith.constant 1 : i32
      %dma_start3A_647 = arith.constant 0 : i32
      %dma_start3A_648 = arith.constant 0 : i32
      %dma_start3A_649 = tpu.memref_slice %arg11[%dma_start3A_646, %dma_start3A_647, %dma_start3A_648] : memref<2x128x64xf32, #tpu.memory_space<vmem>> -> memref<1x128x64xf32, #tpu.memory_space<vmem>>
      %dma_start3A_650 = tpu.memref_squeeze %dma_start3A_649 : memref<1x128x64xf32, #tpu.memory_space<vmem>> -> memref<128x64xf32, #tpu.memory_space<vmem>>
      %dma_start3A_651 = arith.constant 0 : i32
      %dma_start3A_652 = arith.constant 0 : i32
      %dma_start3A_653 = tpu.memref_slice %arg10[%scan3A_344, %dma_start3A_651, %dma_start3A_652] : memref<2x32x128xi32, #tpu.memory_space<vmem>> -> memref<1x32x128xi32, #tpu.memory_space<vmem>>
      %dma_start3A_654 = tpu.memref_squeeze %dma_start3A_653 : memref<1x32x128xi32, #tpu.memory_space<vmem>> -> memref<32x128xi32, #tpu.memory_space<vmem>>
      %dma_start3A_655 = arith.constant 0 : i32
      %dma_start3A_656 = tpu.memref_slice %dma_start3A_654[%add3A_645, %dma_start3A_655] : memref<32x128xi32, #tpu.memory_space<vmem>> -> memref<1x128xi32, #tpu.memory_space<vmem>>
      %dma_start3A_657 = tpu.memref_squeeze %dma_start3A_656 : memref<1x128xi32, #tpu.memory_space<vmem>> -> memref<128xi32, #tpu.memory_space<vmem>>
      %dma_start3A_658 = arith.constant 0 : i32
      %dma_start3A_659 = arith.constant 0 : i32
      %dma_start3A_660 = tpu.memref_slice %arg8[%dma_start3A_658, %dma_start3A_659] : memref<10112x64xf32, #tpu.memory_space<vmem_shared>> -> memref<10112x64xf32, #tpu.memory_space<vmem_shared>>
      tpu.enqueue_indirect_dma source(%dma_start3A_650 : memref<128x64xf32, #tpu.memory_space<vmem>>) target(%dma_start3A_660 : memref<10112x64xf32, #tpu.memory_space<vmem_shared>>) offsets(%dma_start3A_657 : memref<128xi32, #tpu.memory_space<vmem>>) semaphore(%arg13 : memref<!tpu.dma_semaphore, #tpu.memory_space<semaphore_mem>>) {add = true}
      %dma_wait3A_661 = arith.constant 1 : i32
      %dma_wait3A_662 = arith.constant 0 : i32
      %dma_wait3A_663 = arith.constant 0 : i32
      %dma_wait3A_664 = tpu.memref_slice %arg11[%dma_wait3A_661, %dma_wait3A_662, %dma_wait3A_663] : memref<2x128x64xf32, #tpu.memory_space<vmem>> -> memref<1x128x64xf32, #tpu.memory_space<vmem>>
      %dma_wait3A_665 = tpu.memref_squeeze %dma_wait3A_664 : memref<1x128x64xf32, #tpu.memory_space<vmem>> -> memref<128x64xf32, #tpu.memory_space<vmem>>
      %dma_wait3A_666 = arith.constant 0 : i32
      %dma_wait3A_667 = arith.constant 0 : i32
      %dma_wait3A_668 = tpu.memref_slice %arg10[%scan3A_344, %dma_wait3A_666, %dma_wait3A_667] : memref<2x32x128xi32, #tpu.memory_space<vmem>> -> memref<1x32x128xi32, #tpu.memory_space<vmem>>
      %dma_wait3A_669 = tpu.memref_squeeze %dma_wait3A_668 : memref<1x32x128xi32, #tpu.memory_space<vmem>> -> memref<32x128xi32, #tpu.memory_space<vmem>>
      %dma_wait3A_670 = arith.constant 0 : i32
      %dma_wait3A_671 = tpu.memref_slice %dma_wait3A_669[%add3A_645, %dma_wait3A_670] : memref<32x128xi32, #tpu.memory_space<vmem>> -> memref<1x128xi32, #tpu.memory_space<vmem>>
      %dma_wait3A_672 = tpu.memref_squeeze %dma_wait3A_671 : memref<1x128xi32, #tpu.memory_space<vmem>> -> memref<128xi32, #tpu.memory_space<vmem>>
      %dma_wait3A_673 = arith.constant 0 : i32
      %dma_wait3A_674 = arith.constant 0 : i32
      %dma_wait3A_675 = tpu.memref_slice %arg8[%dma_wait3A_673, %dma_wait3A_674] : memref<10112x64xf32, #tpu.memory_space<vmem_shared>> -> memref<10112x64xf32, #tpu.memory_space<vmem_shared>>
      tpu.wait_indirect_dma semaphore(%arg13 : memref<!tpu.dma_semaphore, #tpu.memory_space<semaphore_mem>>) src(%dma_wait3A_665 : memref<128x64xf32, #tpu.memory_space<vmem>>) dst(%dma_wait3A_675 : memref<10112x64xf32, #tpu.memory_space<vmem_shared>>)
      %add3A_676 = arith.constant 4 : i32
      %add3A_677 = arith.addi %mul3A_395, %add3A_676 : i32
      %add3A_678 = arith.constant 1 : i32
      %add3A_679 = arith.addi %add3A_677, %add3A_678 : i32
      %dma_start3A_680 = arith.constant 1 : i32
      %dma_start3A_681 = arith.constant 0 : i32
      %dma_start3A_682 = arith.constant 0 : i32
      %dma_start3A_683 = tpu.memref_slice %arg11[%dma_start3A_680, %dma_start3A_681, %dma_start3A_682] : memref<2x128x64xf32, #tpu.memory_space<vmem>> -> memref<1x128x64xf32, #tpu.memory_space<vmem>>
      %dma_start3A_684 = tpu.memref_squeeze %dma_start3A_683 : memref<1x128x64xf32, #tpu.memory_space<vmem>> -> memref<128x64xf32, #tpu.memory_space<vmem>>
      %dma_start3A_685 = arith.constant 0 : i32
      %dma_start3A_686 = arith.constant 0 : i32
      %dma_start3A_687 = tpu.memref_slice %arg9[%scan3A_343, %dma_start3A_685, %dma_start3A_686] : memref<2x32x128xi32, #tpu.memory_space<vmem>> -> memref<1x32x128xi32, #tpu.memory_space<vmem>>
      %dma_start3A_688 = tpu.memref_squeeze %dma_start3A_687 : memref<1x32x128xi32, #tpu.memory_space<vmem>> -> memref<32x128xi32, #tpu.memory_space<vmem>>
      %dma_start3A_689 = arith.constant 0 : i32
      %dma_start3A_690 = tpu.memref_slice %dma_start3A_688[%add3A_679, %dma_start3A_689] : memref<32x128xi32, #tpu.memory_space<vmem>> -> memref<1x128xi32, #tpu.memory_space<vmem>>
      %dma_start3A_691 = tpu.memref_squeeze %dma_start3A_690 : memref<1x128xi32, #tpu.memory_space<vmem>> -> memref<128xi32, #tpu.memory_space<vmem>>
      %dma_start3A_692 = arith.constant 0 : i32
      %dma_start3A_693 = arith.constant 0 : i32
      %dma_start3A_694 = tpu.memref_slice %arg7[%dma_start3A_692, %dma_start3A_693] : memref<10112x64xf32, #tpu.memory_space<vmem_shared>> -> memref<10112x64xf32, #tpu.memory_space<vmem_shared>>
      tpu.enqueue_indirect_dma source(%dma_start3A_694 : memref<10112x64xf32, #tpu.memory_space<vmem_shared>>) target(%dma_start3A_684 : memref<128x64xf32, #tpu.memory_space<vmem>>) offsets(%dma_start3A_691 : memref<128xi32, #tpu.memory_space<vmem>>) semaphore(%arg12 : memref<!tpu.dma_semaphore, #tpu.memory_space<semaphore_mem>>)
      %dma_wait3A_695 = arith.constant 0 : i32
      %dma_wait3A_696 = arith.constant 0 : i32
      %dma_wait3A_697 = arith.constant 0 : i32
      %dma_wait3A_698 = tpu.memref_slice %arg11[%dma_wait3A_695, %dma_wait3A_696, %dma_wait3A_697] : memref<2x128x64xf32, #tpu.memory_space<vmem>> -> memref<1x128x64xf32, #tpu.memory_space<vmem>>
      %dma_wait3A_699 = tpu.memref_squeeze %dma_wait3A_698 : memref<1x128x64xf32, #tpu.memory_space<vmem>> -> memref<128x64xf32, #tpu.memory_space<vmem>>
      %dma_wait3A_700 = arith.constant 0 : i32
      %dma_wait3A_701 = arith.constant 0 : i32
      %dma_wait3A_702 = tpu.memref_slice %arg9[%scan3A_343, %dma_wait3A_700, %dma_wait3A_701] : memref<2x32x128xi32, #tpu.memory_space<vmem>> -> memref<1x32x128xi32, #tpu.memory_space<vmem>>
      %dma_wait3A_703 = tpu.memref_squeeze %dma_wait3A_702 : memref<1x32x128xi32, #tpu.memory_space<vmem>> -> memref<32x128xi32, #tpu.memory_space<vmem>>
      %dma_wait3A_704 = arith.constant 0 : i32
      %dma_wait3A_705 = tpu.memref_slice %dma_wait3A_703[%add3A_613, %dma_wait3A_704] : memref<32x128xi32, #tpu.memory_space<vmem>> -> memref<1x128xi32, #tpu.memory_space<vmem>>
      %dma_wait3A_706 = tpu.memref_squeeze %dma_wait3A_705 : memref<1x128xi32, #tpu.memory_space<vmem>> -> memref<128xi32, #tpu.memory_space<vmem>>
      %dma_wait3A_707 = arith.constant 0 : i32
      %dma_wait3A_708 = arith.constant 0 : i32
      %dma_wait3A_709 = tpu.memref_slice %arg7[%dma_wait3A_707, %dma_wait3A_708] : memref<10112x64xf32, #tpu.memory_space<vmem_shared>> -> memref<10112x64xf32, #tpu.memory_space<vmem_shared>>
      tpu.wait_indirect_dma semaphore(%arg12 : memref<!tpu.dma_semaphore, #tpu.memory_space<semaphore_mem>>) src(%dma_wait3A_709 : memref<10112x64xf32, #tpu.memory_space<vmem_shared>>) dst(%dma_wait3A_699 : memref<128x64xf32, #tpu.memory_space<vmem>>)
      %add3A_710 = arith.constant 4 : i32
      %add3A_711 = arith.addi %mul3A_395, %add3A_710 : i32
      %dma_start3A_712 = arith.constant 0 : i32
      %dma_start3A_713 = arith.constant 0 : i32
      %dma_start3A_714 = arith.constant 0 : i32
      %dma_start3A_715 = tpu.memref_slice %arg11[%dma_start3A_712, %dma_start3A_713, %dma_start3A_714] : memref<2x128x64xf32, #tpu.memory_space<vmem>> -> memref<1x128x64xf32, #tpu.memory_space<vmem>>
      %dma_start3A_716 = tpu.memref_squeeze %dma_start3A_715 : memref<1x128x64xf32, #tpu.memory_space<vmem>> -> memref<128x64xf32, #tpu.memory_space<vmem>>
      %dma_start3A_717 = arith.constant 0 : i32
      %dma_start3A_718 = arith.constant 0 : i32
      %dma_start3A_719 = tpu.memref_slice %arg10[%scan3A_344, %dma_start3A_717, %dma_start3A_718] : memref<2x32x128xi32, #tpu.memory_space<vmem>> -> memref<1x32x128xi32, #tpu.memory_space<vmem>>
      %dma_start3A_720 = tpu.memref_squeeze %dma_start3A_719 : memref<1x32x128xi32, #tpu.memory_space<vmem>> -> memref<32x128xi32, #tpu.memory_space<vmem>>
      %dma_start3A_721 = arith.constant 0 : i32
      %dma_start3A_722 = tpu.memref_slice %dma_start3A_720[%add3A_711, %dma_start3A_721] : memref<32x128xi32, #tpu.memory_space<vmem>> -> memref<1x128xi32, #tpu.memory_space<vmem>>
      %dma_start3A_723 = tpu.memref_squeeze %dma_start3A_722 : memref<1x128xi32, #tpu.memory_space<vmem>> -> memref<128xi32, #tpu.memory_space<vmem>>
      %dma_start3A_724 = arith.constant 0 : i32
      %dma_start3A_725 = arith.constant 0 : i32
      %dma_start3A_726 = tpu.memref_slice %arg8[%dma_start3A_724, %dma_start3A_725] : memref<10112x64xf32, #tpu.memory_space<vmem_shared>> -> memref<10112x64xf32, #tpu.memory_space<vmem_shared>>
      tpu.enqueue_indirect_dma source(%dma_start3A_716 : memref<128x64xf32, #tpu.memory_space<vmem>>) target(%dma_start3A_726 : memref<10112x64xf32, #tpu.memory_space<vmem_shared>>) offsets(%dma_start3A_723 : memref<128xi32, #tpu.memory_space<vmem>>) semaphore(%arg13 : memref<!tpu.dma_semaphore, #tpu.memory_space<semaphore_mem>>) {add = true}
      %dma_wait3A_727 = arith.constant 0 : i32
      %dma_wait3A_728 = arith.constant 0 : i32
      %dma_wait3A_729 = arith.constant 0 : i32
      %dma_wait3A_730 = tpu.memref_slice %arg11[%dma_wait3A_727, %dma_wait3A_728, %dma_wait3A_729] : memref<2x128x64xf32, #tpu.memory_space<vmem>> -> memref<1x128x64xf32, #tpu.memory_space<vmem>>
      %dma_wait3A_731 = tpu.memref_squeeze %dma_wait3A_730 : memref<1x128x64xf32, #tpu.memory_space<vmem>> -> memref<128x64xf32, #tpu.memory_space<vmem>>
      %dma_wait3A_732 = arith.constant 0 : i32
      %dma_wait3A_733 = arith.constant 0 : i32
      %dma_wait3A_734 = tpu.memref_slice %arg10[%scan3A_344, %dma_wait3A_732, %dma_wait3A_733] : memref<2x32x128xi32, #tpu.memory_space<vmem>> -> memref<1x32x128xi32, #tpu.memory_space<vmem>>
      %dma_wait3A_735 = tpu.memref_squeeze %dma_wait3A_734 : memref<1x32x128xi32, #tpu.memory_space<vmem>> -> memref<32x128xi32, #tpu.memory_space<vmem>>
      %dma_wait3A_736 = arith.constant 0 : i32
      %dma_wait3A_737 = tpu.memref_slice %dma_wait3A_735[%add3A_711, %dma_wait3A_736] : memref<32x128xi32, #tpu.memory_space<vmem>> -> memref<1x128xi32, #tpu.memory_space<vmem>>
      %dma_wait3A_738 = tpu.memref_squeeze %dma_wait3A_737 : memref<1x128xi32, #tpu.memory_space<vmem>> -> memref<128xi32, #tpu.memory_space<vmem>>
      %dma_wait3A_739 = arith.constant 0 : i32
      %dma_wait3A_740 = arith.constant 0 : i32
      %dma_wait3A_741 = tpu.memref_slice %arg8[%dma_wait3A_739, %dma_wait3A_740] : memref<10112x64xf32, #tpu.memory_space<vmem_shared>> -> memref<10112x64xf32, #tpu.memory_space<vmem_shared>>
      tpu.wait_indirect_dma semaphore(%arg13 : memref<!tpu.dma_semaphore, #tpu.memory_space<semaphore_mem>>) src(%dma_wait3A_731 : memref<128x64xf32, #tpu.memory_space<vmem>>) dst(%dma_wait3A_741 : memref<10112x64xf32, #tpu.memory_space<vmem_shared>>)
      %add3A_742 = arith.constant 5 : i32
      %add3A_743 = arith.addi %mul3A_395, %add3A_742 : i32
      %add3A_744 = arith.constant 1 : i32
      %add3A_745 = arith.addi %add3A_743, %add3A_744 : i32
      %dma_start3A_746 = arith.constant 0 : i32
      %dma_start3A_747 = arith.constant 0 : i32
      %dma_start3A_748 = arith.constant 0 : i32
      %dma_start3A_749 = tpu.memref_slice %arg11[%dma_start3A_746, %dma_start3A_747, %dma_start3A_748] : memref<2x128x64xf32, #tpu.memory_space<vmem>> -> memref<1x128x64xf32, #tpu.memory_space<vmem>>
      %dma_start3A_750 = tpu.memref_squeeze %dma_start3A_749 : memref<1x128x64xf32, #tpu.memory_space<vmem>> -> memref<128x64xf32, #tpu.memory_space<vmem>>
      %dma_start3A_751 = arith.constant 0 : i32
      %dma_start3A_752 = arith.constant 0 : i32
      %dma_start3A_753 = tpu.memref_slice %arg9[%scan3A_343, %dma_start3A_751, %dma_start3A_752] : memref<2x32x128xi32, #tpu.memory_space<vmem>> -> memref<1x32x128xi32, #tpu.memory_space<vmem>>
      %dma_start3A_754 = tpu.memref_squeeze %dma_start3A_753 : memref<1x32x128xi32, #tpu.memory_space<vmem>> -> memref<32x128xi32, #tpu.memory_space<vmem>>
      %dma_start3A_755 = arith.constant 0 : i32
      %dma_start3A_756 = tpu.memref_slice %dma_start3A_754[%add3A_745, %dma_start3A_755] : memref<32x128xi32, #tpu.memory_space<vmem>> -> memref<1x128xi32, #tpu.memory_space<vmem>>
      %dma_start3A_757 = tpu.memref_squeeze %dma_start3A_756 : memref<1x128xi32, #tpu.memory_space<vmem>> -> memref<128xi32, #tpu.memory_space<vmem>>
      %dma_start3A_758 = arith.constant 0 : i32
      %dma_start3A_759 = arith.constant 0 : i32
      %dma_start3A_760 = tpu.memref_slice %arg7[%dma_start3A_758, %dma_start3A_759] : memref<10112x64xf32, #tpu.memory_space<vmem_shared>> -> memref<10112x64xf32, #tpu.memory_space<vmem_shared>>
      tpu.enqueue_indirect_dma source(%dma_start3A_760 : memref<10112x64xf32, #tpu.memory_space<vmem_shared>>) target(%dma_start3A_750 : memref<128x64xf32, #tpu.memory_space<vmem>>) offsets(%dma_start3A_757 : memref<128xi32, #tpu.memory_space<vmem>>) semaphore(%arg12 : memref<!tpu.dma_semaphore, #tpu.memory_space<semaphore_mem>>)
      %dma_wait3A_761 = arith.constant 1 : i32
      %dma_wait3A_762 = arith.constant 0 : i32
      %dma_wait3A_763 = arith.constant 0 : i32
      %dma_wait3A_764 = tpu.memref_slice %arg11[%dma_wait3A_761, %dma_wait3A_762, %dma_wait3A_763] : memref<2x128x64xf32, #tpu.memory_space<vmem>> -> memref<1x128x64xf32, #tpu.memory_space<vmem>>
      %dma_wait3A_765 = tpu.memref_squeeze %dma_wait3A_764 : memref<1x128x64xf32, #tpu.memory_space<vmem>> -> memref<128x64xf32, #tpu.memory_space<vmem>>
      %dma_wait3A_766 = arith.constant 0 : i32
      %dma_wait3A_767 = arith.constant 0 : i32
      %dma_wait3A_768 = tpu.memref_slice %arg9[%scan3A_343, %dma_wait3A_766, %dma_wait3A_767] : memref<2x32x128xi32, #tpu.memory_space<vmem>> -> memref<1x32x128xi32, #tpu.memory_space<vmem>>
      %dma_wait3A_769 = tpu.memref_squeeze %dma_wait3A_768 : memref<1x32x128xi32, #tpu.memory_space<vmem>> -> memref<32x128xi32, #tpu.memory_space<vmem>>
      %dma_wait3A_770 = arith.constant 0 : i32
      %dma_wait3A_771 = tpu.memref_slice %dma_wait3A_769[%add3A_679, %dma_wait3A_770] : memref<32x128xi32, #tpu.memory_space<vmem>> -> memref<1x128xi32, #tpu.memory_space<vmem>>
      %dma_wait3A_772 = tpu.memref_squeeze %dma_wait3A_771 : memref<1x128xi32, #tpu.memory_space<vmem>> -> memref<128xi32, #tpu.memory_space<vmem>>
      %dma_wait3A_773 = arith.constant 0 : i32
      %dma_wait3A_774 = arith.constant 0 : i32
      %dma_wait3A_775 = tpu.memref_slice %arg7[%dma_wait3A_773, %dma_wait3A_774] : memref<10112x64xf32, #tpu.memory_space<vmem_shared>> -> memref<10112x64xf32, #tpu.memory_space<vmem_shared>>
      tpu.wait_indirect_dma semaphore(%arg12 : memref<!tpu.dma_semaphore, #tpu.memory_space<semaphore_mem>>) src(%dma_wait3A_775 : memref<10112x64xf32, #tpu.memory_space<vmem_shared>>) dst(%dma_wait3A_765 : memref<128x64xf32, #tpu.memory_space<vmem>>)
      %add3A_776 = arith.constant 5 : i32
      %add3A_777 = arith.addi %mul3A_395, %add3A_776 : i32
      %dma_start3A_778 = arith.constant 1 : i32
      %dma_start3A_779 = arith.constant 0 : i32
      %dma_start3A_780 = arith.constant 0 : i32
      %dma_start3A_781 = tpu.memref_slice %arg11[%dma_start3A_778, %dma_start3A_779, %dma_start3A_780] : memref<2x128x64xf32, #tpu.memory_space<vmem>> -> memref<1x128x64xf32, #tpu.memory_space<vmem>>
      %dma_start3A_782 = tpu.memref_squeeze %dma_start3A_781 : memref<1x128x64xf32, #tpu.memory_space<vmem>> -> memref<128x64xf32, #tpu.memory_space<vmem>>
      %dma_start3A_783 = arith.constant 0 : i32
      %dma_start3A_784 = arith.constant 0 : i32
      %dma_start3A_785 = tpu.memref_slice %arg10[%scan3A_344, %dma_start3A_783, %dma_start3A_784] : memref<2x32x128xi32, #tpu.memory_space<vmem>> -> memref<1x32x128xi32, #tpu.memory_space<vmem>>
      %dma_start3A_786 = tpu.memref_squeeze %dma_start3A_785 : memref<1x32x128xi32, #tpu.memory_space<vmem>> -> memref<32x128xi32, #tpu.memory_space<vmem>>
      %dma_start3A_787 = arith.constant 0 : i32
      %dma_start3A_788 = tpu.memref_slice %dma_start3A_786[%add3A_777, %dma_start3A_787] : memref<32x128xi32, #tpu.memory_space<vmem>> -> memref<1x128xi32, #tpu.memory_space<vmem>>
      %dma_start3A_789 = tpu.memref_squeeze %dma_start3A_788 : memref<1x128xi32, #tpu.memory_space<vmem>> -> memref<128xi32, #tpu.memory_space<vmem>>
      %dma_start3A_790 = arith.constant 0 : i32
      %dma_start3A_791 = arith.constant 0 : i32
      %dma_start3A_792 = tpu.memref_slice %arg8[%dma_start3A_790, %dma_start3A_791] : memref<10112x64xf32, #tpu.memory_space<vmem_shared>> -> memref<10112x64xf32, #tpu.memory_space<vmem_shared>>
      tpu.enqueue_indirect_dma source(%dma_start3A_782 : memref<128x64xf32, #tpu.memory_space<vmem>>) target(%dma_start3A_792 : memref<10112x64xf32, #tpu.memory_space<vmem_shared>>) offsets(%dma_start3A_789 : memref<128xi32, #tpu.memory_space<vmem>>) semaphore(%arg13 : memref<!tpu.dma_semaphore, #tpu.memory_space<semaphore_mem>>) {add = true}
      %dma_wait3A_793 = arith.constant 1 : i32
      %dma_wait3A_794 = arith.constant 0 : i32
      %dma_wait3A_795 = arith.constant 0 : i32
      %dma_wait3A_796 = tpu.memref_slice %arg11[%dma_wait3A_793, %dma_wait3A_794, %dma_wait3A_795] : memref<2x128x64xf32, #tpu.memory_space<vmem>> -> memref<1x128x64xf32, #tpu.memory_space<vmem>>
      %dma_wait3A_797 = tpu.memref_squeeze %dma_wait3A_796 : memref<1x128x64xf32, #tpu.memory_space<vmem>> -> memref<128x64xf32, #tpu.memory_space<vmem>>
      %dma_wait3A_798 = arith.constant 0 : i32
      %dma_wait3A_799 = arith.constant 0 : i32
      %dma_wait3A_800 = tpu.memref_slice %arg10[%scan3A_344, %dma_wait3A_798, %dma_wait3A_799] : memref<2x32x128xi32, #tpu.memory_space<vmem>> -> memref<1x32x128xi32, #tpu.memory_space<vmem>>
      %dma_wait3A_801 = tpu.memref_squeeze %dma_wait3A_800 : memref<1x32x128xi32, #tpu.memory_space<vmem>> -> memref<32x128xi32, #tpu.memory_space<vmem>>
      %dma_wait3A_802 = arith.constant 0 : i32
      %dma_wait3A_803 = tpu.memref_slice %dma_wait3A_801[%add3A_777, %dma_wait3A_802] : memref<32x128xi32, #tpu.memory_space<vmem>> -> memref<1x128xi32, #tpu.memory_space<vmem>>
      %dma_wait3A_804 = tpu.memref_squeeze %dma_wait3A_803 : memref<1x128xi32, #tpu.memory_space<vmem>> -> memref<128xi32, #tpu.memory_space<vmem>>
      %dma_wait3A_805 = arith.constant 0 : i32
      %dma_wait3A_806 = arith.constant 0 : i32
      %dma_wait3A_807 = tpu.memref_slice %arg8[%dma_wait3A_805, %dma_wait3A_806] : memref<10112x64xf32, #tpu.memory_space<vmem_shared>> -> memref<10112x64xf32, #tpu.memory_space<vmem_shared>>
      tpu.wait_indirect_dma semaphore(%arg13 : memref<!tpu.dma_semaphore, #tpu.memory_space<semaphore_mem>>) src(%dma_wait3A_797 : memref<128x64xf32, #tpu.memory_space<vmem>>) dst(%dma_wait3A_807 : memref<10112x64xf32, #tpu.memory_space<vmem_shared>>)
      %add3A_808 = arith.constant 6 : i32
      %add3A_809 = arith.addi %mul3A_395, %add3A_808 : i32
      %add3A_810 = arith.constant 1 : i32
      %add3A_811 = arith.addi %add3A_809, %add3A_810 : i32
      %dma_start3A_812 = arith.constant 1 : i32
      %dma_start3A_813 = arith.constant 0 : i32
      %dma_start3A_814 = arith.constant 0 : i32
      %dma_start3A_815 = tpu.memref_slice %arg11[%dma_start3A_812, %dma_start3A_813, %dma_start3A_814] : memref<2x128x64xf32, #tpu.memory_space<vmem>> -> memref<1x128x64xf32, #tpu.memory_space<vmem>>
      %dma_start3A_816 = tpu.memref_squeeze %dma_start3A_815 : memref<1x128x64xf32, #tpu.memory_space<vmem>> -> memref<128x64xf32, #tpu.memory_space<vmem>>
      %dma_start3A_817 = arith.constant 0 : i32
      %dma_start3A_818 = arith.constant 0 : i32
      %dma_start3A_819 = tpu.memref_slice %arg9[%scan3A_343, %dma_start3A_817, %dma_start3A_818] : memref<2x32x128xi32, #tpu.memory_space<vmem>> -> memref<1x32x128xi32, #tpu.memory_space<vmem>>
      %dma_start3A_820 = tpu.memref_squeeze %dma_start3A_819 : memref<1x32x128xi32, #tpu.memory_space<vmem>> -> memref<32x128xi32, #tpu.memory_space<vmem>>
      %dma_start3A_821 = arith.constant 0 : i32
      %dma_start3A_822 = tpu.memref_slice %dma_start3A_820[%add3A_811, %dma_start3A_821] : memref<32x128xi32, #tpu.memory_space<vmem>> -> memref<1x128xi32, #tpu.memory_space<vmem>>
      %dma_start3A_823 = tpu.memref_squeeze %dma_start3A_822 : memref<1x128xi32, #tpu.memory_space<vmem>> -> memref<128xi32, #tpu.memory_space<vmem>>
      %dma_start3A_824 = arith.constant 0 : i32
      %dma_start3A_825 = arith.constant 0 : i32
      %dma_start3A_826 = tpu.memref_slice %arg7[%dma_start3A_824, %dma_start3A_825] : memref<10112x64xf32, #tpu.memory_space<vmem_shared>> -> memref<10112x64xf32, #tpu.memory_space<vmem_shared>>
      tpu.enqueue_indirect_dma source(%dma_start3A_826 : memref<10112x64xf32, #tpu.memory_space<vmem_shared>>) target(%dma_start3A_816 : memref<128x64xf32, #tpu.memory_space<vmem>>) offsets(%dma_start3A_823 : memref<128xi32, #tpu.memory_space<vmem>>) semaphore(%arg12 : memref<!tpu.dma_semaphore, #tpu.memory_space<semaphore_mem>>)
      %dma_wait3A_827 = arith.constant 0 : i32
      %dma_wait3A_828 = arith.constant 0 : i32
      %dma_wait3A_829 = arith.constant 0 : i32
      %dma_wait3A_830 = tpu.memref_slice %arg11[%dma_wait3A_827, %dma_wait3A_828, %dma_wait3A_829] : memref<2x128x64xf32, #tpu.memory_space<vmem>> -> memref<1x128x64xf32, #tpu.memory_space<vmem>>
      %dma_wait3A_831 = tpu.memref_squeeze %dma_wait3A_830 : memref<1x128x64xf32, #tpu.memory_space<vmem>> -> memref<128x64xf32, #tpu.memory_space<vmem>>
      %dma_wait3A_832 = arith.constant 0 : i32
      %dma_wait3A_833 = arith.constant 0 : i32
      %dma_wait3A_834 = tpu.memref_slice %arg9[%scan3A_343, %dma_wait3A_832, %dma_wait3A_833] : memref<2x32x128xi32, #tpu.memory_space<vmem>> -> memref<1x32x128xi32, #tpu.memory_space<vmem>>
      %dma_wait3A_835 = tpu.memref_squeeze %dma_wait3A_834 : memref<1x32x128xi32, #tpu.memory_space<vmem>> -> memref<32x128xi32, #tpu.memory_space<vmem>>
      %dma_wait3A_836 = arith.constant 0 : i32
      %dma_wait3A_837 = tpu.memref_slice %dma_wait3A_835[%add3A_745, %dma_wait3A_836] : memref<32x128xi32, #tpu.memory_space<vmem>> -> memref<1x128xi32, #tpu.memory_space<vmem>>
      %dma_wait3A_838 = tpu.memref_squeeze %dma_wait3A_837 : memref<1x128xi32, #tpu.memory_space<vmem>> -> memref<128xi32, #tpu.memory_space<vmem>>
      %dma_wait3A_839 = arith.constant 0 : i32
      %dma_wait3A_840 = arith.constant 0 : i32
      %dma_wait3A_841 = tpu.memref_slice %arg7[%dma_wait3A_839, %dma_wait3A_840] : memref<10112x64xf32, #tpu.memory_space<vmem_shared>> -> memref<10112x64xf32, #tpu.memory_space<vmem_shared>>
      tpu.wait_indirect_dma semaphore(%arg12 : memref<!tpu.dma_semaphore, #tpu.memory_space<semaphore_mem>>) src(%dma_wait3A_841 : memref<10112x64xf32, #tpu.memory_space<vmem_shared>>) dst(%dma_wait3A_831 : memref<128x64xf32, #tpu.memory_space<vmem>>)
      %add3A_842 = arith.constant 6 : i32
      %add3A_843 = arith.addi %mul3A_395, %add3A_842 : i32
      %dma_start3A_844 = arith.constant 0 : i32
      %dma_start3A_845 = arith.constant 0 : i32
      %dma_start3A_846 = arith.constant 0 : i32
      %dma_start3A_847 = tpu.memref_slice %arg11[%dma_start3A_844, %dma_start3A_845, %dma_start3A_846] : memref<2x128x64xf32, #tpu.memory_space<vmem>> -> memref<1x128x64xf32, #tpu.memory_space<vmem>>
      %dma_start3A_848 = tpu.memref_squeeze %dma_start3A_847 : memref<1x128x64xf32, #tpu.memory_space<vmem>> -> memref<128x64xf32, #tpu.memory_space<vmem>>
      %dma_start3A_849 = arith.constant 0 : i32
      %dma_start3A_850 = arith.constant 0 : i32
      %dma_start3A_851 = tpu.memref_slice %arg10[%scan3A_344, %dma_start3A_849, %dma_start3A_850] : memref<2x32x128xi32, #tpu.memory_space<vmem>> -> memref<1x32x128xi32, #tpu.memory_space<vmem>>
      %dma_start3A_852 = tpu.memref_squeeze %dma_start3A_851 : memref<1x32x128xi32, #tpu.memory_space<vmem>> -> memref<32x128xi32, #tpu.memory_space<vmem>>
      %dma_start3A_853 = arith.constant 0 : i32
      %dma_start3A_854 = tpu.memref_slice %dma_start3A_852[%add3A_843, %dma_start3A_853] : memref<32x128xi32, #tpu.memory_space<vmem>> -> memref<1x128xi32, #tpu.memory_space<vmem>>
      %dma_start3A_855 = tpu.memref_squeeze %dma_start3A_854 : memref<1x128xi32, #tpu.memory_space<vmem>> -> memref<128xi32, #tpu.memory_space<vmem>>
      %dma_start3A_856 = arith.constant 0 : i32
      %dma_start3A_857 = arith.constant 0 : i32
      %dma_start3A_858 = tpu.memref_slice %arg8[%dma_start3A_856, %dma_start3A_857] : memref<10112x64xf32, #tpu.memory_space<vmem_shared>> -> memref<10112x64xf32, #tpu.memory_space<vmem_shared>>
      tpu.enqueue_indirect_dma source(%dma_start3A_848 : memref<128x64xf32, #tpu.memory_space<vmem>>) target(%dma_start3A_858 : memref<10112x64xf32, #tpu.memory_space<vmem_shared>>) offsets(%dma_start3A_855 : memref<128xi32, #tpu.memory_space<vmem>>) semaphore(%arg13 : memref<!tpu.dma_semaphore, #tpu.memory_space<semaphore_mem>>) {add = true}
      %dma_wait3A_859 = arith.constant 1 : i32
      %dma_wait3A_860 = arith.constant 0 : i32
      %dma_wait3A_861 = arith.constant 0 : i32
      %dma_wait3A_862 = tpu.memref_slice %arg11[%dma_wait3A_859, %dma_wait3A_860, %dma_wait3A_861] : memref<2x128x64xf32, #tpu.memory_space<vmem>> -> memref<1x128x64xf32, #tpu.memory_space<vmem>>
      %dma_wait3A_863 = tpu.memref_squeeze %dma_wait3A_862 : memref<1x128x64xf32, #tpu.memory_space<vmem>> -> memref<128x64xf32, #tpu.memory_space<vmem>>
      %dma_wait3A_864 = arith.constant 0 : i32
      %dma_wait3A_865 = arith.constant 0 : i32
      %dma_wait3A_866 = tpu.memref_slice %arg9[%scan3A_343, %dma_wait3A_864, %dma_wait3A_865] : memref<2x32x128xi32, #tpu.memory_space<vmem>> -> memref<1x32x128xi32, #tpu.memory_space<vmem>>
      %dma_wait3A_867 = tpu.memref_squeeze %dma_wait3A_866 : memref<1x32x128xi32, #tpu.memory_space<vmem>> -> memref<32x128xi32, #tpu.memory_space<vmem>>
      %dma_wait3A_868 = arith.constant 0 : i32
      %dma_wait3A_869 = tpu.memref_slice %dma_wait3A_867[%add3A_811, %dma_wait3A_868] : memref<32x128xi32, #tpu.memory_space<vmem>> -> memref<1x128xi32, #tpu.memory_space<vmem>>
      %dma_wait3A_870 = tpu.memref_squeeze %dma_wait3A_869 : memref<1x128xi32, #tpu.memory_space<vmem>> -> memref<128xi32, #tpu.memory_space<vmem>>
      %dma_wait3A_871 = arith.constant 0 : i32
      %dma_wait3A_872 = arith.constant 0 : i32
      %dma_wait3A_873 = tpu.memref_slice %arg7[%dma_wait3A_871, %dma_wait3A_872] : memref<10112x64xf32, #tpu.memory_space<vmem_shared>> -> memref<10112x64xf32, #tpu.memory_space<vmem_shared>>
      tpu.wait_indirect_dma semaphore(%arg12 : memref<!tpu.dma_semaphore, #tpu.memory_space<semaphore_mem>>) src(%dma_wait3A_873 : memref<10112x64xf32, #tpu.memory_space<vmem_shared>>) dst(%dma_wait3A_863 : memref<128x64xf32, #tpu.memory_space<vmem>>)
      %add3A_874 = arith.constant 7 : i32
      %add3A_875 = arith.addi %mul3A_395, %add3A_874 : i32
      %dma_start3A_876 = arith.constant 1 : i32
      %dma_start3A_877 = arith.constant 0 : i32
      %dma_start3A_878 = arith.constant 0 : i32
      %dma_start3A_879 = tpu.memref_slice %arg11[%dma_start3A_876, %dma_start3A_877, %dma_start3A_878] : memref<2x128x64xf32, #tpu.memory_space<vmem>> -> memref<1x128x64xf32, #tpu.memory_space<vmem>>
      %dma_start3A_880 = tpu.memref_squeeze %dma_start3A_879 : memref<1x128x64xf32, #tpu.memory_space<vmem>> -> memref<128x64xf32, #tpu.memory_space<vmem>>
      %dma_start3A_881 = arith.constant 0 : i32
      %dma_start3A_882 = arith.constant 0 : i32
      %dma_start3A_883 = tpu.memref_slice %arg10[%scan3A_344, %dma_start3A_881, %dma_start3A_882] : memref<2x32x128xi32, #tpu.memory_space<vmem>> -> memref<1x32x128xi32, #tpu.memory_space<vmem>>
      %dma_start3A_884 = tpu.memref_squeeze %dma_start3A_883 : memref<1x32x128xi32, #tpu.memory_space<vmem>> -> memref<32x128xi32, #tpu.memory_space<vmem>>
      %dma_start3A_885 = arith.constant 0 : i32
      %dma_start3A_886 = tpu.memref_slice %dma_start3A_884[%add3A_875, %dma_start3A_885] : memref<32x128xi32, #tpu.memory_space<vmem>> -> memref<1x128xi32, #tpu.memory_space<vmem>>
      %dma_start3A_887 = tpu.memref_squeeze %dma_start3A_886 : memref<1x128xi32, #tpu.memory_space<vmem>> -> memref<128xi32, #tpu.memory_space<vmem>>
      %dma_start3A_888 = arith.constant 0 : i32
      %dma_start3A_889 = arith.constant 0 : i32
      %dma_start3A_890 = tpu.memref_slice %arg8[%dma_start3A_888, %dma_start3A_889] : memref<10112x64xf32, #tpu.memory_space<vmem_shared>> -> memref<10112x64xf32, #tpu.memory_space<vmem_shared>>
      tpu.enqueue_indirect_dma source(%dma_start3A_880 : memref<128x64xf32, #tpu.memory_space<vmem>>) target(%dma_start3A_890 : memref<10112x64xf32, #tpu.memory_space<vmem_shared>>) offsets(%dma_start3A_887 : memref<128xi32, #tpu.memory_space<vmem>>) semaphore(%arg13 : memref<!tpu.dma_semaphore, #tpu.memory_space<semaphore_mem>>) {add = true}
      %dma_wait3A_891 = arith.constant 0 : i32
      %dma_wait3A_892 = arith.constant 0 : i32
      %dma_wait3A_893 = arith.constant 0 : i32
      %dma_wait3A_894 = tpu.memref_slice %arg11[%dma_wait3A_891, %dma_wait3A_892, %dma_wait3A_893] : memref<2x128x64xf32, #tpu.memory_space<vmem>> -> memref<1x128x64xf32, #tpu.memory_space<vmem>>
      %dma_wait3A_895 = tpu.memref_squeeze %dma_wait3A_894 : memref<1x128x64xf32, #tpu.memory_space<vmem>> -> memref<128x64xf32, #tpu.memory_space<vmem>>
      %dma_wait3A_896 = arith.constant 0 : i32
      %dma_wait3A_897 = arith.constant 0 : i32
      %dma_wait3A_898 = tpu.memref_slice %arg10[%scan3A_344, %dma_wait3A_896, %dma_wait3A_897] : memref<2x32x128xi32, #tpu.memory_space<vmem>> -> memref<1x32x128xi32, #tpu.memory_space<vmem>>
      %dma_wait3A_899 = tpu.memref_squeeze %dma_wait3A_898 : memref<1x32x128xi32, #tpu.memory_space<vmem>> -> memref<32x128xi32, #tpu.memory_space<vmem>>
      %dma_wait3A_900 = arith.constant 0 : i32
      %dma_wait3A_901 = tpu.memref_slice %dma_wait3A_899[%add3A_843, %dma_wait3A_900] : memref<32x128xi32, #tpu.memory_space<vmem>> -> memref<1x128xi32, #tpu.memory_space<vmem>>
      %dma_wait3A_902 = tpu.memref_squeeze %dma_wait3A_901 : memref<1x128xi32, #tpu.memory_space<vmem>> -> memref<128xi32, #tpu.memory_space<vmem>>
      %dma_wait3A_903 = arith.constant 0 : i32
      %dma_wait3A_904 = arith.constant 0 : i32
      %dma_wait3A_905 = tpu.memref_slice %arg8[%dma_wait3A_903, %dma_wait3A_904] : memref<10112x64xf32, #tpu.memory_space<vmem_shared>> -> memref<10112x64xf32, #tpu.memory_space<vmem_shared>>
      tpu.wait_indirect_dma semaphore(%arg13 : memref<!tpu.dma_semaphore, #tpu.memory_space<semaphore_mem>>) src(%dma_wait3A_895 : memref<128x64xf32, #tpu.memory_space<vmem>>) dst(%dma_wait3A_905 : memref<10112x64xf32, #tpu.memory_space<vmem_shared>>)
      %dma_wait3A_906 = arith.constant 1 : i32
      %dma_wait3A_907 = arith.constant 0 : i32
      %dma_wait3A_908 = arith.constant 0 : i32
      %dma_wait3A_909 = tpu.memref_slice %arg11[%dma_wait3A_906, %dma_wait3A_907, %dma_wait3A_908] : memref<2x128x64xf32, #tpu.memory_space<vmem>> -> memref<1x128x64xf32, #tpu.memory_space<vmem>>
      %dma_wait3A_910 = tpu.memref_squeeze %dma_wait3A_909 : memref<1x128x64xf32, #tpu.memory_space<vmem>> -> memref<128x64xf32, #tpu.memory_space<vmem>>
      %dma_wait3A_911 = arith.constant 0 : i32
      %dma_wait3A_912 = arith.constant 0 : i32
      %dma_wait3A_913 = tpu.memref_slice %arg10[%scan3A_344, %dma_wait3A_911, %dma_wait3A_912] : memref<2x32x128xi32, #tpu.memory_space<vmem>> -> memref<1x32x128xi32, #tpu.memory_space<vmem>>
      %dma_wait3A_914 = tpu.memref_squeeze %dma_wait3A_913 : memref<1x32x128xi32, #tpu.memory_space<vmem>> -> memref<32x128xi32, #tpu.memory_space<vmem>>
      %dma_wait3A_915 = arith.constant 0 : i32
      %dma_wait3A_916 = tpu.memref_slice %dma_wait3A_914[%add3A_875, %dma_wait3A_915] : memref<32x128xi32, #tpu.memory_space<vmem>> -> memref<1x128xi32, #tpu.memory_space<vmem>>
      %dma_wait3A_917 = tpu.memref_squeeze %dma_wait3A_916 : memref<1x128xi32, #tpu.memory_space<vmem>> -> memref<128xi32, #tpu.memory_space<vmem>>
      %dma_wait3A_918 = arith.constant 0 : i32
      %dma_wait3A_919 = arith.constant 0 : i32
      %dma_wait3A_920 = tpu.memref_slice %arg8[%dma_wait3A_918, %dma_wait3A_919] : memref<10112x64xf32, #tpu.memory_space<vmem_shared>> -> memref<10112x64xf32, #tpu.memory_space<vmem_shared>>
      tpu.wait_indirect_dma semaphore(%arg13 : memref<!tpu.dma_semaphore, #tpu.memory_space<semaphore_mem>>) src(%dma_wait3A_910 : memref<128x64xf32, #tpu.memory_space<vmem>>) dst(%dma_wait3A_920 : memref<10112x64xf32, #tpu.memory_space<vmem_shared>>)
    }
    %scan3A_349 = arith.constant 4 : i32
    %dma_wait3A_350 = arith.constant 0 : i32
    %dma_wait3A_351 = arith.constant 0 : i32
    %dma_wait3A_352 = arith.constant 0 : i32
    %dma_wait3A_353 = tpu.memref_slice %arg9[%dma_wait3A_350, %dma_wait3A_351, %dma_wait3A_352] : memref<2x32x128xi32, #tpu.memory_space<vmem>> -> memref<1x32x128xi32, #tpu.memory_space<vmem>>
    %dma_wait3A_354 = tpu.memref_squeeze %dma_wait3A_353 : memref<1x32x128xi32, #tpu.memory_space<vmem>> -> memref<32x128xi32, #tpu.memory_space<vmem>>
    %dma_wait3A_355 = arith.constant 128 : i32
    %dma_wait3A_356 = arith.constant 0 : i32
    %dma_wait3A_357 = tpu.memref_slice %arg3[%arg1, %dma_wait3A_355, %dma_wait3A_356] : memref<16x160x128xi32, #tpu.memory_space<hbm>> -> memref<1x32x128xi32, #tpu.memory_space<hbm>>
    %dma_wait3A_358 = tpu.memref_squeeze %dma_wait3A_357 : memref<1x32x128xi32, #tpu.memory_space<hbm>> -> memref<32x128xi32, #tpu.memory_space<hbm>>
    %dma_wait3A_359 = arith.constant 0 : i32
    %dma_wait3A_360 = arith.constant 0 : i32
    %dma_wait3A_361 = tpu.memref_slice %arg9[%dma_wait3A_350, %dma_wait3A_359, %dma_wait3A_360] : memref<2x32x128xi32, #tpu.memory_space<vmem>> -> memref<1x32x128xi32, #tpu.memory_space<vmem>>
    %dma_wait3A_362 = tpu.memref_squeeze %dma_wait3A_361 : memref<1x32x128xi32, #tpu.memory_space<vmem>> -> memref<32x128xi32, #tpu.memory_space<vmem>>
    %dma_wait3A_363 = arith.constant 128 : i32
    %dma_wait3A_364 = arith.constant 0 : i32
    %dma_wait3A_365 = tpu.memref_slice %arg3[%arg1, %dma_wait3A_363, %dma_wait3A_364] : memref<16x160x128xi32, #tpu.memory_space<hbm>> -> memref<1x32x128xi32, #tpu.memory_space<hbm>>
    %dma_wait3A_366 = tpu.memref_squeeze %dma_wait3A_365 : memref<1x32x128xi32, #tpu.memory_space<hbm>> -> memref<32x128xi32, #tpu.memory_space<hbm>>
    tpu.wait_dma2 semaphore(%arg14 : memref<!tpu.dma_semaphore, #tpu.memory_space<semaphore_mem>>) src(%dma_wait3A_366 : memref<32x128xi32, #tpu.memory_space<hbm>>) dst(%dma_wait3A_362 : memref<32x128xi32, #tpu.memory_space<vmem>>)
    %dma_wait3A_367 = arith.constant 0 : i32
    %dma_wait3A_368 = arith.constant 0 : i32
    %dma_wait3A_369 = arith.constant 0 : i32
    %dma_wait3A_370 = tpu.memref_slice %arg10[%dma_wait3A_367, %dma_wait3A_368, %dma_wait3A_369] : memref<2x32x128xi32, #tpu.memory_space<vmem>> -> memref<1x32x128xi32, #tpu.memory_space<vmem>>
    %dma_wait3A_371 = tpu.memref_squeeze %dma_wait3A_370 : memref<1x32x128xi32, #tpu.memory_space<vmem>> -> memref<32x128xi32, #tpu.memory_space<vmem>>
    %dma_wait3A_372 = arith.constant 128 : i32
    %dma_wait3A_373 = arith.constant 0 : i32
    %dma_wait3A_374 = tpu.memref_slice %arg4[%arg1, %dma_wait3A_372, %dma_wait3A_373] : memref<16x160x128xi32, #tpu.memory_space<hbm>> -> memref<1x32x128xi32, #tpu.memory_space<hbm>>
    %dma_wait3A_375 = tpu.memref_squeeze %dma_wait3A_374 : memref<1x32x128xi32, #tpu.memory_space<hbm>> -> memref<32x128xi32, #tpu.memory_space<hbm>>
    %dma_wait3A_376 = arith.constant 0 : i32
    %dma_wait3A_377 = arith.constant 0 : i32
    %dma_wait3A_378 = tpu.memref_slice %arg10[%dma_wait3A_367, %dma_wait3A_376, %dma_wait3A_377] : memref<2x32x128xi32, #tpu.memory_space<vmem>> -> memref<1x32x128xi32, #tpu.memory_space<vmem>>
    %dma_wait3A_379 = tpu.memref_squeeze %dma_wait3A_378 : memref<1x32x128xi32, #tpu.memory_space<vmem>> -> memref<32x128xi32, #tpu.memory_space<vmem>>
    %dma_wait3A_380 = arith.constant 128 : i32
    %dma_wait3A_381 = arith.constant 0 : i32
    %dma_wait3A_382 = tpu.memref_slice %arg4[%arg1, %dma_wait3A_380, %dma_wait3A_381] : memref<16x160x128xi32, #tpu.memory_space<hbm>> -> memref<1x32x128xi32, #tpu.memory_space<hbm>>
    %dma_wait3A_383 = tpu.memref_squeeze %dma_wait3A_382 : memref<1x32x128xi32, #tpu.memory_space<hbm>> -> memref<32x128xi32, #tpu.memory_space<hbm>>
    tpu.wait_dma2 semaphore(%arg14 : memref<!tpu.dma_semaphore, #tpu.memory_space<semaphore_mem>>) src(%dma_wait3A_383 : memref<32x128xi32, #tpu.memory_space<hbm>>) dst(%dma_wait3A_379 : memref<32x128xi32, #tpu.memory_space<vmem>>)
    %scan3A_384 = arith.constant 0 : i32
    %scan3A_385 = arith.constant 0 : i32
    %scan3A_386 = arith.constant 0 : i32
    %scan3A_387 = arith.constant 0 : i32
    %scan3A_388 = arith.constant 4 : i32
    %scan3A_389 = arith.addi %scan3A_387, %scan3A_388 : i32
    %scan3A_390 = arith.constant 1 : i32
    scf.for %scan3A_393 = %scan3A_387 to %scan3A_389 step %scan3A_390  : i32 {
      %mul3A_394 = arith.constant 8 : i32
      %mul3A_395 = arith.muli %scan3A_393, %mul3A_394 : i32
      %add3A = arith.constant 0 : i32
      %add3A_396 = arith.addi %mul3A_395, %add3A : i32
      %dma_start3A_397 = arith.constant 0 : i32
      %dma_start3A_398 = arith.constant 0 : i32
      %dma_start3A_399 = arith.constant 0 : i32
      %dma_start3A_400 = tpu.memref_slice %arg11[%dma_start3A_397, %dma_start3A_398, %dma_start3A_399] : memref<2x128x64xf32, #tpu.memory_space<vmem>> -> memref<1x128x64xf32, #tpu.memory_space<vmem>>
      %dma_start3A_401 = tpu.memref_squeeze %dma_start3A_400 : memref<1x128x64xf32, #tpu.memory_space<vmem>> -> memref<128x64xf32, #tpu.memory_space<vmem>>
      %dma_start3A_402 = arith.constant 0 : i32
      %dma_start3A_403 = arith.constant 0 : i32
      %dma_start3A_404 = tpu.memref_slice %arg9[%scan3A_385, %dma_start3A_402, %dma_start3A_403] : memref<2x32x128xi32, #tpu.memory_space<vmem>> -> memref<1x32x128xi32, #tpu.memory_space<vmem>>
      %dma_start3A_405 = tpu.memref_squeeze %dma_start3A_404 : memref<1x32x128xi32, #tpu.memory_space<vmem>> -> memref<32x128xi32, #tpu.memory_space<vmem>>
      %dma_start3A_406 = arith.constant 0 : i32
      %dma_start3A_407 = tpu.memref_slice %dma_start3A_405[%add3A_396, %dma_start3A_406] : memref<32x128xi32, #tpu.memory_space<vmem>> -> memref<1x128xi32, #tpu.memory_space<vmem>>
      %dma_start3A_408 = tpu.memref_squeeze %dma_start3A_407 : memref<1x128xi32, #tpu.memory_space<vmem>> -> memref<128xi32, #tpu.memory_space<vmem>>
      %dma_start3A_409 = arith.constant 0 : i32
      %dma_start3A_410 = arith.constant 0 : i32
      %dma_start3A_411 = tpu.memref_slice %arg7[%dma_start3A_409, %dma_start3A_410] : memref<10112x64xf32, #tpu.memory_space<vmem_shared>> -> memref<10112x64xf32, #tpu.memory_space<vmem_shared>>
      tpu.enqueue_indirect_dma source(%dma_start3A_411 : memref<10112x64xf32, #tpu.memory_space<vmem_shared>>) target(%dma_start3A_401 : memref<128x64xf32, #tpu.memory_space<vmem>>) offsets(%dma_start3A_408 : memref<128xi32, #tpu.memory_space<vmem>>) semaphore(%arg12 : memref<!tpu.dma_semaphore, #tpu.memory_space<semaphore_mem>>)
      %add3A_412 = arith.constant 0 : i32
      %add3A_413 = arith.addi %mul3A_395, %add3A_412 : i32
      %add3A_414 = arith.constant 1 : i32
      %add3A_415 = arith.addi %add3A_413, %add3A_414 : i32
      %dma_start3A_416 = arith.constant 1 : i32
      %dma_start3A_417 = arith.constant 0 : i32
      %dma_start3A_418 = arith.constant 0 : i32
      %dma_start3A_419 = tpu.memref_slice %arg11[%dma_start3A_416, %dma_start3A_417, %dma_start3A_418] : memref<2x128x64xf32, #tpu.memory_space<vmem>> -> memref<1x128x64xf32, #tpu.memory_space<vmem>>
      %dma_start3A_420 = tpu.memref_squeeze %dma_start3A_419 : memref<1x128x64xf32, #tpu.memory_space<vmem>> -> memref<128x64xf32, #tpu.memory_space<vmem>>
      %dma_start3A_421 = arith.constant 0 : i32
      %dma_start3A_422 = arith.constant 0 : i32
      %dma_start3A_423 = tpu.memref_slice %arg9[%scan3A_385, %dma_start3A_421, %dma_start3A_422] : memref<2x32x128xi32, #tpu.memory_space<vmem>> -> memref<1x32x128xi32, #tpu.memory_space<vmem>>
      %dma_start3A_424 = tpu.memref_squeeze %dma_start3A_423 : memref<1x32x128xi32, #tpu.memory_space<vmem>> -> memref<32x128xi32, #tpu.memory_space<vmem>>
      %dma_start3A_425 = arith.constant 0 : i32
      %dma_start3A_426 = tpu.memref_slice %dma_start3A_424[%add3A_415, %dma_start3A_425] : memref<32x128xi32, #tpu.memory_space<vmem>> -> memref<1x128xi32, #tpu.memory_space<vmem>>
      %dma_start3A_427 = tpu.memref_squeeze %dma_start3A_426 : memref<1x128xi32, #tpu.memory_space<vmem>> -> memref<128xi32, #tpu.memory_space<vmem>>
      %dma_start3A_428 = arith.constant 0 : i32
      %dma_start3A_429 = arith.constant 0 : i32
      %dma_start3A_430 = tpu.memref_slice %arg7[%dma_start3A_428, %dma_start3A_429] : memref<10112x64xf32, #tpu.memory_space<vmem_shared>> -> memref<10112x64xf32, #tpu.memory_space<vmem_shared>>
      tpu.enqueue_indirect_dma source(%dma_start3A_430 : memref<10112x64xf32, #tpu.memory_space<vmem_shared>>) target(%dma_start3A_420 : memref<128x64xf32, #tpu.memory_space<vmem>>) offsets(%dma_start3A_427 : memref<128xi32, #tpu.memory_space<vmem>>) semaphore(%arg12 : memref<!tpu.dma_semaphore, #tpu.memory_space<semaphore_mem>>)
      %dma_wait3A_431 = arith.constant 0 : i32
      %dma_wait3A_432 = arith.constant 0 : i32
      %dma_wait3A_433 = arith.constant 0 : i32
      %dma_wait3A_434 = tpu.memref_slice %arg11[%dma_wait3A_431, %dma_wait3A_432, %dma_wait3A_433] : memref<2x128x64xf32, #tpu.memory_space<vmem>> -> memref<1x128x64xf32, #tpu.memory_space<vmem>>
      %dma_wait3A_435 = tpu.memref_squeeze %dma_wait3A_434 : memref<1x128x64xf32, #tpu.memory_space<vmem>> -> memref<128x64xf32, #tpu.memory_space<vmem>>
      %dma_wait3A_436 = arith.constant 0 : i32
      %dma_wait3A_437 = arith.constant 0 : i32
      %dma_wait3A_438 = tpu.memref_slice %arg9[%scan3A_385, %dma_wait3A_436, %dma_wait3A_437] : memref<2x32x128xi32, #tpu.memory_space<vmem>> -> memref<1x32x128xi32, #tpu.memory_space<vmem>>
      %dma_wait3A_439 = tpu.memref_squeeze %dma_wait3A_438 : memref<1x32x128xi32, #tpu.memory_space<vmem>> -> memref<32x128xi32, #tpu.memory_space<vmem>>
      %dma_wait3A_440 = arith.constant 0 : i32
      %dma_wait3A_441 = tpu.memref_slice %dma_wait3A_439[%add3A_396, %dma_wait3A_440] : memref<32x128xi32, #tpu.memory_space<vmem>> -> memref<1x128xi32, #tpu.memory_space<vmem>>
      %dma_wait3A_442 = tpu.memref_squeeze %dma_wait3A_441 : memref<1x128xi32, #tpu.memory_space<vmem>> -> memref<128xi32, #tpu.memory_space<vmem>>
      %dma_wait3A_443 = arith.constant 0 : i32
      %dma_wait3A_444 = arith.constant 0 : i32
      %dma_wait3A_445 = tpu.memref_slice %arg7[%dma_wait3A_443, %dma_wait3A_444] : memref<10112x64xf32, #tpu.memory_space<vmem_shared>> -> memref<10112x64xf32, #tpu.memory_space<vmem_shared>>
      tpu.wait_indirect_dma semaphore(%arg12 : memref<!tpu.dma_semaphore, #tpu.memory_space<semaphore_mem>>) src(%dma_wait3A_445 : memref<10112x64xf32, #tpu.memory_space<vmem_shared>>) dst(%dma_wait3A_435 : memref<128x64xf32, #tpu.memory_space<vmem>>)
      %add3A_446 = arith.constant 0 : i32
      %add3A_447 = arith.addi %mul3A_395, %add3A_446 : i32
      %dma_start3A_448 = arith.constant 0 : i32
      %dma_start3A_449 = arith.constant 0 : i32
      %dma_start3A_450 = arith.constant 0 : i32
      %dma_start3A_451 = tpu.memref_slice %arg11[%dma_start3A_448, %dma_start3A_449, %dma_start3A_450] : memref<2x128x64xf32, #tpu.memory_space<vmem>> -> memref<1x128x64xf32, #tpu.memory_space<vmem>>
      %dma_start3A_452 = tpu.memref_squeeze %dma_start3A_451 : memref<1x128x64xf32, #tpu.memory_space<vmem>> -> memref<128x64xf32, #tpu.memory_space<vmem>>
      %dma_start3A_453 = arith.constant 0 : i32
      %dma_start3A_454 = arith.constant 0 : i32
      %dma_start3A_455 = tpu.memref_slice %arg10[%scan3A_386, %dma_start3A_453, %dma_start3A_454] : memref<2x32x128xi32, #tpu.memory_space<vmem>> -> memref<1x32x128xi32, #tpu.memory_space<vmem>>
      %dma_start3A_456 = tpu.memref_squeeze %dma_start3A_455 : memref<1x32x128xi32, #tpu.memory_space<vmem>> -> memref<32x128xi32, #tpu.memory_space<vmem>>
      %dma_start3A_457 = arith.constant 0 : i32
      %dma_start3A_458 = tpu.memref_slice %dma_start3A_456[%add3A_447, %dma_start3A_457] : memref<32x128xi32, #tpu.memory_space<vmem>> -> memref<1x128xi32, #tpu.memory_space<vmem>>
      %dma_start3A_459 = tpu.memref_squeeze %dma_start3A_458 : memref<1x128xi32, #tpu.memory_space<vmem>> -> memref<128xi32, #tpu.memory_space<vmem>>
      %dma_start3A_460 = arith.constant 0 : i32
      %dma_start3A_461 = arith.constant 0 : i32
      %dma_start3A_462 = tpu.memref_slice %arg8[%dma_start3A_460, %dma_start3A_461] : memref<10112x64xf32, #tpu.memory_space<vmem_shared>> -> memref<10112x64xf32, #tpu.memory_space<vmem_shared>>
      tpu.enqueue_indirect_dma source(%dma_start3A_452 : memref<128x64xf32, #tpu.memory_space<vmem>>) target(%dma_start3A_462 : memref<10112x64xf32, #tpu.memory_space<vmem_shared>>) offsets(%dma_start3A_459 : memref<128xi32, #tpu.memory_space<vmem>>) semaphore(%arg13 : memref<!tpu.dma_semaphore, #tpu.memory_space<semaphore_mem>>) {add = true}
      %dma_wait3A_463 = arith.constant 0 : i32
      %dma_wait3A_464 = arith.constant 0 : i32
      %dma_wait3A_465 = arith.constant 0 : i32
      %dma_wait3A_466 = tpu.memref_slice %arg11[%dma_wait3A_463, %dma_wait3A_464, %dma_wait3A_465] : memref<2x128x64xf32, #tpu.memory_space<vmem>> -> memref<1x128x64xf32, #tpu.memory_space<vmem>>
      %dma_wait3A_467 = tpu.memref_squeeze %dma_wait3A_466 : memref<1x128x64xf32, #tpu.memory_space<vmem>> -> memref<128x64xf32, #tpu.memory_space<vmem>>
      %dma_wait3A_468 = arith.constant 0 : i32
      %dma_wait3A_469 = arith.constant 0 : i32
      %dma_wait3A_470 = tpu.memref_slice %arg10[%scan3A_386, %dma_wait3A_468, %dma_wait3A_469] : memref<2x32x128xi32, #tpu.memory_space<vmem>> -> memref<1x32x128xi32, #tpu.memory_space<vmem>>
      %dma_wait3A_471 = tpu.memref_squeeze %dma_wait3A_470 : memref<1x32x128xi32, #tpu.memory_space<vmem>> -> memref<32x128xi32, #tpu.memory_space<vmem>>
      %dma_wait3A_472 = arith.constant 0 : i32
      %dma_wait3A_473 = tpu.memref_slice %dma_wait3A_471[%add3A_447, %dma_wait3A_472] : memref<32x128xi32, #tpu.memory_space<vmem>> -> memref<1x128xi32, #tpu.memory_space<vmem>>
      %dma_wait3A_474 = tpu.memref_squeeze %dma_wait3A_473 : memref<1x128xi32, #tpu.memory_space<vmem>> -> memref<128xi32, #tpu.memory_space<vmem>>
      %dma_wait3A_475 = arith.constant 0 : i32
      %dma_wait3A_476 = arith.constant 0 : i32
      %dma_wait3A_477 = tpu.memref_slice %arg8[%dma_wait3A_475, %dma_wait3A_476] : memref<10112x64xf32, #tpu.memory_space<vmem_shared>> -> memref<10112x64xf32, #tpu.memory_space<vmem_shared>>
      tpu.wait_indirect_dma semaphore(%arg13 : memref<!tpu.dma_semaphore, #tpu.memory_space<semaphore_mem>>) src(%dma_wait3A_467 : memref<128x64xf32, #tpu.memory_space<vmem>>) dst(%dma_wait3A_477 : memref<10112x64xf32, #tpu.memory_space<vmem_shared>>)
      %add3A_478 = arith.constant 1 : i32
      %add3A_479 = arith.addi %mul3A_395, %add3A_478 : i32
      %add3A_480 = arith.constant 1 : i32
      %add3A_481 = arith.addi %add3A_479, %add3A_480 : i32
      %dma_start3A_482 = arith.constant 0 : i32
      %dma_start3A_483 = arith.constant 0 : i32
      %dma_start3A_484 = arith.constant 0 : i32
      %dma_start3A_485 = tpu.memref_slice %arg11[%dma_start3A_482, %dma_start3A_483, %dma_start3A_484] : memref<2x128x64xf32, #tpu.memory_space<vmem>> -> memref<1x128x64xf32, #tpu.memory_space<vmem>>
      %dma_start3A_486 = tpu.memref_squeeze %dma_start3A_485 : memref<1x128x64xf32, #tpu.memory_space<vmem>> -> memref<128x64xf32, #tpu.memory_space<vmem>>
      %dma_start3A_487 = arith.constant 0 : i32
      %dma_start3A_488 = arith.constant 0 : i32
      %dma_start3A_489 = tpu.memref_slice %arg9[%scan3A_385, %dma_start3A_487, %dma_start3A_488] : memref<2x32x128xi32, #tpu.memory_space<vmem>> -> memref<1x32x128xi32, #tpu.memory_space<vmem>>
      %dma_start3A_490 = tpu.memref_squeeze %dma_start3A_489 : memref<1x32x128xi32, #tpu.memory_space<vmem>> -> memref<32x128xi32, #tpu.memory_space<vmem>>
      %dma_start3A_491 = arith.constant 0 : i32
      %dma_start3A_492 = tpu.memref_slice %dma_start3A_490[%add3A_481, %dma_start3A_491] : memref<32x128xi32, #tpu.memory_space<vmem>> -> memref<1x128xi32, #tpu.memory_space<vmem>>
      %dma_start3A_493 = tpu.memref_squeeze %dma_start3A_492 : memref<1x128xi32, #tpu.memory_space<vmem>> -> memref<128xi32, #tpu.memory_space<vmem>>
      %dma_start3A_494 = arith.constant 0 : i32
      %dma_start3A_495 = arith.constant 0 : i32
      %dma_start3A_496 = tpu.memref_slice %arg7[%dma_start3A_494, %dma_start3A_495] : memref<10112x64xf32, #tpu.memory_space<vmem_shared>> -> memref<10112x64xf32, #tpu.memory_space<vmem_shared>>
      tpu.enqueue_indirect_dma source(%dma_start3A_496 : memref<10112x64xf32, #tpu.memory_space<vmem_shared>>) target(%dma_start3A_486 : memref<128x64xf32, #tpu.memory_space<vmem>>) offsets(%dma_start3A_493 : memref<128xi32, #tpu.memory_space<vmem>>) semaphore(%arg12 : memref<!tpu.dma_semaphore, #tpu.memory_space<semaphore_mem>>)
      %dma_wait3A_497 = arith.constant 1 : i32
      %dma_wait3A_498 = arith.constant 0 : i32
      %dma_wait3A_499 = arith.constant 0 : i32
      %dma_wait3A_500 = tpu.memref_slice %arg11[%dma_wait3A_497, %dma_wait3A_498, %dma_wait3A_499] : memref<2x128x64xf32, #tpu.memory_space<vmem>> -> memref<1x128x64xf32, #tpu.memory_space<vmem>>
      %dma_wait3A_501 = tpu.memref_squeeze %dma_wait3A_500 : memref<1x128x64xf32, #tpu.memory_space<vmem>> -> memref<128x64xf32, #tpu.memory_space<vmem>>
      %dma_wait3A_502 = arith.constant 0 : i32
      %dma_wait3A_503 = arith.constant 0 : i32
      %dma_wait3A_504 = tpu.memref_slice %arg9[%scan3A_385, %dma_wait3A_502, %dma_wait3A_503] : memref<2x32x128xi32, #tpu.memory_space<vmem>> -> memref<1x32x128xi32, #tpu.memory_space<vmem>>
      %dma_wait3A_505 = tpu.memref_squeeze %dma_wait3A_504 : memref<1x32x128xi32, #tpu.memory_space<vmem>> -> memref<32x128xi32, #tpu.memory_space<vmem>>
      %dma_wait3A_506 = arith.constant 0 : i32
      %dma_wait3A_507 = tpu.memref_slice %dma_wait3A_505[%add3A_415, %dma_wait3A_506] : memref<32x128xi32, #tpu.memory_space<vmem>> -> memref<1x128xi32, #tpu.memory_space<vmem>>
      %dma_wait3A_508 = tpu.memref_squeeze %dma_wait3A_507 : memref<1x128xi32, #tpu.memory_space<vmem>> -> memref<128xi32, #tpu.memory_space<vmem>>
      %dma_wait3A_509 = arith.constant 0 : i32
      %dma_wait3A_510 = arith.constant 0 : i32
      %dma_wait3A_511 = tpu.memref_slice %arg7[%dma_wait3A_509, %dma_wait3A_510] : memref<10112x64xf32, #tpu.memory_space<vmem_shared>> -> memref<10112x64xf32, #tpu.memory_space<vmem_shared>>
      tpu.wait_indirect_dma semaphore(%arg12 : memref<!tpu.dma_semaphore, #tpu.memory_space<semaphore_mem>>) src(%dma_wait3A_511 : memref<10112x64xf32, #tpu.memory_space<vmem_shared>>) dst(%dma_wait3A_501 : memref<128x64xf32, #tpu.memory_space<vmem>>)
      %add3A_512 = arith.constant 1 : i32
      %add3A_513 = arith.addi %mul3A_395, %add3A_512 : i32
      %dma_start3A_514 = arith.constant 1 : i32
      %dma_start3A_515 = arith.constant 0 : i32
      %dma_start3A_516 = arith.constant 0 : i32
      %dma_start3A_517 = tpu.memref_slice %arg11[%dma_start3A_514, %dma_start3A_515, %dma_start3A_516] : memref<2x128x64xf32, #tpu.memory_space<vmem>> -> memref<1x128x64xf32, #tpu.memory_space<vmem>>
      %dma_start3A_518 = tpu.memref_squeeze %dma_start3A_517 : memref<1x128x64xf32, #tpu.memory_space<vmem>> -> memref<128x64xf32, #tpu.memory_space<vmem>>
      %dma_start3A_519 = arith.constant 0 : i32
      %dma_start3A_520 = arith.constant 0 : i32
      %dma_start3A_521 = tpu.memref_slice %arg10[%scan3A_386, %dma_start3A_519, %dma_start3A_520] : memref<2x32x128xi32, #tpu.memory_space<vmem>> -> memref<1x32x128xi32, #tpu.memory_space<vmem>>
      %dma_start3A_522 = tpu.memref_squeeze %dma_start3A_521 : memref<1x32x128xi32, #tpu.memory_space<vmem>> -> memref<32x128xi32, #tpu.memory_space<vmem>>
      %dma_start3A_523 = arith.constant 0 : i32
      %dma_start3A_524 = tpu.memref_slice %dma_start3A_522[%add3A_513, %dma_start3A_523] : memref<32x128xi32, #tpu.memory_space<vmem>> -> memref<1x128xi32, #tpu.memory_space<vmem>>
      %dma_start3A_525 = tpu.memref_squeeze %dma_start3A_524 : memref<1x128xi32, #tpu.memory_space<vmem>> -> memref<128xi32, #tpu.memory_space<vmem>>
      %dma_start3A_526 = arith.constant 0 : i32
      %dma_start3A_527 = arith.constant 0 : i32
      %dma_start3A_528 = tpu.memref_slice %arg8[%dma_start3A_526, %dma_start3A_527] : memref<10112x64xf32, #tpu.memory_space<vmem_shared>> -> memref<10112x64xf32, #tpu.memory_space<vmem_shared>>
      tpu.enqueue_indirect_dma source(%dma_start3A_518 : memref<128x64xf32, #tpu.memory_space<vmem>>) target(%dma_start3A_528 : memref<10112x64xf32, #tpu.memory_space<vmem_shared>>) offsets(%dma_start3A_525 : memref<128xi32, #tpu.memory_space<vmem>>) semaphore(%arg13 : memref<!tpu.dma_semaphore, #tpu.memory_space<semaphore_mem>>) {add = true}
      %dma_wait3A_529 = arith.constant 1 : i32
      %dma_wait3A_530 = arith.constant 0 : i32
      %dma_wait3A_531 = arith.constant 0 : i32
      %dma_wait3A_532 = tpu.memref_slice %arg11[%dma_wait3A_529, %dma_wait3A_530, %dma_wait3A_531] : memref<2x128x64xf32, #tpu.memory_space<vmem>> -> memref<1x128x64xf32, #tpu.memory_space<vmem>>
      %dma_wait3A_533 = tpu.memref_squeeze %dma_wait3A_532 : memref<1x128x64xf32, #tpu.memory_space<vmem>> -> memref<128x64xf32, #tpu.memory_space<vmem>>
      %dma_wait3A_534 = arith.constant 0 : i32
      %dma_wait3A_535 = arith.constant 0 : i32
      %dma_wait3A_536 = tpu.memref_slice %arg10[%scan3A_386, %dma_wait3A_534, %dma_wait3A_535] : memref<2x32x128xi32, #tpu.memory_space<vmem>> -> memref<1x32x128xi32, #tpu.memory_space<vmem>>
      %dma_wait3A_537 = tpu.memref_squeeze %dma_wait3A_536 : memref<1x32x128xi32, #tpu.memory_space<vmem>> -> memref<32x128xi32, #tpu.memory_space<vmem>>
      %dma_wait3A_538 = arith.constant 0 : i32
      %dma_wait3A_539 = tpu.memref_slice %dma_wait3A_537[%add3A_513, %dma_wait3A_538] : memref<32x128xi32, #tpu.memory_space<vmem>> -> memref<1x128xi32, #tpu.memory_space<vmem>>
      %dma_wait3A_540 = tpu.memref_squeeze %dma_wait3A_539 : memref<1x128xi32, #tpu.memory_space<vmem>> -> memref<128xi32, #tpu.memory_space<vmem>>
      %dma_wait3A_541 = arith.constant 0 : i32
      %dma_wait3A_542 = arith.constant 0 : i32
      %dma_wait3A_543 = tpu.memref_slice %arg8[%dma_wait3A_541, %dma_wait3A_542] : memref<10112x64xf32, #tpu.memory_space<vmem_shared>> -> memref<10112x64xf32, #tpu.memory_space<vmem_shared>>
      tpu.wait_indirect_dma semaphore(%arg13 : memref<!tpu.dma_semaphore, #tpu.memory_space<semaphore_mem>>) src(%dma_wait3A_533 : memref<128x64xf32, #tpu.memory_space<vmem>>) dst(%dma_wait3A_543 : memref<10112x64xf32, #tpu.memory_space<vmem_shared>>)
      %add3A_544 = arith.constant 2 : i32
      %add3A_545 = arith.addi %mul3A_395, %add3A_544 : i32
      %add3A_546 = arith.constant 1 : i32
      %add3A_547 = arith.addi %add3A_545, %add3A_546 : i32
      %dma_start3A_548 = arith.constant 1 : i32
      %dma_start3A_549 = arith.constant 0 : i32
      %dma_start3A_550 = arith.constant 0 : i32
      %dma_start3A_551 = tpu.memref_slice %arg11[%dma_start3A_548, %dma_start3A_549, %dma_start3A_550] : memref<2x128x64xf32, #tpu.memory_space<vmem>> -> memref<1x128x64xf32, #tpu.memory_space<vmem>>
      %dma_start3A_552 = tpu.memref_squeeze %dma_start3A_551 : memref<1x128x64xf32, #tpu.memory_space<vmem>> -> memref<128x64xf32, #tpu.memory_space<vmem>>
      %dma_start3A_553 = arith.constant 0 : i32
      %dma_start3A_554 = arith.constant 0 : i32
      %dma_start3A_555 = tpu.memref_slice %arg9[%scan3A_385, %dma_start3A_553, %dma_start3A_554] : memref<2x32x128xi32, #tpu.memory_space<vmem>> -> memref<1x32x128xi32, #tpu.memory_space<vmem>>
      %dma_start3A_556 = tpu.memref_squeeze %dma_start3A_555 : memref<1x32x128xi32, #tpu.memory_space<vmem>> -> memref<32x128xi32, #tpu.memory_space<vmem>>
      %dma_start3A_557 = arith.constant 0 : i32
      %dma_start3A_558 = tpu.memref_slice %dma_start3A_556[%add3A_547, %dma_start3A_557] : memref<32x128xi32, #tpu.memory_space<vmem>> -> memref<1x128xi32, #tpu.memory_space<vmem>>
      %dma_start3A_559 = tpu.memref_squeeze %dma_start3A_558 : memref<1x128xi32, #tpu.memory_space<vmem>> -> memref<128xi32, #tpu.memory_space<vmem>>
      %dma_start3A_560 = arith.constant 0 : i32
      %dma_start3A_561 = arith.constant 0 : i32
      %dma_start3A_562 = tpu.memref_slice %arg7[%dma_start3A_560, %dma_start3A_561] : memref<10112x64xf32, #tpu.memory_space<vmem_shared>> -> memref<10112x64xf32, #tpu.memory_space<vmem_shared>>
      tpu.enqueue_indirect_dma source(%dma_start3A_562 : memref<10112x64xf32, #tpu.memory_space<vmem_shared>>) target(%dma_start3A_552 : memref<128x64xf32, #tpu.memory_space<vmem>>) offsets(%dma_start3A_559 : memref<128xi32, #tpu.memory_space<vmem>>) semaphore(%arg12 : memref<!tpu.dma_semaphore, #tpu.memory_space<semaphore_mem>>)
      %dma_wait3A_563 = arith.constant 0 : i32
      %dma_wait3A_564 = arith.constant 0 : i32
      %dma_wait3A_565 = arith.constant 0 : i32
      %dma_wait3A_566 = tpu.memref_slice %arg11[%dma_wait3A_563, %dma_wait3A_564, %dma_wait3A_565] : memref<2x128x64xf32, #tpu.memory_space<vmem>> -> memref<1x128x64xf32, #tpu.memory_space<vmem>>
      %dma_wait3A_567 = tpu.memref_squeeze %dma_wait3A_566 : memref<1x128x64xf32, #tpu.memory_space<vmem>> -> memref<128x64xf32, #tpu.memory_space<vmem>>
      %dma_wait3A_568 = arith.constant 0 : i32
      %dma_wait3A_569 = arith.constant 0 : i32
      %dma_wait3A_570 = tpu.memref_slice %arg9[%scan3A_385, %dma_wait3A_568, %dma_wait3A_569] : memref<2x32x128xi32, #tpu.memory_space<vmem>> -> memref<1x32x128xi32, #tpu.memory_space<vmem>>
      %dma_wait3A_571 = tpu.memref_squeeze %dma_wait3A_570 : memref<1x32x128xi32, #tpu.memory_space<vmem>> -> memref<32x128xi32, #tpu.memory_space<vmem>>
      %dma_wait3A_572 = arith.constant 0 : i32
      %dma_wait3A_573 = tpu.memref_slice %dma_wait3A_571[%add3A_481, %dma_wait3A_572] : memref<32x128xi32, #tpu.memory_space<vmem>> -> memref<1x128xi32, #tpu.memory_space<vmem>>
      %dma_wait3A_574 = tpu.memref_squeeze %dma_wait3A_573 : memref<1x128xi32, #tpu.memory_space<vmem>> -> memref<128xi32, #tpu.memory_space<vmem>>
      %dma_wait3A_575 = arith.constant 0 : i32
      %dma_wait3A_576 = arith.constant 0 : i32
      %dma_wait3A_577 = tpu.memref_slice %arg7[%dma_wait3A_575, %dma_wait3A_576] : memref<10112x64xf32, #tpu.memory_space<vmem_shared>> -> memref<10112x64xf32, #tpu.memory_space<vmem_shared>>
      tpu.wait_indirect_dma semaphore(%arg12 : memref<!tpu.dma_semaphore, #tpu.memory_space<semaphore_mem>>) src(%dma_wait3A_577 : memref<10112x64xf32, #tpu.memory_space<vmem_shared>>) dst(%dma_wait3A_567 : memref<128x64xf32, #tpu.memory_space<vmem>>)
      %add3A_578 = arith.constant 2 : i32
      %add3A_579 = arith.addi %mul3A_395, %add3A_578 : i32
      %dma_start3A_580 = arith.constant 0 : i32
      %dma_start3A_581 = arith.constant 0 : i32
      %dma_start3A_582 = arith.constant 0 : i32
      %dma_start3A_583 = tpu.memref_slice %arg11[%dma_start3A_580, %dma_start3A_581, %dma_start3A_582] : memref<2x128x64xf32, #tpu.memory_space<vmem>> -> memref<1x128x64xf32, #tpu.memory_space<vmem>>
      %dma_start3A_584 = tpu.memref_squeeze %dma_start3A_583 : memref<1x128x64xf32, #tpu.memory_space<vmem>> -> memref<128x64xf32, #tpu.memory_space<vmem>>
      %dma_start3A_585 = arith.constant 0 : i32
      %dma_start3A_586 = arith.constant 0 : i32
      %dma_start3A_587 = tpu.memref_slice %arg10[%scan3A_386, %dma_start3A_585, %dma_start3A_586] : memref<2x32x128xi32, #tpu.memory_space<vmem>> -> memref<1x32x128xi32, #tpu.memory_space<vmem>>
      %dma_start3A_588 = tpu.memref_squeeze %dma_start3A_587 : memref<1x32x128xi32, #tpu.memory_space<vmem>> -> memref<32x128xi32, #tpu.memory_space<vmem>>
      %dma_start3A_589 = arith.constant 0 : i32
      %dma_start3A_590 = tpu.memref_slice %dma_start3A_588[%add3A_579, %dma_start3A_589] : memref<32x128xi32, #tpu.memory_space<vmem>> -> memref<1x128xi32, #tpu.memory_space<vmem>>
      %dma_start3A_591 = tpu.memref_squeeze %dma_start3A_590 : memref<1x128xi32, #tpu.memory_space<vmem>> -> memref<128xi32, #tpu.memory_space<vmem>>
      %dma_start3A_592 = arith.constant 0 : i32
      %dma_start3A_593 = arith.constant 0 : i32
      %dma_start3A_594 = tpu.memref_slice %arg8[%dma_start3A_592, %dma_start3A_593] : memref<10112x64xf32, #tpu.memory_space<vmem_shared>> -> memref<10112x64xf32, #tpu.memory_space<vmem_shared>>
      tpu.enqueue_indirect_dma source(%dma_start3A_584 : memref<128x64xf32, #tpu.memory_space<vmem>>) target(%dma_start3A_594 : memref<10112x64xf32, #tpu.memory_space<vmem_shared>>) offsets(%dma_start3A_591 : memref<128xi32, #tpu.memory_space<vmem>>) semaphore(%arg13 : memref<!tpu.dma_semaphore, #tpu.memory_space<semaphore_mem>>) {add = true}
      %dma_wait3A_595 = arith.constant 0 : i32
      %dma_wait3A_596 = arith.constant 0 : i32
      %dma_wait3A_597 = arith.constant 0 : i32
      %dma_wait3A_598 = tpu.memref_slice %arg11[%dma_wait3A_595, %dma_wait3A_596, %dma_wait3A_597] : memref<2x128x64xf32, #tpu.memory_space<vmem>> -> memref<1x128x64xf32, #tpu.memory_space<vmem>>
      %dma_wait3A_599 = tpu.memref_squeeze %dma_wait3A_598 : memref<1x128x64xf32, #tpu.memory_space<vmem>> -> memref<128x64xf32, #tpu.memory_space<vmem>>
      %dma_wait3A_600 = arith.constant 0 : i32
      %dma_wait3A_601 = arith.constant 0 : i32
      %dma_wait3A_602 = tpu.memref_slice %arg10[%scan3A_386, %dma_wait3A_600, %dma_wait3A_601] : memref<2x32x128xi32, #tpu.memory_space<vmem>> -> memref<1x32x128xi32, #tpu.memory_space<vmem>>
      %dma_wait3A_603 = tpu.memref_squeeze %dma_wait3A_602 : memref<1x32x128xi32, #tpu.memory_space<vmem>> -> memref<32x128xi32, #tpu.memory_space<vmem>>
      %dma_wait3A_604 = arith.constant 0 : i32
      %dma_wait3A_605 = tpu.memref_slice %dma_wait3A_603[%add3A_579, %dma_wait3A_604] : memref<32x128xi32, #tpu.memory_space<vmem>> -> memref<1x128xi32, #tpu.memory_space<vmem>>
      %dma_wait3A_606 = tpu.memref_squeeze %dma_wait3A_605 : memref<1x128xi32, #tpu.memory_space<vmem>> -> memref<128xi32, #tpu.memory_space<vmem>>
      %dma_wait3A_607 = arith.constant 0 : i32
      %dma_wait3A_608 = arith.constant 0 : i32
      %dma_wait3A_609 = tpu.memref_slice %arg8[%dma_wait3A_607, %dma_wait3A_608] : memref<10112x64xf32, #tpu.memory_space<vmem_shared>> -> memref<10112x64xf32, #tpu.memory_space<vmem_shared>>
      tpu.wait_indirect_dma semaphore(%arg13 : memref<!tpu.dma_semaphore, #tpu.memory_space<semaphore_mem>>) src(%dma_wait3A_599 : memref<128x64xf32, #tpu.memory_space<vmem>>) dst(%dma_wait3A_609 : memref<10112x64xf32, #tpu.memory_space<vmem_shared>>)
      %add3A_610 = arith.constant 3 : i32
      %add3A_611 = arith.addi %mul3A_395, %add3A_610 : i32
      %add3A_612 = arith.constant 1 : i32
      %add3A_613 = arith.addi %add3A_611, %add3A_612 : i32
      %dma_start3A_614 = arith.constant 0 : i32
      %dma_start3A_615 = arith.constant 0 : i32
      %dma_start3A_616 = arith.constant 0 : i32
      %dma_start3A_617 = tpu.memref_slice %arg11[%dma_start3A_614, %dma_start3A_615, %dma_start3A_616] : memref<2x128x64xf32, #tpu.memory_space<vmem>> -> memref<1x128x64xf32, #tpu.memory_space<vmem>>
      %dma_start3A_618 = tpu.memref_squeeze %dma_start3A_617 : memref<1x128x64xf32, #tpu.memory_space<vmem>> -> memref<128x64xf32, #tpu.memory_space<vmem>>
      %dma_start3A_619 = arith.constant 0 : i32
      %dma_start3A_620 = arith.constant 0 : i32
      %dma_start3A_621 = tpu.memref_slice %arg9[%scan3A_385, %dma_start3A_619, %dma_start3A_620] : memref<2x32x128xi32, #tpu.memory_space<vmem>> -> memref<1x32x128xi32, #tpu.memory_space<vmem>>
      %dma_start3A_622 = tpu.memref_squeeze %dma_start3A_621 : memref<1x32x128xi32, #tpu.memory_space<vmem>> -> memref<32x128xi32, #tpu.memory_space<vmem>>
      %dma_start3A_623 = arith.constant 0 : i32
      %dma_start3A_624 = tpu.memref_slice %dma_start3A_622[%add3A_613, %dma_start3A_623] : memref<32x128xi32, #tpu.memory_space<vmem>> -> memref<1x128xi32, #tpu.memory_space<vmem>>
      %dma_start3A_625 = tpu.memref_squeeze %dma_start3A_624 : memref<1x128xi32, #tpu.memory_space<vmem>> -> memref<128xi32, #tpu.memory_space<vmem>>
      %dma_start3A_626 = arith.constant 0 : i32
      %dma_start3A_627 = arith.constant 0 : i32
      %dma_start3A_628 = tpu.memref_slice %arg7[%dma_start3A_626, %dma_start3A_627] : memref<10112x64xf32, #tpu.memory_space<vmem_shared>> -> memref<10112x64xf32, #tpu.memory_space<vmem_shared>>
      tpu.enqueue_indirect_dma source(%dma_start3A_628 : memref<10112x64xf32, #tpu.memory_space<vmem_shared>>) target(%dma_start3A_618 : memref<128x64xf32, #tpu.memory_space<vmem>>) offsets(%dma_start3A_625 : memref<128xi32, #tpu.memory_space<vmem>>) semaphore(%arg12 : memref<!tpu.dma_semaphore, #tpu.memory_space<semaphore_mem>>)
      %dma_wait3A_629 = arith.constant 1 : i32
      %dma_wait3A_630 = arith.constant 0 : i32
      %dma_wait3A_631 = arith.constant 0 : i32
      %dma_wait3A_632 = tpu.memref_slice %arg11[%dma_wait3A_629, %dma_wait3A_630, %dma_wait3A_631] : memref<2x128x64xf32, #tpu.memory_space<vmem>> -> memref<1x128x64xf32, #tpu.memory_space<vmem>>
      %dma_wait3A_633 = tpu.memref_squeeze %dma_wait3A_632 : memref<1x128x64xf32, #tpu.memory_space<vmem>> -> memref<128x64xf32, #tpu.memory_space<vmem>>
      %dma_wait3A_634 = arith.constant 0 : i32
      %dma_wait3A_635 = arith.constant 0 : i32
      %dma_wait3A_636 = tpu.memref_slice %arg9[%scan3A_385, %dma_wait3A_634, %dma_wait3A_635] : memref<2x32x128xi32, #tpu.memory_space<vmem>> -> memref<1x32x128xi32, #tpu.memory_space<vmem>>
      %dma_wait3A_637 = tpu.memref_squeeze %dma_wait3A_636 : memref<1x32x128xi32, #tpu.memory_space<vmem>> -> memref<32x128xi32, #tpu.memory_space<vmem>>
      %dma_wait3A_638 = arith.constant 0 : i32
      %dma_wait3A_639 = tpu.memref_slice %dma_wait3A_637[%add3A_547, %dma_wait3A_638] : memref<32x128xi32, #tpu.memory_space<vmem>> -> memref<1x128xi32, #tpu.memory_space<vmem>>
      %dma_wait3A_640 = tpu.memref_squeeze %dma_wait3A_639 : memref<1x128xi32, #tpu.memory_space<vmem>> -> memref<128xi32, #tpu.memory_space<vmem>>
      %dma_wait3A_641 = arith.constant 0 : i32
      %dma_wait3A_642 = arith.constant 0 : i32
      %dma_wait3A_643 = tpu.memref_slice %arg7[%dma_wait3A_641, %dma_wait3A_642] : memref<10112x64xf32, #tpu.memory_space<vmem_shared>> -> memref<10112x64xf32, #tpu.memory_space<vmem_shared>>
      tpu.wait_indirect_dma semaphore(%arg12 : memref<!tpu.dma_semaphore, #tpu.memory_space<semaphore_mem>>) src(%dma_wait3A_643 : memref<10112x64xf32, #tpu.memory_space<vmem_shared>>) dst(%dma_wait3A_633 : memref<128x64xf32, #tpu.memory_space<vmem>>)
      %add3A_644 = arith.constant 3 : i32
      %add3A_645 = arith.addi %mul3A_395, %add3A_644 : i32
      %dma_start3A_646 = arith.constant 1 : i32
      %dma_start3A_647 = arith.constant 0 : i32
      %dma_start3A_648 = arith.constant 0 : i32
      %dma_start3A_649 = tpu.memref_slice %arg11[%dma_start3A_646, %dma_start3A_647, %dma_start3A_648] : memref<2x128x64xf32, #tpu.memory_space<vmem>> -> memref<1x128x64xf32, #tpu.memory_space<vmem>>
      %dma_start3A_650 = tpu.memref_squeeze %dma_start3A_649 : memref<1x128x64xf32, #tpu.memory_space<vmem>> -> memref<128x64xf32, #tpu.memory_space<vmem>>
      %dma_start3A_651 = arith.constant 0 : i32
      %dma_start3A_652 = arith.constant 0 : i32
      %dma_start3A_653 = tpu.memref_slice %arg10[%scan3A_386, %dma_start3A_651, %dma_start3A_652] : memref<2x32x128xi32, #tpu.memory_space<vmem>> -> memref<1x32x128xi32, #tpu.memory_space<vmem>>
      %dma_start3A_654 = tpu.memref_squeeze %dma_start3A_653 : memref<1x32x128xi32, #tpu.memory_space<vmem>> -> memref<32x128xi32, #tpu.memory_space<vmem>>
      %dma_start3A_655 = arith.constant 0 : i32
      %dma_start3A_656 = tpu.memref_slice %dma_start3A_654[%add3A_645, %dma_start3A_655] : memref<32x128xi32, #tpu.memory_space<vmem>> -> memref<1x128xi32, #tpu.memory_space<vmem>>
      %dma_start3A_657 = tpu.memref_squeeze %dma_start3A_656 : memref<1x128xi32, #tpu.memory_space<vmem>> -> memref<128xi32, #tpu.memory_space<vmem>>
      %dma_start3A_658 = arith.constant 0 : i32
      %dma_start3A_659 = arith.constant 0 : i32
      %dma_start3A_660 = tpu.memref_slice %arg8[%dma_start3A_658, %dma_start3A_659] : memref<10112x64xf32, #tpu.memory_space<vmem_shared>> -> memref<10112x64xf32, #tpu.memory_space<vmem_shared>>
      tpu.enqueue_indirect_dma source(%dma_start3A_650 : memref<128x64xf32, #tpu.memory_space<vmem>>) target(%dma_start3A_660 : memref<10112x64xf32, #tpu.memory_space<vmem_shared>>) offsets(%dma_start3A_657 : memref<128xi32, #tpu.memory_space<vmem>>) semaphore(%arg13 : memref<!tpu.dma_semaphore, #tpu.memory_space<semaphore_mem>>) {add = true}
      %dma_wait3A_661 = arith.constant 1 : i32
      %dma_wait3A_662 = arith.constant 0 : i32
      %dma_wait3A_663 = arith.constant 0 : i32
      %dma_wait3A_664 = tpu.memref_slice %arg11[%dma_wait3A_661, %dma_wait3A_662, %dma_wait3A_663] : memref<2x128x64xf32, #tpu.memory_space<vmem>> -> memref<1x128x64xf32, #tpu.memory_space<vmem>>
      %dma_wait3A_665 = tpu.memref_squeeze %dma_wait3A_664 : memref<1x128x64xf32, #tpu.memory_space<vmem>> -> memref<128x64xf32, #tpu.memory_space<vmem>>
      %dma_wait3A_666 = arith.constant 0 : i32
      %dma_wait3A_667 = arith.constant 0 : i32
      %dma_wait3A_668 = tpu.memref_slice %arg10[%scan3A_386, %dma_wait3A_666, %dma_wait3A_667] : memref<2x32x128xi32, #tpu.memory_space<vmem>> -> memref<1x32x128xi32, #tpu.memory_space<vmem>>
      %dma_wait3A_669 = tpu.memref_squeeze %dma_wait3A_668 : memref<1x32x128xi32, #tpu.memory_space<vmem>> -> memref<32x128xi32, #tpu.memory_space<vmem>>
      %dma_wait3A_670 = arith.constant 0 : i32
      %dma_wait3A_671 = tpu.memref_slice %dma_wait3A_669[%add3A_645, %dma_wait3A_670] : memref<32x128xi32, #tpu.memory_space<vmem>> -> memref<1x128xi32, #tpu.memory_space<vmem>>
      %dma_wait3A_672 = tpu.memref_squeeze %dma_wait3A_671 : memref<1x128xi32, #tpu.memory_space<vmem>> -> memref<128xi32, #tpu.memory_space<vmem>>
      %dma_wait3A_673 = arith.constant 0 : i32
      %dma_wait3A_674 = arith.constant 0 : i32
      %dma_wait3A_675 = tpu.memref_slice %arg8[%dma_wait3A_673, %dma_wait3A_674] : memref<10112x64xf32, #tpu.memory_space<vmem_shared>> -> memref<10112x64xf32, #tpu.memory_space<vmem_shared>>
      tpu.wait_indirect_dma semaphore(%arg13 : memref<!tpu.dma_semaphore, #tpu.memory_space<semaphore_mem>>) src(%dma_wait3A_665 : memref<128x64xf32, #tpu.memory_space<vmem>>) dst(%dma_wait3A_675 : memref<10112x64xf32, #tpu.memory_space<vmem_shared>>)
      %add3A_676 = arith.constant 4 : i32
      %add3A_677 = arith.addi %mul3A_395, %add3A_676 : i32
      %add3A_678 = arith.constant 1 : i32
      %add3A_679 = arith.addi %add3A_677, %add3A_678 : i32
      %dma_start3A_680 = arith.constant 1 : i32
      %dma_start3A_681 = arith.constant 0 : i32
      %dma_start3A_682 = arith.constant 0 : i32
      %dma_start3A_683 = tpu.memref_slice %arg11[%dma_start3A_680, %dma_start3A_681, %dma_start3A_682] : memref<2x128x64xf32, #tpu.memory_space<vmem>> -> memref<1x128x64xf32, #tpu.memory_space<vmem>>
      %dma_start3A_684 = tpu.memref_squeeze %dma_start3A_683 : memref<1x128x64xf32, #tpu.memory_space<vmem>> -> memref<128x64xf32, #tpu.memory_space<vmem>>
      %dma_start3A_685 = arith.constant 0 : i32
      %dma_start3A_686 = arith.constant 0 : i32
      %dma_start3A_687 = tpu.memref_slice %arg9[%scan3A_385, %dma_start3A_685, %dma_start3A_686] : memref<2x32x128xi32, #tpu.memory_space<vmem>> -> memref<1x32x128xi32, #tpu.memory_space<vmem>>
      %dma_start3A_688 = tpu.memref_squeeze %dma_start3A_687 : memref<1x32x128xi32, #tpu.memory_space<vmem>> -> memref<32x128xi32, #tpu.memory_space<vmem>>
      %dma_start3A_689 = arith.constant 0 : i32
      %dma_start3A_690 = tpu.memref_slice %dma_start3A_688[%add3A_679, %dma_start3A_689] : memref<32x128xi32, #tpu.memory_space<vmem>> -> memref<1x128xi32, #tpu.memory_space<vmem>>
      %dma_start3A_691 = tpu.memref_squeeze %dma_start3A_690 : memref<1x128xi32, #tpu.memory_space<vmem>> -> memref<128xi32, #tpu.memory_space<vmem>>
      %dma_start3A_692 = arith.constant 0 : i32
      %dma_start3A_693 = arith.constant 0 : i32
      %dma_start3A_694 = tpu.memref_slice %arg7[%dma_start3A_692, %dma_start3A_693] : memref<10112x64xf32, #tpu.memory_space<vmem_shared>> -> memref<10112x64xf32, #tpu.memory_space<vmem_shared>>
      tpu.enqueue_indirect_dma source(%dma_start3A_694 : memref<10112x64xf32, #tpu.memory_space<vmem_shared>>) target(%dma_start3A_684 : memref<128x64xf32, #tpu.memory_space<vmem>>) offsets(%dma_start3A_691 : memref<128xi32, #tpu.memory_space<vmem>>) semaphore(%arg12 : memref<!tpu.dma_semaphore, #tpu.memory_space<semaphore_mem>>)
      %dma_wait3A_695 = arith.constant 0 : i32
      %dma_wait3A_696 = arith.constant 0 : i32
      %dma_wait3A_697 = arith.constant 0 : i32
      %dma_wait3A_698 = tpu.memref_slice %arg11[%dma_wait3A_695, %dma_wait3A_696, %dma_wait3A_697] : memref<2x128x64xf32, #tpu.memory_space<vmem>> -> memref<1x128x64xf32, #tpu.memory_space<vmem>>
      %dma_wait3A_699 = tpu.memref_squeeze %dma_wait3A_698 : memref<1x128x64xf32, #tpu.memory_space<vmem>> -> memref<128x64xf32, #tpu.memory_space<vmem>>
      %dma_wait3A_700 = arith.constant 0 : i32
      %dma_wait3A_701 = arith.constant 0 : i32
      %dma_wait3A_702 = tpu.memref_slice %arg9[%scan3A_385, %dma_wait3A_700, %dma_wait3A_701] : memref<2x32x128xi32, #tpu.memory_space<vmem>> -> memref<1x32x128xi32, #tpu.memory_space<vmem>>
      %dma_wait3A_703 = tpu.memref_squeeze %dma_wait3A_702 : memref<1x32x128xi32, #tpu.memory_space<vmem>> -> memref<32x128xi32, #tpu.memory_space<vmem>>
      %dma_wait3A_704 = arith.constant 0 : i32
      %dma_wait3A_705 = tpu.memref_slice %dma_wait3A_703[%add3A_613, %dma_wait3A_704] : memref<32x128xi32, #tpu.memory_space<vmem>> -> memref<1x128xi32, #tpu.memory_space<vmem>>
      %dma_wait3A_706 = tpu.memref_squeeze %dma_wait3A_705 : memref<1x128xi32, #tpu.memory_space<vmem>> -> memref<128xi32, #tpu.memory_space<vmem>>
      %dma_wait3A_707 = arith.constant 0 : i32
      %dma_wait3A_708 = arith.constant 0 : i32
      %dma_wait3A_709 = tpu.memref_slice %arg7[%dma_wait3A_707, %dma_wait3A_708] : memref<10112x64xf32, #tpu.memory_space<vmem_shared>> -> memref<10112x64xf32, #tpu.memory_space<vmem_shared>>
      tpu.wait_indirect_dma semaphore(%arg12 : memref<!tpu.dma_semaphore, #tpu.memory_space<semaphore_mem>>) src(%dma_wait3A_709 : memref<10112x64xf32, #tpu.memory_space<vmem_shared>>) dst(%dma_wait3A_699 : memref<128x64xf32, #tpu.memory_space<vmem>>)
      %add3A_710 = arith.constant 4 : i32
      %add3A_711 = arith.addi %mul3A_395, %add3A_710 : i32
      %dma_start3A_712 = arith.constant 0 : i32
      %dma_start3A_713 = arith.constant 0 : i32
      %dma_start3A_714 = arith.constant 0 : i32
      %dma_start3A_715 = tpu.memref_slice %arg11[%dma_start3A_712, %dma_start3A_713, %dma_start3A_714] : memref<2x128x64xf32, #tpu.memory_space<vmem>> -> memref<1x128x64xf32, #tpu.memory_space<vmem>>
      %dma_start3A_716 = tpu.memref_squeeze %dma_start3A_715 : memref<1x128x64xf32, #tpu.memory_space<vmem>> -> memref<128x64xf32, #tpu.memory_space<vmem>>
      %dma_start3A_717 = arith.constant 0 : i32
      %dma_start3A_718 = arith.constant 0 : i32
      %dma_start3A_719 = tpu.memref_slice %arg10[%scan3A_386, %dma_start3A_717, %dma_start3A_718] : memref<2x32x128xi32, #tpu.memory_space<vmem>> -> memref<1x32x128xi32, #tpu.memory_space<vmem>>
      %dma_start3A_720 = tpu.memref_squeeze %dma_start3A_719 : memref<1x32x128xi32, #tpu.memory_space<vmem>> -> memref<32x128xi32, #tpu.memory_space<vmem>>
      %dma_start3A_721 = arith.constant 0 : i32
      %dma_start3A_722 = tpu.memref_slice %dma_start3A_720[%add3A_711, %dma_start3A_721] : memref<32x128xi32, #tpu.memory_space<vmem>> -> memref<1x128xi32, #tpu.memory_space<vmem>>
      %dma_start3A_723 = tpu.memref_squeeze %dma_start3A_722 : memref<1x128xi32, #tpu.memory_space<vmem>> -> memref<128xi32, #tpu.memory_space<vmem>>
      %dma_start3A_724 = arith.constant 0 : i32
      %dma_start3A_725 = arith.constant 0 : i32
      %dma_start3A_726 = tpu.memref_slice %arg8[%dma_start3A_724, %dma_start3A_725] : memref<10112x64xf32, #tpu.memory_space<vmem_shared>> -> memref<10112x64xf32, #tpu.memory_space<vmem_shared>>
      tpu.enqueue_indirect_dma source(%dma_start3A_716 : memref<128x64xf32, #tpu.memory_space<vmem>>) target(%dma_start3A_726 : memref<10112x64xf32, #tpu.memory_space<vmem_shared>>) offsets(%dma_start3A_723 : memref<128xi32, #tpu.memory_space<vmem>>) semaphore(%arg13 : memref<!tpu.dma_semaphore, #tpu.memory_space<semaphore_mem>>) {add = true}
      %dma_wait3A_727 = arith.constant 0 : i32
      %dma_wait3A_728 = arith.constant 0 : i32
      %dma_wait3A_729 = arith.constant 0 : i32
      %dma_wait3A_730 = tpu.memref_slice %arg11[%dma_wait3A_727, %dma_wait3A_728, %dma_wait3A_729] : memref<2x128x64xf32, #tpu.memory_space<vmem>> -> memref<1x128x64xf32, #tpu.memory_space<vmem>>
      %dma_wait3A_731 = tpu.memref_squeeze %dma_wait3A_730 : memref<1x128x64xf32, #tpu.memory_space<vmem>> -> memref<128x64xf32, #tpu.memory_space<vmem>>
      %dma_wait3A_732 = arith.constant 0 : i32
      %dma_wait3A_733 = arith.constant 0 : i32
      %dma_wait3A_734 = tpu.memref_slice %arg10[%scan3A_386, %dma_wait3A_732, %dma_wait3A_733] : memref<2x32x128xi32, #tpu.memory_space<vmem>> -> memref<1x32x128xi32, #tpu.memory_space<vmem>>
      %dma_wait3A_735 = tpu.memref_squeeze %dma_wait3A_734 : memref<1x32x128xi32, #tpu.memory_space<vmem>> -> memref<32x128xi32, #tpu.memory_space<vmem>>
      %dma_wait3A_736 = arith.constant 0 : i32
      %dma_wait3A_737 = tpu.memref_slice %dma_wait3A_735[%add3A_711, %dma_wait3A_736] : memref<32x128xi32, #tpu.memory_space<vmem>> -> memref<1x128xi32, #tpu.memory_space<vmem>>
      %dma_wait3A_738 = tpu.memref_squeeze %dma_wait3A_737 : memref<1x128xi32, #tpu.memory_space<vmem>> -> memref<128xi32, #tpu.memory_space<vmem>>
      %dma_wait3A_739 = arith.constant 0 : i32
      %dma_wait3A_740 = arith.constant 0 : i32
      %dma_wait3A_741 = tpu.memref_slice %arg8[%dma_wait3A_739, %dma_wait3A_740] : memref<10112x64xf32, #tpu.memory_space<vmem_shared>> -> memref<10112x64xf32, #tpu.memory_space<vmem_shared>>
      tpu.wait_indirect_dma semaphore(%arg13 : memref<!tpu.dma_semaphore, #tpu.memory_space<semaphore_mem>>) src(%dma_wait3A_731 : memref<128x64xf32, #tpu.memory_space<vmem>>) dst(%dma_wait3A_741 : memref<10112x64xf32, #tpu.memory_space<vmem_shared>>)
      %add3A_742 = arith.constant 5 : i32
      %add3A_743 = arith.addi %mul3A_395, %add3A_742 : i32
      %add3A_744 = arith.constant 1 : i32
      %add3A_745 = arith.addi %add3A_743, %add3A_744 : i32
      %dma_start3A_746 = arith.constant 0 : i32
      %dma_start3A_747 = arith.constant 0 : i32
      %dma_start3A_748 = arith.constant 0 : i32
      %dma_start3A_749 = tpu.memref_slice %arg11[%dma_start3A_746, %dma_start3A_747, %dma_start3A_748] : memref<2x128x64xf32, #tpu.memory_space<vmem>> -> memref<1x128x64xf32, #tpu.memory_space<vmem>>
      %dma_start3A_750 = tpu.memref_squeeze %dma_start3A_749 : memref<1x128x64xf32, #tpu.memory_space<vmem>> -> memref<128x64xf32, #tpu.memory_space<vmem>>
      %dma_start3A_751 = arith.constant 0 : i32
      %dma_start3A_752 = arith.constant 0 : i32
      %dma_start3A_753 = tpu.memref_slice %arg9[%scan3A_385, %dma_start3A_751, %dma_start3A_752] : memref<2x32x128xi32, #tpu.memory_space<vmem>> -> memref<1x32x128xi32, #tpu.memory_space<vmem>>
      %dma_start3A_754 = tpu.memref_squeeze %dma_start3A_753 : memref<1x32x128xi32, #tpu.memory_space<vmem>> -> memref<32x128xi32, #tpu.memory_space<vmem>>
      %dma_start3A_755 = arith.constant 0 : i32
      %dma_start3A_756 = tpu.memref_slice %dma_start3A_754[%add3A_745, %dma_start3A_755] : memref<32x128xi32, #tpu.memory_space<vmem>> -> memref<1x128xi32, #tpu.memory_space<vmem>>
      %dma_start3A_757 = tpu.memref_squeeze %dma_start3A_756 : memref<1x128xi32, #tpu.memory_space<vmem>> -> memref<128xi32, #tpu.memory_space<vmem>>
      %dma_start3A_758 = arith.constant 0 : i32
      %dma_start3A_759 = arith.constant 0 : i32
      %dma_start3A_760 = tpu.memref_slice %arg7[%dma_start3A_758, %dma_start3A_759] : memref<10112x64xf32, #tpu.memory_space<vmem_shared>> -> memref<10112x64xf32, #tpu.memory_space<vmem_shared>>
      tpu.enqueue_indirect_dma source(%dma_start3A_760 : memref<10112x64xf32, #tpu.memory_space<vmem_shared>>) target(%dma_start3A_750 : memref<128x64xf32, #tpu.memory_space<vmem>>) offsets(%dma_start3A_757 : memref<128xi32, #tpu.memory_space<vmem>>) semaphore(%arg12 : memref<!tpu.dma_semaphore, #tpu.memory_space<semaphore_mem>>)
      %dma_wait3A_761 = arith.constant 1 : i32
      %dma_wait3A_762 = arith.constant 0 : i32
      %dma_wait3A_763 = arith.constant 0 : i32
      %dma_wait3A_764 = tpu.memref_slice %arg11[%dma_wait3A_761, %dma_wait3A_762, %dma_wait3A_763] : memref<2x128x64xf32, #tpu.memory_space<vmem>> -> memref<1x128x64xf32, #tpu.memory_space<vmem>>
      %dma_wait3A_765 = tpu.memref_squeeze %dma_wait3A_764 : memref<1x128x64xf32, #tpu.memory_space<vmem>> -> memref<128x64xf32, #tpu.memory_space<vmem>>
      %dma_wait3A_766 = arith.constant 0 : i32
      %dma_wait3A_767 = arith.constant 0 : i32
      %dma_wait3A_768 = tpu.memref_slice %arg9[%scan3A_385, %dma_wait3A_766, %dma_wait3A_767] : memref<2x32x128xi32, #tpu.memory_space<vmem>> -> memref<1x32x128xi32, #tpu.memory_space<vmem>>
      %dma_wait3A_769 = tpu.memref_squeeze %dma_wait3A_768 : memref<1x32x128xi32, #tpu.memory_space<vmem>> -> memref<32x128xi32, #tpu.memory_space<vmem>>
      %dma_wait3A_770 = arith.constant 0 : i32
      %dma_wait3A_771 = tpu.memref_slice %dma_wait3A_769[%add3A_679, %dma_wait3A_770] : memref<32x128xi32, #tpu.memory_space<vmem>> -> memref<1x128xi32, #tpu.memory_space<vmem>>
      %dma_wait3A_772 = tpu.memref_squeeze %dma_wait3A_771 : memref<1x128xi32, #tpu.memory_space<vmem>> -> memref<128xi32, #tpu.memory_space<vmem>>
      %dma_wait3A_773 = arith.constant 0 : i32
      %dma_wait3A_774 = arith.constant 0 : i32
      %dma_wait3A_775 = tpu.memref_slice %arg7[%dma_wait3A_773, %dma_wait3A_774] : memref<10112x64xf32, #tpu.memory_space<vmem_shared>> -> memref<10112x64xf32, #tpu.memory_space<vmem_shared>>
      tpu.wait_indirect_dma semaphore(%arg12 : memref<!tpu.dma_semaphore, #tpu.memory_space<semaphore_mem>>) src(%dma_wait3A_775 : memref<10112x64xf32, #tpu.memory_space<vmem_shared>>) dst(%dma_wait3A_765 : memref<128x64xf32, #tpu.memory_space<vmem>>)
      %add3A_776 = arith.constant 5 : i32
      %add3A_777 = arith.addi %mul3A_395, %add3A_776 : i32
      %dma_start3A_778 = arith.constant 1 : i32
      %dma_start3A_779 = arith.constant 0 : i32
      %dma_start3A_780 = arith.constant 0 : i32
      %dma_start3A_781 = tpu.memref_slice %arg11[%dma_start3A_778, %dma_start3A_779, %dma_start3A_780] : memref<2x128x64xf32, #tpu.memory_space<vmem>> -> memref<1x128x64xf32, #tpu.memory_space<vmem>>
      %dma_start3A_782 = tpu.memref_squeeze %dma_start3A_781 : memref<1x128x64xf32, #tpu.memory_space<vmem>> -> memref<128x64xf32, #tpu.memory_space<vmem>>
      %dma_start3A_783 = arith.constant 0 : i32
      %dma_start3A_784 = arith.constant 0 : i32
      %dma_start3A_785 = tpu.memref_slice %arg10[%scan3A_386, %dma_start3A_783, %dma_start3A_784] : memref<2x32x128xi32, #tpu.memory_space<vmem>> -> memref<1x32x128xi32, #tpu.memory_space<vmem>>
      %dma_start3A_786 = tpu.memref_squeeze %dma_start3A_785 : memref<1x32x128xi32, #tpu.memory_space<vmem>> -> memref<32x128xi32, #tpu.memory_space<vmem>>
      %dma_start3A_787 = arith.constant 0 : i32
      %dma_start3A_788 = tpu.memref_slice %dma_start3A_786[%add3A_777, %dma_start3A_787] : memref<32x128xi32, #tpu.memory_space<vmem>> -> memref<1x128xi32, #tpu.memory_space<vmem>>
      %dma_start3A_789 = tpu.memref_squeeze %dma_start3A_788 : memref<1x128xi32, #tpu.memory_space<vmem>> -> memref<128xi32, #tpu.memory_space<vmem>>
      %dma_start3A_790 = arith.constant 0 : i32
      %dma_start3A_791 = arith.constant 0 : i32
      %dma_start3A_792 = tpu.memref_slice %arg8[%dma_start3A_790, %dma_start3A_791] : memref<10112x64xf32, #tpu.memory_space<vmem_shared>> -> memref<10112x64xf32, #tpu.memory_space<vmem_shared>>
      tpu.enqueue_indirect_dma source(%dma_start3A_782 : memref<128x64xf32, #tpu.memory_space<vmem>>) target(%dma_start3A_792 : memref<10112x64xf32, #tpu.memory_space<vmem_shared>>) offsets(%dma_start3A_789 : memref<128xi32, #tpu.memory_space<vmem>>) semaphore(%arg13 : memref<!tpu.dma_semaphore, #tpu.memory_space<semaphore_mem>>) {add = true}
      %dma_wait3A_793 = arith.constant 1 : i32
      %dma_wait3A_794 = arith.constant 0 : i32
      %dma_wait3A_795 = arith.constant 0 : i32
      %dma_wait3A_796 = tpu.memref_slice %arg11[%dma_wait3A_793, %dma_wait3A_794, %dma_wait3A_795] : memref<2x128x64xf32, #tpu.memory_space<vmem>> -> memref<1x128x64xf32, #tpu.memory_space<vmem>>
      %dma_wait3A_797 = tpu.memref_squeeze %dma_wait3A_796 : memref<1x128x64xf32, #tpu.memory_space<vmem>> -> memref<128x64xf32, #tpu.memory_space<vmem>>
      %dma_wait3A_798 = arith.constant 0 : i32
      %dma_wait3A_799 = arith.constant 0 : i32
      %dma_wait3A_800 = tpu.memref_slice %arg10[%scan3A_386, %dma_wait3A_798, %dma_wait3A_799] : memref<2x32x128xi32, #tpu.memory_space<vmem>> -> memref<1x32x128xi32, #tpu.memory_space<vmem>>
      %dma_wait3A_801 = tpu.memref_squeeze %dma_wait3A_800 : memref<1x32x128xi32, #tpu.memory_space<vmem>> -> memref<32x128xi32, #tpu.memory_space<vmem>>
      %dma_wait3A_802 = arith.constant 0 : i32
      %dma_wait3A_803 = tpu.memref_slice %dma_wait3A_801[%add3A_777, %dma_wait3A_802] : memref<32x128xi32, #tpu.memory_space<vmem>> -> memref<1x128xi32, #tpu.memory_space<vmem>>
      %dma_wait3A_804 = tpu.memref_squeeze %dma_wait3A_803 : memref<1x128xi32, #tpu.memory_space<vmem>> -> memref<128xi32, #tpu.memory_space<vmem>>
      %dma_wait3A_805 = arith.constant 0 : i32
      %dma_wait3A_806 = arith.constant 0 : i32
      %dma_wait3A_807 = tpu.memref_slice %arg8[%dma_wait3A_805, %dma_wait3A_806] : memref<10112x64xf32, #tpu.memory_space<vmem_shared>> -> memref<10112x64xf32, #tpu.memory_space<vmem_shared>>
      tpu.wait_indirect_dma semaphore(%arg13 : memref<!tpu.dma_semaphore, #tpu.memory_space<semaphore_mem>>) src(%dma_wait3A_797 : memref<128x64xf32, #tpu.memory_space<vmem>>) dst(%dma_wait3A_807 : memref<10112x64xf32, #tpu.memory_space<vmem_shared>>)
      %add3A_808 = arith.constant 6 : i32
      %add3A_809 = arith.addi %mul3A_395, %add3A_808 : i32
      %add3A_810 = arith.constant 1 : i32
      %add3A_811 = arith.addi %add3A_809, %add3A_810 : i32
      %dma_start3A_812 = arith.constant 1 : i32
      %dma_start3A_813 = arith.constant 0 : i32
      %dma_start3A_814 = arith.constant 0 : i32
      %dma_start3A_815 = tpu.memref_slice %arg11[%dma_start3A_812, %dma_start3A_813, %dma_start3A_814] : memref<2x128x64xf32, #tpu.memory_space<vmem>> -> memref<1x128x64xf32, #tpu.memory_space<vmem>>
      %dma_start3A_816 = tpu.memref_squeeze %dma_start3A_815 : memref<1x128x64xf32, #tpu.memory_space<vmem>> -> memref<128x64xf32, #tpu.memory_space<vmem>>
      %dma_start3A_817 = arith.constant 0 : i32
      %dma_start3A_818 = arith.constant 0 : i32
      %dma_start3A_819 = tpu.memref_slice %arg9[%scan3A_385, %dma_start3A_817, %dma_start3A_818] : memref<2x32x128xi32, #tpu.memory_space<vmem>> -> memref<1x32x128xi32, #tpu.memory_space<vmem>>
      %dma_start3A_820 = tpu.memref_squeeze %dma_start3A_819 : memref<1x32x128xi32, #tpu.memory_space<vmem>> -> memref<32x128xi32, #tpu.memory_space<vmem>>
      %dma_start3A_821 = arith.constant 0 : i32
      %dma_start3A_822 = tpu.memref_slice %dma_start3A_820[%add3A_811, %dma_start3A_821] : memref<32x128xi32, #tpu.memory_space<vmem>> -> memref<1x128xi32, #tpu.memory_space<vmem>>
      %dma_start3A_823 = tpu.memref_squeeze %dma_start3A_822 : memref<1x128xi32, #tpu.memory_space<vmem>> -> memref<128xi32, #tpu.memory_space<vmem>>
      %dma_start3A_824 = arith.constant 0 : i32
      %dma_start3A_825 = arith.constant 0 : i32
      %dma_start3A_826 = tpu.memref_slice %arg7[%dma_start3A_824, %dma_start3A_825] : memref<10112x64xf32, #tpu.memory_space<vmem_shared>> -> memref<10112x64xf32, #tpu.memory_space<vmem_shared>>
      tpu.enqueue_indirect_dma source(%dma_start3A_826 : memref<10112x64xf32, #tpu.memory_space<vmem_shared>>) target(%dma_start3A_816 : memref<128x64xf32, #tpu.memory_space<vmem>>) offsets(%dma_start3A_823 : memref<128xi32, #tpu.memory_space<vmem>>) semaphore(%arg12 : memref<!tpu.dma_semaphore, #tpu.memory_space<semaphore_mem>>)
      %dma_wait3A_827 = arith.constant 0 : i32
      %dma_wait3A_828 = arith.constant 0 : i32
      %dma_wait3A_829 = arith.constant 0 : i32
      %dma_wait3A_830 = tpu.memref_slice %arg11[%dma_wait3A_827, %dma_wait3A_828, %dma_wait3A_829] : memref<2x128x64xf32, #tpu.memory_space<vmem>> -> memref<1x128x64xf32, #tpu.memory_space<vmem>>
      %dma_wait3A_831 = tpu.memref_squeeze %dma_wait3A_830 : memref<1x128x64xf32, #tpu.memory_space<vmem>> -> memref<128x64xf32, #tpu.memory_space<vmem>>
      %dma_wait3A_832 = arith.constant 0 : i32
      %dma_wait3A_833 = arith.constant 0 : i32
      %dma_wait3A_834 = tpu.memref_slice %arg9[%scan3A_385, %dma_wait3A_832, %dma_wait3A_833] : memref<2x32x128xi32, #tpu.memory_space<vmem>> -> memref<1x32x128xi32, #tpu.memory_space<vmem>>
      %dma_wait3A_835 = tpu.memref_squeeze %dma_wait3A_834 : memref<1x32x128xi32, #tpu.memory_space<vmem>> -> memref<32x128xi32, #tpu.memory_space<vmem>>
      %dma_wait3A_836 = arith.constant 0 : i32
      %dma_wait3A_837 = tpu.memref_slice %dma_wait3A_835[%add3A_745, %dma_wait3A_836] : memref<32x128xi32, #tpu.memory_space<vmem>> -> memref<1x128xi32, #tpu.memory_space<vmem>>
      %dma_wait3A_838 = tpu.memref_squeeze %dma_wait3A_837 : memref<1x128xi32, #tpu.memory_space<vmem>> -> memref<128xi32, #tpu.memory_space<vmem>>
      %dma_wait3A_839 = arith.constant 0 : i32
      %dma_wait3A_840 = arith.constant 0 : i32
      %dma_wait3A_841 = tpu.memref_slice %arg7[%dma_wait3A_839, %dma_wait3A_840] : memref<10112x64xf32, #tpu.memory_space<vmem_shared>> -> memref<10112x64xf32, #tpu.memory_space<vmem_shared>>
      tpu.wait_indirect_dma semaphore(%arg12 : memref<!tpu.dma_semaphore, #tpu.memory_space<semaphore_mem>>) src(%dma_wait3A_841 : memref<10112x64xf32, #tpu.memory_space<vmem_shared>>) dst(%dma_wait3A_831 : memref<128x64xf32, #tpu.memory_space<vmem>>)
      %add3A_842 = arith.constant 6 : i32
      %add3A_843 = arith.addi %mul3A_395, %add3A_842 : i32
      %dma_start3A_844 = arith.constant 0 : i32
      %dma_start3A_845 = arith.constant 0 : i32
      %dma_start3A_846 = arith.constant 0 : i32
      %dma_start3A_847 = tpu.memref_slice %arg11[%dma_start3A_844, %dma_start3A_845, %dma_start3A_846] : memref<2x128x64xf32, #tpu.memory_space<vmem>> -> memref<1x128x64xf32, #tpu.memory_space<vmem>>
      %dma_start3A_848 = tpu.memref_squeeze %dma_start3A_847 : memref<1x128x64xf32, #tpu.memory_space<vmem>> -> memref<128x64xf32, #tpu.memory_space<vmem>>
      %dma_start3A_849 = arith.constant 0 : i32
      %dma_start3A_850 = arith.constant 0 : i32
      %dma_start3A_851 = tpu.memref_slice %arg10[%scan3A_386, %dma_start3A_849, %dma_start3A_850] : memref<2x32x128xi32, #tpu.memory_space<vmem>> -> memref<1x32x128xi32, #tpu.memory_space<vmem>>
      %dma_start3A_852 = tpu.memref_squeeze %dma_start3A_851 : memref<1x32x128xi32, #tpu.memory_space<vmem>> -> memref<32x128xi32, #tpu.memory_space<vmem>>
      %dma_start3A_853 = arith.constant 0 : i32
      %dma_start3A_854 = tpu.memref_slice %dma_start3A_852[%add3A_843, %dma_start3A_853] : memref<32x128xi32, #tpu.memory_space<vmem>> -> memref<1x128xi32, #tpu.memory_space<vmem>>
      %dma_start3A_855 = tpu.memref_squeeze %dma_start3A_854 : memref<1x128xi32, #tpu.memory_space<vmem>> -> memref<128xi32, #tpu.memory_space<vmem>>
      %dma_start3A_856 = arith.constant 0 : i32
      %dma_start3A_857 = arith.constant 0 : i32
      %dma_start3A_858 = tpu.memref_slice %arg8[%dma_start3A_856, %dma_start3A_857] : memref<10112x64xf32, #tpu.memory_space<vmem_shared>> -> memref<10112x64xf32, #tpu.memory_space<vmem_shared>>
      tpu.enqueue_indirect_dma source(%dma_start3A_848 : memref<128x64xf32, #tpu.memory_space<vmem>>) target(%dma_start3A_858 : memref<10112x64xf32, #tpu.memory_space<vmem_shared>>) offsets(%dma_start3A_855 : memref<128xi32, #tpu.memory_space<vmem>>) semaphore(%arg13 : memref<!tpu.dma_semaphore, #tpu.memory_space<semaphore_mem>>) {add = true}
      %dma_wait3A_859 = arith.constant 1 : i32
      %dma_wait3A_860 = arith.constant 0 : i32
      %dma_wait3A_861 = arith.constant 0 : i32
      %dma_wait3A_862 = tpu.memref_slice %arg11[%dma_wait3A_859, %dma_wait3A_860, %dma_wait3A_861] : memref<2x128x64xf32, #tpu.memory_space<vmem>> -> memref<1x128x64xf32, #tpu.memory_space<vmem>>
      %dma_wait3A_863 = tpu.memref_squeeze %dma_wait3A_862 : memref<1x128x64xf32, #tpu.memory_space<vmem>> -> memref<128x64xf32, #tpu.memory_space<vmem>>
      %dma_wait3A_864 = arith.constant 0 : i32
      %dma_wait3A_865 = arith.constant 0 : i32
      %dma_wait3A_866 = tpu.memref_slice %arg9[%scan3A_385, %dma_wait3A_864, %dma_wait3A_865] : memref<2x32x128xi32, #tpu.memory_space<vmem>> -> memref<1x32x128xi32, #tpu.memory_space<vmem>>
      %dma_wait3A_867 = tpu.memref_squeeze %dma_wait3A_866 : memref<1x32x128xi32, #tpu.memory_space<vmem>> -> memref<32x128xi32, #tpu.memory_space<vmem>>
      %dma_wait3A_868 = arith.constant 0 : i32
      %dma_wait3A_869 = tpu.memref_slice %dma_wait3A_867[%add3A_811, %dma_wait3A_868] : memref<32x128xi32, #tpu.memory_space<vmem>> -> memref<1x128xi32, #tpu.memory_space<vmem>>
      %dma_wait3A_870 = tpu.memref_squeeze %dma_wait3A_869 : memref<1x128xi32, #tpu.memory_space<vmem>> -> memref<128xi32, #tpu.memory_space<vmem>>
      %dma_wait3A_871 = arith.constant 0 : i32
      %dma_wait3A_872 = arith.constant 0 : i32
      %dma_wait3A_873 = tpu.memref_slice %arg7[%dma_wait3A_871, %dma_wait3A_872] : memref<10112x64xf32, #tpu.memory_space<vmem_shared>> -> memref<10112x64xf32, #tpu.memory_space<vmem_shared>>
      tpu.wait_indirect_dma semaphore(%arg12 : memref<!tpu.dma_semaphore, #tpu.memory_space<semaphore_mem>>) src(%dma_wait3A_873 : memref<10112x64xf32, #tpu.memory_space<vmem_shared>>) dst(%dma_wait3A_863 : memref<128x64xf32, #tpu.memory_space<vmem>>)
      %add3A_874 = arith.constant 7 : i32
      %add3A_875 = arith.addi %mul3A_395, %add3A_874 : i32
      %dma_start3A_876 = arith.constant 1 : i32
      %dma_start3A_877 = arith.constant 0 : i32
      %dma_start3A_878 = arith.constant 0 : i32
      %dma_start3A_879 = tpu.memref_slice %arg11[%dma_start3A_876, %dma_start3A_877, %dma_start3A_878] : memref<2x128x64xf32, #tpu.memory_space<vmem>> -> memref<1x128x64xf32, #tpu.memory_space<vmem>>
      %dma_start3A_880 = tpu.memref_squeeze %dma_start3A_879 : memref<1x128x64xf32, #tpu.memory_space<vmem>> -> memref<128x64xf32, #tpu.memory_space<vmem>>
      %dma_start3A_881 = arith.constant 0 : i32
      %dma_start3A_882 = arith.constant 0 : i32
      %dma_start3A_883 = tpu.memref_slice %arg10[%scan3A_386, %dma_start3A_881, %dma_start3A_882] : memref<2x32x128xi32, #tpu.memory_space<vmem>> -> memref<1x32x128xi32, #tpu.memory_space<vmem>>
      %dma_start3A_884 = tpu.memref_squeeze %dma_start3A_883 : memref<1x32x128xi32, #tpu.memory_space<vmem>> -> memref<32x128xi32, #tpu.memory_space<vmem>>
      %dma_start3A_885 = arith.constant 0 : i32
      %dma_start3A_886 = tpu.memref_slice %dma_start3A_884[%add3A_875, %dma_start3A_885] : memref<32x128xi32, #tpu.memory_space<vmem>> -> memref<1x128xi32, #tpu.memory_space<vmem>>
      %dma_start3A_887 = tpu.memref_squeeze %dma_start3A_886 : memref<1x128xi32, #tpu.memory_space<vmem>> -> memref<128xi32, #tpu.memory_space<vmem>>
      %dma_start3A_888 = arith.constant 0 : i32
      %dma_start3A_889 = arith.constant 0 : i32
      %dma_start3A_890 = tpu.memref_slice %arg8[%dma_start3A_888, %dma_start3A_889] : memref<10112x64xf32, #tpu.memory_space<vmem_shared>> -> memref<10112x64xf32, #tpu.memory_space<vmem_shared>>
      tpu.enqueue_indirect_dma source(%dma_start3A_880 : memref<128x64xf32, #tpu.memory_space<vmem>>) target(%dma_start3A_890 : memref<10112x64xf32, #tpu.memory_space<vmem_shared>>) offsets(%dma_start3A_887 : memref<128xi32, #tpu.memory_space<vmem>>) semaphore(%arg13 : memref<!tpu.dma_semaphore, #tpu.memory_space<semaphore_mem>>) {add = true}
      %dma_wait3A_891 = arith.constant 0 : i32
      %dma_wait3A_892 = arith.constant 0 : i32
      %dma_wait3A_893 = arith.constant 0 : i32
      %dma_wait3A_894 = tpu.memref_slice %arg11[%dma_wait3A_891, %dma_wait3A_892, %dma_wait3A_893] : memref<2x128x64xf32, #tpu.memory_space<vmem>> -> memref<1x128x64xf32, #tpu.memory_space<vmem>>
      %dma_wait3A_895 = tpu.memref_squeeze %dma_wait3A_894 : memref<1x128x64xf32, #tpu.memory_space<vmem>> -> memref<128x64xf32, #tpu.memory_space<vmem>>
      %dma_wait3A_896 = arith.constant 0 : i32
      %dma_wait3A_897 = arith.constant 0 : i32
      %dma_wait3A_898 = tpu.memref_slice %arg10[%scan3A_386, %dma_wait3A_896, %dma_wait3A_897] : memref<2x32x128xi32, #tpu.memory_space<vmem>> -> memref<1x32x128xi32, #tpu.memory_space<vmem>>
      %dma_wait3A_899 = tpu.memref_squeeze %dma_wait3A_898 : memref<1x32x128xi32, #tpu.memory_space<vmem>> -> memref<32x128xi32, #tpu.memory_space<vmem>>
      %dma_wait3A_900 = arith.constant 0 : i32
      %dma_wait3A_901 = tpu.memref_slice %dma_wait3A_899[%add3A_843, %dma_wait3A_900] : memref<32x128xi32, #tpu.memory_space<vmem>> -> memref<1x128xi32, #tpu.memory_space<vmem>>
      %dma_wait3A_902 = tpu.memref_squeeze %dma_wait3A_901 : memref<1x128xi32, #tpu.memory_space<vmem>> -> memref<128xi32, #tpu.memory_space<vmem>>
      %dma_wait3A_903 = arith.constant 0 : i32
      %dma_wait3A_904 = arith.constant 0 : i32
      %dma_wait3A_905 = tpu.memref_slice %arg8[%dma_wait3A_903, %dma_wait3A_904] : memref<10112x64xf32, #tpu.memory_space<vmem_shared>> -> memref<10112x64xf32, #tpu.memory_space<vmem_shared>>
      tpu.wait_indirect_dma semaphore(%arg13 : memref<!tpu.dma_semaphore, #tpu.memory_space<semaphore_mem>>) src(%dma_wait3A_895 : memref<128x64xf32, #tpu.memory_space<vmem>>) dst(%dma_wait3A_905 : memref<10112x64xf32, #tpu.memory_space<vmem_shared>>)
      %dma_wait3A_906 = arith.constant 1 : i32
      %dma_wait3A_907 = arith.constant 0 : i32
      %dma_wait3A_908 = arith.constant 0 : i32
      %dma_wait3A_909 = tpu.memref_slice %arg11[%dma_wait3A_906, %dma_wait3A_907, %dma_wait3A_908] : memref<2x128x64xf32, #tpu.memory_space<vmem>> -> memref<1x128x64xf32, #tpu.memory_space<vmem>>
      %dma_wait3A_910 = tpu.memref_squeeze %dma_wait3A_909 : memref<1x128x64xf32, #tpu.memory_space<vmem>> -> memref<128x64xf32, #tpu.memory_space<vmem>>
      %dma_wait3A_911 = arith.constant 0 : i32
      %dma_wait3A_912 = arith.constant 0 : i32
      %dma_wait3A_913 = tpu.memref_slice %arg10[%scan3A_386, %dma_wait3A_911, %dma_wait3A_912] : memref<2x32x128xi32, #tpu.memory_space<vmem>> -> memref<1x32x128xi32, #tpu.memory_space<vmem>>
      %dma_wait3A_914 = tpu.memref_squeeze %dma_wait3A_913 : memref<1x32x128xi32, #tpu.memory_space<vmem>> -> memref<32x128xi32, #tpu.memory_space<vmem>>
      %dma_wait3A_915 = arith.constant 0 : i32
      %dma_wait3A_916 = tpu.memref_slice %dma_wait3A_914[%add3A_875, %dma_wait3A_915] : memref<32x128xi32, #tpu.memory_space<vmem>> -> memref<1x128xi32, #tpu.memory_space<vmem>>
      %dma_wait3A_917 = tpu.memref_squeeze %dma_wait3A_916 : memref<1x128xi32, #tpu.memory_space<vmem>> -> memref<128xi32, #tpu.memory_space<vmem>>
      %dma_wait3A_918 = arith.constant 0 : i32
      %dma_wait3A_919 = arith.constant 0 : i32
      %dma_wait3A_920 = tpu.memref_slice %arg8[%dma_wait3A_918, %dma_wait3A_919] : memref<10112x64xf32, #tpu.memory_space<vmem_shared>> -> memref<10112x64xf32, #tpu.memory_space<vmem_shared>>
      tpu.wait_indirect_dma semaphore(%arg13 : memref<!tpu.dma_semaphore, #tpu.memory_space<semaphore_mem>>) src(%dma_wait3A_910 : memref<128x64xf32, #tpu.memory_space<vmem>>) dst(%dma_wait3A_920 : memref<10112x64xf32, #tpu.memory_space<vmem_shared>>)
    }
    %scan3A_391 = arith.constant 4 : i32
    %barrier3A_392 = arith.constant 0 : index
    tpu.barrier barrier_id(%barrier3A_392)
    "tpu.region"() ({
      %run_scoped3A = tpu.sem_alloc : memref<!tpu.dma_semaphore, #tpu.memory_space<semaphore_mem>>
      %dma_start3A_393 = arith.constant 0 : i32
      %dma_start3A_394 = tpu.memref_slice %arg6[%arg0, %mul3A_0, %dma_start3A_393] : memref<2x10112x64xf32, #tpu.memory_space<hbm>> -> memref<1x632x64xf32, #tpu.memory_space<hbm>>
      %dma_start3A_395 = tpu.memref_squeeze %dma_start3A_394 : memref<1x632x64xf32, #tpu.memory_space<hbm>> -> memref<632x64xf32, #tpu.memory_space<hbm>>
      %dma_start3A_396 = arith.constant 0 : i32
      %dma_start3A_397 = tpu.memref_slice %arg8[%mul3A_0, %dma_start3A_396] : memref<10112x64xf32, #tpu.memory_space<vmem_shared>> -> memref<632x64xf32, #tpu.memory_space<vmem_shared>>
      tpu.enqueue_dma source(%dma_start3A_397 : memref<632x64xf32, #tpu.memory_space<vmem_shared>>) target(%dma_start3A_395 : memref<632x64xf32, #tpu.memory_space<hbm>>) target_semaphore(%run_scoped3A : memref<!tpu.dma_semaphore, #tpu.memory_space<semaphore_mem>>)
      %dma_wait3A_398 = arith.constant 0 : i32
      %dma_wait3A_399 = tpu.memref_slice %arg6[%arg0, %mul3A_0, %dma_wait3A_398] : memref<2x10112x64xf32, #tpu.memory_space<hbm>> -> memref<1x632x64xf32, #tpu.memory_space<hbm>>
      %dma_wait3A_400 = tpu.memref_squeeze %dma_wait3A_399 : memref<1x632x64xf32, #tpu.memory_space<hbm>> -> memref<632x64xf32, #tpu.memory_space<hbm>>
      %dma_wait3A_401 = arith.constant 0 : i32
      %dma_wait3A_402 = tpu.memref_slice %arg8[%mul3A_0, %dma_wait3A_401] : memref<10112x64xf32, #tpu.memory_space<vmem_shared>> -> memref<632x64xf32, #tpu.memory_space<vmem_shared>>
      tpu.wait_dma2 semaphore(%run_scoped3A : memref<!tpu.dma_semaphore, #tpu.memory_space<semaphore_mem>>) src(%dma_wait3A_402 : memref<632x64xf32, #tpu.memory_space<vmem_shared>>) dst(%dma_wait3A_400 : memref<632x64xf32, #tpu.memory_space<hbm>>)
      tpu.yield
    }) : () -> ()
    return
  }
}

module attributes {stable_mosaic.version = 14 : i64} {
  func.func @_tc_body(%arg0: memref<2x10112x64xf32, #tpu.memory_space<vmem>>, %arg1: memref<10000x128xf32, #tpu.memory_space<vmem>>, %arg2: memref<1x1xf32, #tpu.memory_space<vmem>>, %arg3: memref<128x128xf32, #tpu.memory_space<vmem>>, %arg4: memref<1x128xf32, #tpu.memory_space<vmem>>, %arg5: memref<1x128xf32, #tpu.memory_space<vmem>>, %arg6: memref<1x128xf32, #tpu.memory_space<vmem>>, %arg7: memref<128x128xf32, #tpu.memory_space<vmem>>, %arg8: memref<1x128xf32, #tpu.memory_space<vmem>>, %arg9: memref<1x128xf32, #tpu.memory_space<vmem>>, %arg10: memref<1x128xf32, #tpu.memory_space<vmem>>, %arg11: memref<10000x128xf32, #tpu.memory_space<vmem>>) attributes {dimension_semantics = [], scalar_prefetch = 0 : i64, scratch_operands = 0 : i64, tpu.core_type = #tpu.core_type<tc>} {
    %get3A = arith.constant 0 : index
    %get3A_0 = arith.constant 0 : index
    %get3A_1 = vector.load %arg2[%get3A, %get3A_0] : memref<1x1xf32, #tpu.memory_space<vmem>>, vector<1x1xf32>
    %get3A_2 = vector.extract %get3A_1[0, 0] : f32 from vector<1x1xf32>
    %get3A_3 = arith.constant 0 : index
    %get3A_4 = arith.constant 0 : index
    %get3A_5 = arith.constant 0 : index
    %get3A_6 = vector.load %arg0[%get3A_3, %get3A_4, %get3A_5] : memref<2x10112x64xf32, #tpu.memory_space<vmem>>, vector<1x10000x64xf32>
    %get3A_7 = vector.shape_cast %get3A_6 : vector<1x10000x64xf32> to vector<10000x64xf32>
    %get3A_8 = arith.constant 1 : index
    %get3A_9 = arith.constant 0 : index
    %get3A_10 = arith.constant 0 : index
    %get3A_11 = vector.load %arg0[%get3A_8, %get3A_9, %get3A_10] : memref<2x10112x64xf32, #tpu.memory_space<vmem>>, vector<1x10000x64xf32>
    %get3A_12 = vector.shape_cast %get3A_11 : vector<1x10000x64xf32> to vector<10000x64xf32>
    %concatenate3A = tpu.concatenate %get3A_7, %get3A_12 in 1 : vector<10000x64xf32>, vector<10000x64xf32> -> vector<10000x128xf32>
    %get3A_13 = arith.constant 0 : index
    %get3A_14 = arith.constant 0 : index
    %get3A_15 = vector.load %arg1[%get3A_13, %get3A_14] : memref<10000x128xf32, #tpu.memory_space<vmem>>, vector<10000x128xf32>
    %mul3A = vector.broadcast %get3A_2 : f32 to vector<10000x128xf32>
    %mul3A_16 = arith.mulf %mul3A, %get3A_15 : vector<10000x128xf32>
    %add3A = arith.addf %concatenate3A, %mul3A_16 : vector<10000x128xf32>
    %get3A_17 = arith.constant 0 : index
    %get3A_18 = arith.constant 0 : index
    %get3A_19 = vector.load %arg3[%get3A_17, %get3A_18] : memref<128x128xf32, #tpu.memory_space<vmem>>, vector<128x128xf32>
    %dot_general3A = arith.constant dense<0.000000e+00> : vector<10000x128xf32>
    %dot_general3A_20 = tpu.matmul %add3A, %get3A_19, %dot_general3A {dimension_numbers = #tpu.dot_dimension_numbers<[1], [1], [0], [0], [0, 0, 1, 0], [], []>, transpose_lhs_hint = false} : vector<10000x128xf32>, vector<128x128xf32>, vector<10000x128xf32> -> vector<10000x128xf32>
    %get3A_21 = arith.constant 0 : index
    %get3A_22 = arith.constant 0 : index
    %get3A_23 = vector.load %arg4[%get3A_21, %get3A_22] : memref<1x128xf32, #tpu.memory_space<vmem>>, vector<1x128xf32>
    %add3A_24 = vector.broadcast %get3A_23 : vector<1x128xf32> to vector<10000x128xf32>
    %add3A_25 = arith.addf %dot_general3A_20, %add3A_24 : vector<10000x128xf32>
    %reduce_sum3A = arith.constant dense<0.000000e+00> : vector<128xf32>
    %reduce_sum3A_26 = vector.multi_reduction <add>, %add3A_25, %reduce_sum3A [0] : vector<10000x128xf32> to vector<128xf32>
    %broadcast_in_dim3A = vector.shape_cast %reduce_sum3A_26 : vector<128xf32> to vector<1x128xf32>
    %div3A = arith.constant 1.000000e+04 : f32
    %div3A_27 = vector.broadcast %div3A : f32 to vector<1x128xf32>
    %div3A_28 = arith.divf %broadcast_in_dim3A, %div3A_27 : vector<1x128xf32>
    %sub3A = vector.broadcast %div3A_28 : vector<1x128xf32> to vector<10000x128xf32>
    %sub3A_29 = arith.subf %add3A_25, %sub3A : vector<10000x128xf32>
    %sub3A_30 = vector.broadcast %div3A_28 : vector<1x128xf32> to vector<10000x128xf32>
    %sub3A_31 = arith.subf %add3A_25, %sub3A_30 : vector<10000x128xf32>
    %mul3A_32 = arith.mulf %sub3A_29, %sub3A_31 : vector<10000x128xf32>
    %reduce_sum3A_33 = arith.constant dense<0.000000e+00> : vector<128xf32>
    %reduce_sum3A_34 = vector.multi_reduction <add>, %mul3A_32, %reduce_sum3A_33 [0] : vector<10000x128xf32> to vector<128xf32>
    %broadcast_in_dim3A_35 = vector.shape_cast %reduce_sum3A_34 : vector<128xf32> to vector<1x128xf32>
    %div3A_36 = arith.constant 1.000000e+04 : f32
    %div3A_37 = vector.broadcast %div3A_36 : f32 to vector<1x128xf32>
    %div3A_38 = arith.divf %broadcast_in_dim3A_35, %div3A_37 : vector<1x128xf32>
    %sub3A_39 = vector.broadcast %div3A_28 : vector<1x128xf32> to vector<10000x128xf32>
    %sub3A_40 = arith.subf %add3A_25, %sub3A_39 : vector<10000x128xf32>
    %add3A_41 = arith.constant 9.99999974E-6 : f32
    %add3A_42 = vector.broadcast %add3A_41 : f32 to vector<1x128xf32>
    %add3A_43 = arith.addf %div3A_38, %add3A_42 : vector<1x128xf32>
    %rsqrt3A = math.rsqrt %add3A_43 : vector<1x128xf32>
    %mul3A_44 = vector.broadcast %rsqrt3A : vector<1x128xf32> to vector<10000x128xf32>
    %mul3A_45 = arith.mulf %sub3A_40, %mul3A_44 : vector<10000x128xf32>
    %get3A_46 = arith.constant 0 : index
    %get3A_47 = arith.constant 0 : index
    %get3A_48 = vector.load %arg5[%get3A_46, %get3A_47] : memref<1x128xf32, #tpu.memory_space<vmem>>, vector<1x128xf32>
    %mul3A_49 = vector.broadcast %get3A_48 : vector<1x128xf32> to vector<10000x128xf32>
    %mul3A_50 = arith.mulf %mul3A_45, %mul3A_49 : vector<10000x128xf32>
    %get3A_51 = arith.constant 0 : index
    %get3A_52 = arith.constant 0 : index
    %get3A_53 = vector.load %arg6[%get3A_51, %get3A_52] : memref<1x128xf32, #tpu.memory_space<vmem>>, vector<1x128xf32>
    %add3A_54 = vector.broadcast %get3A_53 : vector<1x128xf32> to vector<10000x128xf32>
    %add3A_55 = arith.addf %mul3A_50, %add3A_54 : vector<10000x128xf32>
    %max3A = arith.constant 0.000000e+00 : f32
    %max3A_56 = vector.broadcast %max3A : f32 to vector<10000x128xf32>
    %max3A_57 = arith.maximumf %add3A_55, %max3A_56 : vector<10000x128xf32>
    %get3A_58 = arith.constant 0 : index
    %get3A_59 = arith.constant 0 : index
    %get3A_60 = vector.load %arg7[%get3A_58, %get3A_59] : memref<128x128xf32, #tpu.memory_space<vmem>>, vector<128x128xf32>
    %dot_general3A_61 = arith.constant dense<0.000000e+00> : vector<10000x128xf32>
    %dot_general3A_62 = tpu.matmul %max3A_57, %get3A_60, %dot_general3A_61 {dimension_numbers = #tpu.dot_dimension_numbers<[1], [1], [0], [0], [0, 0, 1, 0], [], []>, transpose_lhs_hint = false} : vector<10000x128xf32>, vector<128x128xf32>, vector<10000x128xf32> -> vector<10000x128xf32>
    %get3A_63 = arith.constant 0 : index
    %get3A_64 = arith.constant 0 : index
    %get3A_65 = vector.load %arg8[%get3A_63, %get3A_64] : memref<1x128xf32, #tpu.memory_space<vmem>>, vector<1x128xf32>
    %add3A_66 = vector.broadcast %get3A_65 : vector<1x128xf32> to vector<10000x128xf32>
    %add3A_67 = arith.addf %dot_general3A_62, %add3A_66 : vector<10000x128xf32>
    %reduce_sum3A_68 = arith.constant dense<0.000000e+00> : vector<128xf32>
    %reduce_sum3A_69 = vector.multi_reduction <add>, %add3A_67, %reduce_sum3A_68 [0] : vector<10000x128xf32> to vector<128xf32>
    %broadcast_in_dim3A_70 = vector.shape_cast %reduce_sum3A_69 : vector<128xf32> to vector<1x128xf32>
    %div3A_71 = arith.constant 1.000000e+04 : f32
    %div3A_72 = vector.broadcast %div3A_71 : f32 to vector<1x128xf32>
    %div3A_73 = arith.divf %broadcast_in_dim3A_70, %div3A_72 : vector<1x128xf32>
    %sub3A_74 = vector.broadcast %div3A_73 : vector<1x128xf32> to vector<10000x128xf32>
    %sub3A_75 = arith.subf %add3A_67, %sub3A_74 : vector<10000x128xf32>
    %sub3A_76 = vector.broadcast %div3A_73 : vector<1x128xf32> to vector<10000x128xf32>
    %sub3A_77 = arith.subf %add3A_67, %sub3A_76 : vector<10000x128xf32>
    %mul3A_78 = arith.mulf %sub3A_75, %sub3A_77 : vector<10000x128xf32>
    %reduce_sum3A_79 = arith.constant dense<0.000000e+00> : vector<128xf32>
    %reduce_sum3A_80 = vector.multi_reduction <add>, %mul3A_78, %reduce_sum3A_79 [0] : vector<10000x128xf32> to vector<128xf32>
    %broadcast_in_dim3A_81 = vector.shape_cast %reduce_sum3A_80 : vector<128xf32> to vector<1x128xf32>
    %div3A_82 = arith.constant 1.000000e+04 : f32
    %div3A_83 = vector.broadcast %div3A_82 : f32 to vector<1x128xf32>
    %div3A_84 = arith.divf %broadcast_in_dim3A_81, %div3A_83 : vector<1x128xf32>
    %sub3A_85 = vector.broadcast %div3A_73 : vector<1x128xf32> to vector<10000x128xf32>
    %sub3A_86 = arith.subf %add3A_67, %sub3A_85 : vector<10000x128xf32>
    %add3A_87 = arith.constant 9.99999974E-6 : f32
    %add3A_88 = vector.broadcast %add3A_87 : f32 to vector<1x128xf32>
    %add3A_89 = arith.addf %div3A_84, %add3A_88 : vector<1x128xf32>
    %rsqrt3A_90 = math.rsqrt %add3A_89 : vector<1x128xf32>
    %mul3A_91 = vector.broadcast %rsqrt3A_90 : vector<1x128xf32> to vector<10000x128xf32>
    %mul3A_92 = arith.mulf %sub3A_86, %mul3A_91 : vector<10000x128xf32>
    %get3A_93 = arith.constant 0 : index
    %get3A_94 = arith.constant 0 : index
    %get3A_95 = vector.load %arg9[%get3A_93, %get3A_94] : memref<1x128xf32, #tpu.memory_space<vmem>>, vector<1x128xf32>
    %mul3A_96 = vector.broadcast %get3A_95 : vector<1x128xf32> to vector<10000x128xf32>
    %mul3A_97 = arith.mulf %mul3A_92, %mul3A_96 : vector<10000x128xf32>
    %get3A_98 = arith.constant 0 : index
    %get3A_99 = arith.constant 0 : index
    %get3A_100 = vector.load %arg10[%get3A_98, %get3A_99] : memref<1x128xf32, #tpu.memory_space<vmem>>, vector<1x128xf32>
    %add3A_101 = vector.broadcast %get3A_100 : vector<1x128xf32> to vector<10000x128xf32>
    %add3A_102 = arith.addf %mul3A_97, %add3A_101 : vector<10000x128xf32>
    %max3A_103 = arith.constant 0.000000e+00 : f32
    %max3A_104 = vector.broadcast %max3A_103 : f32 to vector<10000x128xf32>
    %max3A_105 = arith.maximumf %add3A_102, %max3A_104 : vector<10000x128xf32>
    %swap3A = arith.constant 0 : index
    %swap3A_106 = arith.constant 0 : index
    %swap3A_107 = vector.load %arg11[%swap3A, %swap3A_106] : memref<10000x128xf32, #tpu.memory_space<vmem>>, vector<10000x128xf32>
    tpu.vector_store %arg11[%swap3A, %swap3A_106], %max3A_105 {strides = array<i32>} : memref<10000x128xf32, #tpu.memory_space<vmem>>, vector<10000x128xf32>,
    return
  }
}

</mosaic_0001>

<sc_bundles>
// kernel: kernel.4.cloned.1.call-start
scs
__scs_entry_jumppad:
0x0: {  	(pc) =	sbr.rel $0x88, $3  }
0x1: {  	(tag) =	ssettag $0x0;
	lr =	simm.s32 $0x1  }
0x2: {  	[smem:$0x3F96] =	sst lr;
	_ =	strace $0xD0000000  }
0x3: {  	_ = 	snop  }
0x4: {  	_ = 	snop  }
0x5: {  	_ = 	snop  }
0x6: {  	_ = 	snop  }
0x7: {  	_ = 	snop  }
__scs_overlays_trampoline_lowered:
0x8: {  	[smem:$0x3FA5] =	sst s0  }
0x9: {  	[smem:$0x3FA6] =	sst s1  }
0xa: {  	[smem:$0x3FA7] =	sst s2  }
0xb: {  	[smem:$0x3FA8] =	sst s3  }
0xc: {  	[smem:$0x3FA9] =	sst s4  }
0xd: {  	[smem:$0x3FAA] =	sst s5  }
0xe: {  	[smem:$0x3FAB] =	sst s6  }
0xf: {  	[smem:$0x3FAC] =	sst s7  }
0x10: {  	[smem:$0x3FAD] =	sst s8  }
0x11: {  	[smem:$0x3FAE] =	sst s9;
	s0 =	simm.s32 @!p0 $0x0  }
0x12: {  	s1 =	sld [smem:$0x3F94];
	s0 =	simm.s32 @p0 $0x1  }
0x13: {  	[smem:$0x3FAF] =	sst s0;
	s0 =	simm.s32 @!p1 $0x0  }
0x14: {  	s2 =	sld [smem:$0x3F93];
	s0 =	simm.s32 @p1 $0x1  }
0x15: {  	[smem:$0x3FB0] =	sst s0;
	s0 =	simm.s32 @!p2 $0x0  }
0x16: {  	s3 =	sld [smem:$0x3FDB];
	s0 =	simm.s32 @p2 $0x1  }
0x17: {  	s4 =	simm.s32 $0x1BF5;
	[smem:$0x3FB2] =	sst s0  }
0x18: {  	s0 =	sld [smem:$0x3F95];
	_ =	swait.ge [sflag:s4], $0x0  }
0x19: {  	s7 =	sld [smem:$0x3F96]  }
0x1a: {  	s8 =	sadd.s32 $0xFFFFE003, lr  }
0x1b: {  	s9 =	sadd.s32 $0xFFFFFEF7, lr;
	s5 =	simm.s32 $0xFFFFFFFF;
	p2 =	slt.u32 s8, $0xFFFFF086  }
0x1c: {  	p1 =	slt.u32 s9, $0xF7A;
	s5 =	simm.s32 @!p2 $0x0  }
0x1d: {  	s5 =	simm.s32 @p1 $0x1;
	p0 =	seq.s32 s7, s2  }
0x1e: {  	s7 =	smul.u32 @!p0 $0xF7A, s2;
	p2 =	seq.s32 @!p0 s5, $0x0  }
0x1f: {  	s9 =	smul.u32 $0xF7A, s1;
	s8 =	simm.s32 @!p0 $0x1BF5;
	p2 =	por !p2, p0  }
0x20: {  	[sflag:s8] =	ssyncset.s32 @!p0 $0xFFFFF086;
	s6 =	sadd.s32 @!p0 s3, s7;
	s7 =	simm.s32 @!p0 $0x108  }
0x21: {  	s3 =	sadd.s32 s3, s9;
	s6 =	sadd.s32 @!p0 $0x88, s6;
	s7 =	simm.s32 @p2 $0x1082  }
0x22: {  	[simem:s7], [sflag:s8] =	dma.local @!p0 [hbm:s6], $0xF7A  }
0x23: {  	s9 =	sor.u32 $0xD0000000, s2;
	s6 =	simm.s32 $0x108;
	_ =	swait.ge @!p0 [sflag:s8], $0x0  }
0x24: {  	s3 =	sadd.s32 $0x88, s3;
	s6 =	simm.s32 @!p1 $0x1082;
	[sflag:s4] =	ssyncset.s32 $0xFFFFF086  }
0x25: {  	[simem:s6], [sflag:s4] =	dma.local [hbm:s3], $0xF7A  }
0x26: {  	[smem:$0x3F96] =	sst s1;
	(tag) =	ssettag s2;
	_ =	strace s9  }
0x27: {  	s1 =	sld [smem:$0x3FA6]  }
0x28: {  	s2 =	sld [smem:$0x3FA7]  }
0x29: {  	s4 =	sld [smem:$0x3FA9]  }
0x2a: {  	p0 =	seq.s32 s5, $0x0;
	s5 =	sld [smem:$0x3FAA]  }
0x2b: {  	s6 =	sld [smem:$0x3FAB]  }
0x2c: {  	s7 =	sld [smem:$0x3FAC]  }
0x2d: {  	s3 =	simm.s32 $0x108;
	s8 =	sld [smem:$0x3FAD]  }
0x2e: {  	s3 =	simm.s32 @!p0 $0x1082;
	s9 =	sld [smem:$0x3FAE]  }
0x2f: {  	lr =	sadd.s32 s0, s3;
	s0 =	sld [smem:$0x3FA5]  }
0x30: {  	s3 =	sld [smem:$0x3FA8]  }
0x31: {  	[smem:$0x3FB1] =	sst s10  }
0x32: {  	s10 =	sld [smem:$0x3FAF];
	_ =	sdelay $0x3  }
0x33: {  	p0 =	seq.s32 s10, $0x1;
	s10 =	sld [smem:$0x3FB1];
	_ =	sdelay $0x3  }
0x34: {  	[smem:$0x3FB1] =	sst s10  }
0x35: {  	s10 =	sld [smem:$0x3FB0];
	_ =	sdelay $0x3  }
0x36: {  	p1 =	seq.s32 s10, $0x1;
	s10 =	sld [smem:$0x3FB1];
	_ =	sdelay $0x3  }
0x37: {  	[smem:$0x3FB1] =	sst s10  }
0x38: {  	s10 =	sld [smem:$0x3FB2]  }
0x39: {  	_ = 	snop;
	(pc) =	sbr.ind lr, $3  }
0x3a: {  	_ = 	snop  }
0x3b: {  	_ = 	snop  }
0x3c: {  	p2 =	seq.s32 s10, $0x1;
	s10 =	sld [smem:$0x3FB1]  }
0x3d: {  	_ =	shalt  }
0x3e: {  	_ =	shalt  }
0x3f: {  	_ =	shalt  }
0x40: {  	_ =	shalt  }
0x41: {  	_ =	shalt  }
0x42: {  	_ =	shalt  }
0x43: {  	_ =	shalt  }
0x44: {  	_ =	shalt  }
0x45: {  	_ =	shalt  }
0x46: {  	_ =	shalt  }
0x47: {  	_ =	shalt  }
0x48: {  	_ =	shalt  }
0x49: {  	_ =	shalt  }
0x4a: {  	_ =	shalt  }
0x4b: {  	_ =	shalt  }
0x4c: {  	_ =	shalt  }
0x4d: {  	_ =	shalt  }
0x4e: {  	_ =	shalt  }
0x4f: {  	_ =	shalt  }
0x50: {  	_ =	shalt  }
0x51: {  	_ =	shalt  }
0x52: {  	_ =	shalt  }
0x53: {  	_ =	shalt  }
0x54: {  	_ =	shalt  }
0x55: {  	_ =	shalt  }
0x56: {  	_ =	shalt  }
0x57: {  	_ =	shalt  }
0x58: {  	_ =	shalt  }
0x59: {  	_ =	shalt  }
0x5a: {  	_ =	shalt  }
0x5b: {  	_ =	shalt  }
0x5c: {  	_ =	shalt  }
0x5d: {  	_ =	shalt  }
0x5e: {  	_ =	shalt  }
0x5f: {  	_ =	shalt  }
0x60: {  	_ =	shalt  }
0x61: {  	_ =	shalt  }
0x62: {  	_ =	shalt  }
0x63: {  	_ =	shalt  }
0x64: {  	_ =	shalt  }
0x65: {  	_ =	shalt  }
0x66: {  	_ =	shalt  }
0x67: {  	_ =	shalt  }
0x68: {  	_ =	shalt  }
0x69: {  	_ =	shalt  }
0x6a: {  	_ =	shalt  }
0x6b: {  	_ =	shalt  }
0x6c: {  	_ =	shalt  }
0x6d: {  	_ =	shalt  }
0x6e: {  	_ =	shalt  }
0x6f: {  	_ =	shalt  }
0x70: {  	_ =	shalt  }
0x71: {  	_ =	shalt  }
0x72: {  	_ =	shalt  }
0x73: {  	_ =	shalt  }
0x74: {  	_ =	shalt  }
0x75: {  	_ =	shalt  }
0x76: {  	_ =	shalt  }
0x77: {  	_ =	shalt  }
0x78: {  	_ =	shalt  }
0x79: {  	_ =	shalt  }
0x7a: {  	_ =	shalt  }
0x7b: {  	_ =	shalt  }
0x7c: {  	_ =	shalt  }
0x7d: {  	_ =	shalt  }
0x7e: {  	_ =	shalt  }
0x7f: {  	_ =	shalt  }
0x80: {  	_ =	shalt  }
0x81: {  	_ =	shalt  }
0x82: {  	_ =	shalt  }
0x83: {  	_ =	shalt  }
0x84: {  	_ =	shalt  }
0x85: {  	_ =	shalt  }
0x86: {  	_ =	shalt  }
0x87: {  	_ =	shalt  }
.Lfunc_end0:
.L_simem_size_0:
called_computation_lowered:
.L_overlay_start_0:
0x88: {  	s2 =	sld [smem:$0x3FD9]  }
0x89: {  	s3 =	sld [smem:$0x3FFE];
	_ =	sdelay $0x1  }
0x8a: {  	s1 =	srdreg.scid  }
0x8b: {  	s0 =	sand.u32 $0x1, s1  }
0x8c: {  	s17 =	sshll.u32 s0, $0xA;
	s2 =	sadd.s32 s3, s2  }
0x8d: {  	s2 =	sadd.s32 s2, s17  }
0x8e: {  	[smem:$0x3FBD] =	sst s2  }
0x8f: {  	_ = 	snop  }
0x90: {  	s2 =	sld [smem:$0x3FD0];
	(tm) =	ssettm $0x1  }
0x91: {  	s18 =	sld [smem:$0x3FFB];
	_ =	sdelay $0x3  }
0x92: {  	_ =	strace s18  }
0x93: {  	s3 =	sld [smem:$0x3FFC];
	_ =	sdelay $0x3  }
0x94: {  	_ =	strace s3  }
0x95: {  	s3 =	sld [smem:$0x3FFD];
	_ =	sdelay $0x3  }
0x96: {  	_ =	strace s3  }
0x97: {  	_ =	strace $0x8FFFFFFF  }
0x98: {  	s19 =	sld [smem:$0x3FDB];
	_ =	sdelay $0x1  }
0x99: {  	s4 =	simm.s32 $_scs_section_size  }
0x9a: {  	s5 =	simm.s32 $_size__tile_overlayer_lowered;
	s6 =	simm.s32 $_tile_overlayer_lowered  }
0x9b: {  	s22 =	simm.s32 $0x1BFF;
	s21 =	sshll.u32 s6, $0x1;
	s3 =	sadd.s32 s4, s19  }
0x9c: {  	s7 =	simm.s32 $0x0;
	s20 =	sshll.u32 s5, $0x1;
	s5 =	sadd.s32 s21, s3  }
0x9d: {  	[timem:s7], [sflag:s22] =	dma.local [hbm:s5], s20  }
0x9e: {  	_ =	swait.ge [sflag:s22], s20  }
0x9f: {  	s4 =	ssub.s32 $0x0, s20;
	[sflag:s22] =	ssyncset.done $0x0  }
0xa0: {  	[sflag:s22] =	ssyncadd.s32 s4;
	_ =	sdelay $0x1  }
0xa1: {  	s23 =	simm.s32 $0x1B8B  }
0xa2: {  	_ =	swait.ge [sflag:s23], $0x1  }
0xa3: {  	[sflag:s23] =	ssyncset.done $0x0  }
0xa4: {  	s25 =	simm.s32 $0x1B8E;
	s24 =	sld [smem:$0x3FFE];
	[sflag:s23] =	ssyncadd.s32 $0xFFFFFFFF  }
0xa5: {  	s26 =	simm.s32 $execute0_lowered;
	[smem:$0x3FD2] =	sst s25  }
0xa6: {  	s5 =	sshll.u32 s26, $0x1;
	_ =	strace $0x80000046;
	[dreg:$0x1] =	wrdreg $0xFFFFFFFF  }
0xa7: {  	s28 =	simm.s32 $_size_execute0_lowered;
	s3 =	sadd.s32 s3, s5;
	[dreg:$0x0] =	wrdreg $0x0  }
0xa8: {  	s5 =	sshll.u32 s28, $0x1;
	[dreg:$0x2] =	wrdreg s3  }
0xa9: {  	[dreg:$0x3] =	wrdreg s5  }
0xaa: {  	[dreg:$0x4] =	wrdreg $0xC0  }
0xab: {  	_ =	task [dreg:s7], $0x5FFFF  }
0xac: {  	[dreg:$0x1] =	wrdreg $0xFFFFFFFF  }
0xad: {  	[dreg:$0x0] =	wrdreg $0x60  }
0xae: {  	[dreg:$0x2] =	wrdreg s24  }
0xaf: {  	[dreg:$0x3] =	wrdreg s2  }
0xb0: {  	[dreg:$0x4] =	wrdreg $0x0  }
0xb1: {  	[dreg:$0x5] =	wrdreg $0x9E000  }
0xb2: {  	[dreg:$0x6] =	wrdreg $0x9  }
0xb3: {  	_ =	task.clear_ibuf [dreg:s7], $0x7FFFF;
	_ =	strace $0x90000046  }
0xb4: {  	s29 =	simm.s32 $0x9;
	_ =	strace $0x80000048  }
0xb5: {  	_ =	swait.ge [sflag:s29], $0x1  }
0xb6: {  	[sflag:s29] =	ssyncadd.s32 $0xFFFFFFFF  }
0xb7: {  	_ =	strace $0x90000048  }
0xb8: {  	_ =	sfence  }
0xb9: {  	s30 =	sld [smem:$0x0];
	_ =	sdelay $0x2  }
0xba: {  	s31 =	sshll.u32 s1, $0xD;
	s1 =	sshrl.u32 s1, $0x2  }
0xbb: {  	s3 =	sand.u32 $0x4000, s31;
	s1 =	sadd.s32 s1, s30  }
0xbc: {  	s0 =	sor.u32 s3, s0;
	s1 =	sshll.u32 s1, $0x11  }
0xbd: {  	s0 =	sor.u32 s1, s0  }
0xbe: {  	s0 =	sadd.s32 $0x8F2B, s0  }
0xbf: {  	[sflag:s0] =	ssyncadd.remote.s32 $0x1  }
0xc0: {  	_ =	sfence.sel $0xFFFF  }
0xc1: {  	[dreg:$0x0] =	wrdreg $0xFFFFFFFF;
	(pc) =	sbr.abs _section_cstart, $3  }
0xc2: {  	[dreg:$0x1] =	wrdreg $0xFFFFFFFF  }
0xc3: {  	_ =	task.clear_ibuf [dreg:s7], $0x2FFFF;
	_ =	strace $0x9FFFFFFF  }
0xc4: {  	(tm) =	ssettm $0x7FFFFFFF  }
0xc5: {  	_ =	shalt  }
tec
execute0_lowered:
.L_overlay_start_1:
0x0: {  	(tag) =	ssettag $0x1  }
0x1: {  	s0 =	rddreg [dreg:$0x0]  }
0x2: {  	s1 =	rddreg [dreg:$0x1]  }
0x3: {  	s2 =	rddreg [dreg:$0x2];
	s4 =	srdreg.scid  }
0x4: {  	s3 =	rddreg [dreg:$0x3];
	s11 =	stileid.u32  }
0x5: {  	s28 =	simm.s32 $0x3;
	s31 =	simm.s32 $0x80;
	s5 =	sand.u32 $0x1, s4  }
0x6: {  	s4 =	simm.s32 $0x0;
	s7 =	smul.u32 $0x13C00, s11;
	s8 =	sadd.s32 $0x50400, s0  }
0x7: {  	s9 =	sadd.s32 $0x5A400, s0;
	s22 =	smul.u32 $0x5000, s11;
	[smem:$0x7FF] =	sst s4  }
0x8: {  	s6 =	smul.u32 $0x13C000, s5;
	s5 =	ssub.s32 $0x2, s5;
	_ =	strace $0x80000047  }
0x9: {  	[dreg:$0x5] =	wrdreg s9;
	s21 =	sshrl.u32 s5, $0x1;
	s10 =	sadd.s32 s7, s2  }
0xa: {  	s9 =	sshrl.u32 s22, $0x3;
	s6 =	sadd.s32 s7, s6;
	s5 =	ssub.s32 s5, s21  }
0xb: {  	s7 =	sadd.s32 s7, s3;
	s25 =	sadd.s32 s8, s9;
	s26 =	sadd.s32 $0x200, s9  }
0xc: {  	s29 =	sadd.s32 s1, s9;
	s15 =	sadd.s32 $0x400, s9;
	[dreg:$0x8] =	wrdreg s7  }
0xd: {  	s30 =	sadd.s32 $0x600, s9;
	s9 =	sadd.s32 $0x800, s9;
	[dreg:$0x9] =	wrdreg s25  }
0xe: {  	s22 =	sshrl.u32 s10, $0x3;
	s6 =	sshrl.u32 s6, $0x3;
	[dreg:$0xa] =	wrdreg s29  }
0xf: {  	s12 =	sadd.s32 s8, s26;
	s13 =	sadd.s32 s1, s26;
	s14 =	sadd.s32 s8, s15  }
0x10: {  	s15 =	sadd.s32 s1, s15;
	s16 =	sadd.s32 s8, s30;
	s17 =	sadd.s32 s1, s30  }
0x11: {  	s18 =	sadd.s32 s8, s9;
	s19 =	sadd.s32 s1, s9;
	s21 =	smax.u32 s5, $0x1  }
0x12: {  	s25 =	simm.s32 $0x1;
	s26 =	simm.s32 $0x2;
	s1 =	simm.s32 $0x1BC00  }
0x13: {  	s5 =	simm.s32 $0x4;
	s0 =	sadd.s32 s6, s0;
	s6 =	sshll.u32 s11, $0x6  }
0x14: {  	s7 =	simm.s32 $0x0;
	s23 =	sadd.s32 $0x1400, s0;
	s24 =	sor.u32 $0x1C01, s6  }
0x15: {  	s20 =	sadd.s32 $0x5CC00, s0;
	s0 =	simm.s32 $0x17C00;
	[dreg:$0x6] =	wrdreg s23  }
0x16: {  	[dreg:$0x7] =	wrdreg s24;
	s23 =	simm.s32 $0x13C00;
	s24 =	simm.s32 $0x15C00  }
.LBB2_1:
0x17: {  	s8 =	rddreg [dreg:$0x6]  }
0x18: {  	s9 =	rddreg [dreg:$0x7]  }
0x19: {  	[spmem:s22], [sflag:s9] =	dma.local [hbm:s8], $0x2780  }
0x1a: {  	s9 =	rddreg [dreg:$0x8]  }
0x1b: {  	s11 =	sor.u32 $0x1C02, s6;
	s10 =	rddreg [dreg:$0x5];
	s29 =	sshrl.u32 s9, $0x3  }
0x1c: {  	[spmem:s29], [sflag:s11] =	dma.local [hbm:s10], $0x2780  }
0x1d: {  	s8 =	rddreg [dreg:$0x9]  }
0x1e: {  	[tilespmem:s23], [sflag:$0x3] =	stream.linear.gather [hbm4b:s8+s4], $0x1000, $0x38;
	[tilespmem:$0x1FC00] =	vst v63  }
0x1f: {  	s11 =	rddreg [dreg:$0xa]  }
0x20: {  	[tilespmem:s24], [sflag:$0x3] =	stream.linear.gather [hbm4b:s11+s4], $0x1000, $0x38;
	[tilespmem:$0x1FC00] =	vst v63  }
0x21: {  	_ =	swait.ge [sflag:s25], $0x2780  }
0x22: {  	[sflag:s25] =	ssyncset.done $0x0  }
0x23: {  	[sflag:s25] =	ssyncadd.s32 $0xFFFFD880  }
0x24: {  	_ =	swait.ge [sflag:s26], $0x2780  }
0x25: {  	[sflag:s26] =	ssyncset.done $0x0  }
0x26: {  	[sflag:s26] =	ssyncadd.s32 $0xFFFFD880  }
0x27: {  	[bflag:$0x0] =	sbarrier.arrive $0xFFFF  }
0x28: {  	_ =	swait.ge [sflag:s28], $0x1000  }
0x29: {  	[sflag:s28] =	ssyncset.done $0x0  }
0x2a: {  	[sflag:s28] =	ssyncadd.s32 $0xFFFFF000  }
0x2b: {  	_ =	swait.ge [sflag:s28], $0x1000  }
0x2c: {  	[sflag:s28] =	ssyncset.done $0x0  }
0x2d: {  	s9 =	simm.s32 $0x14C00;
	[sflag:s28] =	ssyncadd.s32 $0xFFFFF000  }
0x2e: {  	[tilespmem:s9], [sflag:$0x3] =	stream.linear.gather [hbm4b:s12+s4], $0x1000, $0x38;
	[tilespmem:$0x1FC00] =	vst v63  }
0x2f: {  	s10 =	simm.s32 $0x16C00  }
0x30: {  	[tilespmem:s10], [sflag:$0x3] =	stream.linear.gather [hbm4b:s13+s4], $0x1000, $0x38;
	[tilespmem:$0x1FC00] =	vst v63  }
0x31: {  	s11 =	simm.s32 $0x13C00  }
0x32: {  	[tilespmem:s0], [sflag:$0x1] =	stream.indirect.gather [spmem:s2], $0x40, s11, s31, $0xb8;
	[tilespmem:$0x1FC00] =	vst v63  }
0x33: {  	s9 =	simm.s32 $0x13C80  }
0x34: {  	[tilespmem:s1], [sflag:$0x1] =	stream.indirect.gather [spmem:s2], $0x40, s9, s31, $0xb8;
	[tilespmem:$0x1FC00] =	vst v63  }
0x35: {  	_ =	swait.ge [sflag:s25], $0x2000  }
0x36: {  	[sflag:s25] =	ssyncset.done $0x0  }
0x37: {  	s10 =	simm.s32 $0x15C00;
	[sflag:s25] =	ssyncadd.s32 $0xFFFFE000  }
0x38: {  	[spmem:s3] =	stream.indirect.scatter.add.f32 [tilespmem:s0], [sflag:$0x2], $0x40, s10, s31, $0xb8;
	[tilespmem:$0x1FC00] =	vst v63  }
0x39: {  	_ =	swait.ge [sflag:s26], $0x2000  }
0x3a: {  	[sflag:s26] =	ssyncset.done $0x0  }
0x3b: {  	s11 =	simm.s32 $0x13D00;
	[sflag:s26] =	ssyncadd.s32 $0xFFFFE000  }
0x3c: {  	[tilespmem:s0], [sflag:$0x1] =	stream.indirect.gather [spmem:s2], $0x40, s11, s31, $0xb8;
	[tilespmem:$0x1FC00] =	vst v63  }
0x3d: {  	_ =	swait.ge [sflag:s25], $0x2000  }
0x3e: {  	[sflag:s25] =	ssyncset.done $0x0  }
0x3f: {  	s9 =	simm.s32 $0x15C80;
	[sflag:s25] =	ssyncadd.s32 $0xFFFFE000  }
0x40: {  	[spmem:s3] =	stream.indirect.scatter.add.f32 [tilespmem:s1], [sflag:$0x2], $0x40, s9, s31, $0xb8;
	[tilespmem:$0x1FC00] =	vst v63  }
0x41: {  	_ =	swait.ge [sflag:s26], $0x2000  }
0x42: {  	[sflag:s26] =	ssyncset.done $0x0  }
0x43: {  	s10 =	simm.s32 $0x13D80;
	[sflag:s26] =	ssyncadd.s32 $0xFFFFE000  }
0x44: {  	[tilespmem:s1], [sflag:$0x1] =	stream.indirect.gather [spmem:s2], $0x40, s10, s31, $0xb8;
	[tilespmem:$0x1FC00] =	vst v63  }
0x45: {  	_ =	swait.ge [sflag:s25], $0x2000  }
0x46: {  	[sflag:s25] =	ssyncset.done $0x0  }
0x47: {  	s11 =	simm.s32 $0x15D00;
	[sflag:s25] =	ssyncadd.s32 $0xFFFFE000  }
0x48: {  	[spmem:s3] =	stream.indirect.scatter.add.f32 [tilespmem:s0], [sflag:$0x2], $0x40, s11, s31, $0xb8;
	[tilespmem:$0x1FC00] =	vst v63  }
0x49: {  	_ =	swait.ge [sflag:s26], $0x2000  }
0x4a: {  	[sflag:s26] =	ssyncset.done $0x0  }
0x4b: {  	s9 =	simm.s32 $0x13E00;
	[sflag:s26] =	ssyncadd.s32 $0xFFFFE000  }
0x4c: {  	[tilespmem:s0], [sflag:$0x1] =	stream.indirect.gather [spmem:s2], $0x40, s9, s31, $0xb8;
	[tilespmem:$0x1FC00] =	vst v63  }
0x4d: {  	_ =	swait.ge [sflag:s25], $0x2000  }
0x4e: {  	[sflag:s25] =	ssyncset.done $0x0  }
0x4f: {  	s10 =	simm.s32 $0x15D80;
	[sflag:s25] =	ssyncadd.s32 $0xFFFFE000  }
0x50: {  	[spmem:s3] =	stream.indirect.scatter.add.f32 [tilespmem:s1], [sflag:$0x2], $0x40, s10, s31, $0xb8;
	[tilespmem:$0x1FC00] =	vst v63  }
0x51: {  	_ =	swait.ge [sflag:s26], $0x2000  }
0x52: {  	[sflag:s26] =	ssyncset.done $0x0  }
0x53: {  	s11 =	simm.s32 $0x13E80;
	[sflag:s26] =	ssyncadd.s32 $0xFFFFE000  }
0x54: {  	[tilespmem:s1], [sflag:$0x1] =	stream.indirect.gather [spmem:s2], $0x40, s11, s31, $0xb8;
	[tilespmem:$0x1FC00] =	vst v63  }
0x55: {  	_ =	swait.ge [sflag:s25], $0x2000  }
0x56: {  	[sflag:s25] =	ssyncset.done $0x0  }
0x57: {  	s9 =	simm.s32 $0x15E00;
	[sflag:s25] =	ssyncadd.s32 $0xFFFFE000  }
0x58: {  	[spmem:s3] =	stream.indirect.scatter.add.f32 [tilespmem:s0], [sflag:$0x2], $0x40, s9, s31, $0xb8;
	[tilespmem:$0x1FC00] =	vst v63  }
0x59: {  	_ =	swait.ge [sflag:s26], $0x2000  }
0x5a: {  	[sflag:s26] =	ssyncset.done $0x0  }
0x5b: {  	s10 =	simm.s32 $0x13F00;
	[sflag:s26] =	ssyncadd.s32 $0xFFFFE000  }
0x5c: {  	[tilespmem:s0], [sflag:$0x1] =	stream.indirect.gather [spmem:s2], $0x40, s10, s31, $0xb8;
	[tilespmem:$0x1FC00] =	vst v63  }
0x5d: {  	_ =	swait.ge [sflag:s25], $0x2000  }
0x5e: {  	[sflag:s25] =	ssyncset.done $0x0  }
0x5f: {  	s11 =	simm.s32 $0x15E80;
	[sflag:s25] =	ssyncadd.s32 $0xFFFFE000  }
0x60: {  	[spmem:s3] =	stream.indirect.scatter.add.f32 [tilespmem:s1], [sflag:$0x2], $0x40, s11, s31, $0xb8;
	[tilespmem:$0x1FC00] =	vst v63  }
0x61: {  	_ =	swait.ge [sflag:s26], $0x2000  }
0x62: {  	[sflag:s26] =	ssyncset.done $0x0  }
0x63: {  	s9 =	simm.s32 $0x13F80;
	[sflag:s26] =	ssyncadd.s32 $0xFFFFE000  }
0x64: {  	[tilespmem:s1], [sflag:$0x1] =	stream.indirect.gather [spmem:s2], $0x40, s9, s31, $0xb8;
	[tilespmem:$0x1FC00] =	vst v63  }
0x65: {  	_ =	swait.ge [sflag:s25], $0x2000  }
0x66: {  	[sflag:s25] =	ssyncset.done $0x0  }
0x67: {  	s10 =	simm.s32 $0x15F00;
	[sflag:s25] =	ssyncadd.s32 $0xFFFFE000  }
0x68: {  	[spmem:s3] =	stream.indirect.scatter.add.f32 [tilespmem:s0], [sflag:$0x2], $0x40, s10, s31, $0xb8;
	[tilespmem:$0x1FC00] =	vst v63  }
0x69: {  	_ =	swait.ge [sflag:s25], $0x2000  }
0x6a: {  	[sflag:s25] =	ssyncset.done $0x0  }
0x6b: {  	s11 =	simm.s32 $0x15F80;
	[sflag:s25] =	ssyncadd.s32 $0xFFFFE000  }
0x6c: {  	[spmem:s3] =	stream.indirect.scatter.add.f32 [tilespmem:s1], [sflag:$0x2], $0x40, s11, s31, $0xb8;
	[tilespmem:$0x1FC00] =	vst v63  }
0x6d: {  	_ =	swait.ge [sflag:s26], $0x2000  }
0x6e: {  	[sflag:s26] =	ssyncset.done $0x0  }
0x6f: {  	[sflag:s26] =	ssyncadd.s32 $0xFFFFE000  }
0x70: {  	_ =	swait.ge [sflag:s26], $0x2000  }
0x71: {  	s30 =	simm.s32 $0x2000;
	s8 =	simm.s32 $0x400;
	[sflag:s26] =	ssyncset.done $0x0  }
.LBB2_2:
0x72: {  	s11 =	sadd.s32 $0x13C00, s8  }
0x73: {  	[sflag:s26] =	ssyncadd.s32 $0xFFFFE000;
	s9 =	smov.u32 s30;
	s10 =	sadd.s32 $0x1000, s30  }
0x74: {  	[tilespmem:s0], [sflag:$0x1] =	stream.indirect.gather [spmem:s2], $0x40, s11, s31, $0xb8;
	[tilespmem:$0x1FC00] =	vst v63  }
0x75: {  	p0 =	sne.s32 s30, $0x3000;
	s11 =	sadd.s32 $0x13C80, s8  }
0x76: {  	[tilespmem:s1], [sflag:$0x1] =	stream.indirect.gather [spmem:s2], $0x40, s11, s31, $0xb8;
	[tilespmem:$0x1FC00] =	vst v63  }
0x77: {  	_ =	swait.ge [sflag:s25], $0x2000  }
0x78: {  	[sflag:s25] =	ssyncset.done $0x0  }
0x79: {  	s11 =	sadd.s32 $0x15C00, s8;
	[sflag:s25] =	ssyncadd.s32 $0xFFFFE000  }
0x7a: {  	[spmem:s3] =	stream.indirect.scatter.add.f32 [tilespmem:s0], [sflag:$0x2], $0x40, s11, s31, $0xb8;
	[tilespmem:$0x1FC00] =	vst v63  }
0x7b: {  	_ =	swait.ge [sflag:s26], $0x2000  }
0x7c: {  	[sflag:s26] =	ssyncset.done $0x0  }
0x7d: {  	s11 =	sadd.s32 $0x13D00, s8;
	[sflag:s26] =	ssyncadd.s32 $0xFFFFE000  }
0x7e: {  	[tilespmem:s0], [sflag:$0x1] =	stream.indirect.gather [spmem:s2], $0x40, s11, s31, $0xb8;
	[tilespmem:$0x1FC00] =	vst v63  }
0x7f: {  	_ =	swait.ge [sflag:s25], $0x2000  }
0x80: {  	[sflag:s25] =	ssyncset.done $0x0  }
0x81: {  	s11 =	sadd.s32 $0x15C80, s8;
	[sflag:s25] =	ssyncadd.s32 $0xFFFFE000  }
0x82: {  	[spmem:s3] =	stream.indirect.scatter.add.f32 [tilespmem:s1], [sflag:$0x2], $0x40, s11, s31, $0xb8;
	[tilespmem:$0x1FC00] =	vst v63  }
0x83: {  	_ =	swait.ge [sflag:s26], $0x2000  }
0x84: {  	[sflag:s26] =	ssyncset.done $0x0  }
0x85: {  	s11 =	sadd.s32 $0x13D80, s8;
	[sflag:s26] =	ssyncadd.s32 $0xFFFFE000  }
0x86: {  	[tilespmem:s1], [sflag:$0x1] =	stream.indirect.gather [spmem:s2], $0x40, s11, s31, $0xb8;
	[tilespmem:$0x1FC00] =	vst v63  }
0x87: {  	_ =	swait.ge [sflag:s25], $0x2000  }
0x88: {  	[sflag:s25] =	ssyncset.done $0x0  }
0x89: {  	s11 =	sadd.s32 $0x15D00, s8;
	[sflag:s25] =	ssyncadd.s32 $0xFFFFE000  }
0x8a: {  	[spmem:s3] =	stream.indirect.scatter.add.f32 [tilespmem:s0], [sflag:$0x2], $0x40, s11, s31, $0xb8;
	[tilespmem:$0x1FC00] =	vst v63  }
0x8b: {  	_ =	swait.ge [sflag:s26], $0x2000  }
0x8c: {  	[sflag:s26] =	ssyncset.done $0x0  }
0x8d: {  	s11 =	sadd.s32 $0x13E00, s8;
	[sflag:s26] =	ssyncadd.s32 $0xFFFFE000  }
0x8e: {  	[tilespmem:s0], [sflag:$0x1] =	stream.indirect.gather [spmem:s2], $0x40, s11, s31, $0xb8;
	[tilespmem:$0x1FC00] =	vst v63  }
0x8f: {  	_ =	swait.ge [sflag:s25], $0x2000  }
0x90: {  	[sflag:s25] =	ssyncset.done $0x0  }
0x91: {  	s11 =	sadd.s32 $0x15D80, s8;
	[sflag:s25] =	ssyncadd.s32 $0xFFFFE000  }
0x92: {  	[spmem:s3] =	stream.indirect.scatter.add.f32 [tilespmem:s1], [sflag:$0x2], $0x40, s11, s31, $0xb8;
	[tilespmem:$0x1FC00] =	vst v63  }
0x93: {  	_ =	swait.ge [sflag:s26], $0x2000  }
0x94: {  	[sflag:s26] =	ssyncset.done $0x0  }
0x95: {  	s11 =	sadd.s32 $0x13E80, s8;
	[sflag:s26] =	ssyncadd.s32 $0xFFFFE000  }
0x96: {  	[tilespmem:s1], [sflag:$0x1] =	stream.indirect.gather [spmem:s2], $0x40, s11, s31, $0xb8;
	[tilespmem:$0x1FC00] =	vst v63  }
0x97: {  	_ =	swait.ge [sflag:s25], $0x2000  }
0x98: {  	[sflag:s25] =	ssyncset.done $0x0  }
0x99: {  	s11 =	sadd.s32 $0x15E00, s8;
	[sflag:s25] =	ssyncadd.s32 $0xFFFFE000  }
0x9a: {  	[spmem:s3] =	stream.indirect.scatter.add.f32 [tilespmem:s0], [sflag:$0x2], $0x40, s11, s31, $0xb8;
	[tilespmem:$0x1FC00] =	vst v63  }
0x9b: {  	_ =	swait.ge [sflag:s26], $0x2000  }
0x9c: {  	[sflag:s26] =	ssyncset.done $0x0  }
0x9d: {  	s11 =	sadd.s32 $0x13F00, s8;
	[sflag:s26] =	ssyncadd.s32 $0xFFFFE000  }
0x9e: {  	[tilespmem:s0], [sflag:$0x1] =	stream.indirect.gather [spmem:s2], $0x40, s11, s31, $0xb8;
	[tilespmem:$0x1FC00] =	vst v63  }
0x9f: {  	_ =	swait.ge [sflag:s25], $0x2000  }
0xa0: {  	[sflag:s25] =	ssyncset.done $0x0  }
0xa1: {  	s11 =	sadd.s32 $0x15E80, s8;
	[sflag:s25] =	ssyncadd.s32 $0xFFFFE000  }
0xa2: {  	[spmem:s3] =	stream.indirect.scatter.add.f32 [tilespmem:s1], [sflag:$0x2], $0x40, s11, s31, $0xb8;
	[tilespmem:$0x1FC00] =	vst v63  }
0xa3: {  	_ =	swait.ge [sflag:s26], $0x2000  }
0xa4: {  	[sflag:s26] =	ssyncset.done $0x0  }
0xa5: {  	s11 =	sadd.s32 $0x13F80, s8;
	[sflag:s26] =	ssyncadd.s32 $0xFFFFE000  }
0xa6: {  	[tilespmem:s1], [sflag:$0x1] =	stream.indirect.gather [spmem:s2], $0x40, s11, s31, $0xb8;
	[tilespmem:$0x1FC00] =	vst v63  }
0xa7: {  	_ =	swait.ge [sflag:s25], $0x2000  }
0xa8: {  	[sflag:s25] =	ssyncset.done $0x0  }
0xa9: {  	s11 =	sadd.s32 $0x15F00, s8;
	[sflag:s25] =	ssyncadd.s32 $0xFFFFE000  }
0xaa: {  	[spmem:s3] =	stream.indirect.scatter.add.f32 [tilespmem:s0], [sflag:$0x2], $0x40, s11, s31, $0xb8;
	[tilespmem:$0x1FC00] =	vst v63  }
0xab: {  	_ =	swait.ge [sflag:s25], $0x2000  }
0xac: {  	[sflag:s25] =	ssyncset.done $0x0  }
0xad: {  	s8 =	sadd.s32 $0x15F80, s8;
	[sflag:s25] =	ssyncadd.s32 $0xFFFFE000  }
0xae: {  	[spmem:s3] =	stream.indirect.scatter.add.f32 [tilespmem:s1], [sflag:$0x2], $0x40, s8, s31, $0xb8;
	[tilespmem:$0x1FC00] =	vst v63  }
.Ltmp0:
0xaf: {  	_ =	swait.ge [sflag:s26], $0x2000;
	(pc) =	sbr.rel @p0 .LBB2_2-.Ltmp0, $4  }
0xb0: {  	[sflag:s26] =	ssyncset.done $0x0  }
0xb1: {  	[sflag:s26] =	ssyncadd.s32 $0xFFFFE000  }
0xb2: {  	_ =	swait.ge [sflag:s26], $0x2000  }
0xb3: {  	s30 =	smov.u32 s10;
	s8 =	sshra.s32 s9, $0x2;
	[sflag:s26] =	ssyncset.done $0x0  }
0xb4: {  	s9 =	sadd.s32 $0x13C00, s8;
	[sflag:s26] =	ssyncadd.s32 $0xFFFFE000  }
0xb5: {  	[tilespmem:s0], [sflag:$0x1] =	stream.indirect.gather [spmem:s2], $0x40, s9, s31, $0xb8;
	[tilespmem:$0x1FC00] =	vst v63  }
0xb6: {  	s30 =	sadd.s32 $0x13C80, s8  }
0xb7: {  	[tilespmem:s1], [sflag:$0x1] =	stream.indirect.gather [spmem:s2], $0x40, s30, s31, $0xb8;
	[tilespmem:$0x1FC00] =	vst v63  }
0xb8: {  	_ =	swait.ge [sflag:s25], $0x2000  }
0xb9: {  	[sflag:s25] =	ssyncset.done $0x0  }
0xba: {  	s10 =	sadd.s32 $0x15C00, s8;
	[sflag:s25] =	ssyncadd.s32 $0xFFFFE000  }
0xbb: {  	[spmem:s3] =	stream.indirect.scatter.add.f32 [tilespmem:s0], [sflag:$0x2], $0x40, s10, s31, $0xb8;
	[tilespmem:$0x1FC00] =	vst v63  }
0xbc: {  	_ =	swait.ge [sflag:s26], $0x2000  }
0xbd: {  	[sflag:s26] =	ssyncset.done $0x0  }
0xbe: {  	s11 =	sadd.s32 $0x13D00, s8;
	[sflag:s26] =	ssyncadd.s32 $0xFFFFE000  }
0xbf: {  	[tilespmem:s0], [sflag:$0x1] =	stream.indirect.gather [spmem:s2], $0x40, s11, s31, $0xb8;
	[tilespmem:$0x1FC00] =	vst v63  }
0xc0: {  	_ =	swait.ge [sflag:s25], $0x2000  }
0xc1: {  	[sflag:s25] =	ssyncset.done $0x0  }
0xc2: {  	s30 =	sadd.s32 $0x15C80, s8;
	[sflag:s25] =	ssyncadd.s32 $0xFFFFE000  }
0xc3: {  	[spmem:s3] =	stream.indirect.scatter.add.f32 [tilespmem:s1], [sflag:$0x2], $0x40, s30, s31, $0xb8;
	[tilespmem:$0x1FC00] =	vst v63  }
0xc4: {  	_ =	swait.ge [sflag:s26], $0x2000  }
0xc5: {  	[sflag:s26] =	ssyncset.done $0x0  }
0xc6: {  	s10 =	sadd.s32 $0x13D80, s8;
	[sflag:s26] =	ssyncadd.s32 $0xFFFFE000  }
0xc7: {  	[tilespmem:s1], [sflag:$0x1] =	stream.indirect.gather [spmem:s2], $0x40, s10, s31, $0xb8;
	[tilespmem:$0x1FC00] =	vst v63  }
0xc8: {  	_ =	swait.ge [sflag:s25], $0x2000  }
0xc9: {  	[sflag:s25] =	ssyncset.done $0x0  }
0xca: {  	s11 =	sadd.s32 $0x15D00, s8;
	[sflag:s25] =	ssyncadd.s32 $0xFFFFE000  }
0xcb: {  	[spmem:s3] =	stream.indirect.scatter.add.f32 [tilespmem:s0], [sflag:$0x2], $0x40, s11, s31, $0xb8;
	[tilespmem:$0x1FC00] =	vst v63  }
0xcc: {  	_ =	swait.ge [sflag:s26], $0x2000  }
0xcd: {  	[sflag:s26] =	ssyncset.done $0x0  }
0xce: {  	s30 =	sadd.s32 $0x13E00, s8;
	[sflag:s26] =	ssyncadd.s32 $0xFFFFE000  }
0xcf: {  	[tilespmem:s0], [sflag:$0x1] =	stream.indirect.gather [spmem:s2], $0x40, s30, s31, $0xb8;
	[tilespmem:$0x1FC00] =	vst v63  }
0xd0: {  	_ =	swait.ge [sflag:s25], $0x2000  }
0xd1: {  	[sflag:s25] =	ssyncset.done $0x0  }
0xd2: {  	s10 =	sadd.s32 $0x15D80, s8;
	[sflag:s25] =	ssyncadd.s32 $0xFFFFE000  }
0xd3: {  	[spmem:s3] =	stream.indirect.scatter.add.f32 [tilespmem:s1], [sflag:$0x2], $0x40, s10, s31, $0xb8;
	[tilespmem:$0x1FC00] =	vst v63  }
0xd4: {  	_ =	swait.ge [sflag:s26], $0x2000  }
0xd5: {  	[sflag:s26] =	ssyncset.done $0x0  }
0xd6: {  	s11 =	sadd.s32 $0x13E80, s8;
	[sflag:s26] =	ssyncadd.s32 $0xFFFFE000  }
0xd7: {  	[tilespmem:s1], [sflag:$0x1] =	stream.indirect.gather [spmem:s2], $0x40, s11, s31, $0xb8;
	[tilespmem:$0x1FC00] =	vst v63  }
0xd8: {  	_ =	swait.ge [sflag:s25], $0x2000  }
0xd9: {  	[sflag:s25] =	ssyncset.done $0x0  }
0xda: {  	s30 =	sadd.s32 $0x15E00, s8;
	[sflag:s25] =	ssyncadd.s32 $0xFFFFE000  }
0xdb: {  	[spmem:s3] =	stream.indirect.scatter.add.f32 [tilespmem:s0], [sflag:$0x2], $0x40, s30, s31, $0xb8;
	[tilespmem:$0x1FC00] =	vst v63  }
0xdc: {  	_ =	swait.ge [sflag:s26], $0x2000  }
0xdd: {  	[sflag:s26] =	ssyncset.done $0x0  }
0xde: {  	s10 =	sadd.s32 $0x13F00, s8;
	[sflag:s26] =	ssyncadd.s32 $0xFFFFE000  }
0xdf: {  	[tilespmem:s0], [sflag:$0x1] =	stream.indirect.gather [spmem:s2], $0x40, s10, s31, $0xb8;
	[tilespmem:$0x1FC00] =	vst v63  }
0xe0: {  	_ =	swait.ge [sflag:s25], $0x2000  }
0xe1: {  	[sflag:s25] =	ssyncset.done $0x0  }
0xe2: {  	s11 =	sadd.s32 $0x15E80, s8;
	[sflag:s25] =	ssyncadd.s32 $0xFFFFE000  }
0xe3: {  	[spmem:s3] =	stream.indirect.scatter.add.f32 [tilespmem:s1], [sflag:$0x2], $0x40, s11, s31, $0xb8;
	[tilespmem:$0x1FC00] =	vst v63  }
0xe4: {  	_ =	swait.ge [sflag:s26], $0x2000  }
0xe5: {  	[sflag:s26] =	ssyncset.done $0x0  }
0xe6: {  	s30 =	sadd.s32 $0x13F80, s8;
	[sflag:s26] =	ssyncadd.s32 $0xFFFFE000  }
0xe7: {  	[tilespmem:s1], [sflag:$0x1] =	stream.indirect.gather [spmem:s2], $0x40, s30, s31, $0xb8;
	[tilespmem:$0x1FC00] =	vst v63  }
0xe8: {  	_ =	swait.ge [sflag:s25], $0x2000  }
0xe9: {  	[sflag:s25] =	ssyncset.done $0x0  }
0xea: {  	s10 =	sadd.s32 $0x15F00, s8;
	[sflag:s25] =	ssyncadd.s32 $0xFFFFE000  }
0xeb: {  	[spmem:s3] =	stream.indirect.scatter.add.f32 [tilespmem:s0], [sflag:$0x2], $0x40, s10, s31, $0xb8;
	[tilespmem:$0x1FC00] =	vst v63  }
0xec: {  	_ =	swait.ge [sflag:s25], $0x2000  }
0xed: {  	[sflag:s25] =	ssyncset.done $0x0  }
0xee: {  	s11 =	sadd.s32 $0x15F80, s8;
	[sflag:s25] =	ssyncadd.s32 $0xFFFFE000  }
0xef: {  	[spmem:s3] =	stream.indirect.scatter.add.f32 [tilespmem:s1], [sflag:$0x2], $0x40, s11, s31, $0xb8;
	[tilespmem:$0x1FC00] =	vst v63  }
0xf0: {  	_ =	swait.ge [sflag:s26], $0x2000  }
0xf1: {  	[sflag:s26] =	ssyncset.done $0x0  }
0xf2: {  	[sflag:s26] =	ssyncadd.s32 $0xFFFFE000  }
0xf3: {  	_ =	swait.ge [sflag:s26], $0x2000  }
0xf4: {  	[sflag:s26] =	ssyncset.done $0x0  }
0xf5: {  	[sflag:s26] =	ssyncadd.s32 $0xFFFFE000  }
0xf6: {  	_ =	swait.ge [sflag:s28], $0x1000  }
0xf7: {  	[sflag:s28] =	ssyncset.done $0x0  }
0xf8: {  	[sflag:s28] =	ssyncadd.s32 $0xFFFFF000  }
0xf9: {  	_ =	swait.ge [sflag:s28], $0x1000  }
0xfa: {  	[sflag:s28] =	ssyncset.done $0x0  }
0xfb: {  	s30 =	simm.s32 $0x0;
	[sflag:s28] =	ssyncadd.s32 $0xFFFFF000  }
0xfc: {  	[tilespmem:s23], [sflag:$0x3] =	stream.linear.gather [hbm4b:s14+s30], $0x1000, $0x38;
	[tilespmem:$0x1FC00] =	vst v63  }
0xfd: {  	_ = 	snop  }
0xfe: {  	[tilespmem:s24], [sflag:$0x3] =	stream.linear.gather [hbm4b:s15+s30], $0x1000, $0x38;
	[tilespmem:$0x1FC00] =	vst v63  }
0xff: {  	s9 =	simm.s32 $0x14C00  }
0x100: {  	[tilespmem:s0], [sflag:$0x1] =	stream.indirect.gather [spmem:s2], $0x40, s9, s31, $0xb8;
	[tilespmem:$0x1FC00] =	vst v63  }
0x101: {  	s10 =	simm.s32 $0x14C80  }
0x102: {  	[tilespmem:s1], [sflag:$0x1] =	stream.indirect.gather [spmem:s2], $0x40, s10, s31, $0xb8;
	[tilespmem:$0x1FC00] =	vst v63  }
0x103: {  	_ =	swait.ge [sflag:s25], $0x2000  }
0x104: {  	[sflag:s25] =	ssyncset.done $0x0  }
0x105: {  	s11 =	simm.s32 $0x16C00;
	[sflag:s25] =	ssyncadd.s32 $0xFFFFE000  }
0x106: {  	[spmem:s3] =	stream.indirect.scatter.add.f32 [tilespmem:s0], [sflag:$0x2], $0x40, s11, s31, $0xb8;
	[tilespmem:$0x1FC00] =	vst v63  }
0x107: {  	_ =	swait.ge [sflag:s26], $0x2000  }
0x108: {  	[sflag:s26] =	ssyncset.done $0x0  }
0x109: {  	s30 =	simm.s32 $0x14D00;
	[sflag:s26] =	ssyncadd.s32 $0xFFFFE000  }
0x10a: {  	[tilespmem:s0], [sflag:$0x1] =	stream.indirect.gather [spmem:s2], $0x40, s30, s31, $0xb8;
	[tilespmem:$0x1FC00] =	vst v63  }
0x10b: {  	_ =	swait.ge [sflag:s25], $0x2000  }
0x10c: {  	[sflag:s25] =	ssyncset.done $0x0  }
0x10d: {  	s9 =	simm.s32 $0x16C80;
	[sflag:s25] =	ssyncadd.s32 $0xFFFFE000  }
0x10e: {  	[spmem:s3] =	stream.indirect.scatter.add.f32 [tilespmem:s1], [sflag:$0x2], $0x40, s9, s31, $0xb8;
	[tilespmem:$0x1FC00] =	vst v63  }
0x10f: {  	_ =	swait.ge [sflag:s26], $0x2000  }
0x110: {  	[sflag:s26] =	ssyncset.done $0x0  }
0x111: {  	s10 =	simm.s32 $0x14D80;
	[sflag:s26] =	ssyncadd.s32 $0xFFFFE000  }
0x112: {  	[tilespmem:s1], [sflag:$0x1] =	stream.indirect.gather [spmem:s2], $0x40, s10, s31, $0xb8;
	[tilespmem:$0x1FC00] =	vst v63  }
0x113: {  	_ =	swait.ge [sflag:s25], $0x2000  }
0x114: {  	[sflag:s25] =	ssyncset.done $0x0  }
0x115: {  	s11 =	simm.s32 $0x16D00;
	[sflag:s25] =	ssyncadd.s32 $0xFFFFE000  }
0x116: {  	[spmem:s3] =	stream.indirect.scatter.add.f32 [tilespmem:s0], [sflag:$0x2], $0x40, s11, s31, $0xb8;
	[tilespmem:$0x1FC00] =	vst v63  }
0x117: {  	_ =	swait.ge [sflag:s26], $0x2000  }
0x118: {  	[sflag:s26] =	ssyncset.done $0x0  }
0x119: {  	s30 =	simm.s32 $0x14E00;
	[sflag:s26] =	ssyncadd.s32 $0xFFFFE000  }
0x11a: {  	[tilespmem:s0], [sflag:$0x1] =	stream.indirect.gather [spmem:s2], $0x40, s30, s31, $0xb8;
	[tilespmem:$0x1FC00] =	vst v63  }
0x11b: {  	_ =	swait.ge [sflag:s25], $0x2000  }
0x11c: {  	[sflag:s25] =	ssyncset.done $0x0  }
0x11d: {  	s9 =	simm.s32 $0x16D80;
	[sflag:s25] =	ssyncadd.s32 $0xFFFFE000  }
0x11e: {  	[spmem:s3] =	stream.indirect.scatter.add.f32 [tilespmem:s1], [sflag:$0x2], $0x40, s9, s31, $0xb8;
	[tilespmem:$0x1FC00] =	vst v63  }
0x11f: {  	_ =	swait.ge [sflag:s26], $0x2000  }
0x120: {  	[sflag:s26] =	ssyncset.done $0x0  }
0x121: {  	s10 =	simm.s32 $0x14E80;
	[sflag:s26] =	ssyncadd.s32 $0xFFFFE000  }
0x122: {  	[tilespmem:s1], [sflag:$0x1] =	stream.indirect.gather [spmem:s2], $0x40, s10, s31, $0xb8;
	[tilespmem:$0x1FC00] =	vst v63  }
0x123: {  	_ =	swait.ge [sflag:s25], $0x2000  }
0x124: {  	[sflag:s25] =	ssyncset.done $0x0  }
0x125: {  	s11 =	simm.s32 $0x16E00;
	[sflag:s25] =	ssyncadd.s32 $0xFFFFE000  }
0x126: {  	[spmem:s3] =	stream.indirect.scatter.add.f32 [tilespmem:s0], [sflag:$0x2], $0x40, s11, s31, $0xb8;
	[tilespmem:$0x1FC00] =	vst v63  }
0x127: {  	_ =	swait.ge [sflag:s26], $0x2000  }
0x128: {  	[sflag:s26] =	ssyncset.done $0x0  }
0x129: {  	s30 =	simm.s32 $0x14F00;
	[sflag:s26] =	ssyncadd.s32 $0xFFFFE000  }
0x12a: {  	[tilespmem:s0], [sflag:$0x1] =	stream.indirect.gather [spmem:s2], $0x40, s30, s31, $0xb8;
	[tilespmem:$0x1FC00] =	vst v63  }
0x12b: {  	_ =	swait.ge [sflag:s25], $0x2000  }
0x12c: {  	[sflag:s25] =	ssyncset.done $0x0  }
0x12d: {  	s9 =	simm.s32 $0x16E80;
	[sflag:s25] =	ssyncadd.s32 $0xFFFFE000  }
0x12e: {  	[spmem:s3] =	stream.indirect.scatter.add.f32 [tilespmem:s1], [sflag:$0x2], $0x40, s9, s31, $0xb8;
	[tilespmem:$0x1FC00] =	vst v63  }
0x12f: {  	_ =	swait.ge [sflag:s26], $0x2000  }
0x130: {  	[sflag:s26] =	ssyncset.done $0x0  }
0x131: {  	s10 =	simm.s32 $0x14F80;
	[sflag:s26] =	ssyncadd.s32 $0xFFFFE000  }
0x132: {  	[tilespmem:s1], [sflag:$0x1] =	stream.indirect.gather [spmem:s2], $0x40, s10, s31, $0xb8;
	[tilespmem:$0x1FC00] =	vst v63  }
0x133: {  	_ =	swait.ge [sflag:s25], $0x2000  }
0x134: {  	[sflag:s25] =	ssyncset.done $0x0  }
0x135: {  	s11 =	simm.s32 $0x16F00;
	[sflag:s25] =	ssyncadd.s32 $0xFFFFE000  }
0x136: {  	[spmem:s3] =	stream.indirect.scatter.add.f32 [tilespmem:s0], [sflag:$0x2], $0x40, s11, s31, $0xb8;
	[tilespmem:$0x1FC00] =	vst v63  }
0x137: {  	_ =	swait.ge [sflag:s25], $0x2000  }
0x138: {  	[sflag:s25] =	ssyncset.done $0x0  }
0x139: {  	s30 =	simm.s32 $0x16F80;
	[sflag:s25] =	ssyncadd.s32 $0xFFFFE000  }
0x13a: {  	[spmem:s3] =	stream.indirect.scatter.add.f32 [tilespmem:s1], [sflag:$0x2], $0x40, s30, s31, $0xb8;
	[tilespmem:$0x1FC00] =	vst v63  }
0x13b: {  	_ =	swait.ge [sflag:s26], $0x2000  }
0x13c: {  	[sflag:s26] =	ssyncset.done $0x0  }
0x13d: {  	[sflag:s26] =	ssyncadd.s32 $0xFFFFE000  }
0x13e: {  	_ =	swait.ge [sflag:s26], $0x2000  }
0x13f: {  	s8 =	simm.s32 $0x400;
	s10 =	simm.s32 $0x2000;
	[sflag:s26] =	ssyncset.done $0x0  }
.LBB2_4:
0x140: {  	s11 =	sadd.s32 $0x14C00, s8  }
0x141: {  	[sflag:s26] =	ssyncadd.s32 $0xFFFFE000;
	s9 =	smov.u32 s10;
	s30 =	sadd.s32 $0x1000, s10  }
0x142: {  	[tilespmem:s0], [sflag:$0x1] =	stream.indirect.gather [spmem:s2], $0x40, s11, s31, $0xb8;
	[tilespmem:$0x1FC00] =	vst v63  }
0x143: {  	p0 =	sne.s32 s10, $0x3000;
	s10 =	sadd.s32 $0x14C80, s8  }
0x144: {  	[tilespmem:s1], [sflag:$0x1] =	stream.indirect.gather [spmem:s2], $0x40, s10, s31, $0xb8;
	[tilespmem:$0x1FC00] =	vst v63  }
0x145: {  	_ =	swait.ge [sflag:s25], $0x2000  }
0x146: {  	[sflag:s25] =	ssyncset.done $0x0  }
0x147: {  	s10 =	sadd.s32 $0x16C00, s8;
	[sflag:s25] =	ssyncadd.s32 $0xFFFFE000  }
0x148: {  	[spmem:s3] =	stream.indirect.scatter.add.f32 [tilespmem:s0], [sflag:$0x2], $0x40, s10, s31, $0xb8;
	[tilespmem:$0x1FC00] =	vst v63  }
0x149: {  	_ =	swait.ge [sflag:s26], $0x2000  }
0x14a: {  	[sflag:s26] =	ssyncset.done $0x0  }
0x14b: {  	s10 =	sadd.s32 $0x14D00, s8;
	[sflag:s26] =	ssyncadd.s32 $0xFFFFE000  }
0x14c: {  	[tilespmem:s0], [sflag:$0x1] =	stream.indirect.gather [spmem:s2], $0x40, s10, s31, $0xb8;
	[tilespmem:$0x1FC00] =	vst v63  }
0x14d: {  	_ =	swait.ge [sflag:s25], $0x2000  }
0x14e: {  	[sflag:s25] =	ssyncset.done $0x0  }
0x14f: {  	s10 =	sadd.s32 $0x16C80, s8;
	[sflag:s25] =	ssyncadd.s32 $0xFFFFE000  }
0x150: {  	[spmem:s3] =	stream.indirect.scatter.add.f32 [tilespmem:s1], [sflag:$0x2], $0x40, s10, s31, $0xb8;
	[tilespmem:$0x1FC00] =	vst v63  }
0x151: {  	_ =	swait.ge [sflag:s26], $0x2000  }
0x152: {  	[sflag:s26] =	ssyncset.done $0x0  }
0x153: {  	s10 =	sadd.s32 $0x14D80, s8;
	[sflag:s26] =	ssyncadd.s32 $0xFFFFE000  }
0x154: {  	[tilespmem:s1], [sflag:$0x1] =	stream.indirect.gather [spmem:s2], $0x40, s10, s31, $0xb8;
	[tilespmem:$0x1FC00] =	vst v63  }
0x155: {  	_ =	swait.ge [sflag:s25], $0x2000  }
0x156: {  	[sflag:s25] =	ssyncset.done $0x0  }
0x157: {  	s10 =	sadd.s32 $0x16D00, s8;
	[sflag:s25] =	ssyncadd.s32 $0xFFFFE000  }
0x158: {  	[spmem:s3] =	stream.indirect.scatter.add.f32 [tilespmem:s0], [sflag:$0x2], $0x40, s10, s31, $0xb8;
	[tilespmem:$0x1FC00] =	vst v63  }
0x159: {  	_ =	swait.ge [sflag:s26], $0x2000  }
0x15a: {  	[sflag:s26] =	ssyncset.done $0x0  }
0x15b: {  	s10 =	sadd.s32 $0x14E00, s8;
	[sflag:s26] =	ssyncadd.s32 $0xFFFFE000  }
0x15c: {  	[tilespmem:s0], [sflag:$0x1] =	stream.indirect.gather [spmem:s2], $0x40, s10, s31, $0xb8;
	[tilespmem:$0x1FC00] =	vst v63  }
0x15d: {  	_ =	swait.ge [sflag:s25], $0x2000  }
0x15e: {  	[sflag:s25] =	ssyncset.done $0x0  }
0x15f: {  	s10 =	sadd.s32 $0x16D80, s8;
	[sflag:s25] =	ssyncadd.s32 $0xFFFFE000  }
0x160: {  	[spmem:s3] =	stream.indirect.scatter.add.f32 [tilespmem:s1], [sflag:$0x2], $0x40, s10, s31, $0xb8;
	[tilespmem:$0x1FC00] =	vst v63  }
0x161: {  	_ =	swait.ge [sflag:s26], $0x2000  }
0x162: {  	[sflag:s26] =	ssyncset.done $0x0  }
0x163: {  	s10 =	sadd.s32 $0x14E80, s8;
	[sflag:s26] =	ssyncadd.s32 $0xFFFFE000  }
0x164: {  	[tilespmem:s1], [sflag:$0x1] =	stream.indirect.gather [spmem:s2], $0x40, s10, s31, $0xb8;
	[tilespmem:$0x1FC00] =	vst v63  }
0x165: {  	_ =	swait.ge [sflag:s25], $0x2000  }
0x166: {  	[sflag:s25] =	ssyncset.done $0x0  }
0x167: {  	s10 =	sadd.s32 $0x16E00, s8;
	[sflag:s25] =	ssyncadd.s32 $0xFFFFE000  }
0x168: {  	[spmem:s3] =	stream.indirect.scatter.add.f32 [tilespmem:s0], [sflag:$0x2], $0x40, s10, s31, $0xb8;
	[tilespmem:$0x1FC00] =	vst v63  }
0x169: {  	_ =	swait.ge [sflag:s26], $0x2000  }
0x16a: {  	[sflag:s26] =	ssyncset.done $0x0  }
0x16b: {  	s10 =	sadd.s32 $0x14F00, s8;
	[sflag:s26] =	ssyncadd.s32 $0xFFFFE000  }
0x16c: {  	[tilespmem:s0], [sflag:$0x1] =	stream.indirect.gather [spmem:s2], $0x40, s10, s31, $0xb8;
	[tilespmem:$0x1FC00] =	vst v63  }
0x16d: {  	_ =	swait.ge [sflag:s25], $0x2000  }
0x16e: {  	[sflag:s25] =	ssyncset.done $0x0  }
0x16f: {  	s10 =	sadd.s32 $0x16E80, s8;
	[sflag:s25] =	ssyncadd.s32 $0xFFFFE000  }
0x170: {  	[spmem:s3] =	stream.indirect.scatter.add.f32 [tilespmem:s1], [sflag:$0x2], $0x40, s10, s31, $0xb8;
	[tilespmem:$0x1FC00] =	vst v63  }
0x171: {  	_ =	swait.ge [sflag:s26], $0x2000  }
0x172: {  	[sflag:s26] =	ssyncset.done $0x0  }
0x173: {  	s10 =	sadd.s32 $0x14F80, s8;
	[sflag:s26] =	ssyncadd.s32 $0xFFFFE000  }
0x174: {  	[tilespmem:s1], [sflag:$0x1] =	stream.indirect.gather [spmem:s2], $0x40, s10, s31, $0xb8;
	[tilespmem:$0x1FC00] =	vst v63  }
0x175: {  	_ =	swait.ge [sflag:s25], $0x2000  }
0x176: {  	[sflag:s25] =	ssyncset.done $0x0  }
0x177: {  	s10 =	sadd.s32 $0x16F00, s8;
	[sflag:s25] =	ssyncadd.s32 $0xFFFFE000  }
0x178: {  	[spmem:s3] =	stream.indirect.scatter.add.f32 [tilespmem:s0], [sflag:$0x2], $0x40, s10, s31, $0xb8;
	[tilespmem:$0x1FC00] =	vst v63  }
0x179: {  	_ =	swait.ge [sflag:s25], $0x2000  }
0x17a: {  	[sflag:s25] =	ssyncset.done $0x0  }
0x17b: {  	s8 =	sadd.s32 $0x16F80, s8;
	[sflag:s25] =	ssyncadd.s32 $0xFFFFE000  }
0x17c: {  	[spmem:s3] =	stream.indirect.scatter.add.f32 [tilespmem:s1], [sflag:$0x2], $0x40, s8, s31, $0xb8;
	[tilespmem:$0x1FC00] =	vst v63  }
.Ltmp1:
0x17d: {  	_ =	swait.ge [sflag:s26], $0x2000;
	(pc) =	sbr.rel @p0 .LBB2_4-.Ltmp1, $4  }
0x17e: {  	[sflag:s26] =	ssyncset.done $0x0  }
0x17f: {  	[sflag:s26] =	ssyncadd.s32 $0xFFFFE000  }
0x180: {  	_ =	swait.ge [sflag:s26], $0x2000  }
0x181: {  	s10 =	smov.u32 s30;
	s8 =	sshra.s32 s9, $0x2;
	[sflag:s26] =	ssyncset.done $0x0  }
0x182: {  	s9 =	sadd.s32 $0x14C00, s8;
	[sflag:s26] =	ssyncadd.s32 $0xFFFFE000  }
0x183: {  	[tilespmem:s0], [sflag:$0x1] =	stream.indirect.gather [spmem:s2], $0x40, s9, s31, $0xb8;
	[tilespmem:$0x1FC00] =	vst v63  }
0x184: {  	s11 =	sadd.s32 $0x14C80, s8  }
0x185: {  	[tilespmem:s1], [sflag:$0x1] =	stream.indirect.gather [spmem:s2], $0x40, s11, s31, $0xb8;
	[tilespmem:$0x1FC00] =	vst v63  }
0x186: {  	_ =	swait.ge [sflag:s25], $0x2000  }
0x187: {  	[sflag:s25] =	ssyncset.done $0x0  }
0x188: {  	s30 =	sadd.s32 $0x16C00, s8;
	[sflag:s25] =	ssyncadd.s32 $0xFFFFE000  }
0x189: {  	[spmem:s3] =	stream.indirect.scatter.add.f32 [tilespmem:s0], [sflag:$0x2], $0x40, s30, s31, $0xb8;
	[tilespmem:$0x1FC00] =	vst v63  }
0x18a: {  	_ =	swait.ge [sflag:s26], $0x2000  }
0x18b: {  	[sflag:s26] =	ssyncset.done $0x0  }
0x18c: {  	s10 =	sadd.s32 $0x14D00, s8;
	[sflag:s26] =	ssyncadd.s32 $0xFFFFE000  }
0x18d: {  	[tilespmem:s0], [sflag:$0x1] =	stream.indirect.gather [spmem:s2], $0x40, s10, s31, $0xb8;
	[tilespmem:$0x1FC00] =	vst v63  }
0x18e: {  	_ =	swait.ge [sflag:s25], $0x2000  }
0x18f: {  	[sflag:s25] =	ssyncset.done $0x0  }
0x190: {  	s11 =	sadd.s32 $0x16C80, s8;
	[sflag:s25] =	ssyncadd.s32 $0xFFFFE000  }
0x191: {  	[spmem:s3] =	stream.indirect.scatter.add.f32 [tilespmem:s1], [sflag:$0x2], $0x40, s11, s31, $0xb8;
	[tilespmem:$0x1FC00] =	vst v63  }
0x192: {  	_ =	swait.ge [sflag:s26], $0x2000  }
0x193: {  	[sflag:s26] =	ssyncset.done $0x0  }
0x194: {  	s30 =	sadd.s32 $0x14D80, s8;
	[sflag:s26] =	ssyncadd.s32 $0xFFFFE000  }
0x195: {  	[tilespmem:s1], [sflag:$0x1] =	stream.indirect.gather [spmem:s2], $0x40, s30, s31, $0xb8;
	[tilespmem:$0x1FC00] =	vst v63  }
0x196: {  	_ =	swait.ge [sflag:s25], $0x2000  }
0x197: {  	[sflag:s25] =	ssyncset.done $0x0  }
0x198: {  	s10 =	sadd.s32 $0x16D00, s8;
	[sflag:s25] =	ssyncadd.s32 $0xFFFFE000  }
0x199: {  	[spmem:s3] =	stream.indirect.scatter.add.f32 [tilespmem:s0], [sflag:$0x2], $0x40, s10, s31, $0xb8;
	[tilespmem:$0x1FC00] =	vst v63  }
0x19a: {  	_ =	swait.ge [sflag:s26], $0x2000  }
0x19b: {  	[sflag:s26] =	ssyncset.done $0x0  }
0x19c: {  	s11 =	sadd.s32 $0x14E00, s8;
	[sflag:s26] =	ssyncadd.s32 $0xFFFFE000  }
0x19d: {  	[tilespmem:s0], [sflag:$0x1] =	stream.indirect.gather [spmem:s2], $0x40, s11, s31, $0xb8;
	[tilespmem:$0x1FC00] =	vst v63  }
0x19e: {  	_ =	swait.ge [sflag:s25], $0x2000  }
0x19f: {  	[sflag:s25] =	ssyncset.done $0x0  }
0x1a0: {  	s30 =	sadd.s32 $0x16D80, s8;
	[sflag:s25] =	ssyncadd.s32 $0xFFFFE000  }
0x1a1: {  	[spmem:s3] =	stream.indirect.scatter.add.f32 [tilespmem:s1], [sflag:$0x2], $0x40, s30, s31, $0xb8;
	[tilespmem:$0x1FC00] =	vst v63  }
0x1a2: {  	_ =	swait.ge [sflag:s26], $0x2000  }
0x1a3: {  	[sflag:s26] =	ssyncset.done $0x0  }
0x1a4: {  	s10 =	sadd.s32 $0x14E80, s8;
	[sflag:s26] =	ssyncadd.s32 $0xFFFFE000  }
0x1a5: {  	[tilespmem:s1], [sflag:$0x1] =	stream.indirect.gather [spmem:s2], $0x40, s10, s31, $0xb8;
	[tilespmem:$0x1FC00] =	vst v63  }
0x1a6: {  	_ =	swait.ge [sflag:s25], $0x2000  }
0x1a7: {  	[sflag:s25] =	ssyncset.done $0x0  }
0x1a8: {  	s11 =	sadd.s32 $0x16E00, s8;
	[sflag:s25] =	ssyncadd.s32 $0xFFFFE000  }
0x1a9: {  	[spmem:s3] =	stream.indirect.scatter.add.f32 [tilespmem:s0], [sflag:$0x2], $0x40, s11, s31, $0xb8;
	[tilespmem:$0x1FC00] =	vst v63  }
0x1aa: {  	_ =	swait.ge [sflag:s26], $0x2000  }
0x1ab: {  	[sflag:s26] =	ssyncset.done $0x0  }
0x1ac: {  	s30 =	sadd.s32 $0x14F00, s8;
	[sflag:s26] =	ssyncadd.s32 $0xFFFFE000  }
0x1ad: {  	[tilespmem:s0], [sflag:$0x1] =	stream.indirect.gather [spmem:s2], $0x40, s30, s31, $0xb8;
	[tilespmem:$0x1FC00] =	vst v63  }
0x1ae: {  	_ =	swait.ge [sflag:s25], $0x2000  }
0x1af: {  	[sflag:s25] =	ssyncset.done $0x0  }
0x1b0: {  	s10 =	sadd.s32 $0x16E80, s8;
	[sflag:s25] =	ssyncadd.s32 $0xFFFFE000  }
0x1b1: {  	[spmem:s3] =	stream.indirect.scatter.add.f32 [tilespmem:s1], [sflag:$0x2], $0x40, s10, s31, $0xb8;
	[tilespmem:$0x1FC00] =	vst v63  }
0x1b2: {  	_ =	swait.ge [sflag:s26], $0x2000  }
0x1b3: {  	[sflag:s26] =	ssyncset.done $0x0  }
0x1b4: {  	s11 =	sadd.s32 $0x14F80, s8;
	[sflag:s26] =	ssyncadd.s32 $0xFFFFE000  }
0x1b5: {  	[tilespmem:s1], [sflag:$0x1] =	stream.indirect.gather [spmem:s2], $0x40, s11, s31, $0xb8;
	[tilespmem:$0x1FC00] =	vst v63  }
0x1b6: {  	_ =	swait.ge [sflag:s25], $0x2000  }
0x1b7: {  	[sflag:s25] =	ssyncset.done $0x0  }
0x1b8: {  	s30 =	sadd.s32 $0x16F00, s8;
	[sflag:s25] =	ssyncadd.s32 $0xFFFFE000  }
0x1b9: {  	[spmem:s3] =	stream.indirect.scatter.add.f32 [tilespmem:s0], [sflag:$0x2], $0x40, s30, s31, $0xb8;
	[tilespmem:$0x1FC00] =	vst v63  }
0x1ba: {  	_ =	swait.ge [sflag:s25], $0x2000  }
0x1bb: {  	[sflag:s25] =	ssyncset.done $0x0  }
0x1bc: {  	s9 =	sadd.s32 $0x16F80, s8;
	[sflag:s25] =	ssyncadd.s32 $0xFFFFE000  }
0x1bd: {  	[spmem:s3] =	stream.indirect.scatter.add.f32 [tilespmem:s1], [sflag:$0x2], $0x40, s9, s31, $0xb8;
	[tilespmem:$0x1FC00] =	vst v63  }
0x1be: {  	_ =	swait.ge [sflag:s26], $0x2000  }
0x1bf: {  	[sflag:s26] =	ssyncset.done $0x0  }
0x1c0: {  	[sflag:s26] =	ssyncadd.s32 $0xFFFFE000  }
0x1c1: {  	_ =	swait.ge [sflag:s26], $0x2000  }
0x1c2: {  	[sflag:s26] =	ssyncset.done $0x0  }
0x1c3: {  	[sflag:s26] =	ssyncadd.s32 $0xFFFFE000  }
0x1c4: {  	_ =	swait.ge [sflag:s28], $0x1000  }
0x1c5: {  	[sflag:s28] =	ssyncset.done $0x0  }
0x1c6: {  	[sflag:s28] =	ssyncadd.s32 $0xFFFFF000  }
0x1c7: {  	_ =	swait.ge [sflag:s28], $0x1000  }
0x1c8: {  	[sflag:s28] =	ssyncset.done $0x0  }
0x1c9: {  	s10 =	simm.s32 $0x0;
	s11 =	simm.s32 $0x14C00;
	[sflag:s28] =	ssyncadd.s32 $0xFFFFF000  }
0x1ca: {  	[tilespmem:s11], [sflag:$0x3] =	stream.linear.gather [hbm4b:s16+s10], $0x1000, $0x38;
	[tilespmem:$0x1FC00] =	vst v63  }
0x1cb: {  	s30 =	simm.s32 $0x16C00  }
0x1cc: {  	[tilespmem:s30], [sflag:$0x3] =	stream.linear.gather [hbm4b:s17+s10], $0x1000, $0x38;
	[tilespmem:$0x1FC00] =	vst v63  }
0x1cd: {  	s9 =	simm.s32 $0x13C00  }
0x1ce: {  	[tilespmem:s0], [sflag:$0x1] =	stream.indirect.gather [spmem:s2], $0x40, s9, s31, $0xb8;
	[tilespmem:$0x1FC00] =	vst v63  }
0x1cf: {  	s10 =	simm.s32 $0x13C80  }
0x1d0: {  	[tilespmem:s1], [sflag:$0x1] =	stream.indirect.gather [spmem:s2], $0x40, s10, s31, $0xb8;
	[tilespmem:$0x1FC00] =	vst v63  }
0x1d1: {  	_ =	swait.ge [sflag:s25], $0x2000  }
0x1d2: {  	[sflag:s25] =	ssyncset.done $0x0  }
0x1d3: {  	s11 =	simm.s32 $0x15C00;
	[sflag:s25] =	ssyncadd.s32 $0xFFFFE000  }
0x1d4: {  	[spmem:s3] =	stream.indirect.scatter.add.f32 [tilespmem:s0], [sflag:$0x2], $0x40, s11, s31, $0xb8;
	[tilespmem:$0x1FC00] =	vst v63  }
0x1d5: {  	_ =	swait.ge [sflag:s26], $0x2000  }
0x1d6: {  	[sflag:s26] =	ssyncset.done $0x0  }
0x1d7: {  	s30 =	simm.s32 $0x13D00;
	[sflag:s26] =	ssyncadd.s32 $0xFFFFE000  }
0x1d8: {  	[tilespmem:s0], [sflag:$0x1] =	stream.indirect.gather [spmem:s2], $0x40, s30, s31, $0xb8;
	[tilespmem:$0x1FC00] =	vst v63  }
0x1d9: {  	_ =	swait.ge [sflag:s25], $0x2000  }
0x1da: {  	[sflag:s25] =	ssyncset.done $0x0  }
0x1db: {  	s9 =	simm.s32 $0x15C80;
	[sflag:s25] =	ssyncadd.s32 $0xFFFFE000  }
0x1dc: {  	[spmem:s3] =	stream.indirect.scatter.add.f32 [tilespmem:s1], [sflag:$0x2], $0x40, s9, s31, $0xb8;
	[tilespmem:$0x1FC00] =	vst v63  }
0x1dd: {  	_ =	swait.ge [sflag:s26], $0x2000  }
0x1de: {  	[sflag:s26] =	ssyncset.done $0x0  }
0x1df: {  	s10 =	simm.s32 $0x13D80;
	[sflag:s26] =	ssyncadd.s32 $0xFFFFE000  }
0x1e0: {  	[tilespmem:s1], [sflag:$0x1] =	stream.indirect.gather [spmem:s2], $0x40, s10, s31, $0xb8;
	[tilespmem:$0x1FC00] =	vst v63  }
0x1e1: {  	_ =	swait.ge [sflag:s25], $0x2000  }
0x1e2: {  	[sflag:s25] =	ssyncset.done $0x0  }
0x1e3: {  	s11 =	simm.s32 $0x15D00;
	[sflag:s25] =	ssyncadd.s32 $0xFFFFE000  }
0x1e4: {  	[spmem:s3] =	stream.indirect.scatter.add.f32 [tilespmem:s0], [sflag:$0x2], $0x40, s11, s31, $0xb8;
	[tilespmem:$0x1FC00] =	vst v63  }
0x1e5: {  	_ =	swait.ge [sflag:s26], $0x2000  }
0x1e6: {  	[sflag:s26] =	ssyncset.done $0x0  }
0x1e7: {  	s30 =	simm.s32 $0x13E00;
	[sflag:s26] =	ssyncadd.s32 $0xFFFFE000  }
0x1e8: {  	[tilespmem:s0], [sflag:$0x1] =	stream.indirect.gather [spmem:s2], $0x40, s30, s31, $0xb8;
	[tilespmem:$0x1FC00] =	vst v63  }
0x1e9: {  	_ =	swait.ge [sflag:s25], $0x2000  }
0x1ea: {  	[sflag:s25] =	ssyncset.done $0x0  }
0x1eb: {  	s9 =	simm.s32 $0x15D80;
	[sflag:s25] =	ssyncadd.s32 $0xFFFFE000  }
0x1ec: {  	[spmem:s3] =	stream.indirect.scatter.add.f32 [tilespmem:s1], [sflag:$0x2], $0x40, s9, s31, $0xb8;
	[tilespmem:$0x1FC00] =	vst v63  }
0x1ed: {  	_ =	swait.ge [sflag:s26], $0x2000  }
0x1ee: {  	[sflag:s26] =	ssyncset.done $0x0  }
0x1ef: {  	s10 =	simm.s32 $0x13E80;
	[sflag:s26] =	ssyncadd.s32 $0xFFFFE000  }
0x1f0: {  	[tilespmem:s1], [sflag:$0x1] =	stream.indirect.gather [spmem:s2], $0x40, s10, s31, $0xb8;
	[tilespmem:$0x1FC00] =	vst v63  }
0x1f1: {  	_ =	swait.ge [sflag:s25], $0x2000  }
0x1f2: {  	[sflag:s25] =	ssyncset.done $0x0  }
0x1f3: {  	s11 =	simm.s32 $0x15E00;
	[sflag:s25] =	ssyncadd.s32 $0xFFFFE000  }
0x1f4: {  	[spmem:s3] =	stream.indirect.scatter.add.f32 [tilespmem:s0], [sflag:$0x2], $0x40, s11, s31, $0xb8;
	[tilespmem:$0x1FC00] =	vst v63  }
0x1f5: {  	_ =	swait.ge [sflag:s26], $0x2000  }
0x1f6: {  	[sflag:s26] =	ssyncset.done $0x0  }
0x1f7: {  	s30 =	simm.s32 $0x13F00;
	[sflag:s26] =	ssyncadd.s32 $0xFFFFE000  }
0x1f8: {  	[tilespmem:s0], [sflag:$0x1] =	stream.indirect.gather [spmem:s2], $0x40, s30, s31, $0xb8;
	[tilespmem:$0x1FC00] =	vst v63  }
0x1f9: {  	_ =	swait.ge [sflag:s25], $0x2000  }
0x1fa: {  	[sflag:s25] =	ssyncset.done $0x0  }
0x1fb: {  	s9 =	simm.s32 $0x15E80;
	[sflag:s25] =	ssyncadd.s32 $0xFFFFE000  }
0x1fc: {  	[spmem:s3] =	stream.indirect.scatter.add.f32 [tilespmem:s1], [sflag:$0x2], $0x40, s9, s31, $0xb8;
	[tilespmem:$0x1FC00] =	vst v63  }
0x1fd: {  	_ =	swait.ge [sflag:s26], $0x2000  }
0x1fe: {  	[sflag:s26] =	ssyncset.done $0x0  }
0x1ff: {  	s10 =	simm.s32 $0x13F80;
	[sflag:s26] =	ssyncadd.s32 $0xFFFFE000  }
0x200: {  	[tilespmem:s1], [sflag:$0x1] =	stream.indirect.gather [spmem:s2], $0x40, s10, s31, $0xb8;
	[tilespmem:$0x1FC00] =	vst v63  }
0x201: {  	_ =	swait.ge [sflag:s25], $0x2000  }
0x202: {  	[sflag:s25] =	ssyncset.done $0x0  }
0x203: {  	s11 =	simm.s32 $0x15F00;
	[sflag:s25] =	ssyncadd.s32 $0xFFFFE000  }
0x204: {  	[spmem:s3] =	stream.indirect.scatter.add.f32 [tilespmem:s0], [sflag:$0x2], $0x40, s11, s31, $0xb8;
	[tilespmem:$0x1FC00] =	vst v63  }
0x205: {  	_ =	swait.ge [sflag:s25], $0x2000  }
0x206: {  	[sflag:s25] =	ssyncset.done $0x0  }
0x207: {  	s30 =	simm.s32 $0x15F80;
	[sflag:s25] =	ssyncadd.s32 $0xFFFFE000  }
0x208: {  	[spmem:s3] =	stream.indirect.scatter.add.f32 [tilespmem:s1], [sflag:$0x2], $0x40, s30, s31, $0xb8;
	[tilespmem:$0x1FC00] =	vst v63  }
0x209: {  	_ =	swait.ge [sflag:s26], $0x2000  }
0x20a: {  	[sflag:s26] =	ssyncset.done $0x0  }
0x20b: {  	[sflag:s26] =	ssyncadd.s32 $0xFFFFE000  }
0x20c: {  	_ =	swait.ge [sflag:s26], $0x2000  }
0x20d: {  	s8 =	simm.s32 $0x400;
	s10 =	simm.s32 $0x2000;
	[sflag:s26] =	ssyncset.done $0x0  }
.LBB2_6:
0x20e: {  	s11 =	sadd.s32 $0x13C00, s8  }
0x20f: {  	[sflag:s26] =	ssyncadd.s32 $0xFFFFE000;
	s9 =	smov.u32 s10;
	s30 =	sadd.s32 $0x1000, s10  }
0x210: {  	[tilespmem:s0], [sflag:$0x1] =	stream.indirect.gather [spmem:s2], $0x40, s11, s31, $0xb8;
	[tilespmem:$0x1FC00] =	vst v63  }
0x211: {  	p0 =	sne.s32 s10, $0x3000;
	s10 =	sadd.s32 $0x13C80, s8  }
0x212: {  	[tilespmem:s1], [sflag:$0x1] =	stream.indirect.gather [spmem:s2], $0x40, s10, s31, $0xb8;
	[tilespmem:$0x1FC00] =	vst v63  }
0x213: {  	_ =	swait.ge [sflag:s25], $0x2000  }
0x214: {  	[sflag:s25] =	ssyncset.done $0x0  }
0x215: {  	s10 =	sadd.s32 $0x15C00, s8;
	[sflag:s25] =	ssyncadd.s32 $0xFFFFE000  }
0x216: {  	[spmem:s3] =	stream.indirect.scatter.add.f32 [tilespmem:s0], [sflag:$0x2], $0x40, s10, s31, $0xb8;
	[tilespmem:$0x1FC00] =	vst v63  }
0x217: {  	_ =	swait.ge [sflag:s26], $0x2000  }
0x218: {  	[sflag:s26] =	ssyncset.done $0x0  }
0x219: {  	s10 =	sadd.s32 $0x13D00, s8;
	[sflag:s26] =	ssyncadd.s32 $0xFFFFE000  }
0x21a: {  	[tilespmem:s0], [sflag:$0x1] =	stream.indirect.gather [spmem:s2], $0x40, s10, s31, $0xb8;
	[tilespmem:$0x1FC00] =	vst v63  }
0x21b: {  	_ =	swait.ge [sflag:s25], $0x2000  }
0x21c: {  	[sflag:s25] =	ssyncset.done $0x0  }
0x21d: {  	s10 =	sadd.s32 $0x15C80, s8;
	[sflag:s25] =	ssyncadd.s32 $0xFFFFE000  }
0x21e: {  	[spmem:s3] =	stream.indirect.scatter.add.f32 [tilespmem:s1], [sflag:$0x2], $0x40, s10, s31, $0xb8;
	[tilespmem:$0x1FC00] =	vst v63  }
0x21f: {  	_ =	swait.ge [sflag:s26], $0x2000  }
0x220: {  	[sflag:s26] =	ssyncset.done $0x0  }
0x221: {  	s10 =	sadd.s32 $0x13D80, s8;
	[sflag:s26] =	ssyncadd.s32 $0xFFFFE000  }
0x222: {  	[tilespmem:s1], [sflag:$0x1] =	stream.indirect.gather [spmem:s2], $0x40, s10, s31, $0xb8;
	[tilespmem:$0x1FC00] =	vst v63  }
0x223: {  	_ =	swait.ge [sflag:s25], $0x2000  }
0x224: {  	[sflag:s25] =	ssyncset.done $0x0  }
0x225: {  	s10 =	sadd.s32 $0x15D00, s8;
	[sflag:s25] =	ssyncadd.s32 $0xFFFFE000  }
0x226: {  	[spmem:s3] =	stream.indirect.scatter.add.f32 [tilespmem:s0], [sflag:$0x2], $0x40, s10, s31, $0xb8;
	[tilespmem:$0x1FC00] =	vst v63  }
0x227: {  	_ =	swait.ge [sflag:s26], $0x2000  }
0x228: {  	[sflag:s26] =	ssyncset.done $0x0  }
0x229: {  	s10 =	sadd.s32 $0x13E00, s8;
	[sflag:s26] =	ssyncadd.s32 $0xFFFFE000  }
0x22a: {  	[tilespmem:s0], [sflag:$0x1] =	stream.indirect.gather [spmem:s2], $0x40, s10, s31, $0xb8;
	[tilespmem:$0x1FC00] =	vst v63  }
0x22b: {  	_ =	swait.ge [sflag:s25], $0x2000  }
0x22c: {  	[sflag:s25] =	ssyncset.done $0x0  }
0x22d: {  	s10 =	sadd.s32 $0x15D80, s8;
	[sflag:s25] =	ssyncadd.s32 $0xFFFFE000  }
0x22e: {  	[spmem:s3] =	stream.indirect.scatter.add.f32 [tilespmem:s1], [sflag:$0x2], $0x40, s10, s31, $0xb8;
	[tilespmem:$0x1FC00] =	vst v63  }
0x22f: {  	_ =	swait.ge [sflag:s26], $0x2000  }
0x230: {  	[sflag:s26] =	ssyncset.done $0x0  }
0x231: {  	s10 =	sadd.s32 $0x13E80, s8;
	[sflag:s26] =	ssyncadd.s32 $0xFFFFE000  }
0x232: {  	[tilespmem:s1], [sflag:$0x1] =	stream.indirect.gather [spmem:s2], $0x40, s10, s31, $0xb8;
	[tilespmem:$0x1FC00] =	vst v63  }
0x233: {  	_ =	swait.ge [sflag:s25], $0x2000  }
0x234: {  	[sflag:s25] =	ssyncset.done $0x0  }
0x235: {  	s10 =	sadd.s32 $0x15E00, s8;
	[sflag:s25] =	ssyncadd.s32 $0xFFFFE000  }
0x236: {  	[spmem:s3] =	stream.indirect.scatter.add.f32 [tilespmem:s0], [sflag:$0x2], $0x40, s10, s31, $0xb8;
	[tilespmem:$0x1FC00] =	vst v63  }
0x237: {  	_ =	swait.ge [sflag:s26], $0x2000  }
0x238: {  	[sflag:s26] =	ssyncset.done $0x0  }
0x239: {  	s10 =	sadd.s32 $0x13F00, s8;
	[sflag:s26] =	ssyncadd.s32 $0xFFFFE000  }
0x23a: {  	[tilespmem:s0], [sflag:$0x1] =	stream.indirect.gather [spmem:s2], $0x40, s10, s31, $0xb8;
	[tilespmem:$0x1FC00] =	vst v63  }
0x23b: {  	_ =	swait.ge [sflag:s25], $0x2000  }
0x23c: {  	[sflag:s25] =	ssyncset.done $0x0  }
0x23d: {  	s10 =	sadd.s32 $0x15E80, s8;
	[sflag:s25] =	ssyncadd.s32 $0xFFFFE000  }
0x23e: {  	[spmem:s3] =	stream.indirect.scatter.add.f32 [tilespmem:s1], [sflag:$0x2], $0x40, s10, s31, $0xb8;
	[tilespmem:$0x1FC00] =	vst v63  }
0x23f: {  	_ =	swait.ge [sflag:s26], $0x2000  }
0x240: {  	[sflag:s26] =	ssyncset.done $0x0  }
0x241: {  	s10 =	sadd.s32 $0x13F80, s8;
	[sflag:s26] =	ssyncadd.s32 $0xFFFFE000  }
0x242: {  	[tilespmem:s1], [sflag:$0x1] =	stream.indirect.gather [spmem:s2], $0x40, s10, s31, $0xb8;
	[tilespmem:$0x1FC00] =	vst v63  }
0x243: {  	_ =	swait.ge [sflag:s25], $0x2000  }
0x244: {  	[sflag:s25] =	ssyncset.done $0x0  }
0x245: {  	s10 =	sadd.s32 $0x15F00, s8;
	[sflag:s25] =	ssyncadd.s32 $0xFFFFE000  }
0x246: {  	[spmem:s3] =	stream.indirect.scatter.add.f32 [tilespmem:s0], [sflag:$0x2], $0x40, s10, s31, $0xb8;
	[tilespmem:$0x1FC00] =	vst v63  }
0x247: {  	_ =	swait.ge [sflag:s25], $0x2000  }
0x248: {  	[sflag:s25] =	ssyncset.done $0x0  }
0x249: {  	s8 =	sadd.s32 $0x15F80, s8;
	[sflag:s25] =	ssyncadd.s32 $0xFFFFE000  }
0x24a: {  	[spmem:s3] =	stream.indirect.scatter.add.f32 [tilespmem:s1], [sflag:$0x2], $0x40, s8, s31, $0xb8;
	[tilespmem:$0x1FC00] =	vst v63  }
.Ltmp2:
0x24b: {  	_ =	swait.ge [sflag:s26], $0x2000;
	(pc) =	sbr.rel @p0 .LBB2_6-.Ltmp2, $4  }
0x24c: {  	[sflag:s26] =	ssyncset.done $0x0  }
0x24d: {  	[sflag:s26] =	ssyncadd.s32 $0xFFFFE000  }
0x24e: {  	_ =	swait.ge [sflag:s26], $0x2000  }
0x24f: {  	s10 =	smov.u32 s30;
	s8 =	sshra.s32 s9, $0x2;
	[sflag:s26] =	ssyncset.done $0x0  }
0x250: {  	s9 =	sadd.s32 $0x13C00, s8;
	[sflag:s26] =	ssyncadd.s32 $0xFFFFE000  }
0x251: {  	[tilespmem:s0], [sflag:$0x1] =	stream.indirect.gather [spmem:s2], $0x40, s9, s31, $0xb8;
	[tilespmem:$0x1FC00] =	vst v63  }
0x252: {  	s30 =	sadd.s32 $0x13C80, s8  }
0x253: {  	[tilespmem:s1], [sflag:$0x1] =	stream.indirect.gather [spmem:s2], $0x40, s30, s31, $0xb8;
	[tilespmem:$0x1FC00] =	vst v63  }
0x254: {  	_ =	swait.ge [sflag:s25], $0x2000  }
0x255: {  	[sflag:s25] =	ssyncset.done $0x0  }
0x256: {  	s10 =	sadd.s32 $0x15C00, s8;
	[sflag:s25] =	ssyncadd.s32 $0xFFFFE000  }
0x257: {  	[spmem:s3] =	stream.indirect.scatter.add.f32 [tilespmem:s0], [sflag:$0x2], $0x40, s10, s31, $0xb8;
	[tilespmem:$0x1FC00] =	vst v63  }
0x258: {  	_ =	swait.ge [sflag:s26], $0x2000  }
0x259: {  	[sflag:s26] =	ssyncset.done $0x0  }
0x25a: {  	s11 =	sadd.s32 $0x13D00, s8;
	[sflag:s26] =	ssyncadd.s32 $0xFFFFE000  }
0x25b: {  	[tilespmem:s0], [sflag:$0x1] =	stream.indirect.gather [spmem:s2], $0x40, s11, s31, $0xb8;
	[tilespmem:$0x1FC00] =	vst v63  }
0x25c: {  	_ =	swait.ge [sflag:s25], $0x2000  }
0x25d: {  	[sflag:s25] =	ssyncset.done $0x0  }
0x25e: {  	s30 =	sadd.s32 $0x15C80, s8;
	[sflag:s25] =	ssyncadd.s32 $0xFFFFE000  }
0x25f: {  	[spmem:s3] =	stream.indirect.scatter.add.f32 [tilespmem:s1], [sflag:$0x2], $0x40, s30, s31, $0xb8;
	[tilespmem:$0x1FC00] =	vst v63  }
0x260: {  	_ =	swait.ge [sflag:s26], $0x2000  }
0x261: {  	[sflag:s26] =	ssyncset.done $0x0  }
0x262: {  	s10 =	sadd.s32 $0x13D80, s8;
	[sflag:s26] =	ssyncadd.s32 $0xFFFFE000  }
0x263: {  	[tilespmem:s1], [sflag:$0x1] =	stream.indirect.gather [spmem:s2], $0x40, s10, s31, $0xb8;
	[tilespmem:$0x1FC00] =	vst v63  }
0x264: {  	_ =	swait.ge [sflag:s25], $0x2000  }
0x265: {  	[sflag:s25] =	ssyncset.done $0x0  }
0x266: {  	s11 =	sadd.s32 $0x15D00, s8;
	[sflag:s25] =	ssyncadd.s32 $0xFFFFE000  }
0x267: {  	[spmem:s3] =	stream.indirect.scatter.add.f32 [tilespmem:s0], [sflag:$0x2], $0x40, s11, s31, $0xb8;
	[tilespmem:$0x1FC00] =	vst v63  }
0x268: {  	_ =	swait.ge [sflag:s26], $0x2000  }
0x269: {  	[sflag:s26] =	ssyncset.done $0x0  }
0x26a: {  	s30 =	sadd.s32 $0x13E00, s8;
	[sflag:s26] =	ssyncadd.s32 $0xFFFFE000  }
0x26b: {  	[tilespmem:s0], [sflag:$0x1] =	stream.indirect.gather [spmem:s2], $0x40, s30, s31, $0xb8;
	[tilespmem:$0x1FC00] =	vst v63  }
0x26c: {  	_ =	swait.ge [sflag:s25], $0x2000  }
0x26d: {  	[sflag:s25] =	ssyncset.done $0x0  }
0x26e: {  	s10 =	sadd.s32 $0x15D80, s8;
	[sflag:s25] =	ssyncadd.s32 $0xFFFFE000  }
0x26f: {  	[spmem:s3] =	stream.indirect.scatter.add.f32 [tilespmem:s1], [sflag:$0x2], $0x40, s10, s31, $0xb8;
	[tilespmem:$0x1FC00] =	vst v63  }
0x270: {  	_ =	swait.ge [sflag:s26], $0x2000  }
0x271: {  	[sflag:s26] =	ssyncset.done $0x0  }
0x272: {  	s11 =	sadd.s32 $0x13E80, s8;
	[sflag:s26] =	ssyncadd.s32 $0xFFFFE000  }
0x273: {  	[tilespmem:s1], [sflag:$0x1] =	stream.indirect.gather [spmem:s2], $0x40, s11, s31, $0xb8;
	[tilespmem:$0x1FC00] =	vst v63  }
0x274: {  	_ =	swait.ge [sflag:s25], $0x2000  }
0x275: {  	[sflag:s25] =	ssyncset.done $0x0  }
0x276: {  	s30 =	sadd.s32 $0x15E00, s8;
	[sflag:s25] =	ssyncadd.s32 $0xFFFFE000  }
0x277: {  	[spmem:s3] =	stream.indirect.scatter.add.f32 [tilespmem:s0], [sflag:$0x2], $0x40, s30, s31, $0xb8;
	[tilespmem:$0x1FC00] =	vst v63  }
0x278: {  	_ =	swait.ge [sflag:s26], $0x2000  }
0x279: {  	[sflag:s26] =	ssyncset.done $0x0  }
0x27a: {  	s10 =	sadd.s32 $0x13F00, s8;
	[sflag:s26] =	ssyncadd.s32 $0xFFFFE000  }
0x27b: {  	[tilespmem:s0], [sflag:$0x1] =	stream.indirect.gather [spmem:s2], $0x40, s10, s31, $0xb8;
	[tilespmem:$0x1FC00] =	vst v63  }
0x27c: {  	_ =	swait.ge [sflag:s25], $0x2000  }
0x27d: {  	[sflag:s25] =	ssyncset.done $0x0  }
0x27e: {  	s11 =	sadd.s32 $0x15E80, s8;
	[sflag:s25] =	ssyncadd.s32 $0xFFFFE000  }
0x27f: {  	[spmem:s3] =	stream.indirect.scatter.add.f32 [tilespmem:s1], [sflag:$0x2], $0x40, s11, s31, $0xb8;
	[tilespmem:$0x1FC00] =	vst v63  }
0x280: {  	_ =	swait.ge [sflag:s26], $0x2000  }
0x281: {  	[sflag:s26] =	ssyncset.done $0x0  }
0x282: {  	s30 =	sadd.s32 $0x13F80, s8;
	[sflag:s26] =	ssyncadd.s32 $0xFFFFE000  }
0x283: {  	[tilespmem:s1], [sflag:$0x1] =	stream.indirect.gather [spmem:s2], $0x40, s30, s31, $0xb8;
	[tilespmem:$0x1FC00] =	vst v63  }
0x284: {  	_ =	swait.ge [sflag:s25], $0x2000  }
0x285: {  	[sflag:s25] =	ssyncset.done $0x0  }
0x286: {  	s10 =	sadd.s32 $0x15F00, s8;
	[sflag:s25] =	ssyncadd.s32 $0xFFFFE000  }
0x287: {  	[spmem:s3] =	stream.indirect.scatter.add.f32 [tilespmem:s0], [sflag:$0x2], $0x40, s10, s31, $0xb8;
	[tilespmem:$0x1FC00] =	vst v63  }
0x288: {  	_ =	swait.ge [sflag:s25], $0x2000  }
0x289: {  	[sflag:s25] =	ssyncset.done $0x0  }
0x28a: {  	s11 =	sadd.s32 $0x15F80, s8;
	[sflag:s25] =	ssyncadd.s32 $0xFFFFE000  }
0x28b: {  	[spmem:s3] =	stream.indirect.scatter.add.f32 [tilespmem:s1], [sflag:$0x2], $0x40, s11, s31, $0xb8;
	[tilespmem:$0x1FC00] =	vst v63  }
0x28c: {  	_ =	swait.ge [sflag:s26], $0x2000  }
0x28d: {  	[sflag:s26] =	ssyncset.done $0x0  }
0x28e: {  	[sflag:s26] =	ssyncadd.s32 $0xFFFFE000  }
0x28f: {  	_ =	swait.ge [sflag:s26], $0x2000  }
0x290: {  	[sflag:s26] =	ssyncset.done $0x0  }
0x291: {  	[sflag:s26] =	ssyncadd.s32 $0xFFFFE000  }
0x292: {  	_ =	swait.ge [sflag:s28], $0x1000  }
0x293: {  	[sflag:s28] =	ssyncset.done $0x0  }
0x294: {  	[sflag:s28] =	ssyncadd.s32 $0xFFFFF000  }
0x295: {  	_ =	swait.ge [sflag:s28], $0x1000  }
0x296: {  	[sflag:s28] =	ssyncset.done $0x0  }
0x297: {  	s30 =	simm.s32 $0x0;
	[sflag:s28] =	ssyncadd.s32 $0xFFFFF000  }
0x298: {  	[tilespmem:s23], [sflag:$0x3] =	stream.linear.gather [hbm4b:s18+s30], $0x1000, $0x38;
	[tilespmem:$0x1FC00] =	vst v63  }
0x299: {  	_ = 	snop  }
0x29a: {  	[tilespmem:s24], [sflag:$0x3] =	stream.linear.gather [hbm4b:s19+s30], $0x1000, $0x38;
	[tilespmem:$0x1FC00] =	vst v63  }
0x29b: {  	s9 =	simm.s32 $0x14C00  }
0x29c: {  	[tilespmem:s0], [sflag:$0x1] =	stream.indirect.gather [spmem:s2], $0x40, s9, s31, $0xb8;
	[tilespmem:$0x1FC00] =	vst v63  }
0x29d: {  	s10 =	simm.s32 $0x14C80  }
0x29e: {  	[tilespmem:s1], [sflag:$0x1] =	stream.indirect.gather [spmem:s2], $0x40, s10, s31, $0xb8;
	[tilespmem:$0x1FC00] =	vst v63  }
0x29f: {  	_ =	swait.ge [sflag:s25], $0x2000  }
0x2a0: {  	[sflag:s25] =	ssyncset.done $0x0  }
0x2a1: {  	s11 =	simm.s32 $0x16C00;
	[sflag:s25] =	ssyncadd.s32 $0xFFFFE000  }
0x2a2: {  	[spmem:s3] =	stream.indirect.scatter.add.f32 [tilespmem:s0], [sflag:$0x2], $0x40, s11, s31, $0xb8;
	[tilespmem:$0x1FC00] =	vst v63  }
0x2a3: {  	_ =	swait.ge [sflag:s26], $0x2000  }
0x2a4: {  	[sflag:s26] =	ssyncset.done $0x0  }
0x2a5: {  	s30 =	simm.s32 $0x14D00;
	[sflag:s26] =	ssyncadd.s32 $0xFFFFE000  }
0x2a6: {  	[tilespmem:s0], [sflag:$0x1] =	stream.indirect.gather [spmem:s2], $0x40, s30, s31, $0xb8;
	[tilespmem:$0x1FC00] =	vst v63  }
0x2a7: {  	_ =	swait.ge [sflag:s25], $0x2000  }
0x2a8: {  	[sflag:s25] =	ssyncset.done $0x0  }
0x2a9: {  	s9 =	simm.s32 $0x16C80;
	[sflag:s25] =	ssyncadd.s32 $0xFFFFE000  }
0x2aa: {  	[spmem:s3] =	stream.indirect.scatter.add.f32 [tilespmem:s1], [sflag:$0x2], $0x40, s9, s31, $0xb8;
	[tilespmem:$0x1FC00] =	vst v63  }
0x2ab: {  	_ =	swait.ge [sflag:s26], $0x2000  }
0x2ac: {  	[sflag:s26] =	ssyncset.done $0x0  }
0x2ad: {  	s10 =	simm.s32 $0x14D80;
	[sflag:s26] =	ssyncadd.s32 $0xFFFFE000  }
0x2ae: {  	[tilespmem:s1], [sflag:$0x1] =	stream.indirect.gather [spmem:s2], $0x40, s10, s31, $0xb8;
	[tilespmem:$0x1FC00] =	vst v63  }
0x2af: {  	_ =	swait.ge [sflag:s25], $0x2000  }
0x2b0: {  	[sflag:s25] =	ssyncset.done $0x0  }
0x2b1: {  	s11 =	simm.s32 $0x16D00;
	[sflag:s25] =	ssyncadd.s32 $0xFFFFE000  }
0x2b2: {  	[spmem:s3] =	stream.indirect.scatter.add.f32 [tilespmem:s0], [sflag:$0x2], $0x40, s11, s31, $0xb8;
	[tilespmem:$0x1FC00] =	vst v63  }
0x2b3: {  	_ =	swait.ge [sflag:s26], $0x2000  }
0x2b4: {  	[sflag:s26] =	ssyncset.done $0x0  }
0x2b5: {  	s30 =	simm.s32 $0x14E00;
	[sflag:s26] =	ssyncadd.s32 $0xFFFFE000  }
0x2b6: {  	[tilespmem:s0], [sflag:$0x1] =	stream.indirect.gather [spmem:s2], $0x40, s30, s31, $0xb8;
	[tilespmem:$0x1FC00] =	vst v63  }
0x2b7: {  	_ =	swait.ge [sflag:s25], $0x2000  }
0x2b8: {  	[sflag:s25] =	ssyncset.done $0x0  }
0x2b9: {  	s9 =	simm.s32 $0x16D80;
	[sflag:s25] =	ssyncadd.s32 $0xFFFFE000  }
0x2ba: {  	[spmem:s3] =	stream.indirect.scatter.add.f32 [tilespmem:s1], [sflag:$0x2], $0x40, s9, s31, $0xb8;
	[tilespmem:$0x1FC00] =	vst v63  }
0x2bb: {  	_ =	swait.ge [sflag:s26], $0x2000  }
0x2bc: {  	[sflag:s26] =	ssyncset.done $0x0  }
0x2bd: {  	s10 =	simm.s32 $0x14E80;
	[sflag:s26] =	ssyncadd.s32 $0xFFFFE000  }
0x2be: {  	[tilespmem:s1], [sflag:$0x1] =	stream.indirect.gather [spmem:s2], $0x40, s10, s31, $0xb8;
	[tilespmem:$0x1FC00] =	vst v63  }
0x2bf: {  	_ =	swait.ge [sflag:s25], $0x2000  }
0x2c0: {  	[sflag:s25] =	ssyncset.done $0x0  }
0x2c1: {  	s11 =	simm.s32 $0x16E00;
	[sflag:s25] =	ssyncadd.s32 $0xFFFFE000  }
0x2c2: {  	[spmem:s3] =	stream.indirect.scatter.add.f32 [tilespmem:s0], [sflag:$0x2], $0x40, s11, s31, $0xb8;
	[tilespmem:$0x1FC00] =	vst v63  }
0x2c3: {  	_ =	swait.ge [sflag:s26], $0x2000  }
0x2c4: {  	[sflag:s26] =	ssyncset.done $0x0  }
0x2c5: {  	s30 =	simm.s32 $0x14F00;
	[sflag:s26] =	ssyncadd.s32 $0xFFFFE000  }
0x2c6: {  	[tilespmem:s0], [sflag:$0x1] =	stream.indirect.gather [spmem:s2], $0x40, s30, s31, $0xb8;
	[tilespmem:$0x1FC00] =	vst v63  }
0x2c7: {  	_ =	swait.ge [sflag:s25], $0x2000  }
0x2c8: {  	[sflag:s25] =	ssyncset.done $0x0  }
0x2c9: {  	s9 =	simm.s32 $0x16E80;
	[sflag:s25] =	ssyncadd.s32 $0xFFFFE000  }
0x2ca: {  	[spmem:s3] =	stream.indirect.scatter.add.f32 [tilespmem:s1], [sflag:$0x2], $0x40, s9, s31, $0xb8;
	[tilespmem:$0x1FC00] =	vst v63  }
0x2cb: {  	_ =	swait.ge [sflag:s26], $0x2000  }
0x2cc: {  	[sflag:s26] =	ssyncset.done $0x0  }
0x2cd: {  	s10 =	simm.s32 $0x14F80;
	[sflag:s26] =	ssyncadd.s32 $0xFFFFE000  }
0x2ce: {  	[tilespmem:s1], [sflag:$0x1] =	stream.indirect.gather [spmem:s2], $0x40, s10, s31, $0xb8;
	[tilespmem:$0x1FC00] =	vst v63  }
0x2cf: {  	_ =	swait.ge [sflag:s25], $0x2000  }
0x2d0: {  	[sflag:s25] =	ssyncset.done $0x0  }
0x2d1: {  	s11 =	simm.s32 $0x16F00;
	[sflag:s25] =	ssyncadd.s32 $0xFFFFE000  }
0x2d2: {  	[spmem:s3] =	stream.indirect.scatter.add.f32 [tilespmem:s0], [sflag:$0x2], $0x40, s11, s31, $0xb8;
	[tilespmem:$0x1FC00] =	vst v63  }
0x2d3: {  	_ =	swait.ge [sflag:s25], $0x2000  }
0x2d4: {  	[sflag:s25] =	ssyncset.done $0x0  }
0x2d5: {  	s30 =	simm.s32 $0x16F80;
	[sflag:s25] =	ssyncadd.s32 $0xFFFFE000  }
0x2d6: {  	[spmem:s3] =	stream.indirect.scatter.add.f32 [tilespmem:s1], [sflag:$0x2], $0x40, s30, s31, $0xb8;
	[tilespmem:$0x1FC00] =	vst v63  }
0x2d7: {  	_ =	swait.ge [sflag:s26], $0x2000  }
0x2d8: {  	[sflag:s26] =	ssyncset.done $0x0  }
0x2d9: {  	[sflag:s26] =	ssyncadd.s32 $0xFFFFE000  }
0x2da: {  	_ =	swait.ge [sflag:s26], $0x2000  }
0x2db: {  	s8 =	simm.s32 $0x400;
	s10 =	simm.s32 $0x2000;
	[sflag:s26] =	ssyncset.done $0x0  }
.LBB2_8:
0x2dc: {  	s11 =	sadd.s32 $0x14C00, s8  }
0x2dd: {  	[sflag:s26] =	ssyncadd.s32 $0xFFFFE000;
	s9 =	smov.u32 s10;
	s30 =	sadd.s32 $0x1000, s10  }
0x2de: {  	[tilespmem:s0], [sflag:$0x1] =	stream.indirect.gather [spmem:s2], $0x40, s11, s31, $0xb8;
	[tilespmem:$0x1FC00] =	vst v63  }
0x2df: {  	p0 =	sne.s32 s10, $0x3000;
	s10 =	sadd.s32 $0x14C80, s8  }
0x2e0: {  	[tilespmem:s1], [sflag:$0x1] =	stream.indirect.gather [spmem:s2], $0x40, s10, s31, $0xb8;
	[tilespmem:$0x1FC00] =	vst v63  }
0x2e1: {  	_ =	swait.ge [sflag:s25], $0x2000  }
0x2e2: {  	[sflag:s25] =	ssyncset.done $0x0  }
0x2e3: {  	s10 =	sadd.s32 $0x16C00, s8;
	[sflag:s25] =	ssyncadd.s32 $0xFFFFE000  }
0x2e4: {  	[spmem:s3] =	stream.indirect.scatter.add.f32 [tilespmem:s0], [sflag:$0x2], $0x40, s10, s31, $0xb8;
	[tilespmem:$0x1FC00] =	vst v63  }
0x2e5: {  	_ =	swait.ge [sflag:s26], $0x2000  }
0x2e6: {  	[sflag:s26] =	ssyncset.done $0x0  }
0x2e7: {  	s10 =	sadd.s32 $0x14D00, s8;
	[sflag:s26] =	ssyncadd.s32 $0xFFFFE000  }
0x2e8: {  	[tilespmem:s0], [sflag:$0x1] =	stream.indirect.gather [spmem:s2], $0x40, s10, s31, $0xb8;
	[tilespmem:$0x1FC00] =	vst v63  }
0x2e9: {  	_ =	swait.ge [sflag:s25], $0x2000  }
0x2ea: {  	[sflag:s25] =	ssyncset.done $0x0  }
0x2eb: {  	s10 =	sadd.s32 $0x16C80, s8;
	[sflag:s25] =	ssyncadd.s32 $0xFFFFE000  }
0x2ec: {  	[spmem:s3] =	stream.indirect.scatter.add.f32 [tilespmem:s1], [sflag:$0x2], $0x40, s10, s31, $0xb8;
	[tilespmem:$0x1FC00] =	vst v63  }
0x2ed: {  	_ =	swait.ge [sflag:s26], $0x2000  }
0x2ee: {  	[sflag:s26] =	ssyncset.done $0x0  }
0x2ef: {  	s10 =	sadd.s32 $0x14D80, s8;
	[sflag:s26] =	ssyncadd.s32 $0xFFFFE000  }
0x2f0: {  	[tilespmem:s1], [sflag:$0x1] =	stream.indirect.gather [spmem:s2], $0x40, s10, s31, $0xb8;
	[tilespmem:$0x1FC00] =	vst v63  }
0x2f1: {  	_ =	swait.ge [sflag:s25], $0x2000  }
0x2f2: {  	[sflag:s25] =	ssyncset.done $0x0  }
0x2f3: {  	s10 =	sadd.s32 $0x16D00, s8;
	[sflag:s25] =	ssyncadd.s32 $0xFFFFE000  }
0x2f4: {  	[spmem:s3] =	stream.indirect.scatter.add.f32 [tilespmem:s0], [sflag:$0x2], $0x40, s10, s31, $0xb8;
	[tilespmem:$0x1FC00] =	vst v63  }
0x2f5: {  	_ =	swait.ge [sflag:s26], $0x2000  }
0x2f6: {  	[sflag:s26] =	ssyncset.done $0x0  }
0x2f7: {  	s10 =	sadd.s32 $0x14E00, s8;
	[sflag:s26] =	ssyncadd.s32 $0xFFFFE000  }
0x2f8: {  	[tilespmem:s0], [sflag:$0x1] =	stream.indirect.gather [spmem:s2], $0x40, s10, s31, $0xb8;
	[tilespmem:$0x1FC00] =	vst v63  }
0x2f9: {  	_ =	swait.ge [sflag:s25], $0x2000  }
0x2fa: {  	[sflag:s25] =	ssyncset.done $0x0  }
0x2fb: {  	s10 =	sadd.s32 $0x16D80, s8;
	[sflag:s25] =	ssyncadd.s32 $0xFFFFE000  }
0x2fc: {  	[spmem:s3] =	stream.indirect.scatter.add.f32 [tilespmem:s1], [sflag:$0x2], $0x40, s10, s31, $0xb8;
	[tilespmem:$0x1FC00] =	vst v63  }
0x2fd: {  	_ =	swait.ge [sflag:s26], $0x2000  }
0x2fe: {  	[sflag:s26] =	ssyncset.done $0x0  }
0x2ff: {  	s10 =	sadd.s32 $0x14E80, s8;
	[sflag:s26] =	ssyncadd.s32 $0xFFFFE000  }
0x300: {  	[tilespmem:s1], [sflag:$0x1] =	stream.indirect.gather [spmem:s2], $0x40, s10, s31, $0xb8;
	[tilespmem:$0x1FC00] =	vst v63  }
0x301: {  	_ =	swait.ge [sflag:s25], $0x2000  }
0x302: {  	[sflag:s25] =	ssyncset.done $0x0  }
0x303: {  	s10 =	sadd.s32 $0x16E00, s8;
	[sflag:s25] =	ssyncadd.s32 $0xFFFFE000  }
0x304: {  	[spmem:s3] =	stream.indirect.scatter.add.f32 [tilespmem:s0], [sflag:$0x2], $0x40, s10, s31, $0xb8;
	[tilespmem:$0x1FC00] =	vst v63  }
0x305: {  	_ =	swait.ge [sflag:s26], $0x2000  }
0x306: {  	[sflag:s26] =	ssyncset.done $0x0  }
0x307: {  	s10 =	sadd.s32 $0x14F00, s8;
	[sflag:s26] =	ssyncadd.s32 $0xFFFFE000  }
0x308: {  	[tilespmem:s0], [sflag:$0x1] =	stream.indirect.gather [spmem:s2], $0x40, s10, s31, $0xb8;
	[tilespmem:$0x1FC00] =	vst v63  }
0x309: {  	_ =	swait.ge [sflag:s25], $0x2000  }
0x30a: {  	[sflag:s25] =	ssyncset.done $0x0  }
0x30b: {  	s10 =	sadd.s32 $0x16E80, s8;
	[sflag:s25] =	ssyncadd.s32 $0xFFFFE000  }
0x30c: {  	[spmem:s3] =	stream.indirect.scatter.add.f32 [tilespmem:s1], [sflag:$0x2], $0x40, s10, s31, $0xb8;
	[tilespmem:$0x1FC00] =	vst v63  }
0x30d: {  	_ =	swait.ge [sflag:s26], $0x2000  }
0x30e: {  	[sflag:s26] =	ssyncset.done $0x0  }
0x30f: {  	s10 =	sadd.s32 $0x14F80, s8;
	[sflag:s26] =	ssyncadd.s32 $0xFFFFE000  }
0x310: {  	[tilespmem:s1], [sflag:$0x1] =	stream.indirect.gather [spmem:s2], $0x40, s10, s31, $0xb8;
	[tilespmem:$0x1FC00] =	vst v63  }
0x311: {  	_ =	swait.ge [sflag:s25], $0x2000  }
0x312: {  	[sflag:s25] =	ssyncset.done $0x0  }
0x313: {  	s10 =	sadd.s32 $0x16F00, s8;
	[sflag:s25] =	ssyncadd.s32 $0xFFFFE000  }
0x314: {  	[spmem:s3] =	stream.indirect.scatter.add.f32 [tilespmem:s0], [sflag:$0x2], $0x40, s10, s31, $0xb8;
	[tilespmem:$0x1FC00] =	vst v63  }
0x315: {  	_ =	swait.ge [sflag:s25], $0x2000  }
0x316: {  	[sflag:s25] =	ssyncset.done $0x0  }
0x317: {  	s8 =	sadd.s32 $0x16F80, s8;
	[sflag:s25] =	ssyncadd.s32 $0xFFFFE000  }
0x318: {  	[spmem:s3] =	stream.indirect.scatter.add.f32 [tilespmem:s1], [sflag:$0x2], $0x40, s8, s31, $0xb8;
	[tilespmem:$0x1FC00] =	vst v63  }
.Ltmp3:
0x319: {  	_ =	swait.ge [sflag:s26], $0x2000;
	(pc) =	sbr.rel @p0 .LBB2_8-.Ltmp3, $4  }
0x31a: {  	[sflag:s26] =	ssyncset.done $0x0  }
0x31b: {  	[sflag:s26] =	ssyncadd.s32 $0xFFFFE000  }
0x31c: {  	_ =	swait.ge [sflag:s26], $0x2000  }
0x31d: {  	s10 =	smov.u32 s30;
	s8 =	sshra.s32 s9, $0x2;
	[sflag:s26] =	ssyncset.done $0x0  }
0x31e: {  	s9 =	sadd.s32 $0x14C00, s8;
	[sflag:s26] =	ssyncadd.s32 $0xFFFFE000  }
0x31f: {  	[tilespmem:s0], [sflag:$0x1] =	stream.indirect.gather [spmem:s2], $0x40, s9, s31, $0xb8;
	[tilespmem:$0x1FC00] =	vst v63  }
0x320: {  	s10 =	sadd.s32 $0x14C80, s8  }
0x321: {  	[tilespmem:s1], [sflag:$0x1] =	stream.indirect.gather [spmem:s2], $0x40, s10, s31, $0xb8;
	[tilespmem:$0x1FC00] =	vst v63  }
0x322: {  	_ =	swait.ge [sflag:s25], $0x2000  }
0x323: {  	[sflag:s25] =	ssyncset.done $0x0  }
0x324: {  	s11 =	sadd.s32 $0x16C00, s8;
	[sflag:s25] =	ssyncadd.s32 $0xFFFFE000  }
0x325: {  	[spmem:s3] =	stream.indirect.scatter.add.f32 [tilespmem:s0], [sflag:$0x2], $0x40, s11, s31, $0xb8;
	[tilespmem:$0x1FC00] =	vst v63  }
0x326: {  	_ =	swait.ge [sflag:s26], $0x2000  }
0x327: {  	[sflag:s26] =	ssyncset.done $0x0  }
0x328: {  	s30 =	sadd.s32 $0x14D00, s8;
	[sflag:s26] =	ssyncadd.s32 $0xFFFFE000  }
0x329: {  	[tilespmem:s0], [sflag:$0x1] =	stream.indirect.gather [spmem:s2], $0x40, s30, s31, $0xb8;
	[tilespmem:$0x1FC00] =	vst v63  }
0x32a: {  	_ =	swait.ge [sflag:s25], $0x2000  }
0x32b: {  	[sflag:s25] =	ssyncset.done $0x0  }
0x32c: {  	s10 =	sadd.s32 $0x16C80, s8;
	[sflag:s25] =	ssyncadd.s32 $0xFFFFE000  }
0x32d: {  	[spmem:s3] =	stream.indirect.scatter.add.f32 [tilespmem:s1], [sflag:$0x2], $0x40, s10, s31, $0xb8;
	[tilespmem:$0x1FC00] =	vst v63  }
0x32e: {  	_ =	swait.ge [sflag:s26], $0x2000  }
0x32f: {  	[sflag:s26] =	ssyncset.done $0x0  }
0x330: {  	s11 =	sadd.s32 $0x14D80, s8;
	[sflag:s26] =	ssyncadd.s32 $0xFFFFE000  }
0x331: {  	[tilespmem:s1], [sflag:$0x1] =	stream.indirect.gather [spmem:s2], $0x40, s11, s31, $0xb8;
	[tilespmem:$0x1FC00] =	vst v63  }
0x332: {  	_ =	swait.ge [sflag:s25], $0x2000  }
0x333: {  	[sflag:s25] =	ssyncset.done $0x0  }
0x334: {  	s30 =	sadd.s32 $0x16D00, s8;
	[sflag:s25] =	ssyncadd.s32 $0xFFFFE000  }
0x335: {  	[spmem:s3] =	stream.indirect.scatter.add.f32 [tilespmem:s0], [sflag:$0x2], $0x40, s30, s31, $0xb8;
	[tilespmem:$0x1FC00] =	vst v63  }
0x336: {  	_ =	swait.ge [sflag:s26], $0x2000  }
0x337: {  	[sflag:s26] =	ssyncset.done $0x0  }
0x338: {  	s10 =	sadd.s32 $0x14E00, s8;
	[sflag:s26] =	ssyncadd.s32 $0xFFFFE000  }
0x339: {  	[tilespmem:s0], [sflag:$0x1] =	stream.indirect.gather [spmem:s2], $0x40, s10, s31, $0xb8;
	[tilespmem:$0x1FC00] =	vst v63  }
0x33a: {  	_ =	swait.ge [sflag:s25], $0x2000  }
0x33b: {  	[sflag:s25] =	ssyncset.done $0x0  }
0x33c: {  	s11 =	sadd.s32 $0x16D80, s8;
	[sflag:s25] =	ssyncadd.s32 $0xFFFFE000  }
0x33d: {  	[spmem:s3] =	stream.indirect.scatter.add.f32 [tilespmem:s1], [sflag:$0x2], $0x40, s11, s31, $0xb8;
	[tilespmem:$0x1FC00] =	vst v63  }
0x33e: {  	_ =	swait.ge [sflag:s26], $0x2000  }
0x33f: {  	[sflag:s26] =	ssyncset.done $0x0  }
0x340: {  	s30 =	sadd.s32 $0x14E80, s8;
	[sflag:s26] =	ssyncadd.s32 $0xFFFFE000  }
0x341: {  	[tilespmem:s1], [sflag:$0x1] =	stream.indirect.gather [spmem:s2], $0x40, s30, s31, $0xb8;
	[tilespmem:$0x1FC00] =	vst v63  }
0x342: {  	_ =	swait.ge [sflag:s25], $0x2000  }
0x343: {  	[sflag:s25] =	ssyncset.done $0x0  }
0x344: {  	s10 =	sadd.s32 $0x16E00, s8;
	[sflag:s25] =	ssyncadd.s32 $0xFFFFE000  }
0x345: {  	[spmem:s3] =	stream.indirect.scatter.add.f32 [tilespmem:s0], [sflag:$0x2], $0x40, s10, s31, $0xb8;
	[tilespmem:$0x1FC00] =	vst v63  }
0x346: {  	_ =	swait.ge [sflag:s26], $0x2000  }
0x347: {  	[sflag:s26] =	ssyncset.done $0x0  }
0x348: {  	s11 =	sadd.s32 $0x14F00, s8;
	[sflag:s26] =	ssyncadd.s32 $0xFFFFE000  }
0x349: {  	[tilespmem:s0], [sflag:$0x1] =	stream.indirect.gather [spmem:s2], $0x40, s11, s31, $0xb8;
	[tilespmem:$0x1FC00] =	vst v63  }
0x34a: {  	_ =	swait.ge [sflag:s25], $0x2000  }
0x34b: {  	[sflag:s25] =	ssyncset.done $0x0  }
0x34c: {  	s30 =	sadd.s32 $0x16E80, s8;
	[sflag:s25] =	ssyncadd.s32 $0xFFFFE000  }
0x34d: {  	[spmem:s3] =	stream.indirect.scatter.add.f32 [tilespmem:s1], [sflag:$0x2], $0x40, s30, s31, $0xb8;
	[tilespmem:$0x1FC00] =	vst v63  }
0x34e: {  	_ =	swait.ge [sflag:s26], $0x2000  }
0x34f: {  	[sflag:s26] =	ssyncset.done $0x0  }
0x350: {  	s10 =	sadd.s32 $0x14F80, s8;
	[sflag:s26] =	ssyncadd.s32 $0xFFFFE000  }
0x351: {  	[tilespmem:s1], [sflag:$0x1] =	stream.indirect.gather [spmem:s2], $0x40, s10, s31, $0xb8;
	[tilespmem:$0x1FC00] =	vst v63  }
0x352: {  	_ =	swait.ge [sflag:s25], $0x2000  }
0x353: {  	[sflag:s25] =	ssyncset.done $0x0  }
0x354: {  	s11 =	sadd.s32 $0x16F00, s8;
	[sflag:s25] =	ssyncadd.s32 $0xFFFFE000  }
0x355: {  	[spmem:s3] =	stream.indirect.scatter.add.f32 [tilespmem:s0], [sflag:$0x2], $0x40, s11, s31, $0xb8;
	[tilespmem:$0x1FC00] =	vst v63  }
0x356: {  	_ =	swait.ge [sflag:s25], $0x2000  }
0x357: {  	[sflag:s25] =	ssyncset.done $0x0  }
0x358: {  	s30 =	sadd.s32 $0x16F80, s8;
	[sflag:s25] =	ssyncadd.s32 $0xFFFFE000  }
0x359: {  	[spmem:s3] =	stream.indirect.scatter.add.f32 [tilespmem:s1], [sflag:$0x2], $0x40, s30, s31, $0xb8;
	[tilespmem:$0x1FC00] =	vst v63  }
0x35a: {  	_ =	swait.ge [sflag:s26], $0x2000  }
0x35b: {  	[sflag:s26] =	ssyncset.done $0x0  }
0x35c: {  	[sflag:s26] =	ssyncadd.s32 $0xFFFFE000  }
0x35d: {  	_ =	swait.ge [sflag:s26], $0x2000  }
0x35e: {  	[sflag:s26] =	ssyncset.done $0x0  }
0x35f: {  	[sflag:s26] =	ssyncadd.s32 $0xFFFFE000  }
0x360: {  	_ =	swait.ge [sflag:s28], $0x1000  }
0x361: {  	[sflag:s28] =	ssyncset.done $0x0  }
0x362: {  	[sflag:s28] =	ssyncadd.s32 $0xFFFFF000  }
0x363: {  	_ =	swait.ge [sflag:s28], $0x1000  }
0x364: {  	[sflag:s28] =	ssyncset.done $0x0  }
0x365: {  	s9 =	simm.s32 $0x13C00;
	[sflag:s28] =	ssyncadd.s32 $0xFFFFF000  }
0x366: {  	[tilespmem:s0], [sflag:$0x1] =	stream.indirect.gather [spmem:s2], $0x40, s9, s31, $0xb8;
	[tilespmem:$0x1FC00] =	vst v63  }
0x367: {  	s10 =	simm.s32 $0x13C80  }
0x368: {  	[tilespmem:s1], [sflag:$0x1] =	stream.indirect.gather [spmem:s2], $0x40, s10, s31, $0xb8;
	[tilespmem:$0x1FC00] =	vst v63  }
0x369: {  	_ =	swait.ge [sflag:s25], $0x2000  }
0x36a: {  	[sflag:s25] =	ssyncset.done $0x0  }
0x36b: {  	s11 =	simm.s32 $0x15C00;
	[sflag:s25] =	ssyncadd.s32 $0xFFFFE000  }
0x36c: {  	[spmem:s3] =	stream.indirect.scatter.add.f32 [tilespmem:s0], [sflag:$0x2], $0x40, s11, s31, $0xb8;
	[tilespmem:$0x1FC00] =	vst v63  }
0x36d: {  	_ =	swait.ge [sflag:s26], $0x2000  }
0x36e: {  	[sflag:s26] =	ssyncset.done $0x0  }
0x36f: {  	s30 =	simm.s32 $0x13D00;
	[sflag:s26] =	ssyncadd.s32 $0xFFFFE000  }
0x370: {  	[tilespmem:s0], [sflag:$0x1] =	stream.indirect.gather [spmem:s2], $0x40, s30, s31, $0xb8;
	[tilespmem:$0x1FC00] =	vst v63  }
0x371: {  	_ =	swait.ge [sflag:s25], $0x2000  }
0x372: {  	[sflag:s25] =	ssyncset.done $0x0  }
0x373: {  	s9 =	simm.s32 $0x15C80;
	[sflag:s25] =	ssyncadd.s32 $0xFFFFE000  }
0x374: {  	[spmem:s3] =	stream.indirect.scatter.add.f32 [tilespmem:s1], [sflag:$0x2], $0x40, s9, s31, $0xb8;
	[tilespmem:$0x1FC00] =	vst v63  }
0x375: {  	_ =	swait.ge [sflag:s26], $0x2000  }
0x376: {  	[sflag:s26] =	ssyncset.done $0x0  }
0x377: {  	s10 =	simm.s32 $0x13D80;
	[sflag:s26] =	ssyncadd.s32 $0xFFFFE000  }
0x378: {  	[tilespmem:s1], [sflag:$0x1] =	stream.indirect.gather [spmem:s2], $0x40, s10, s31, $0xb8;
	[tilespmem:$0x1FC00] =	vst v63  }
0x379: {  	_ =	swait.ge [sflag:s25], $0x2000  }
0x37a: {  	[sflag:s25] =	ssyncset.done $0x0  }
0x37b: {  	s11 =	simm.s32 $0x15D00;
	[sflag:s25] =	ssyncadd.s32 $0xFFFFE000  }
0x37c: {  	[spmem:s3] =	stream.indirect.scatter.add.f32 [tilespmem:s0], [sflag:$0x2], $0x40, s11, s31, $0xb8;
	[tilespmem:$0x1FC00] =	vst v63  }
0x37d: {  	_ =	swait.ge [sflag:s26], $0x2000  }
0x37e: {  	[sflag:s26] =	ssyncset.done $0x0  }
0x37f: {  	s30 =	simm.s32 $0x13E00;
	[sflag:s26] =	ssyncadd.s32 $0xFFFFE000  }
0x380: {  	[tilespmem:s0], [sflag:$0x1] =	stream.indirect.gather [spmem:s2], $0x40, s30, s31, $0xb8;
	[tilespmem:$0x1FC00] =	vst v63  }
0x381: {  	_ =	swait.ge [sflag:s25], $0x2000  }
0x382: {  	[sflag:s25] =	ssyncset.done $0x0  }
0x383: {  	s9 =	simm.s32 $0x15D80;
	[sflag:s25] =	ssyncadd.s32 $0xFFFFE000  }
0x384: {  	[spmem:s3] =	stream.indirect.scatter.add.f32 [tilespmem:s1], [sflag:$0x2], $0x40, s9, s31, $0xb8;
	[tilespmem:$0x1FC00] =	vst v63  }
0x385: {  	_ =	swait.ge [sflag:s26], $0x2000  }
0x386: {  	[sflag:s26] =	ssyncset.done $0x0  }
0x387: {  	s10 =	simm.s32 $0x13E80;
	[sflag:s26] =	ssyncadd.s32 $0xFFFFE000  }
0x388: {  	[tilespmem:s1], [sflag:$0x1] =	stream.indirect.gather [spmem:s2], $0x40, s10, s31, $0xb8;
	[tilespmem:$0x1FC00] =	vst v63  }
0x389: {  	_ =	swait.ge [sflag:s25], $0x2000  }
0x38a: {  	[sflag:s25] =	ssyncset.done $0x0  }
0x38b: {  	s11 =	simm.s32 $0x15E00;
	[sflag:s25] =	ssyncadd.s32 $0xFFFFE000  }
0x38c: {  	[spmem:s3] =	stream.indirect.scatter.add.f32 [tilespmem:s0], [sflag:$0x2], $0x40, s11, s31, $0xb8;
	[tilespmem:$0x1FC00] =	vst v63  }
0x38d: {  	_ =	swait.ge [sflag:s26], $0x2000  }
0x38e: {  	[sflag:s26] =	ssyncset.done $0x0  }
0x38f: {  	s30 =	simm.s32 $0x13F00;
	[sflag:s26] =	ssyncadd.s32 $0xFFFFE000  }
0x390: {  	[tilespmem:s0], [sflag:$0x1] =	stream.indirect.gather [spmem:s2], $0x40, s30, s31, $0xb8;
	[tilespmem:$0x1FC00] =	vst v63  }
0x391: {  	_ =	swait.ge [sflag:s25], $0x2000  }
0x392: {  	[sflag:s25] =	ssyncset.done $0x0  }
0x393: {  	s9 =	simm.s32 $0x15E80;
	[sflag:s25] =	ssyncadd.s32 $0xFFFFE000  }
0x394: {  	[spmem:s3] =	stream.indirect.scatter.add.f32 [tilespmem:s1], [sflag:$0x2], $0x40, s9, s31, $0xb8;
	[tilespmem:$0x1FC00] =	vst v63  }
0x395: {  	_ =	swait.ge [sflag:s26], $0x2000  }
0x396: {  	[sflag:s26] =	ssyncset.done $0x0  }
0x397: {  	s10 =	simm.s32 $0x13F80;
	[sflag:s26] =	ssyncadd.s32 $0xFFFFE000  }
0x398: {  	[tilespmem:s1], [sflag:$0x1] =	stream.indirect.gather [spmem:s2], $0x40, s10, s31, $0xb8;
	[tilespmem:$0x1FC00] =	vst v63  }
0x399: {  	_ =	swait.ge [sflag:s25], $0x2000  }
0x39a: {  	[sflag:s25] =	ssyncset.done $0x0  }
0x39b: {  	s11 =	simm.s32 $0x15F00;
	[sflag:s25] =	ssyncadd.s32 $0xFFFFE000  }
0x39c: {  	[spmem:s3] =	stream.indirect.scatter.add.f32 [tilespmem:s0], [sflag:$0x2], $0x40, s11, s31, $0xb8;
	[tilespmem:$0x1FC00] =	vst v63  }
0x39d: {  	_ =	swait.ge [sflag:s25], $0x2000  }
0x39e: {  	[sflag:s25] =	ssyncset.done $0x0  }
0x39f: {  	s30 =	simm.s32 $0x15F80;
	[sflag:s25] =	ssyncadd.s32 $0xFFFFE000  }
0x3a0: {  	[spmem:s3] =	stream.indirect.scatter.add.f32 [tilespmem:s1], [sflag:$0x2], $0x40, s30, s31, $0xb8;
	[tilespmem:$0x1FC00] =	vst v63  }
0x3a1: {  	_ =	swait.ge [sflag:s26], $0x2000  }
0x3a2: {  	[sflag:s26] =	ssyncset.done $0x0  }
0x3a3: {  	[sflag:s26] =	ssyncadd.s32 $0xFFFFE000  }
0x3a4: {  	_ =	swait.ge [sflag:s26], $0x2000  }
0x3a5: {  	s8 =	simm.s32 $0x400;
	s10 =	simm.s32 $0x2000;
	[sflag:s26] =	ssyncset.done $0x0  }
.LBB2_10:
0x3a6: {  	s11 =	sadd.s32 $0x13C00, s8  }
0x3a7: {  	[sflag:s26] =	ssyncadd.s32 $0xFFFFE000;
	s9 =	smov.u32 s10;
	s30 =	sadd.s32 $0x1000, s10  }
0x3a8: {  	[tilespmem:s0], [sflag:$0x1] =	stream.indirect.gather [spmem:s2], $0x40, s11, s31, $0xb8;
	[tilespmem:$0x1FC00] =	vst v63  }
0x3a9: {  	p0 =	sne.s32 s10, $0x3000;
	s10 =	sadd.s32 $0x13C80, s8  }
0x3aa: {  	[tilespmem:s1], [sflag:$0x1] =	stream.indirect.gather [spmem:s2], $0x40, s10, s31, $0xb8;
	[tilespmem:$0x1FC00] =	vst v63  }
0x3ab: {  	_ =	swait.ge [sflag:s25], $0x2000  }
0x3ac: {  	[sflag:s25] =	ssyncset.done $0x0  }
0x3ad: {  	s10 =	sadd.s32 $0x15C00, s8;
	[sflag:s25] =	ssyncadd.s32 $0xFFFFE000  }
0x3ae: {  	[spmem:s3] =	stream.indirect.scatter.add.f32 [tilespmem:s0], [sflag:$0x2], $0x40, s10, s31, $0xb8;
	[tilespmem:$0x1FC00] =	vst v63  }
0x3af: {  	_ =	swait.ge [sflag:s26], $0x2000  }
0x3b0: {  	[sflag:s26] =	ssyncset.done $0x0  }
0x3b1: {  	s10 =	sadd.s32 $0x13D00, s8;
	[sflag:s26] =	ssyncadd.s32 $0xFFFFE000  }
0x3b2: {  	[tilespmem:s0], [sflag:$0x1] =	stream.indirect.gather [spmem:s2], $0x40, s10, s31, $0xb8;
	[tilespmem:$0x1FC00] =	vst v63  }
0x3b3: {  	_ =	swait.ge [sflag:s25], $0x2000  }
0x3b4: {  	[sflag:s25] =	ssyncset.done $0x0  }
0x3b5: {  	s10 =	sadd.s32 $0x15C80, s8;
	[sflag:s25] =	ssyncadd.s32 $0xFFFFE000  }
0x3b6: {  	[spmem:s3] =	stream.indirect.scatter.add.f32 [tilespmem:s1], [sflag:$0x2], $0x40, s10, s31, $0xb8;
	[tilespmem:$0x1FC00] =	vst v63  }
0x3b7: {  	_ =	swait.ge [sflag:s26], $0x2000  }
0x3b8: {  	[sflag:s26] =	ssyncset.done $0x0  }
0x3b9: {  	s10 =	sadd.s32 $0x13D80, s8;
	[sflag:s26] =	ssyncadd.s32 $0xFFFFE000  }
0x3ba: {  	[tilespmem:s1], [sflag:$0x1] =	stream.indirect.gather [spmem:s2], $0x40, s10, s31, $0xb8;
	[tilespmem:$0x1FC00] =	vst v63  }
0x3bb: {  	_ =	swait.ge [sflag:s25], $0x2000  }
0x3bc: {  	[sflag:s25] =	ssyncset.done $0x0  }
0x3bd: {  	s10 =	sadd.s32 $0x15D00, s8;
	[sflag:s25] =	ssyncadd.s32 $0xFFFFE000  }
0x3be: {  	[spmem:s3] =	stream.indirect.scatter.add.f32 [tilespmem:s0], [sflag:$0x2], $0x40, s10, s31, $0xb8;
	[tilespmem:$0x1FC00] =	vst v63  }
0x3bf: {  	_ =	swait.ge [sflag:s26], $0x2000  }
0x3c0: {  	[sflag:s26] =	ssyncset.done $0x0  }
0x3c1: {  	s10 =	sadd.s32 $0x13E00, s8;
	[sflag:s26] =	ssyncadd.s32 $0xFFFFE000  }
0x3c2: {  	[tilespmem:s0], [sflag:$0x1] =	stream.indirect.gather [spmem:s2], $0x40, s10, s31, $0xb8;
	[tilespmem:$0x1FC00] =	vst v63  }
0x3c3: {  	_ =	swait.ge [sflag:s25], $0x2000  }
0x3c4: {  	[sflag:s25] =	ssyncset.done $0x0  }
0x3c5: {  	s10 =	sadd.s32 $0x15D80, s8;
	[sflag:s25] =	ssyncadd.s32 $0xFFFFE000  }
0x3c6: {  	[spmem:s3] =	stream.indirect.scatter.add.f32 [tilespmem:s1], [sflag:$0x2], $0x40, s10, s31, $0xb8;
	[tilespmem:$0x1FC00] =	vst v63  }
0x3c7: {  	_ =	swait.ge [sflag:s26], $0x2000  }
0x3c8: {  	[sflag:s26] =	ssyncset.done $0x0  }
0x3c9: {  	s10 =	sadd.s32 $0x13E80, s8;
	[sflag:s26] =	ssyncadd.s32 $0xFFFFE000  }
0x3ca: {  	[tilespmem:s1], [sflag:$0x1] =	stream.indirect.gather [spmem:s2], $0x40, s10, s31, $0xb8;
	[tilespmem:$0x1FC00] =	vst v63  }
0x3cb: {  	_ =	swait.ge [sflag:s25], $0x2000  }
0x3cc: {  	[sflag:s25] =	ssyncset.done $0x0  }
0x3cd: {  	s10 =	sadd.s32 $0x15E00, s8;
	[sflag:s25] =	ssyncadd.s32 $0xFFFFE000  }
0x3ce: {  	[spmem:s3] =	stream.indirect.scatter.add.f32 [tilespmem:s0], [sflag:$0x2], $0x40, s10, s31, $0xb8;
	[tilespmem:$0x1FC00] =	vst v63  }
0x3cf: {  	_ =	swait.ge [sflag:s26], $0x2000  }
0x3d0: {  	[sflag:s26] =	ssyncset.done $0x0  }
0x3d1: {  	s10 =	sadd.s32 $0x13F00, s8;
	[sflag:s26] =	ssyncadd.s32 $0xFFFFE000  }
0x3d2: {  	[tilespmem:s0], [sflag:$0x1] =	stream.indirect.gather [spmem:s2], $0x40, s10, s31, $0xb8;
	[tilespmem:$0x1FC00] =	vst v63  }
0x3d3: {  	_ =	swait.ge [sflag:s25], $0x2000  }
0x3d4: {  	[sflag:s25] =	ssyncset.done $0x0  }
0x3d5: {  	s10 =	sadd.s32 $0x15E80, s8;
	[sflag:s25] =	ssyncadd.s32 $0xFFFFE000  }
0x3d6: {  	[spmem:s3] =	stream.indirect.scatter.add.f32 [tilespmem:s1], [sflag:$0x2], $0x40, s10, s31, $0xb8;
	[tilespmem:$0x1FC00] =	vst v63  }
0x3d7: {  	_ =	swait.ge [sflag:s26], $0x2000  }
0x3d8: {  	[sflag:s26] =	ssyncset.done $0x0  }
0x3d9: {  	s10 =	sadd.s32 $0x13F80, s8;
	[sflag:s26] =	ssyncadd.s32 $0xFFFFE000  }
0x3da: {  	[tilespmem:s1], [sflag:$0x1] =	stream.indirect.gather [spmem:s2], $0x40, s10, s31, $0xb8;
	[tilespmem:$0x1FC00] =	vst v63  }
0x3db: {  	_ =	swait.ge [sflag:s25], $0x2000  }
0x3dc: {  	[sflag:s25] =	ssyncset.done $0x0  }
0x3dd: {  	s10 =	sadd.s32 $0x15F00, s8;
	[sflag:s25] =	ssyncadd.s32 $0xFFFFE000  }
0x3de: {  	[spmem:s3] =	stream.indirect.scatter.add.f32 [tilespmem:s0], [sflag:$0x2], $0x40, s10, s31, $0xb8;
	[tilespmem:$0x1FC00] =	vst v63  }
0x3df: {  	_ =	swait.ge [sflag:s25], $0x2000  }
0x3e0: {  	[sflag:s25] =	ssyncset.done $0x0  }
0x3e1: {  	s8 =	sadd.s32 $0x15F80, s8;
	[sflag:s25] =	ssyncadd.s32 $0xFFFFE000  }
0x3e2: {  	[spmem:s3] =	stream.indirect.scatter.add.f32 [tilespmem:s1], [sflag:$0x2], $0x40, s8, s31, $0xb8;
	[tilespmem:$0x1FC00] =	vst v63  }
.Ltmp4:
0x3e3: {  	_ =	swait.ge [sflag:s26], $0x2000;
	(pc) =	sbr.rel @p0 .LBB2_10-.Ltmp4, $4  }
0x3e4: {  	[sflag:s26] =	ssyncset.done $0x0  }
0x3e5: {  	[sflag:s26] =	ssyncadd.s32 $0xFFFFE000  }
0x3e6: {  	_ =	swait.ge [sflag:s26], $0x2000  }
0x3e7: {  	s10 =	smov.u32 s30;
	s8 =	sshra.s32 s9, $0x2;
	[sflag:s26] =	ssyncset.done $0x0  }
0x3e8: {  	s9 =	sadd.s32 $0x13C00, s8;
	[sflag:s26] =	ssyncadd.s32 $0xFFFFE000  }
0x3e9: {  	[tilespmem:s0], [sflag:$0x1] =	stream.indirect.gather [spmem:s2], $0x40, s9, s31, $0xb8;
	[tilespmem:$0x1FC00] =	vst v63  }
0x3ea: {  	s30 =	sadd.s32 $0x13C80, s8  }
0x3eb: {  	[tilespmem:s1], [sflag:$0x1] =	stream.indirect.gather [spmem:s2], $0x40, s30, s31, $0xb8;
	[tilespmem:$0x1FC00] =	vst v63  }
0x3ec: {  	_ =	swait.ge [sflag:s25], $0x2000  }
0x3ed: {  	[sflag:s25] =	ssyncset.done $0x0  }
0x3ee: {  	s10 =	sadd.s32 $0x15C00, s8;
	[sflag:s25] =	ssyncadd.s32 $0xFFFFE000  }
0x3ef: {  	[spmem:s3] =	stream.indirect.scatter.add.f32 [tilespmem:s0], [sflag:$0x2], $0x40, s10, s31, $0xb8;
	[tilespmem:$0x1FC00] =	vst v63  }
0x3f0: {  	_ =	swait.ge [sflag:s26], $0x2000  }
0x3f1: {  	[sflag:s26] =	ssyncset.done $0x0  }
0x3f2: {  	s11 =	sadd.s32 $0x13D00, s8;
	[sflag:s26] =	ssyncadd.s32 $0xFFFFE000  }
0x3f3: {  	[tilespmem:s0], [sflag:$0x1] =	stream.indirect.gather [spmem:s2], $0x40, s11, s31, $0xb8;
	[tilespmem:$0x1FC00] =	vst v63  }
0x3f4: {  	_ =	swait.ge [sflag:s25], $0x2000  }
0x3f5: {  	[sflag:s25] =	ssyncset.done $0x0  }
0x3f6: {  	s30 =	sadd.s32 $0x15C80, s8;
	[sflag:s25] =	ssyncadd.s32 $0xFFFFE000  }
0x3f7: {  	[spmem:s3] =	stream.indirect.scatter.add.f32 [tilespmem:s1], [sflag:$0x2], $0x40, s30, s31, $0xb8;
	[tilespmem:$0x1FC00] =	vst v63  }
0x3f8: {  	_ =	swait.ge [sflag:s26], $0x2000  }
0x3f9: {  	[sflag:s26] =	ssyncset.done $0x0  }
0x3fa: {  	s10 =	sadd.s32 $0x13D80, s8;
	[sflag:s26] =	ssyncadd.s32 $0xFFFFE000  }
0x3fb: {  	[tilespmem:s1], [sflag:$0x1] =	stream.indirect.gather [spmem:s2], $0x40, s10, s31, $0xb8;
	[tilespmem:$0x1FC00] =	vst v63  }
0x3fc: {  	_ =	swait.ge [sflag:s25], $0x2000  }
0x3fd: {  	[sflag:s25] =	ssyncset.done $0x0  }
0x3fe: {  	s11 =	sadd.s32 $0x15D00, s8;
	[sflag:s25] =	ssyncadd.s32 $0xFFFFE000  }
0x3ff: {  	[spmem:s3] =	stream.indirect.scatter.add.f32 [tilespmem:s0], [sflag:$0x2], $0x40, s11, s31, $0xb8;
	[tilespmem:$0x1FC00] =	vst v63  }
0x400: {  	_ =	swait.ge [sflag:s26], $0x2000  }
0x401: {  	[sflag:s26] =	ssyncset.done $0x0  }
0x402: {  	s30 =	sadd.s32 $0x13E00, s8;
	[sflag:s26] =	ssyncadd.s32 $0xFFFFE000  }
0x403: {  	[tilespmem:s0], [sflag:$0x1] =	stream.indirect.gather [spmem:s2], $0x40, s30, s31, $0xb8;
	[tilespmem:$0x1FC00] =	vst v63  }
0x404: {  	_ =	swait.ge [sflag:s25], $0x2000  }
0x405: {  	[sflag:s25] =	ssyncset.done $0x0  }
0x406: {  	s10 =	sadd.s32 $0x15D80, s8;
	[sflag:s25] =	ssyncadd.s32 $0xFFFFE000  }
0x407: {  	[spmem:s3] =	stream.indirect.scatter.add.f32 [tilespmem:s1], [sflag:$0x2], $0x40, s10, s31, $0xb8;
	[tilespmem:$0x1FC00] =	vst v63  }
0x408: {  	_ =	swait.ge [sflag:s26], $0x2000  }
0x409: {  	[sflag:s26] =	ssyncset.done $0x0  }
0x40a: {  	s11 =	sadd.s32 $0x13E80, s8;
	[sflag:s26] =	ssyncadd.s32 $0xFFFFE000  }
0x40b: {  	[tilespmem:s1], [sflag:$0x1] =	stream.indirect.gather [spmem:s2], $0x40, s11, s31, $0xb8;
	[tilespmem:$0x1FC00] =	vst v63  }
0x40c: {  	_ =	swait.ge [sflag:s25], $0x2000  }
0x40d: {  	[sflag:s25] =	ssyncset.done $0x0  }
0x40e: {  	s30 =	sadd.s32 $0x15E00, s8;
	[sflag:s25] =	ssyncadd.s32 $0xFFFFE000  }
0x40f: {  	[spmem:s3] =	stream.indirect.scatter.add.f32 [tilespmem:s0], [sflag:$0x2], $0x40, s30, s31, $0xb8;
	[tilespmem:$0x1FC00] =	vst v63  }
0x410: {  	_ =	swait.ge [sflag:s26], $0x2000  }
0x411: {  	[sflag:s26] =	ssyncset.done $0x0  }
0x412: {  	s10 =	sadd.s32 $0x13F00, s8;
	[sflag:s26] =	ssyncadd.s32 $0xFFFFE000  }
0x413: {  	[tilespmem:s0], [sflag:$0x1] =	stream.indirect.gather [spmem:s2], $0x40, s10, s31, $0xb8;
	[tilespmem:$0x1FC00] =	vst v63  }
0x414: {  	_ =	swait.ge [sflag:s25], $0x2000  }
0x415: {  	[sflag:s25] =	ssyncset.done $0x0  }
0x416: {  	s11 =	sadd.s32 $0x15E80, s8;
	[sflag:s25] =	ssyncadd.s32 $0xFFFFE000  }
0x417: {  	[spmem:s3] =	stream.indirect.scatter.add.f32 [tilespmem:s1], [sflag:$0x2], $0x40, s11, s31, $0xb8;
	[tilespmem:$0x1FC00] =	vst v63  }
0x418: {  	_ =	swait.ge [sflag:s26], $0x2000  }
0x419: {  	[sflag:s26] =	ssyncset.done $0x0  }
0x41a: {  	s30 =	sadd.s32 $0x13F80, s8;
	[sflag:s26] =	ssyncadd.s32 $0xFFFFE000  }
0x41b: {  	[tilespmem:s1], [sflag:$0x1] =	stream.indirect.gather [spmem:s2], $0x40, s30, s31, $0xb8;
	[tilespmem:$0x1FC00] =	vst v63  }
0x41c: {  	_ =	swait.ge [sflag:s25], $0x2000  }
0x41d: {  	[sflag:s25] =	ssyncset.done $0x0  }
0x41e: {  	s10 =	sadd.s32 $0x15F00, s8;
	[sflag:s25] =	ssyncadd.s32 $0xFFFFE000  }
0x41f: {  	[spmem:s3] =	stream.indirect.scatter.add.f32 [tilespmem:s0], [sflag:$0x2], $0x40, s10, s31, $0xb8;
	[tilespmem:$0x1FC00] =	vst v63  }
0x420: {  	_ =	swait.ge [sflag:s25], $0x2000  }
0x421: {  	[sflag:s25] =	ssyncset.done $0x0  }
0x422: {  	s11 =	sadd.s32 $0x15F80, s8;
	[sflag:s25] =	ssyncadd.s32 $0xFFFFE000  }
0x423: {  	[spmem:s3] =	stream.indirect.scatter.add.f32 [tilespmem:s1], [sflag:$0x2], $0x40, s11, s31, $0xb8;
	[tilespmem:$0x1FC00] =	vst v63  }
0x424: {  	_ =	swait.ge [sflag:s26], $0x2000  }
0x425: {  	[sflag:s26] =	ssyncset.done $0x0  }
0x426: {  	[sflag:s26] =	ssyncadd.s32 $0xFFFFE000  }
0x427: {  	_ =	swait.ge [sflag:s26], $0x2000  }
0x428: {  	s7 =	sadd.s32 $0x1, s7;
	[sflag:s26] =	ssyncset.done $0x0  }
0x429: {  	p0 =	sne.s32 s7, s21;
	[sflag:s26] =	ssyncadd.s32 $0xFFFFE000  }
.Ltmp5:
0x42a: {  	s30 =	sor.u32 $0x1C04, s6;
	[bflag:$0x0] =	sbarrier.arrive $0xFFFF;
	(pc) =	sbr.rel @p0 .LBB2_1-.Ltmp5, $4  }
0x42b: {  	[hbm:s20], [sflag:s30] =	dma.local [spmem:s29], $0x2780  }
0x42c: {  	_ =	swait.ge [sflag:s5], $0x2780  }
0x42d: {  	[sflag:s5] =	ssyncset.done $0x0  }
0x42e: {  	[sflag:s5] =	ssyncadd.s32 $0xFFFFD880  }
0x42f: {  	_ =	sfence.sel $0x180000  }
0x430: {  	[bflag:$0x0] =	sbarrier.arrive $0xFFFF  }
0x431: {  	_ =	strace $0x90000047  }
0x432: {  	s0 =	stileid.u32;
	[bflag:$0x2] =	sbarrier.arrive $0xFFFF  }
0x433: {  	p0 =	sne.s32 s0, $0x0;
	s0 =	rddreg [dreg:$0x4]  }
0x434: {  	s0 =	sadd.s32 @!p0 $0x100000, s0  }
0x435: {  	[sflag:s0] =	ssyncadd.tile.s32 @!p0 $0x1;
	_ =	shalt  }
.Lfunc_end2:
_tile_overlayer_lowered:
.L_overlay_start_2:
0x436: {  	(tag) =	ssettag $0x2  }
0x437: {  	s0 =	rddreg [dreg:$0x0];
	s2 =	stileid.u32  }
0x438: {  	s1 =	rddreg [dreg:$0x1];
	p0 =	sne.s32 s2, $0x0  }
0x439: {  	s3 =	rddreg [dreg:$0x2];
	[bflag:$0x3] =	sbarrier.arrive $0xFFFF;
	s2 =	simm.s32 @!p0 $0x1C04  }
0x43a: {  	[timem:s3], [sflag:s2] =	dma.local @!p0 [hbm:s0], s1  }
0x43b: {  	s0 =	simm.s32 @!p0 $0x4  }
0x43c: {  	_ =	swait.ge @!p0 [sflag:s0], s1  }
0x43d: {  	s1 =	ssub.s32 @!p0 $0x0, s1;
	[sflag:s0] =	ssyncset.done @!p0 $0x0  }
0x43e: {  	[sflag:s0] =	ssyncadd.s32 @!p0 s1  }
0x43f: {  	[bflag:$0x3] =	sbarrier.arrive $0xFFFF  }
0x440: {  	_ =	shalt  }

</sc_bundles>
